<compile_context>
chip_gen: v7x
topology: tpu7x:2x2x1
jax: 0.10.2.dev20260603
libtpu: 0.0.44.dev20260713+nightly
codegen_flags: <defaults>
</compile_context>

<pallas_src>
import dataclasses
import functools
import math

import jax
import jax.numpy as jnp
from jax import lax
from jax.experimental import pallas as pl
from jax.experimental.pallas import tpu as pltpu
from jax.experimental.pallas import tpu_sc as plsc

DK = 64
NR = 2
BL = 64
SL = 2048
B = 32
NB = SL // BL
BR = B * NR
NBK = NB

_NEG_BIG = -1000000000.0
_NEG_SELF = -100000.0


def _sc_compiler_params():
    cp = pltpu.CompilerParams()
    if "needs_layout_passes" in pltpu.CompilerParams.__dataclass_fields__:
        cp = dataclasses.replace(cp, needs_layout_passes=False)
    return cp


NG = 16
GL = SL // NG


def _pairs_to_rows(x2):
    c = x2.shape[1] // 2
    a = x2[:, :c].reshape(-1, 1, c)
    b = x2[:, c:].reshape(-1, 1, c)
    return jnp.concatenate([a, b], axis=1).reshape(-1, c)


def _rows_to_pairs(x):
    c = x.shape[1]
    x3 = x.reshape(-1, 2, c)
    return jnp.concatenate([x3[:, 0, :], x3[:, 1, :]], axis=1)


def _hash_perm_body(q_ref, v_ref, rm_ref, qv_ref, p_ref):
    q = q_ref[0]
    v = v_ref[0]
    rm = rm_ref[0]
    qv_ref[0] = jnp.concatenate([q, v], axis=1)
    proj = jnp.dot(q, rm, preferred_element_type=jnp.float32)
    lane32f = lax.broadcasted_iota(jnp.int32, (SL, NBK), 1).astype(jnp.float32)
    ohs = []
    for r in range(NR):
        pr = proj[:, r * 16:(r + 1) * 16]
        logits = jnp.concatenate([pr, -pr], axis=1)
        m = jnp.max(logits, axis=1, keepdims=True)
        cand = jnp.where(logits == m, lane32f, 64.0)
        bucketf = jnp.min(cand, axis=1, keepdims=True)
        ohs.append((lane32f == bucketf).astype(jnp.float32))
    oh_f = jnp.concatenate(ohs, axis=1)
    oh_b = oh_f.astype(jnp.bfloat16).reshape(NG, GL, 2 * NBK)
    rg = lax.broadcasted_iota(jnp.int32, (GL, GL), 0)
    cg = lax.broadcasted_iota(jnp.int32, (GL, GL), 1)
    tri_g = jnp.broadcast_to((cg < rg).astype(jnp.bfloat16)[None],
                             (NG, GL, GL))
    local = lax.dot_general(tri_g, oh_b, (((2,), (1,)), ((0,), (0,))),
                            preferred_element_type=jnp.float32)
    gsum = jnp.sum(oh_b.astype(jnp.float32), axis=1)
    r16 = lax.broadcasted_iota(jnp.int32, (NG, NG), 0)
    c16 = lax.broadcasted_iota(jnp.int32, (NG, NG), 1)
    tri_16 = (c16 < r16).astype(jnp.bfloat16)
    prefix = jnp.dot(tri_16, gsum.astype(jnp.bfloat16),
                     preferred_element_type=jnp.float32)
    rank_mat = (local + prefix[:, None, :]).reshape(SL, 2 * NBK)
    hist_row = (prefix[NG - 1:NG, :] + gsum[NG - 1:NG, :])
    r64 = lax.broadcasted_iota(jnp.int32, (2 * NBK, 2 * NBK), 0)
    c64 = lax.broadcasted_iota(jnp.int32, (2 * NBK, 2 * NBK), 1)
    tri_u = ((r64 < c64) & ((r64 < NBK) == (c64 < NBK))).astype(jnp.float32)
    start_row = lax.dot(hist_row, tri_u,
                        precision=lax.Precision.HIGHEST,
                        preferred_element_type=jnp.float32)
    tmp = (rank_mat + start_row) * oh_f
    c2 = lax.broadcasted_iota(jnp.int32, (2 * NBK, NR), 0)
    r2 = lax.broadcasted_iota(jnp.int32, (2 * NBK, NR), 1)
    blockind = ((c2 // NBK) == r2).astype(jnp.float32)
    p2 = lax.dot(tmp, blockind, precision=lax.Precision.HIGHEST,
                 preferred_element_type=jnp.float32)
    p_ref[0] = p2.astype(jnp.int32).T


def _hash_perm(query, value, rm):
    nb = query.shape[0]
    return pl.pallas_call(
        _hash_perm_body,
        grid=(nb,),
        in_specs=[
            pl.BlockSpec((1, SL, DK), lambda b: (b, 0, 0)),
            pl.BlockSpec((1, SL, DK), lambda b: (b, 0, 0)),
            pl.BlockSpec((1, DK, NR * 16), lambda b: (b, 0, 0)),
        ],
        out_specs=[
            pl.BlockSpec((1, SL, 2 * DK), lambda b: (b, 0, 0)),
            pl.BlockSpec((1, NR, SL), lambda b: (b, 0, 0)),
        ],
        out_shape=[
            jax.ShapeDtypeStruct((nb, SL, 2 * DK), jnp.float32),
            jax.ShapeDtypeStruct((nb, NR, SL), jnp.int32),
        ],
    )(query, value, rm)


def _sc_sort_gather(qv, p):
    nb = p.shape[0]
    nt = nb * NR

    def body(qv_hbm, p_hbm, qvs_hbm, sort_hbm, pbuf, sbuf, sgbuf, rowbuf, sem):
        wid = lax.axis_index("s") * 2 + lax.axis_index("c")
        for t0 in range(0, nt, 32):
            t = t0 + wid
            b = t // NR
            r = t - b * NR
            b_off = b * SL
            pltpu.sync_copy(p_hbm.at[b, r], pbuf)

            @pl.loop(0, SL, step=16)
            def _(i):
                vals = lax.broadcasted_iota(jnp.int32, (16,), 0) + i
                idx = pbuf[pl.ds(i, 16)]
                plsc.store_scatter(sbuf, [idx], vals)
                plsc.store_scatter(sgbuf, [idx >> 7, idx & 127], vals + b_off)

            pltpu.sync_copy(sbuf, sort_hbm.at[t])
            for quarter in range(4):
                cps = [
                    pltpu.async_copy(
                        qv_hbm.at[sgbuf.at[quarter * 4 + c]],
                        rowbuf.at[pl.ds(c * 128, 128)], sem)
                    for c in range(4)
                ]
                for cp in cps:
                    cp.wait()
                pltpu.sync_copy(rowbuf,
                                qvs_hbm.at[t, pl.ds(quarter * 512, 512)])

    mesh = plsc.VectorSubcoreMesh(core_axis_name="c", subcore_axis_name="s")
    f = pl.kernel(
        body,
        out_type=(
            jax.ShapeDtypeStruct((nt, SL, 2 * DK), jnp.float32),
            jax.ShapeDtypeStruct((nt, SL), jnp.int32),
        ),
        mesh=mesh,
        scratch_types=[
            pltpu.VMEM((SL,), jnp.int32),
            pltpu.VMEM((SL,), jnp.int32),
            pltpu.VMEM((16, 128), jnp.int32),
            pltpu.VMEM((512, 2 * DK), jnp.float32),
            pltpu.SemaphoreType.DMA,
        ],
        compiler_params=_sc_compiler_params(),
    )
    return f(qv, p)


def _attn_body(qvs_ref, srow_ref, prow_ref, out_ref):
    qv = qvs_ref[0]
    q3 = qv[:, :DK].reshape(NB, BL, DK)
    v3 = qv[:, DK:].reshape(NB, BL, DK)
    srow = srow_ref[0]
    scol = srow.reshape(NB, BL, 1)
    pcol = prow_ref[0].reshape(NB, BL, 1)

    def chunkcat(x):
        prev = jnp.concatenate([x[NB - 1:NB], x[:NB - 1]], axis=0)
        return jnp.concatenate([prev, x], axis=1)

    k3 = chunkcat(q3)
    vc = chunkcat(v3)
    norm = jnp.sum(k3 * k3, axis=2, keepdims=True)
    k3 = k3 * lax.rsqrt(jnp.maximum(norm, 1e-12))
    qk = lax.dot_general(q3, k3, (((2,), (2,)), ((0,), (0,))),
                         preferred_element_type=jnp.float32)
    qk = qk * (1.0 / math.sqrt(DK))

    krow = jnp.concatenate(
        [jnp.concatenate([srow[NB - 1:NB], srow[:NB - 1]], axis=0), srow],
        axis=1).reshape(NB, 1, 2 * BL)
    qcol = scol
    qk = jnp.where(qcol < krow, _NEG_BIG, qk)
    qk = jnp.where(qcol == krow, _NEG_SELF, qk)

    kcol_part = jnp.concatenate(
        [jnp.concatenate([pcol[NB - 1:NB], pcol[:NB - 1]], axis=0), pcol],
        axis=1)
    eq = (kcol_part == krow).astype(jnp.float32)
    count = 1.0 + jnp.sum(eq, axis=1).reshape(NB, 1, 2 * BL)

    m = jnp.max(qk, axis=2, keepdims=True)
    e = jnp.exp(qk - m)
    s = jnp.sum(e, axis=2, keepdims=True)
    lse = jnp.log(s) + m
    sm = e / (s * count)
    out = lax.dot_general(sm, vc, (((2,), (1,)), ((0,), (0,))),
                          preferred_element_type=jnp.float32)
    pack = jnp.concatenate(
        [out, jnp.broadcast_to(lse, (NB, BL, DK))], axis=2)
    out_ref[0] = pack.reshape(SL, 2 * DK)


def _attention(qvs, sort):
    nt = qvs.shape[0]
    s3 = sort.reshape(nt, NB, BL)
    return pl.pallas_call(
        _attn_body,
        grid=(nt,),
        in_specs=[
            pl.BlockSpec((1, SL, 2 * DK), lambda i: (i, 0, 0)),
            pl.BlockSpec((1, NB, BL), lambda i: (i, 0, 0)),
            pl.BlockSpec((1, NB, BL), lambda i: (i + 1 - 2 * (i % 2), 0, 0)),
        ],
        out_specs=pl.BlockSpec((1, SL, 2 * DK), lambda i: (i, 0, 0)),
        out_shape=jax.ShapeDtypeStruct((nt, SL, 2 * DK), jnp.float32),
    )(qvs, s3, s3)


def _sc_unsort(outflat, p):
    nb = p.shape[0]
    nt = nb * NR

    def body(of_hbm, p_hbm, og_hbm, pbuf, pgbuf, rowbuf, sem):
        wid = lax.axis_index("s") * 2 + lax.axis_index("c")
        for t0 in range(0, nt, 32):
            t = t0 + wid
            b = t // NR
            r = t - b * NR
            row_off = t * SL
            pltpu.sync_copy(p_hbm.at[b, r], pbuf)

            @pl.loop(0, SL, step=16)
            def _(i):
                idx = pbuf[pl.ds(i, 16)]
                pgbuf[i >> 7, pl.ds(i & 127, 16)] = idx + row_off

            for quarter in range(4):
                cps = [
                    pltpu.async_copy(
                        of_hbm.at[pgbuf.at[quarter * 4 + c]],
                        rowbuf.at[pl.ds(c * 128, 128)], sem)
                    for c in range(4)
                ]
                for cp in cps:
                    cp.wait()
                pltpu.sync_copy(rowbuf,
                                og_hbm.at[t, pl.ds(quarter * 512, 512)])

    mesh = plsc.VectorSubcoreMesh(core_axis_name="c", subcore_axis_name="s")
    f = pl.kernel(
        body,
        out_type=jax.ShapeDtypeStruct((nt, SL, 2 * DK), jnp.float32),
        mesh=mesh,
        scratch_types=[
            pltpu.VMEM((SL,), jnp.int32),
            pltpu.VMEM((16, 128), jnp.int32),
            pltpu.VMEM((512, 2 * DK), jnp.float32),
            pltpu.SemaphoreType.DMA,
        ],
        compiler_params=_sc_compiler_params(),
    )
    return f(outflat, p)


def _combine_body(p0_ref, p1_ref, out_ref):
    p0 = p0_ref[0]
    p1 = p1_ref[0]
    o0, l0 = p0[:, :DK], p0[:, DK:DK + 1]
    o1, l1 = p1[:, :DK], p1[:, DK:DK + 1]
    m = jnp.maximum(l0, l1)
    e0 = jnp.exp(l0 - m)
    e1 = jnp.exp(l1 - m)
    den = e0 + e1
    res = (e0 / den) * o0 + (e1 / den) * o1
    out_ref[0] = _rows_to_pairs(res)


def _combine(outg):
    nb = outg.shape[0] // NR
    return pl.pallas_call(
        _combine_body,
        grid=(nb,),
        in_specs=[
            pl.BlockSpec((1, SL, 2 * DK), lambda b: (2 * b, 0, 0)),
            pl.BlockSpec((1, SL, 2 * DK), lambda b: (2 * b + 1, 0, 0)),
        ],
        out_specs=pl.BlockSpec((1, SL // 2, 2 * DK), lambda b: (b, 0, 0)),
        out_shape=jax.ShapeDtypeStruct((nb, SL // 2, 2 * DK), jnp.float32),
    )(outg, outg)


def _half_pipeline(q, v, rm):
    qv, p = _hash_perm(q, v, rm)
    qvs, sort = _sc_sort_gather(qv.reshape(-1, 2 * DK), p)
    out_s = _attention(qvs, sort)
    outg = _sc_unsort(out_s.reshape(-1, 2 * DK), p)
    return _combine(outg)


def kernel(query, value, rand_matrix):
    rm = rand_matrix.reshape(B, DK, NR * 16)
    h = B // 2
    out0 = _half_pipeline(query[:h], value[:h], rm[:h])
    out1 = _half_pipeline(query[h:], value[h:], rm[h:])
    return jnp.concatenate([out0, out1], axis=0).reshape(B, SL, DK)

# --- scband reference (transcript-rebuilt; emitter-appended) ---
"""Pipeline reference for scband-lshattention-66365834658174 (READ-ONLY COPY).

The authoritative reference and input builder live on the scoring server;
editing this copy changes nothing except your own understanding.
"""

import math
import jax, jax.numpy as jnp
import numpy as np

D_K = 64
N_ROUNDS = 2
BUCKET_LEN = 64
SEQ_LEN = 2048
B_M_H = 32
N_BUCKETS = SEQ_LEN // BUCKET_LEN


def setup_inputs(seed: int = 0) -> dict:
    key = jax.random.key(seed)
    k1, k2, k3 = jax.random.split(key, 3)
    query = jax.random.normal(k1, (B_M_H, SEQ_LEN, D_K), dtype=jnp.float32)
    value = jax.random.normal(k2, (B_M_H, SEQ_LEN, D_K), dtype=jnp.float32)
    # random projection matrix (generated inside TF forward via tf.random.normal;
    # materialized here as a fixed parameter for determinism)
    rand_matrix = jax.random.normal(k3, (B_M_H, D_K, N_ROUNDS, N_BUCKETS // 2), dtype=jnp.float32)
    return {"query": query, "value": value, "rand_matrix": rand_matrix}


def _expand_one_chunk(x):
    # concat each bucket with the previous bucket (one-chunk-back), along axis 2
    shift = jnp.concatenate([x[:, -1:], x[:, :-1]], axis=1)
    return jnp.concatenate([shift, x], axis=2)


def _count_dup_keys(inp, rounds):
    sorting = jnp.argsort(inp, axis=2)
    sorted_flat = jnp.take_along_axis(inp, sorting, axis=2)
    unsorting = jnp.argsort(sorting, axis=2)
    count = jnp.ones(inp.shape, dtype=jnp.float32)
    for i in range(1, rounds):
        eq = (sorted_flat[..., i:] == sorted_flat[..., :-i]).astype(jnp.float32)
        pad = jnp.zeros(inp.shape[:-1] + (i,), dtype=jnp.float32)
        count = count + jnp.concatenate([pad, eq], axis=-1)
        count = count + jnp.concatenate([eq, pad], axis=-1)
    return jnp.take_along_axis(count, unsorting, axis=2)


def _forward(query, value, rand_matrix):
    seq_len = query.shape[1]
    n_buckets = seq_len // BUCKET_LEN
    # --- hashing (make_hashes) ---
    projected = jnp.einsum('bij,bjkl->bikl', query, rand_matrix)
    hashes = jnp.argmax(jnp.concatenate([projected, -projected], axis=-1), axis=-1).astype(jnp.int32)
    seq_idx = jnp.arange(seq_len, dtype=jnp.int32)
    hashes = hashes * seq_len + seq_idx[None, :, None]   # [b, seq, r]
    sorting = jnp.argsort(hashes, axis=1)                # [b, seq, r]
    unsorting = jnp.argsort(sorting, axis=1)
    # --- gather queries into sorted bucket order (query_value_gather) ---
    q_sorted = jnp.take_along_axis(query[:, :, :, None], sorting[:, :, None, :], axis=1)  # [b,seq,d,r]
    q_sorted = q_sorted.reshape(-1, n_buckets, BUCKET_LEN, D_K, N_ROUNDS)
    k_chunk = _expand_one_chunk(q_sorted)                # [b,nb,2bl,d,r]
    norm_sq = jnp.sum(k_chunk * k_chunk, axis=-2, keepdims=True)
    k_chunk = k_chunk * jax.lax.rsqrt(jnp.maximum(norm_sq, 1e-12))  # tf l2_normalize axis=-2
    qk = jnp.einsum('bnijk,bnljk->bnilk', q_sorted, k_chunk) / math.sqrt(D_K)  # [b,nb,bl,2bl,r]
    # --- masks ---
    q_idx = sorting.reshape(-1, n_buckets, BUCKET_LEN, N_ROUNDS) % seq_len
    k_idx = _expand_one_chunk(q_idx)                     # [b,nb,2bl,r]
    mask1 = (q_idx[..., None, :] < k_idx[..., None, :, :]).astype(jnp.float32)
    mask2 = (q_idx[..., None, :] == k_idx[..., None, :, :]).astype(jnp.float32)
    qk = qk * (1.0 - mask1) + mask1 * (-1000000000.0)
    qk = qk * (1.0 - mask2) + mask2 * (-100000.0)
    # padding_mask=0 (not a tensor) -> branch skipped
    # --- duplicate-key counting across rounds ---
    k_idx_b = jnp.broadcast_to(k_idx[:, :, None, :, :], (B_M_H, n_buckets, BUCKET_LEN, 2 * BUCKET_LEN, N_ROUNDS))
    k_idx_flat = k_idx_b.reshape(B_M_H, seq_len, 2 * BUCKET_LEN * N_ROUNDS)
    count_keys = _count_dup_keys(k_idx_flat, N_ROUNDS).reshape(B_M_H, seq_len, 2 * BUCKET_LEN, N_ROUNDS)
    qk = qk.reshape(B_M_H, seq_len, 2 * BUCKET_LEN, N_ROUNDS)
    lse = jax.scipy.special.logsumexp(qk, axis=2)        # [b,seq,r]
    softmax_qk = jnp.exp(qk - lse[:, :, None, :]) / count_keys
    # dropout is identity at inference
    # --- attend over values (standard LSH-attention completion) ---
    v_sorted = jnp.take_along_axis(value[:, :, :, None], sorting[:, :, None, :], axis=1)
    v_sorted = v_sorted.reshape(-1, n_buckets, BUCKET_LEN, D_K, N_ROUNDS)
    v_chunk = _expand_one_chunk(v_sorted)                # [b,nb,2bl,d,r]
    sm = softmax_qk.reshape(-1, n_buckets, BUCKET_LEN, 2 * BUCKET_LEN, N_ROUNDS)
    out = jnp.einsum('bnilk,bnljk->bnijk', sm, v_chunk)  # [b,nb,bl,d,r]
    out = out.reshape(B_M_H, seq_len, D_K, N_ROUNDS)
    out = jnp.take_along_axis(out, unsorting[:, :, None, :], axis=1)  # unsort
    lse_u = jnp.take_along_axis(lse, unsorting, axis=1)
    w = jax.nn.softmax(lse_u, axis=-1)                   # combine rounds by logsumexp weights
    return jnp.sum(out * w[:, :, None, :], axis=-1)      # [b, seq, d_k]


def reference(query, value, rand_matrix):
    return _forward(query, value, rand_matrix)

if __name__ == "__main__":
    import jax
    _d = setup_inputs()
    print(jax.jit(kernel)(*tuple(_d.values())))

</pallas_src>

<mosaic_0001>
#map = affine_map<(d0, d1) -> (0, 0)>
#map1 = affine_map<(d0, d1) -> (0, 0, 0)>
module attributes {stable_mosaic.version = 14 : i64} {
  func.func @body(%arg0: i32, %arg1: i32, %arg2: memref<32768x128xf32, #tpu.memory_space<hbm>>, %arg3: memref<16x2x2048xi32, #tpu.memory_space<hbm>>, %arg4: memref<32x2048x128xf32, #tpu.memory_space<hbm>>, %arg5: memref<32x2048xi32, #tpu.memory_space<hbm>>, %arg6: memref<2048xi32, #tpu.memory_space<vmem>>, %arg7: memref<2048xi32, #tpu.memory_space<vmem>>, %arg8: memref<16x128xi32, #tpu.memory_space<vmem>>, %arg9: memref<512x128xf32, #tpu.memory_space<vmem>>, %arg10: memref<!tpu.dma_semaphore, #tpu.memory_space<semaphore_mem>>) attributes {dimension_semantics = [#tpu.dimension_semantics<core_parallel>, #tpu.dimension_semantics<subcore_parallel>], iteration_bounds = array<i64: 2, 16>, scalar_prefetch = 0 : i64, scratch_operands = 5 : i64, tpu.core_type = #tpu.core_type<sc_vector_subcore>, window_params = [{transform_indices = #map}, {transform_indices = #map1}, {transform_indices = #map1}, {transform_indices = #map}]} {
    %mul3A = arith.constant 2 : i32
    %mul3A_0 = arith.muli %arg1, %mul3A : i32
    %add3A = arith.addi %mul3A_0, %arg0 : i32
    %add3A_1 = arith.constant 0 : i32
    %add3A_2 = arith.addi %add3A_1, %add3A : i32
    %jit3A = arith.constant 2 : i32
    %div3A = arith.divsi %add3A_2, %jit3A : i32
    %sign3A = arith.constant 0 : i32
    %sign3A_3 = arith.cmpi sgt, %add3A_2, %sign3A : i32
    %sign3A_4 = arith.extui %sign3A_3 : i1 to i32
    %sign3A_5 = arith.constant 0 : i32
    %sign3A_6 = arith.cmpi slt, %add3A_2, %sign3A_5 : i32
    %sign3A_7 = arith.extui %sign3A_6 : i1 to i32
    %sign3A_8 = arith.subi %sign3A_4, %sign3A_7 : i32
    %sign3A_9 = arith.constant 0 : i32
    %sign3A_10 = arith.cmpi sgt, %jit3A, %sign3A_9 : i32
    %sign3A_11 = arith.extui %sign3A_10 : i1 to i32
    %sign3A_12 = arith.constant 0 : i32
    %sign3A_13 = arith.cmpi slt, %jit3A, %sign3A_12 : i32
    %sign3A_14 = arith.extui %sign3A_13 : i1 to i32
    %sign3A_15 = arith.subi %sign3A_11, %sign3A_14 : i32
    %ne3A = arith.cmpi ne, %sign3A_8, %sign3A_15 : i32
    %rem3A = arith.remsi %add3A_2, %jit3A : i32
    %ne3A_16 = arith.constant 0 : i32
    %ne3A_17 = arith.cmpi ne, %rem3A, %ne3A_16 : i32
    %and3A = arith.andi %ne3A, %ne3A_17 : i1
    %sub3A = arith.constant 1 : i32
    %sub3A_18 = arith.subi %div3A, %sub3A : i32
    %select_n3A = arith.select %and3A, %sub3A_18, %div3A : i32
    %mul3A_19 = arith.constant 2 : i32
    %mul3A_20 = arith.muli %select_n3A, %mul3A_19 : i32
    %sub3A_21 = arith.subi %add3A_2, %mul3A_20 : i32
    %mul3A_22 = arith.constant 2048 : i32
    %mul3A_23 = arith.muli %select_n3A, %mul3A_22 : i32
    "tpu.region"() ({
      %run_scoped3A = tpu.sem_alloc : memref<!tpu.dma_semaphore, #tpu.memory_space<semaphore_mem>>
      %dma_start3A_346 = arith.constant 0 : i32
      %dma_start3A_347 = tpu.memref_slice %arg3[%select_n3A, %sub3A_21, %dma_start3A_346] : memref<16x2x2048xi32, #tpu.memory_space<hbm>> -> memref<1x1x2048xi32, #tpu.memory_space<hbm>>
      %dma_start3A_348 = tpu.memref_squeeze %dma_start3A_347 : memref<1x1x2048xi32, #tpu.memory_space<hbm>> -> memref<2048xi32, #tpu.memory_space<hbm>>
      %dma_start3A_349 = arith.constant 0 : i32
      %dma_start3A_350 = tpu.memref_slice %arg3[%select_n3A, %sub3A_21, %dma_start3A_349] : memref<16x2x2048xi32, #tpu.memory_space<hbm>> -> memref<1x1x2048xi32, #tpu.memory_space<hbm>>
      %dma_start3A_351 = tpu.memref_squeeze %dma_start3A_350 : memref<1x1x2048xi32, #tpu.memory_space<hbm>> -> memref<2048xi32, #tpu.memory_space<hbm>>
      tpu.enqueue_dma source(%dma_start3A_351 : memref<2048xi32, #tpu.memory_space<hbm>>) target(%arg6 : memref<2048xi32, #tpu.memory_space<vmem>>) target_semaphore(%run_scoped3A : memref<!tpu.dma_semaphore, #tpu.memory_space<semaphore_mem>>)
      %dma_wait3A_352 = arith.constant 0 : i32
      %dma_wait3A_353 = tpu.memref_slice %arg3[%select_n3A, %sub3A_21, %dma_wait3A_352] : memref<16x2x2048xi32, #tpu.memory_space<hbm>> -> memref<1x1x2048xi32, #tpu.memory_space<hbm>>
      %dma_wait3A_354 = tpu.memref_squeeze %dma_wait3A_353 : memref<1x1x2048xi32, #tpu.memory_space<hbm>> -> memref<2048xi32, #tpu.memory_space<hbm>>
      %dma_wait3A_355 = arith.constant 0 : i32
      %dma_wait3A_356 = tpu.memref_slice %arg3[%select_n3A, %sub3A_21, %dma_wait3A_355] : memref<16x2x2048xi32, #tpu.memory_space<hbm>> -> memref<1x1x2048xi32, #tpu.memory_space<hbm>>
      %dma_wait3A_357 = tpu.memref_squeeze %dma_wait3A_356 : memref<1x1x2048xi32, #tpu.memory_space<hbm>> -> memref<2048xi32, #tpu.memory_space<hbm>>
      tpu.wait_dma2 semaphore(%run_scoped3A : memref<!tpu.dma_semaphore, #tpu.memory_space<semaphore_mem>>) src(%dma_wait3A_357 : memref<2048xi32, #tpu.memory_space<hbm>>) dst(%arg6 : memref<2048xi32, #tpu.memory_space<vmem>>)
      tpu.yield
    }) : () -> ()
    %scan3A = arith.constant 0 : i32
    %scan3A_24 = arith.constant 128 : i32
    %scan3A_25 = arith.addi %scan3A, %scan3A_24 : i32
    %scan3A_26 = arith.constant 1 : i32
    scf.for %scan3A_346 = %scan3A to %scan3A_25 step %scan3A_26  : i32 {
      %mul3A_347 = arith.constant 16 : i32
      %mul3A_348 = arith.muli %scan3A_346, %mul3A_347 : i32
      %add3A_349 = arith.constant 0 : i32
      %add3A_350 = arith.addi %add3A_349, %mul3A_348 : i32
      %iota3A = tpu.iota {dimensions = array<i32: 0>} : vector<16xi32>
      %add3A_351 = vector.broadcast %add3A_350 : i32 to vector<16xi32>
      %add3A_352 = arith.addi %iota3A, %add3A_351 : vector<16xi32>
      %get3A = arith.index_cast %add3A_350 : i32 to index
      %get3A_353 = tpu.vector_load %arg6[%get3A] {strides = array<i32>} : memref<2048xi32, #tpu.memory_space<vmem>>, vector<16xi32>,
      tpu.vector_store_idx %arg7[%get3A_353], %add3A_352 : memref<2048xi32, #tpu.memory_space<vmem>>[vector<16xi32>], vector<16xi32>,
      %shift_right_arithmetic3A = arith.constant 7 : i32
      %shift_right_arithmetic3A_354 = vector.broadcast %shift_right_arithmetic3A : i32 to vector<16xi32>
      %shift_right_arithmetic3A_355 = arith.shrsi %get3A_353, %shift_right_arithmetic3A_354 : vector<16xi32>
      %and3A_356 = arith.constant 127 : i32
      %and3A_357 = vector.broadcast %and3A_356 : i32 to vector<16xi32>
      %and3A_358 = arith.andi %get3A_353, %and3A_357 : vector<16xi32>
      %add3A_359 = vector.broadcast %mul3A_23 : i32 to vector<16xi32>
      %add3A_360 = arith.addi %add3A_352, %add3A_359 : vector<16xi32>
      tpu.vector_store_idx %arg8[%shift_right_arithmetic3A_355, %and3A_358], %add3A_360 : memref<16x128xi32, #tpu.memory_space<vmem>>[vector<16xi32>, vector<16xi32>], vector<16xi32>,
    }
    %scan3A_27 = arith.constant 128 : i32
    "tpu.region"() ({
      %run_scoped3A = tpu.sem_alloc : memref<!tpu.dma_semaphore, #tpu.memory_space<semaphore_mem>>
      %dma_start3A_346 = arith.constant 0 : i32
      %dma_start3A_347 = tpu.memref_slice %arg5[%add3A_2, %dma_start3A_346] : memref<32x2048xi32, #tpu.memory_space<hbm>> -> memref<1x2048xi32, #tpu.memory_space<hbm>>
      %dma_start3A_348 = tpu.memref_squeeze %dma_start3A_347 : memref<1x2048xi32, #tpu.memory_space<hbm>> -> memref<2048xi32, #tpu.memory_space<hbm>>
      %dma_start3A_349 = arith.constant 0 : i32
      %dma_start3A_350 = tpu.memref_slice %arg5[%add3A_2, %dma_start3A_349] : memref<32x2048xi32, #tpu.memory_space<hbm>> -> memref<1x2048xi32, #tpu.memory_space<hbm>>
      %dma_start3A_351 = tpu.memref_squeeze %dma_start3A_350 : memref<1x2048xi32, #tpu.memory_space<hbm>> -> memref<2048xi32, #tpu.memory_space<hbm>>
      tpu.enqueue_dma source(%arg7 : memref<2048xi32, #tpu.memory_space<vmem>>) target(%dma_start3A_351 : memref<2048xi32, #tpu.memory_space<hbm>>) target_semaphore(%run_scoped3A : memref<!tpu.dma_semaphore, #tpu.memory_space<semaphore_mem>>)
      %dma_wait3A_352 = arith.constant 0 : i32
      %dma_wait3A_353 = tpu.memref_slice %arg5[%add3A_2, %dma_wait3A_352] : memref<32x2048xi32, #tpu.memory_space<hbm>> -> memref<1x2048xi32, #tpu.memory_space<hbm>>
      %dma_wait3A_354 = tpu.memref_squeeze %dma_wait3A_353 : memref<1x2048xi32, #tpu.memory_space<hbm>> -> memref<2048xi32, #tpu.memory_space<hbm>>
      %dma_wait3A_355 = arith.constant 0 : i32
      %dma_wait3A_356 = tpu.memref_slice %arg5[%add3A_2, %dma_wait3A_355] : memref<32x2048xi32, #tpu.memory_space<hbm>> -> memref<1x2048xi32, #tpu.memory_space<hbm>>
      %dma_wait3A_357 = tpu.memref_squeeze %dma_wait3A_356 : memref<1x2048xi32, #tpu.memory_space<hbm>> -> memref<2048xi32, #tpu.memory_space<hbm>>
      tpu.wait_dma2 semaphore(%run_scoped3A : memref<!tpu.dma_semaphore, #tpu.memory_space<semaphore_mem>>) src(%arg7 : memref<2048xi32, #tpu.memory_space<vmem>>) dst(%dma_wait3A_357 : memref<2048xi32, #tpu.memory_space<hbm>>)
      tpu.yield
    }) : () -> ()
    %dma_start3A = arith.constant 0 : i32
    %dma_start3A_28 = arith.constant 0 : i32
    %dma_start3A_29 = arith.constant 0 : i32
    %dma_start3A_30 = tpu.memref_slice %arg9[%dma_start3A_28, %dma_start3A_29] : memref<512x128xf32, #tpu.memory_space<vmem>> -> memref<128x128xf32, #tpu.memory_space<vmem>>
    %dma_start3A_31 = arith.constant 0 : i32
    %dma_start3A_32 = tpu.memref_slice %arg8[%dma_start3A, %dma_start3A_31] : memref<16x128xi32, #tpu.memory_space<vmem>> -> memref<1x128xi32, #tpu.memory_space<vmem>>
    %dma_start3A_33 = tpu.memref_squeeze %dma_start3A_32 : memref<1x128xi32, #tpu.memory_space<vmem>> -> memref<128xi32, #tpu.memory_space<vmem>>
    %dma_start3A_34 = arith.constant 0 : i32
    %dma_start3A_35 = arith.constant 0 : i32
    %dma_start3A_36 = tpu.memref_slice %arg2[%dma_start3A_34, %dma_start3A_35] : memref<32768x128xf32, #tpu.memory_space<hbm>> -> memref<32768x128xf32, #tpu.memory_space<hbm>>
    tpu.enqueue_indirect_dma source(%dma_start3A_36 : memref<32768x128xf32, #tpu.memory_space<hbm>>) target(%dma_start3A_30 : memref<128x128xf32, #tpu.memory_space<vmem>>) offsets(%dma_start3A_33 : memref<128xi32, #tpu.memory_space<vmem>>) semaphore(%arg10 : memref<!tpu.dma_semaphore, #tpu.memory_space<semaphore_mem>>)
    %dma_start3A_37 = arith.constant 1 : i32
    %dma_start3A_38 = arith.constant 128 : i32
    %dma_start3A_39 = arith.constant 0 : i32
    %dma_start3A_40 = tpu.memref_slice %arg9[%dma_start3A_38, %dma_start3A_39] : memref<512x128xf32, #tpu.memory_space<vmem>> -> memref<128x128xf32, #tpu.memory_space<vmem>>
    %dma_start3A_41 = arith.constant 0 : i32
    %dma_start3A_42 = tpu.memref_slice %arg8[%dma_start3A_37, %dma_start3A_41] : memref<16x128xi32, #tpu.memory_space<vmem>> -> memref<1x128xi32, #tpu.memory_space<vmem>>
    %dma_start3A_43 = tpu.memref_squeeze %dma_start3A_42 : memref<1x128xi32, #tpu.memory_space<vmem>> -> memref<128xi32, #tpu.memory_space<vmem>>
    %dma_start3A_44 = arith.constant 0 : i32
    %dma_start3A_45 = arith.constant 0 : i32
    %dma_start3A_46 = tpu.memref_slice %arg2[%dma_start3A_44, %dma_start3A_45] : memref<32768x128xf32, #tpu.memory_space<hbm>> -> memref<32768x128xf32, #tpu.memory_space<hbm>>
    tpu.enqueue_indirect_dma source(%dma_start3A_46 : memref<32768x128xf32, #tpu.memory_space<hbm>>) target(%dma_start3A_40 : memref<128x128xf32, #tpu.memory_space<vmem>>) offsets(%dma_start3A_43 : memref<128xi32, #tpu.memory_space<vmem>>) semaphore(%arg10 : memref<!tpu.dma_semaphore, #tpu.memory_space<semaphore_mem>>)
    %dma_start3A_47 = arith.constant 2 : i32
    %dma_start3A_48 = arith.constant 256 : i32
    %dma_start3A_49 = arith.constant 0 : i32
    %dma_start3A_50 = tpu.memref_slice %arg9[%dma_start3A_48, %dma_start3A_49] : memref<512x128xf32, #tpu.memory_space<vmem>> -> memref<128x128xf32, #tpu.memory_space<vmem>>
    %dma_start3A_51 = arith.constant 0 : i32
    %dma_start3A_52 = tpu.memref_slice %arg8[%dma_start3A_47, %dma_start3A_51] : memref<16x128xi32, #tpu.memory_space<vmem>> -> memref<1x128xi32, #tpu.memory_space<vmem>>
    %dma_start3A_53 = tpu.memref_squeeze %dma_start3A_52 : memref<1x128xi32, #tpu.memory_space<vmem>> -> memref<128xi32, #tpu.memory_space<vmem>>
    %dma_start3A_54 = arith.constant 0 : i32
    %dma_start3A_55 = arith.constant 0 : i32
    %dma_start3A_56 = tpu.memref_slice %arg2[%dma_start3A_54, %dma_start3A_55] : memref<32768x128xf32, #tpu.memory_space<hbm>> -> memref<32768x128xf32, #tpu.memory_space<hbm>>
    tpu.enqueue_indirect_dma source(%dma_start3A_56 : memref<32768x128xf32, #tpu.memory_space<hbm>>) target(%dma_start3A_50 : memref<128x128xf32, #tpu.memory_space<vmem>>) offsets(%dma_start3A_53 : memref<128xi32, #tpu.memory_space<vmem>>) semaphore(%arg10 : memref<!tpu.dma_semaphore, #tpu.memory_space<semaphore_mem>>)
    %dma_start3A_57 = arith.constant 3 : i32
    %dma_start3A_58 = arith.constant 384 : i32
    %dma_start3A_59 = arith.constant 0 : i32
    %dma_start3A_60 = tpu.memref_slice %arg9[%dma_start3A_58, %dma_start3A_59] : memref<512x128xf32, #tpu.memory_space<vmem>> -> memref<128x128xf32, #tpu.memory_space<vmem>>
    %dma_start3A_61 = arith.constant 0 : i32
    %dma_start3A_62 = tpu.memref_slice %arg8[%dma_start3A_57, %dma_start3A_61] : memref<16x128xi32, #tpu.memory_space<vmem>> -> memref<1x128xi32, #tpu.memory_space<vmem>>
    %dma_start3A_63 = tpu.memref_squeeze %dma_start3A_62 : memref<1x128xi32, #tpu.memory_space<vmem>> -> memref<128xi32, #tpu.memory_space<vmem>>
    %dma_start3A_64 = arith.constant 0 : i32
    %dma_start3A_65 = arith.constant 0 : i32
    %dma_start3A_66 = tpu.memref_slice %arg2[%dma_start3A_64, %dma_start3A_65] : memref<32768x128xf32, #tpu.memory_space<hbm>> -> memref<32768x128xf32, #tpu.memory_space<hbm>>
    tpu.enqueue_indirect_dma source(%dma_start3A_66 : memref<32768x128xf32, #tpu.memory_space<hbm>>) target(%dma_start3A_60 : memref<128x128xf32, #tpu.memory_space<vmem>>) offsets(%dma_start3A_63 : memref<128xi32, #tpu.memory_space<vmem>>) semaphore(%arg10 : memref<!tpu.dma_semaphore, #tpu.memory_space<semaphore_mem>>)
    %dma_wait3A = arith.constant 0 : i32
    %dma_wait3A_67 = arith.constant 0 : i32
    %dma_wait3A_68 = arith.constant 0 : i32
    %dma_wait3A_69 = tpu.memref_slice %arg9[%dma_wait3A_67, %dma_wait3A_68] : memref<512x128xf32, #tpu.memory_space<vmem>> -> memref<128x128xf32, #tpu.memory_space<vmem>>
    %dma_wait3A_70 = arith.constant 0 : i32
    %dma_wait3A_71 = tpu.memref_slice %arg8[%dma_wait3A, %dma_wait3A_70] : memref<16x128xi32, #tpu.memory_space<vmem>> -> memref<1x128xi32, #tpu.memory_space<vmem>>
    %dma_wait3A_72 = tpu.memref_squeeze %dma_wait3A_71 : memref<1x128xi32, #tpu.memory_space<vmem>> -> memref<128xi32, #tpu.memory_space<vmem>>
    %dma_wait3A_73 = arith.constant 0 : i32
    %dma_wait3A_74 = arith.constant 0 : i32
    %dma_wait3A_75 = tpu.memref_slice %arg2[%dma_wait3A_73, %dma_wait3A_74] : memref<32768x128xf32, #tpu.memory_space<hbm>> -> memref<32768x128xf32, #tpu.memory_space<hbm>>
    tpu.wait_indirect_dma semaphore(%arg10 : memref<!tpu.dma_semaphore, #tpu.memory_space<semaphore_mem>>) src(%dma_wait3A_75 : memref<32768x128xf32, #tpu.memory_space<hbm>>) dst(%dma_wait3A_69 : memref<128x128xf32, #tpu.memory_space<vmem>>)
    %dma_wait3A_76 = arith.constant 1 : i32
    %dma_wait3A_77 = arith.constant 128 : i32
    %dma_wait3A_78 = arith.constant 0 : i32
    %dma_wait3A_79 = tpu.memref_slice %arg9[%dma_wait3A_77, %dma_wait3A_78] : memref<512x128xf32, #tpu.memory_space<vmem>> -> memref<128x128xf32, #tpu.memory_space<vmem>>
    %dma_wait3A_80 = arith.constant 0 : i32
    %dma_wait3A_81 = tpu.memref_slice %arg8[%dma_wait3A_76, %dma_wait3A_80] : memref<16x128xi32, #tpu.memory_space<vmem>> -> memref<1x128xi32, #tpu.memory_space<vmem>>
    %dma_wait3A_82 = tpu.memref_squeeze %dma_wait3A_81 : memref<1x128xi32, #tpu.memory_space<vmem>> -> memref<128xi32, #tpu.memory_space<vmem>>
    %dma_wait3A_83 = arith.constant 0 : i32
    %dma_wait3A_84 = arith.constant 0 : i32
    %dma_wait3A_85 = tpu.memref_slice %arg2[%dma_wait3A_83, %dma_wait3A_84] : memref<32768x128xf32, #tpu.memory_space<hbm>> -> memref<32768x128xf32, #tpu.memory_space<hbm>>
    tpu.wait_indirect_dma semaphore(%arg10 : memref<!tpu.dma_semaphore, #tpu.memory_space<semaphore_mem>>) src(%dma_wait3A_85 : memref<32768x128xf32, #tpu.memory_space<hbm>>) dst(%dma_wait3A_79 : memref<128x128xf32, #tpu.memory_space<vmem>>)
    %dma_wait3A_86 = arith.constant 2 : i32
    %dma_wait3A_87 = arith.constant 256 : i32
    %dma_wait3A_88 = arith.constant 0 : i32
    %dma_wait3A_89 = tpu.memref_slice %arg9[%dma_wait3A_87, %dma_wait3A_88] : memref<512x128xf32, #tpu.memory_space<vmem>> -> memref<128x128xf32, #tpu.memory_space<vmem>>
    %dma_wait3A_90 = arith.constant 0 : i32
    %dma_wait3A_91 = tpu.memref_slice %arg8[%dma_wait3A_86, %dma_wait3A_90] : memref<16x128xi32, #tpu.memory_space<vmem>> -> memref<1x128xi32, #tpu.memory_space<vmem>>
    %dma_wait3A_92 = tpu.memref_squeeze %dma_wait3A_91 : memref<1x128xi32, #tpu.memory_space<vmem>> -> memref<128xi32, #tpu.memory_space<vmem>>
    %dma_wait3A_93 = arith.constant 0 : i32
    %dma_wait3A_94 = arith.constant 0 : i32
    %dma_wait3A_95 = tpu.memref_slice %arg2[%dma_wait3A_93, %dma_wait3A_94] : memref<32768x128xf32, #tpu.memory_space<hbm>> -> memref<32768x128xf32, #tpu.memory_space<hbm>>
    tpu.wait_indirect_dma semaphore(%arg10 : memref<!tpu.dma_semaphore, #tpu.memory_space<semaphore_mem>>) src(%dma_wait3A_95 : memref<32768x128xf32, #tpu.memory_space<hbm>>) dst(%dma_wait3A_89 : memref<128x128xf32, #tpu.memory_space<vmem>>)
    %dma_wait3A_96 = arith.constant 3 : i32
    %dma_wait3A_97 = arith.constant 384 : i32
    %dma_wait3A_98 = arith.constant 0 : i32
    %dma_wait3A_99 = tpu.memref_slice %arg9[%dma_wait3A_97, %dma_wait3A_98] : memref<512x128xf32, #tpu.memory_space<vmem>> -> memref<128x128xf32, #tpu.memory_space<vmem>>
    %dma_wait3A_100 = arith.constant 0 : i32
    %dma_wait3A_101 = tpu.memref_slice %arg8[%dma_wait3A_96, %dma_wait3A_100] : memref<16x128xi32, #tpu.memory_space<vmem>> -> memref<1x128xi32, #tpu.memory_space<vmem>>
    %dma_wait3A_102 = tpu.memref_squeeze %dma_wait3A_101 : memref<1x128xi32, #tpu.memory_space<vmem>> -> memref<128xi32, #tpu.memory_space<vmem>>
    %dma_wait3A_103 = arith.constant 0 : i32
    %dma_wait3A_104 = arith.constant 0 : i32
    %dma_wait3A_105 = tpu.memref_slice %arg2[%dma_wait3A_103, %dma_wait3A_104] : memref<32768x128xf32, #tpu.memory_space<hbm>> -> memref<32768x128xf32, #tpu.memory_space<hbm>>
    tpu.wait_indirect_dma semaphore(%arg10 : memref<!tpu.dma_semaphore, #tpu.memory_space<semaphore_mem>>) src(%dma_wait3A_105 : memref<32768x128xf32, #tpu.memory_space<hbm>>) dst(%dma_wait3A_99 : memref<128x128xf32, #tpu.memory_space<vmem>>)
    "tpu.region"() ({
      %run_scoped3A = tpu.sem_alloc : memref<!tpu.dma_semaphore, #tpu.memory_space<semaphore_mem>>
      %dma_start3A_346 = arith.constant 0 : i32
      %dma_start3A_347 = arith.constant 0 : i32
      %dma_start3A_348 = tpu.memref_slice %arg4[%add3A_2, %dma_start3A_346, %dma_start3A_347] : memref<32x2048x128xf32, #tpu.memory_space<hbm>> -> memref<1x512x128xf32, #tpu.memory_space<hbm>>
      %dma_start3A_349 = tpu.memref_squeeze %dma_start3A_348 : memref<1x512x128xf32, #tpu.memory_space<hbm>> -> memref<512x128xf32, #tpu.memory_space<hbm>>
      %dma_start3A_350 = arith.constant 0 : i32
      %dma_start3A_351 = arith.constant 0 : i32
      %dma_start3A_352 = tpu.memref_slice %arg4[%add3A_2, %dma_start3A_350, %dma_start3A_351] : memref<32x2048x128xf32, #tpu.memory_space<hbm>> -> memref<1x512x128xf32, #tpu.memory_space<hbm>>
      %dma_start3A_353 = tpu.memref_squeeze %dma_start3A_352 : memref<1x512x128xf32, #tpu.memory_space<hbm>> -> memref<512x128xf32, #tpu.memory_space<hbm>>
      tpu.enqueue_dma source(%arg9 : memref<512x128xf32, #tpu.memory_space<vmem>>) target(%dma_start3A_353 : memref<512x128xf32, #tpu.memory_space<hbm>>) target_semaphore(%run_scoped3A : memref<!tpu.dma_semaphore, #tpu.memory_space<semaphore_mem>>)
      %dma_wait3A_354 = arith.constant 0 : i32
      %dma_wait3A_355 = arith.constant 0 : i32
      %dma_wait3A_356 = tpu.memref_slice %arg4[%add3A_2, %dma_wait3A_354, %dma_wait3A_355] : memref<32x2048x128xf32, #tpu.memory_space<hbm>> -> memref<1x512x128xf32, #tpu.memory_space<hbm>>
      %dma_wait3A_357 = tpu.memref_squeeze %dma_wait3A_356 : memref<1x512x128xf32, #tpu.memory_space<hbm>> -> memref<512x128xf32, #tpu.memory_space<hbm>>
      %dma_wait3A_358 = arith.constant 0 : i32
      %dma_wait3A_359 = arith.constant 0 : i32
      %dma_wait3A_360 = tpu.memref_slice %arg4[%add3A_2, %dma_wait3A_358, %dma_wait3A_359] : memref<32x2048x128xf32, #tpu.memory_space<hbm>> -> memref<1x512x128xf32, #tpu.memory_space<hbm>>
      %dma_wait3A_361 = tpu.memref_squeeze %dma_wait3A_360 : memref<1x512x128xf32, #tpu.memory_space<hbm>> -> memref<512x128xf32, #tpu.memory_space<hbm>>
      tpu.wait_dma2 semaphore(%run_scoped3A : memref<!tpu.dma_semaphore, #tpu.memory_space<semaphore_mem>>) src(%arg9 : memref<512x128xf32, #tpu.memory_space<vmem>>) dst(%dma_wait3A_361 : memref<512x128xf32, #tpu.memory_space<hbm>>)
      tpu.yield
    }) : () -> ()
    %dma_start3A_106 = arith.constant 4 : i32
    %dma_start3A_107 = arith.constant 0 : i32
    %dma_start3A_108 = arith.constant 0 : i32
    %dma_start3A_109 = tpu.memref_slice %arg9[%dma_start3A_107, %dma_start3A_108] : memref<512x128xf32, #tpu.memory_space<vmem>> -> memref<128x128xf32, #tpu.memory_space<vmem>>
    %dma_start3A_110 = arith.constant 0 : i32
    %dma_start3A_111 = tpu.memref_slice %arg8[%dma_start3A_106, %dma_start3A_110] : memref<16x128xi32, #tpu.memory_space<vmem>> -> memref<1x128xi32, #tpu.memory_space<vmem>>
    %dma_start3A_112 = tpu.memref_squeeze %dma_start3A_111 : memref<1x128xi32, #tpu.memory_space<vmem>> -> memref<128xi32, #tpu.memory_space<vmem>>
    %dma_start3A_113 = arith.constant 0 : i32
    %dma_start3A_114 = arith.constant 0 : i32
    %dma_start3A_115 = tpu.memref_slice %arg2[%dma_start3A_113, %dma_start3A_114] : memref<32768x128xf32, #tpu.memory_space<hbm>> -> memref<32768x128xf32, #tpu.memory_space<hbm>>
    tpu.enqueue_indirect_dma source(%dma_start3A_115 : memref<32768x128xf32, #tpu.memory_space<hbm>>) target(%dma_start3A_109 : memref<128x128xf32, #tpu.memory_space<vmem>>) offsets(%dma_start3A_112 : memref<128xi32, #tpu.memory_space<vmem>>) semaphore(%arg10 : memref<!tpu.dma_semaphore, #tpu.memory_space<semaphore_mem>>)
    %dma_start3A_116 = arith.constant 5 : i32
    %dma_start3A_117 = arith.constant 128 : i32
    %dma_start3A_118 = arith.constant 0 : i32
    %dma_start3A_119 = tpu.memref_slice %arg9[%dma_start3A_117, %dma_start3A_118] : memref<512x128xf32, #tpu.memory_space<vmem>> -> memref<128x128xf32, #tpu.memory_space<vmem>>
    %dma_start3A_120 = arith.constant 0 : i32
    %dma_start3A_121 = tpu.memref_slice %arg8[%dma_start3A_116, %dma_start3A_120] : memref<16x128xi32, #tpu.memory_space<vmem>> -> memref<1x128xi32, #tpu.memory_space<vmem>>
    %dma_start3A_122 = tpu.memref_squeeze %dma_start3A_121 : memref<1x128xi32, #tpu.memory_space<vmem>> -> memref<128xi32, #tpu.memory_space<vmem>>
    %dma_start3A_123 = arith.constant 0 : i32
    %dma_start3A_124 = arith.constant 0 : i32
    %dma_start3A_125 = tpu.memref_slice %arg2[%dma_start3A_123, %dma_start3A_124] : memref<32768x128xf32, #tpu.memory_space<hbm>> -> memref<32768x128xf32, #tpu.memory_space<hbm>>
    tpu.enqueue_indirect_dma source(%dma_start3A_125 : memref<32768x128xf32, #tpu.memory_space<hbm>>) target(%dma_start3A_119 : memref<128x128xf32, #tpu.memory_space<vmem>>) offsets(%dma_start3A_122 : memref<128xi32, #tpu.memory_space<vmem>>) semaphore(%arg10 : memref<!tpu.dma_semaphore, #tpu.memory_space<semaphore_mem>>)
    %dma_start3A_126 = arith.constant 6 : i32
    %dma_start3A_127 = arith.constant 256 : i32
    %dma_start3A_128 = arith.constant 0 : i32
    %dma_start3A_129 = tpu.memref_slice %arg9[%dma_start3A_127, %dma_start3A_128] : memref<512x128xf32, #tpu.memory_space<vmem>> -> memref<128x128xf32, #tpu.memory_space<vmem>>
    %dma_start3A_130 = arith.constant 0 : i32
    %dma_start3A_131 = tpu.memref_slice %arg8[%dma_start3A_126, %dma_start3A_130] : memref<16x128xi32, #tpu.memory_space<vmem>> -> memref<1x128xi32, #tpu.memory_space<vmem>>
    %dma_start3A_132 = tpu.memref_squeeze %dma_start3A_131 : memref<1x128xi32, #tpu.memory_space<vmem>> -> memref<128xi32, #tpu.memory_space<vmem>>
    %dma_start3A_133 = arith.constant 0 : i32
    %dma_start3A_134 = arith.constant 0 : i32
    %dma_start3A_135 = tpu.memref_slice %arg2[%dma_start3A_133, %dma_start3A_134] : memref<32768x128xf32, #tpu.memory_space<hbm>> -> memref<32768x128xf32, #tpu.memory_space<hbm>>
    tpu.enqueue_indirect_dma source(%dma_start3A_135 : memref<32768x128xf32, #tpu.memory_space<hbm>>) target(%dma_start3A_129 : memref<128x128xf32, #tpu.memory_space<vmem>>) offsets(%dma_start3A_132 : memref<128xi32, #tpu.memory_space<vmem>>) semaphore(%arg10 : memref<!tpu.dma_semaphore, #tpu.memory_space<semaphore_mem>>)
    %dma_start3A_136 = arith.constant 7 : i32
    %dma_start3A_137 = arith.constant 384 : i32
    %dma_start3A_138 = arith.constant 0 : i32
    %dma_start3A_139 = tpu.memref_slice %arg9[%dma_start3A_137, %dma_start3A_138] : memref<512x128xf32, #tpu.memory_space<vmem>> -> memref<128x128xf32, #tpu.memory_space<vmem>>
    %dma_start3A_140 = arith.constant 0 : i32
    %dma_start3A_141 = tpu.memref_slice %arg8[%dma_start3A_136, %dma_start3A_140] : memref<16x128xi32, #tpu.memory_space<vmem>> -> memref<1x128xi32, #tpu.memory_space<vmem>>
    %dma_start3A_142 = tpu.memref_squeeze %dma_start3A_141 : memref<1x128xi32, #tpu.memory_space<vmem>> -> memref<128xi32, #tpu.memory_space<vmem>>
    %dma_start3A_143 = arith.constant 0 : i32
    %dma_start3A_144 = arith.constant 0 : i32
    %dma_start3A_145 = tpu.memref_slice %arg2[%dma_start3A_143, %dma_start3A_144] : memref<32768x128xf32, #tpu.memory_space<hbm>> -> memref<32768x128xf32, #tpu.memory_space<hbm>>
    tpu.enqueue_indirect_dma source(%dma_start3A_145 : memref<32768x128xf32, #tpu.memory_space<hbm>>) target(%dma_start3A_139 : memref<128x128xf32, #tpu.memory_space<vmem>>) offsets(%dma_start3A_142 : memref<128xi32, #tpu.memory_space<vmem>>) semaphore(%arg10 : memref<!tpu.dma_semaphore, #tpu.memory_space<semaphore_mem>>)
    %dma_wait3A_146 = arith.constant 4 : i32
    %dma_wait3A_147 = arith.constant 0 : i32
    %dma_wait3A_148 = arith.constant 0 : i32
    %dma_wait3A_149 = tpu.memref_slice %arg9[%dma_wait3A_147, %dma_wait3A_148] : memref<512x128xf32, #tpu.memory_space<vmem>> -> memref<128x128xf32, #tpu.memory_space<vmem>>
    %dma_wait3A_150 = arith.constant 0 : i32
    %dma_wait3A_151 = tpu.memref_slice %arg8[%dma_wait3A_146, %dma_wait3A_150] : memref<16x128xi32, #tpu.memory_space<vmem>> -> memref<1x128xi32, #tpu.memory_space<vmem>>
    %dma_wait3A_152 = tpu.memref_squeeze %dma_wait3A_151 : memref<1x128xi32, #tpu.memory_space<vmem>> -> memref<128xi32, #tpu.memory_space<vmem>>
    %dma_wait3A_153 = arith.constant 0 : i32
    %dma_wait3A_154 = arith.constant 0 : i32
    %dma_wait3A_155 = tpu.memref_slice %arg2[%dma_wait3A_153, %dma_wait3A_154] : memref<32768x128xf32, #tpu.memory_space<hbm>> -> memref<32768x128xf32, #tpu.memory_space<hbm>>
    tpu.wait_indirect_dma semaphore(%arg10 : memref<!tpu.dma_semaphore, #tpu.memory_space<semaphore_mem>>) src(%dma_wait3A_155 : memref<32768x128xf32, #tpu.memory_space<hbm>>) dst(%dma_wait3A_149 : memref<128x128xf32, #tpu.memory_space<vmem>>)
    %dma_wait3A_156 = arith.constant 5 : i32
    %dma_wait3A_157 = arith.constant 128 : i32
    %dma_wait3A_158 = arith.constant 0 : i32
    %dma_wait3A_159 = tpu.memref_slice %arg9[%dma_wait3A_157, %dma_wait3A_158] : memref<512x128xf32, #tpu.memory_space<vmem>> -> memref<128x128xf32, #tpu.memory_space<vmem>>
    %dma_wait3A_160 = arith.constant 0 : i32
    %dma_wait3A_161 = tpu.memref_slice %arg8[%dma_wait3A_156, %dma_wait3A_160] : memref<16x128xi32, #tpu.memory_space<vmem>> -> memref<1x128xi32, #tpu.memory_space<vmem>>
    %dma_wait3A_162 = tpu.memref_squeeze %dma_wait3A_161 : memref<1x128xi32, #tpu.memory_space<vmem>> -> memref<128xi32, #tpu.memory_space<vmem>>
    %dma_wait3A_163 = arith.constant 0 : i32
    %dma_wait3A_164 = arith.constant 0 : i32
    %dma_wait3A_165 = tpu.memref_slice %arg2[%dma_wait3A_163, %dma_wait3A_164] : memref<32768x128xf32, #tpu.memory_space<hbm>> -> memref<32768x128xf32, #tpu.memory_space<hbm>>
    tpu.wait_indirect_dma semaphore(%arg10 : memref<!tpu.dma_semaphore, #tpu.memory_space<semaphore_mem>>) src(%dma_wait3A_165 : memref<32768x128xf32, #tpu.memory_space<hbm>>) dst(%dma_wait3A_159 : memref<128x128xf32, #tpu.memory_space<vmem>>)
    %dma_wait3A_166 = arith.constant 6 : i32
    %dma_wait3A_167 = arith.constant 256 : i32
    %dma_wait3A_168 = arith.constant 0 : i32
    %dma_wait3A_169 = tpu.memref_slice %arg9[%dma_wait3A_167, %dma_wait3A_168] : memref<512x128xf32, #tpu.memory_space<vmem>> -> memref<128x128xf32, #tpu.memory_space<vmem>>
    %dma_wait3A_170 = arith.constant 0 : i32
    %dma_wait3A_171 = tpu.memref_slice %arg8[%dma_wait3A_166, %dma_wait3A_170] : memref<16x128xi32, #tpu.memory_space<vmem>> -> memref<1x128xi32, #tpu.memory_space<vmem>>
    %dma_wait3A_172 = tpu.memref_squeeze %dma_wait3A_171 : memref<1x128xi32, #tpu.memory_space<vmem>> -> memref<128xi32, #tpu.memory_space<vmem>>
    %dma_wait3A_173 = arith.constant 0 : i32
    %dma_wait3A_174 = arith.constant 0 : i32
    %dma_wait3A_175 = tpu.memref_slice %arg2[%dma_wait3A_173, %dma_wait3A_174] : memref<32768x128xf32, #tpu.memory_space<hbm>> -> memref<32768x128xf32, #tpu.memory_space<hbm>>
    tpu.wait_indirect_dma semaphore(%arg10 : memref<!tpu.dma_semaphore, #tpu.memory_space<semaphore_mem>>) src(%dma_wait3A_175 : memref<32768x128xf32, #tpu.memory_space<hbm>>) dst(%dma_wait3A_169 : memref<128x128xf32, #tpu.memory_space<vmem>>)
    %dma_wait3A_176 = arith.constant 7 : i32
    %dma_wait3A_177 = arith.constant 384 : i32
    %dma_wait3A_178 = arith.constant 0 : i32
    %dma_wait3A_179 = tpu.memref_slice %arg9[%dma_wait3A_177, %dma_wait3A_178] : memref<512x128xf32, #tpu.memory_space<vmem>> -> memref<128x128xf32, #tpu.memory_space<vmem>>
    %dma_wait3A_180 = arith.constant 0 : i32
    %dma_wait3A_181 = tpu.memref_slice %arg8[%dma_wait3A_176, %dma_wait3A_180] : memref<16x128xi32, #tpu.memory_space<vmem>> -> memref<1x128xi32, #tpu.memory_space<vmem>>
    %dma_wait3A_182 = tpu.memref_squeeze %dma_wait3A_181 : memref<1x128xi32, #tpu.memory_space<vmem>> -> memref<128xi32, #tpu.memory_space<vmem>>
    %dma_wait3A_183 = arith.constant 0 : i32
    %dma_wait3A_184 = arith.constant 0 : i32
    %dma_wait3A_185 = tpu.memref_slice %arg2[%dma_wait3A_183, %dma_wait3A_184] : memref<32768x128xf32, #tpu.memory_space<hbm>> -> memref<32768x128xf32, #tpu.memory_space<hbm>>
    tpu.wait_indirect_dma semaphore(%arg10 : memref<!tpu.dma_semaphore, #tpu.memory_space<semaphore_mem>>) src(%dma_wait3A_185 : memref<32768x128xf32, #tpu.memory_space<hbm>>) dst(%dma_wait3A_179 : memref<128x128xf32, #tpu.memory_space<vmem>>)
    "tpu.region"() ({
      %run_scoped3A = tpu.sem_alloc : memref<!tpu.dma_semaphore, #tpu.memory_space<semaphore_mem>>
      %dma_start3A_346 = arith.constant 512 : i32
      %dma_start3A_347 = arith.constant 0 : i32
      %dma_start3A_348 = tpu.memref_slice %arg4[%add3A_2, %dma_start3A_346, %dma_start3A_347] : memref<32x2048x128xf32, #tpu.memory_space<hbm>> -> memref<1x512x128xf32, #tpu.memory_space<hbm>>
      %dma_start3A_349 = tpu.memref_squeeze %dma_start3A_348 : memref<1x512x128xf32, #tpu.memory_space<hbm>> -> memref<512x128xf32, #tpu.memory_space<hbm>>
      %dma_start3A_350 = arith.constant 512 : i32
      %dma_start3A_351 = arith.constant 0 : i32
      %dma_start3A_352 = tpu.memref_slice %arg4[%add3A_2, %dma_start3A_350, %dma_start3A_351] : memref<32x2048x128xf32, #tpu.memory_space<hbm>> -> memref<1x512x128xf32, #tpu.memory_space<hbm>>
      %dma_start3A_353 = tpu.memref_squeeze %dma_start3A_352 : memref<1x512x128xf32, #tpu.memory_space<hbm>> -> memref<512x128xf32, #tpu.memory_space<hbm>>
      tpu.enqueue_dma source(%arg9 : memref<512x128xf32, #tpu.memory_space<vmem>>) target(%dma_start3A_353 : memref<512x128xf32, #tpu.memory_space<hbm>>) target_semaphore(%run_scoped3A : memref<!tpu.dma_semaphore, #tpu.memory_space<semaphore_mem>>)
      %dma_wait3A_354 = arith.constant 512 : i32
      %dma_wait3A_355 = arith.constant 0 : i32
      %dma_wait3A_356 = tpu.memref_slice %arg4[%add3A_2, %dma_wait3A_354, %dma_wait3A_355] : memref<32x2048x128xf32, #tpu.memory_space<hbm>> -> memref<1x512x128xf32, #tpu.memory_space<hbm>>
      %dma_wait3A_357 = tpu.memref_squeeze %dma_wait3A_356 : memref<1x512x128xf32, #tpu.memory_space<hbm>> -> memref<512x128xf32, #tpu.memory_space<hbm>>
      %dma_wait3A_358 = arith.constant 512 : i32
      %dma_wait3A_359 = arith.constant 0 : i32
      %dma_wait3A_360 = tpu.memref_slice %arg4[%add3A_2, %dma_wait3A_358, %dma_wait3A_359] : memref<32x2048x128xf32, #tpu.memory_space<hbm>> -> memref<1x512x128xf32, #tpu.memory_space<hbm>>
      %dma_wait3A_361 = tpu.memref_squeeze %dma_wait3A_360 : memref<1x512x128xf32, #tpu.memory_space<hbm>> -> memref<512x128xf32, #tpu.memory_space<hbm>>
      tpu.wait_dma2 semaphore(%run_scoped3A : memref<!tpu.dma_semaphore, #tpu.memory_space<semaphore_mem>>) src(%arg9 : memref<512x128xf32, #tpu.memory_space<vmem>>) dst(%dma_wait3A_361 : memref<512x128xf32, #tpu.memory_space<hbm>>)
      tpu.yield
    }) : () -> ()
    %dma_start3A_186 = arith.constant 8 : i32
    %dma_start3A_187 = arith.constant 0 : i32
    %dma_start3A_188 = arith.constant 0 : i32
    %dma_start3A_189 = tpu.memref_slice %arg9[%dma_start3A_187, %dma_start3A_188] : memref<512x128xf32, #tpu.memory_space<vmem>> -> memref<128x128xf32, #tpu.memory_space<vmem>>
    %dma_start3A_190 = arith.constant 0 : i32
    %dma_start3A_191 = tpu.memref_slice %arg8[%dma_start3A_186, %dma_start3A_190] : memref<16x128xi32, #tpu.memory_space<vmem>> -> memref<1x128xi32, #tpu.memory_space<vmem>>
    %dma_start3A_192 = tpu.memref_squeeze %dma_start3A_191 : memref<1x128xi32, #tpu.memory_space<vmem>> -> memref<128xi32, #tpu.memory_space<vmem>>
    %dma_start3A_193 = arith.constant 0 : i32
    %dma_start3A_194 = arith.constant 0 : i32
    %dma_start3A_195 = tpu.memref_slice %arg2[%dma_start3A_193, %dma_start3A_194] : memref<32768x128xf32, #tpu.memory_space<hbm>> -> memref<32768x128xf32, #tpu.memory_space<hbm>>
    tpu.enqueue_indirect_dma source(%dma_start3A_195 : memref<32768x128xf32, #tpu.memory_space<hbm>>) target(%dma_start3A_189 : memref<128x128xf32, #tpu.memory_space<vmem>>) offsets(%dma_start3A_192 : memref<128xi32, #tpu.memory_space<vmem>>) semaphore(%arg10 : memref<!tpu.dma_semaphore, #tpu.memory_space<semaphore_mem>>)
    %dma_start3A_196 = arith.constant 9 : i32
    %dma_start3A_197 = arith.constant 128 : i32
    %dma_start3A_198 = arith.constant 0 : i32
    %dma_start3A_199 = tpu.memref_slice %arg9[%dma_start3A_197, %dma_start3A_198] : memref<512x128xf32, #tpu.memory_space<vmem>> -> memref<128x128xf32, #tpu.memory_space<vmem>>
    %dma_start3A_200 = arith.constant 0 : i32
    %dma_start3A_201 = tpu.memref_slice %arg8[%dma_start3A_196, %dma_start3A_200] : memref<16x128xi32, #tpu.memory_space<vmem>> -> memref<1x128xi32, #tpu.memory_space<vmem>>
    %dma_start3A_202 = tpu.memref_squeeze %dma_start3A_201 : memref<1x128xi32, #tpu.memory_space<vmem>> -> memref<128xi32, #tpu.memory_space<vmem>>
    %dma_start3A_203 = arith.constant 0 : i32
    %dma_start3A_204 = arith.constant 0 : i32
    %dma_start3A_205 = tpu.memref_slice %arg2[%dma_start3A_203, %dma_start3A_204] : memref<32768x128xf32, #tpu.memory_space<hbm>> -> memref<32768x128xf32, #tpu.memory_space<hbm>>
    tpu.enqueue_indirect_dma source(%dma_start3A_205 : memref<32768x128xf32, #tpu.memory_space<hbm>>) target(%dma_start3A_199 : memref<128x128xf32, #tpu.memory_space<vmem>>) offsets(%dma_start3A_202 : memref<128xi32, #tpu.memory_space<vmem>>) semaphore(%arg10 : memref<!tpu.dma_semaphore, #tpu.memory_space<semaphore_mem>>)
    %dma_start3A_206 = arith.constant 10 : i32
    %dma_start3A_207 = arith.constant 256 : i32
    %dma_start3A_208 = arith.constant 0 : i32
    %dma_start3A_209 = tpu.memref_slice %arg9[%dma_start3A_207, %dma_start3A_208] : memref<512x128xf32, #tpu.memory_space<vmem>> -> memref<128x128xf32, #tpu.memory_space<vmem>>
    %dma_start3A_210 = arith.constant 0 : i32
    %dma_start3A_211 = tpu.memref_slice %arg8[%dma_start3A_206, %dma_start3A_210] : memref<16x128xi32, #tpu.memory_space<vmem>> -> memref<1x128xi32, #tpu.memory_space<vmem>>
    %dma_start3A_212 = tpu.memref_squeeze %dma_start3A_211 : memref<1x128xi32, #tpu.memory_space<vmem>> -> memref<128xi32, #tpu.memory_space<vmem>>
    %dma_start3A_213 = arith.constant 0 : i32
    %dma_start3A_214 = arith.constant 0 : i32
    %dma_start3A_215 = tpu.memref_slice %arg2[%dma_start3A_213, %dma_start3A_214] : memref<32768x128xf32, #tpu.memory_space<hbm>> -> memref<32768x128xf32, #tpu.memory_space<hbm>>
    tpu.enqueue_indirect_dma source(%dma_start3A_215 : memref<32768x128xf32, #tpu.memory_space<hbm>>) target(%dma_start3A_209 : memref<128x128xf32, #tpu.memory_space<vmem>>) offsets(%dma_start3A_212 : memref<128xi32, #tpu.memory_space<vmem>>) semaphore(%arg10 : memref<!tpu.dma_semaphore, #tpu.memory_space<semaphore_mem>>)
    %dma_start3A_216 = arith.constant 11 : i32
    %dma_start3A_217 = arith.constant 384 : i32
    %dma_start3A_218 = arith.constant 0 : i32
    %dma_start3A_219 = tpu.memref_slice %arg9[%dma_start3A_217, %dma_start3A_218] : memref<512x128xf32, #tpu.memory_space<vmem>> -> memref<128x128xf32, #tpu.memory_space<vmem>>
    %dma_start3A_220 = arith.constant 0 : i32
    %dma_start3A_221 = tpu.memref_slice %arg8[%dma_start3A_216, %dma_start3A_220] : memref<16x128xi32, #tpu.memory_space<vmem>> -> memref<1x128xi32, #tpu.memory_space<vmem>>
    %dma_start3A_222 = tpu.memref_squeeze %dma_start3A_221 : memref<1x128xi32, #tpu.memory_space<vmem>> -> memref<128xi32, #tpu.memory_space<vmem>>
    %dma_start3A_223 = arith.constant 0 : i32
    %dma_start3A_224 = arith.constant 0 : i32
    %dma_start3A_225 = tpu.memref_slice %arg2[%dma_start3A_223, %dma_start3A_224] : memref<32768x128xf32, #tpu.memory_space<hbm>> -> memref<32768x128xf32, #tpu.memory_space<hbm>>
    tpu.enqueue_indirect_dma source(%dma_start3A_225 : memref<32768x128xf32, #tpu.memory_space<hbm>>) target(%dma_start3A_219 : memref<128x128xf32, #tpu.memory_space<vmem>>) offsets(%dma_start3A_222 : memref<128xi32, #tpu.memory_space<vmem>>) semaphore(%arg10 : memref<!tpu.dma_semaphore, #tpu.memory_space<semaphore_mem>>)
    %dma_wait3A_226 = arith.constant 8 : i32
    %dma_wait3A_227 = arith.constant 0 : i32
    %dma_wait3A_228 = arith.constant 0 : i32
    %dma_wait3A_229 = tpu.memref_slice %arg9[%dma_wait3A_227, %dma_wait3A_228] : memref<512x128xf32, #tpu.memory_space<vmem>> -> memref<128x128xf32, #tpu.memory_space<vmem>>
    %dma_wait3A_230 = arith.constant 0 : i32
    %dma_wait3A_231 = tpu.memref_slice %arg8[%dma_wait3A_226, %dma_wait3A_230] : memref<16x128xi32, #tpu.memory_space<vmem>> -> memref<1x128xi32, #tpu.memory_space<vmem>>
    %dma_wait3A_232 = tpu.memref_squeeze %dma_wait3A_231 : memref<1x128xi32, #tpu.memory_space<vmem>> -> memref<128xi32, #tpu.memory_space<vmem>>
    %dma_wait3A_233 = arith.constant 0 : i32
    %dma_wait3A_234 = arith.constant 0 : i32
    %dma_wait3A_235 = tpu.memref_slice %arg2[%dma_wait3A_233, %dma_wait3A_234] : memref<32768x128xf32, #tpu.memory_space<hbm>> -> memref<32768x128xf32, #tpu.memory_space<hbm>>
    tpu.wait_indirect_dma semaphore(%arg10 : memref<!tpu.dma_semaphore, #tpu.memory_space<semaphore_mem>>) src(%dma_wait3A_235 : memref<32768x128xf32, #tpu.memory_space<hbm>>) dst(%dma_wait3A_229 : memref<128x128xf32, #tpu.memory_space<vmem>>)
    %dma_wait3A_236 = arith.constant 9 : i32
    %dma_wait3A_237 = arith.constant 128 : i32
    %dma_wait3A_238 = arith.constant 0 : i32
    %dma_wait3A_239 = tpu.memref_slice %arg9[%dma_wait3A_237, %dma_wait3A_238] : memref<512x128xf32, #tpu.memory_space<vmem>> -> memref<128x128xf32, #tpu.memory_space<vmem>>
    %dma_wait3A_240 = arith.constant 0 : i32
    %dma_wait3A_241 = tpu.memref_slice %arg8[%dma_wait3A_236, %dma_wait3A_240] : memref<16x128xi32, #tpu.memory_space<vmem>> -> memref<1x128xi32, #tpu.memory_space<vmem>>
    %dma_wait3A_242 = tpu.memref_squeeze %dma_wait3A_241 : memref<1x128xi32, #tpu.memory_space<vmem>> -> memref<128xi32, #tpu.memory_space<vmem>>
    %dma_wait3A_243 = arith.constant 0 : i32
    %dma_wait3A_244 = arith.constant 0 : i32
    %dma_wait3A_245 = tpu.memref_slice %arg2[%dma_wait3A_243, %dma_wait3A_244] : memref<32768x128xf32, #tpu.memory_space<hbm>> -> memref<32768x128xf32, #tpu.memory_space<hbm>>
    tpu.wait_indirect_dma semaphore(%arg10 : memref<!tpu.dma_semaphore, #tpu.memory_space<semaphore_mem>>) src(%dma_wait3A_245 : memref<32768x128xf32, #tpu.memory_space<hbm>>) dst(%dma_wait3A_239 : memref<128x128xf32, #tpu.memory_space<vmem>>)
    %dma_wait3A_246 = arith.constant 10 : i32
    %dma_wait3A_247 = arith.constant 256 : i32
    %dma_wait3A_248 = arith.constant 0 : i32
    %dma_wait3A_249 = tpu.memref_slice %arg9[%dma_wait3A_247, %dma_wait3A_248] : memref<512x128xf32, #tpu.memory_space<vmem>> -> memref<128x128xf32, #tpu.memory_space<vmem>>
    %dma_wait3A_250 = arith.constant 0 : i32
    %dma_wait3A_251 = tpu.memref_slice %arg8[%dma_wait3A_246, %dma_wait3A_250] : memref<16x128xi32, #tpu.memory_space<vmem>> -> memref<1x128xi32, #tpu.memory_space<vmem>>
    %dma_wait3A_252 = tpu.memref_squeeze %dma_wait3A_251 : memref<1x128xi32, #tpu.memory_space<vmem>> -> memref<128xi32, #tpu.memory_space<vmem>>
    %dma_wait3A_253 = arith.constant 0 : i32
    %dma_wait3A_254 = arith.constant 0 : i32
    %dma_wait3A_255 = tpu.memref_slice %arg2[%dma_wait3A_253, %dma_wait3A_254] : memref<32768x128xf32, #tpu.memory_space<hbm>> -> memref<32768x128xf32, #tpu.memory_space<hbm>>
    tpu.wait_indirect_dma semaphore(%arg10 : memref<!tpu.dma_semaphore, #tpu.memory_space<semaphore_mem>>) src(%dma_wait3A_255 : memref<32768x128xf32, #tpu.memory_space<hbm>>) dst(%dma_wait3A_249 : memref<128x128xf32, #tpu.memory_space<vmem>>)
    %dma_wait3A_256 = arith.constant 11 : i32
    %dma_wait3A_257 = arith.constant 384 : i32
    %dma_wait3A_258 = arith.constant 0 : i32
    %dma_wait3A_259 = tpu.memref_slice %arg9[%dma_wait3A_257, %dma_wait3A_258] : memref<512x128xf32, #tpu.memory_space<vmem>> -> memref<128x128xf32, #tpu.memory_space<vmem>>
    %dma_wait3A_260 = arith.constant 0 : i32
    %dma_wait3A_261 = tpu.memref_slice %arg8[%dma_wait3A_256, %dma_wait3A_260] : memref<16x128xi32, #tpu.memory_space<vmem>> -> memref<1x128xi32, #tpu.memory_space<vmem>>
    %dma_wait3A_262 = tpu.memref_squeeze %dma_wait3A_261 : memref<1x128xi32, #tpu.memory_space<vmem>> -> memref<128xi32, #tpu.memory_space<vmem>>
    %dma_wait3A_263 = arith.constant 0 : i32
    %dma_wait3A_264 = arith.constant 0 : i32
    %dma_wait3A_265 = tpu.memref_slice %arg2[%dma_wait3A_263, %dma_wait3A_264] : memref<32768x128xf32, #tpu.memory_space<hbm>> -> memref<32768x128xf32, #tpu.memory_space<hbm>>
    tpu.wait_indirect_dma semaphore(%arg10 : memref<!tpu.dma_semaphore, #tpu.memory_space<semaphore_mem>>) src(%dma_wait3A_265 : memref<32768x128xf32, #tpu.memory_space<hbm>>) dst(%dma_wait3A_259 : memref<128x128xf32, #tpu.memory_space<vmem>>)
    "tpu.region"() ({
      %run_scoped3A = tpu.sem_alloc : memref<!tpu.dma_semaphore, #tpu.memory_space<semaphore_mem>>
      %dma_start3A_346 = arith.constant 1024 : i32
      %dma_start3A_347 = arith.constant 0 : i32
      %dma_start3A_348 = tpu.memref_slice %arg4[%add3A_2, %dma_start3A_346, %dma_start3A_347] : memref<32x2048x128xf32, #tpu.memory_space<hbm>> -> memref<1x512x128xf32, #tpu.memory_space<hbm>>
      %dma_start3A_349 = tpu.memref_squeeze %dma_start3A_348 : memref<1x512x128xf32, #tpu.memory_space<hbm>> -> memref<512x128xf32, #tpu.memory_space<hbm>>
      %dma_start3A_350 = arith.constant 1024 : i32
      %dma_start3A_351 = arith.constant 0 : i32
      %dma_start3A_352 = tpu.memref_slice %arg4[%add3A_2, %dma_start3A_350, %dma_start3A_351] : memref<32x2048x128xf32, #tpu.memory_space<hbm>> -> memref<1x512x128xf32, #tpu.memory_space<hbm>>
      %dma_start3A_353 = tpu.memref_squeeze %dma_start3A_352 : memref<1x512x128xf32, #tpu.memory_space<hbm>> -> memref<512x128xf32, #tpu.memory_space<hbm>>
      tpu.enqueue_dma source(%arg9 : memref<512x128xf32, #tpu.memory_space<vmem>>) target(%dma_start3A_353 : memref<512x128xf32, #tpu.memory_space<hbm>>) target_semaphore(%run_scoped3A : memref<!tpu.dma_semaphore, #tpu.memory_space<semaphore_mem>>)
      %dma_wait3A_354 = arith.constant 1024 : i32
      %dma_wait3A_355 = arith.constant 0 : i32
      %dma_wait3A_356 = tpu.memref_slice %arg4[%add3A_2, %dma_wait3A_354, %dma_wait3A_355] : memref<32x2048x128xf32, #tpu.memory_space<hbm>> -> memref<1x512x128xf32, #tpu.memory_space<hbm>>
      %dma_wait3A_357 = tpu.memref_squeeze %dma_wait3A_356 : memref<1x512x128xf32, #tpu.memory_space<hbm>> -> memref<512x128xf32, #tpu.memory_space<hbm>>
      %dma_wait3A_358 = arith.constant 1024 : i32
      %dma_wait3A_359 = arith.constant 0 : i32
      %dma_wait3A_360 = tpu.memref_slice %arg4[%add3A_2, %dma_wait3A_358, %dma_wait3A_359] : memref<32x2048x128xf32, #tpu.memory_space<hbm>> -> memref<1x512x128xf32, #tpu.memory_space<hbm>>
      %dma_wait3A_361 = tpu.memref_squeeze %dma_wait3A_360 : memref<1x512x128xf32, #tpu.memory_space<hbm>> -> memref<512x128xf32, #tpu.memory_space<hbm>>
      tpu.wait_dma2 semaphore(%run_scoped3A : memref<!tpu.dma_semaphore, #tpu.memory_space<semaphore_mem>>) src(%arg9 : memref<512x128xf32, #tpu.memory_space<vmem>>) dst(%dma_wait3A_361 : memref<512x128xf32, #tpu.memory_space<hbm>>)
      tpu.yield
    }) : () -> ()
    %dma_start3A_266 = arith.constant 12 : i32
    %dma_start3A_267 = arith.constant 0 : i32
    %dma_start3A_268 = arith.constant 0 : i32
    %dma_start3A_269 = tpu.memref_slice %arg9[%dma_start3A_267, %dma_start3A_268] : memref<512x128xf32, #tpu.memory_space<vmem>> -> memref<128x128xf32, #tpu.memory_space<vmem>>
    %dma_start3A_270 = arith.constant 0 : i32
    %dma_start3A_271 = tpu.memref_slice %arg8[%dma_start3A_266, %dma_start3A_270] : memref<16x128xi32, #tpu.memory_space<vmem>> -> memref<1x128xi32, #tpu.memory_space<vmem>>
    %dma_start3A_272 = tpu.memref_squeeze %dma_start3A_271 : memref<1x128xi32, #tpu.memory_space<vmem>> -> memref<128xi32, #tpu.memory_space<vmem>>
    %dma_start3A_273 = arith.constant 0 : i32
    %dma_start3A_274 = arith.constant 0 : i32
    %dma_start3A_275 = tpu.memref_slice %arg2[%dma_start3A_273, %dma_start3A_274] : memref<32768x128xf32, #tpu.memory_space<hbm>> -> memref<32768x128xf32, #tpu.memory_space<hbm>>
    tpu.enqueue_indirect_dma source(%dma_start3A_275 : memref<32768x128xf32, #tpu.memory_space<hbm>>) target(%dma_start3A_269 : memref<128x128xf32, #tpu.memory_space<vmem>>) offsets(%dma_start3A_272 : memref<128xi32, #tpu.memory_space<vmem>>) semaphore(%arg10 : memref<!tpu.dma_semaphore, #tpu.memory_space<semaphore_mem>>)
    %dma_start3A_276 = arith.constant 13 : i32
    %dma_start3A_277 = arith.constant 128 : i32
    %dma_start3A_278 = arith.constant 0 : i32
    %dma_start3A_279 = tpu.memref_slice %arg9[%dma_start3A_277, %dma_start3A_278] : memref<512x128xf32, #tpu.memory_space<vmem>> -> memref<128x128xf32, #tpu.memory_space<vmem>>
    %dma_start3A_280 = arith.constant 0 : i32
    %dma_start3A_281 = tpu.memref_slice %arg8[%dma_start3A_276, %dma_start3A_280] : memref<16x128xi32, #tpu.memory_space<vmem>> -> memref<1x128xi32, #tpu.memory_space<vmem>>
    %dma_start3A_282 = tpu.memref_squeeze %dma_start3A_281 : memref<1x128xi32, #tpu.memory_space<vmem>> -> memref<128xi32, #tpu.memory_space<vmem>>
    %dma_start3A_283 = arith.constant 0 : i32
    %dma_start3A_284 = arith.constant 0 : i32
    %dma_start3A_285 = tpu.memref_slice %arg2[%dma_start3A_283, %dma_start3A_284] : memref<32768x128xf32, #tpu.memory_space<hbm>> -> memref<32768x128xf32, #tpu.memory_space<hbm>>
    tpu.enqueue_indirect_dma source(%dma_start3A_285 : memref<32768x128xf32, #tpu.memory_space<hbm>>) target(%dma_start3A_279 : memref<128x128xf32, #tpu.memory_space<vmem>>) offsets(%dma_start3A_282 : memref<128xi32, #tpu.memory_space<vmem>>) semaphore(%arg10 : memref<!tpu.dma_semaphore, #tpu.memory_space<semaphore_mem>>)
    %dma_start3A_286 = arith.constant 14 : i32
    %dma_start3A_287 = arith.constant 256 : i32
    %dma_start3A_288 = arith.constant 0 : i32
    %dma_start3A_289 = tpu.memref_slice %arg9[%dma_start3A_287, %dma_start3A_288] : memref<512x128xf32, #tpu.memory_space<vmem>> -> memref<128x128xf32, #tpu.memory_space<vmem>>
    %dma_start3A_290 = arith.constant 0 : i32
    %dma_start3A_291 = tpu.memref_slice %arg8[%dma_start3A_286, %dma_start3A_290] : memref<16x128xi32, #tpu.memory_space<vmem>> -> memref<1x128xi32, #tpu.memory_space<vmem>>
    %dma_start3A_292 = tpu.memref_squeeze %dma_start3A_291 : memref<1x128xi32, #tpu.memory_space<vmem>> -> memref<128xi32, #tpu.memory_space<vmem>>
    %dma_start3A_293 = arith.constant 0 : i32
    %dma_start3A_294 = arith.constant 0 : i32
    %dma_start3A_295 = tpu.memref_slice %arg2[%dma_start3A_293, %dma_start3A_294] : memref<32768x128xf32, #tpu.memory_space<hbm>> -> memref<32768x128xf32, #tpu.memory_space<hbm>>
    tpu.enqueue_indirect_dma source(%dma_start3A_295 : memref<32768x128xf32, #tpu.memory_space<hbm>>) target(%dma_start3A_289 : memref<128x128xf32, #tpu.memory_space<vmem>>) offsets(%dma_start3A_292 : memref<128xi32, #tpu.memory_space<vmem>>) semaphore(%arg10 : memref<!tpu.dma_semaphore, #tpu.memory_space<semaphore_mem>>)
    %dma_start3A_296 = arith.constant 15 : i32
    %dma_start3A_297 = arith.constant 384 : i32
    %dma_start3A_298 = arith.constant 0 : i32
    %dma_start3A_299 = tpu.memref_slice %arg9[%dma_start3A_297, %dma_start3A_298] : memref<512x128xf32, #tpu.memory_space<vmem>> -> memref<128x128xf32, #tpu.memory_space<vmem>>
    %dma_start3A_300 = arith.constant 0 : i32
    %dma_start3A_301 = tpu.memref_slice %arg8[%dma_start3A_296, %dma_start3A_300] : memref<16x128xi32, #tpu.memory_space<vmem>> -> memref<1x128xi32, #tpu.memory_space<vmem>>
    %dma_start3A_302 = tpu.memref_squeeze %dma_start3A_301 : memref<1x128xi32, #tpu.memory_space<vmem>> -> memref<128xi32, #tpu.memory_space<vmem>>
    %dma_start3A_303 = arith.constant 0 : i32
    %dma_start3A_304 = arith.constant 0 : i32
    %dma_start3A_305 = tpu.memref_slice %arg2[%dma_start3A_303, %dma_start3A_304] : memref<32768x128xf32, #tpu.memory_space<hbm>> -> memref<32768x128xf32, #tpu.memory_space<hbm>>
    tpu.enqueue_indirect_dma source(%dma_start3A_305 : memref<32768x128xf32, #tpu.memory_space<hbm>>) target(%dma_start3A_299 : memref<128x128xf32, #tpu.memory_space<vmem>>) offsets(%dma_start3A_302 : memref<128xi32, #tpu.memory_space<vmem>>) semaphore(%arg10 : memref<!tpu.dma_semaphore, #tpu.memory_space<semaphore_mem>>)
    %dma_wait3A_306 = arith.constant 12 : i32
    %dma_wait3A_307 = arith.constant 0 : i32
    %dma_wait3A_308 = arith.constant 0 : i32
    %dma_wait3A_309 = tpu.memref_slice %arg9[%dma_wait3A_307, %dma_wait3A_308] : memref<512x128xf32, #tpu.memory_space<vmem>> -> memref<128x128xf32, #tpu.memory_space<vmem>>
    %dma_wait3A_310 = arith.constant 0 : i32
    %dma_wait3A_311 = tpu.memref_slice %arg8[%dma_wait3A_306, %dma_wait3A_310] : memref<16x128xi32, #tpu.memory_space<vmem>> -> memref<1x128xi32, #tpu.memory_space<vmem>>
    %dma_wait3A_312 = tpu.memref_squeeze %dma_wait3A_311 : memref<1x128xi32, #tpu.memory_space<vmem>> -> memref<128xi32, #tpu.memory_space<vmem>>
    %dma_wait3A_313 = arith.constant 0 : i32
    %dma_wait3A_314 = arith.constant 0 : i32
    %dma_wait3A_315 = tpu.memref_slice %arg2[%dma_wait3A_313, %dma_wait3A_314] : memref<32768x128xf32, #tpu.memory_space<hbm>> -> memref<32768x128xf32, #tpu.memory_space<hbm>>
    tpu.wait_indirect_dma semaphore(%arg10 : memref<!tpu.dma_semaphore, #tpu.memory_space<semaphore_mem>>) src(%dma_wait3A_315 : memref<32768x128xf32, #tpu.memory_space<hbm>>) dst(%dma_wait3A_309 : memref<128x128xf32, #tpu.memory_space<vmem>>)
    %dma_wait3A_316 = arith.constant 13 : i32
    %dma_wait3A_317 = arith.constant 128 : i32
    %dma_wait3A_318 = arith.constant 0 : i32
    %dma_wait3A_319 = tpu.memref_slice %arg9[%dma_wait3A_317, %dma_wait3A_318] : memref<512x128xf32, #tpu.memory_space<vmem>> -> memref<128x128xf32, #tpu.memory_space<vmem>>
    %dma_wait3A_320 = arith.constant 0 : i32
    %dma_wait3A_321 = tpu.memref_slice %arg8[%dma_wait3A_316, %dma_wait3A_320] : memref<16x128xi32, #tpu.memory_space<vmem>> -> memref<1x128xi32, #tpu.memory_space<vmem>>
    %dma_wait3A_322 = tpu.memref_squeeze %dma_wait3A_321 : memref<1x128xi32, #tpu.memory_space<vmem>> -> memref<128xi32, #tpu.memory_space<vmem>>
    %dma_wait3A_323 = arith.constant 0 : i32
    %dma_wait3A_324 = arith.constant 0 : i32
    %dma_wait3A_325 = tpu.memref_slice %arg2[%dma_wait3A_323, %dma_wait3A_324] : memref<32768x128xf32, #tpu.memory_space<hbm>> -> memref<32768x128xf32, #tpu.memory_space<hbm>>
    tpu.wait_indirect_dma semaphore(%arg10 : memref<!tpu.dma_semaphore, #tpu.memory_space<semaphore_mem>>) src(%dma_wait3A_325 : memref<32768x128xf32, #tpu.memory_space<hbm>>) dst(%dma_wait3A_319 : memref<128x128xf32, #tpu.memory_space<vmem>>)
    %dma_wait3A_326 = arith.constant 14 : i32
    %dma_wait3A_327 = arith.constant 256 : i32
    %dma_wait3A_328 = arith.constant 0 : i32
    %dma_wait3A_329 = tpu.memref_slice %arg9[%dma_wait3A_327, %dma_wait3A_328] : memref<512x128xf32, #tpu.memory_space<vmem>> -> memref<128x128xf32, #tpu.memory_space<vmem>>
    %dma_wait3A_330 = arith.constant 0 : i32
    %dma_wait3A_331 = tpu.memref_slice %arg8[%dma_wait3A_326, %dma_wait3A_330] : memref<16x128xi32, #tpu.memory_space<vmem>> -> memref<1x128xi32, #tpu.memory_space<vmem>>
    %dma_wait3A_332 = tpu.memref_squeeze %dma_wait3A_331 : memref<1x128xi32, #tpu.memory_space<vmem>> -> memref<128xi32, #tpu.memory_space<vmem>>
    %dma_wait3A_333 = arith.constant 0 : i32
    %dma_wait3A_334 = arith.constant 0 : i32
    %dma_wait3A_335 = tpu.memref_slice %arg2[%dma_wait3A_333, %dma_wait3A_334] : memref<32768x128xf32, #tpu.memory_space<hbm>> -> memref<32768x128xf32, #tpu.memory_space<hbm>>
    tpu.wait_indirect_dma semaphore(%arg10 : memref<!tpu.dma_semaphore, #tpu.memory_space<semaphore_mem>>) src(%dma_wait3A_335 : memref<32768x128xf32, #tpu.memory_space<hbm>>) dst(%dma_wait3A_329 : memref<128x128xf32, #tpu.memory_space<vmem>>)
    %dma_wait3A_336 = arith.constant 15 : i32
    %dma_wait3A_337 = arith.constant 384 : i32
    %dma_wait3A_338 = arith.constant 0 : i32
    %dma_wait3A_339 = tpu.memref_slice %arg9[%dma_wait3A_337, %dma_wait3A_338] : memref<512x128xf32, #tpu.memory_space<vmem>> -> memref<128x128xf32, #tpu.memory_space<vmem>>
    %dma_wait3A_340 = arith.constant 0 : i32
    %dma_wait3A_341 = tpu.memref_slice %arg8[%dma_wait3A_336, %dma_wait3A_340] : memref<16x128xi32, #tpu.memory_space<vmem>> -> memref<1x128xi32, #tpu.memory_space<vmem>>
    %dma_wait3A_342 = tpu.memref_squeeze %dma_wait3A_341 : memref<1x128xi32, #tpu.memory_space<vmem>> -> memref<128xi32, #tpu.memory_space<vmem>>
    %dma_wait3A_343 = arith.constant 0 : i32
    %dma_wait3A_344 = arith.constant 0 : i32
    %dma_wait3A_345 = tpu.memref_slice %arg2[%dma_wait3A_343, %dma_wait3A_344] : memref<32768x128xf32, #tpu.memory_space<hbm>> -> memref<32768x128xf32, #tpu.memory_space<hbm>>
    tpu.wait_indirect_dma semaphore(%arg10 : memref<!tpu.dma_semaphore, #tpu.memory_space<semaphore_mem>>) src(%dma_wait3A_345 : memref<32768x128xf32, #tpu.memory_space<hbm>>) dst(%dma_wait3A_339 : memref<128x128xf32, #tpu.memory_space<vmem>>)
    "tpu.region"() ({
      %run_scoped3A = tpu.sem_alloc : memref<!tpu.dma_semaphore, #tpu.memory_space<semaphore_mem>>
      %dma_start3A_346 = arith.constant 1536 : i32
      %dma_start3A_347 = arith.constant 0 : i32
      %dma_start3A_348 = tpu.memref_slice %arg4[%add3A_2, %dma_start3A_346, %dma_start3A_347] : memref<32x2048x128xf32, #tpu.memory_space<hbm>> -> memref<1x512x128xf32, #tpu.memory_space<hbm>>
      %dma_start3A_349 = tpu.memref_squeeze %dma_start3A_348 : memref<1x512x128xf32, #tpu.memory_space<hbm>> -> memref<512x128xf32, #tpu.memory_space<hbm>>
      %dma_start3A_350 = arith.constant 1536 : i32
      %dma_start3A_351 = arith.constant 0 : i32
      %dma_start3A_352 = tpu.memref_slice %arg4[%add3A_2, %dma_start3A_350, %dma_start3A_351] : memref<32x2048x128xf32, #tpu.memory_space<hbm>> -> memref<1x512x128xf32, #tpu.memory_space<hbm>>
      %dma_start3A_353 = tpu.memref_squeeze %dma_start3A_352 : memref<1x512x128xf32, #tpu.memory_space<hbm>> -> memref<512x128xf32, #tpu.memory_space<hbm>>
      tpu.enqueue_dma source(%arg9 : memref<512x128xf32, #tpu.memory_space<vmem>>) target(%dma_start3A_353 : memref<512x128xf32, #tpu.memory_space<hbm>>) target_semaphore(%run_scoped3A : memref<!tpu.dma_semaphore, #tpu.memory_space<semaphore_mem>>)
      %dma_wait3A_354 = arith.constant 1536 : i32
      %dma_wait3A_355 = arith.constant 0 : i32
      %dma_wait3A_356 = tpu.memref_slice %arg4[%add3A_2, %dma_wait3A_354, %dma_wait3A_355] : memref<32x2048x128xf32, #tpu.memory_space<hbm>> -> memref<1x512x128xf32, #tpu.memory_space<hbm>>
      %dma_wait3A_357 = tpu.memref_squeeze %dma_wait3A_356 : memref<1x512x128xf32, #tpu.memory_space<hbm>> -> memref<512x128xf32, #tpu.memory_space<hbm>>
      %dma_wait3A_358 = arith.constant 1536 : i32
      %dma_wait3A_359 = arith.constant 0 : i32
      %dma_wait3A_360 = tpu.memref_slice %arg4[%add3A_2, %dma_wait3A_358, %dma_wait3A_359] : memref<32x2048x128xf32, #tpu.memory_space<hbm>> -> memref<1x512x128xf32, #tpu.memory_space<hbm>>
      %dma_wait3A_361 = tpu.memref_squeeze %dma_wait3A_360 : memref<1x512x128xf32, #tpu.memory_space<hbm>> -> memref<512x128xf32, #tpu.memory_space<hbm>>
      tpu.wait_dma2 semaphore(%run_scoped3A : memref<!tpu.dma_semaphore, #tpu.memory_space<semaphore_mem>>) src(%arg9 : memref<512x128xf32, #tpu.memory_space<vmem>>) dst(%dma_wait3A_361 : memref<512x128xf32, #tpu.memory_space<hbm>>)
      tpu.yield
    }) : () -> ()
    return
  }
}

#map = affine_map<(d0, d1) -> (0, 0)>
#map1 = affine_map<(d0, d1) -> (0, 0, 0)>
module attributes {stable_mosaic.version = 14 : i64} {
  func.func @body(%arg0: i32, %arg1: i32, %arg2: memref<65536x128xf32, #tpu.memory_space<hbm>>, %arg3: memref<16x2x2048xi32, #tpu.memory_space<hbm>>, %arg4: memref<32x2048x128xf32, #tpu.memory_space<hbm>>, %arg5: memref<2048xi32, #tpu.memory_space<vmem>>, %arg6: memref<16x128xi32, #tpu.memory_space<vmem>>, %arg7: memref<512x128xf32, #tpu.memory_space<vmem>>, %arg8: memref<!tpu.dma_semaphore, #tpu.memory_space<semaphore_mem>>) attributes {dimension_semantics = [#tpu.dimension_semantics<core_parallel>, #tpu.dimension_semantics<subcore_parallel>], iteration_bounds = array<i64: 2, 16>, scalar_prefetch = 0 : i64, scratch_operands = 4 : i64, tpu.core_type = #tpu.core_type<sc_vector_subcore>, window_params = [{transform_indices = #map}, {transform_indices = #map1}, {transform_indices = #map1}]} {
    %mul3A = arith.constant 2 : i32
    %mul3A_0 = arith.muli %arg1, %mul3A : i32
    %add3A = arith.addi %mul3A_0, %arg0 : i32
    %add3A_1 = arith.constant 0 : i32
    %add3A_2 = arith.addi %add3A_1, %add3A : i32
    %jit3A = arith.constant 2 : i32
    %div3A = arith.divsi %add3A_2, %jit3A : i32
    %sign3A = arith.constant 0 : i32
    %sign3A_3 = arith.cmpi sgt, %add3A_2, %sign3A : i32
    %sign3A_4 = arith.extui %sign3A_3 : i1 to i32
    %sign3A_5 = arith.constant 0 : i32
    %sign3A_6 = arith.cmpi slt, %add3A_2, %sign3A_5 : i32
    %sign3A_7 = arith.extui %sign3A_6 : i1 to i32
    %sign3A_8 = arith.subi %sign3A_4, %sign3A_7 : i32
    %sign3A_9 = arith.constant 0 : i32
    %sign3A_10 = arith.cmpi sgt, %jit3A, %sign3A_9 : i32
    %sign3A_11 = arith.extui %sign3A_10 : i1 to i32
    %sign3A_12 = arith.constant 0 : i32
    %sign3A_13 = arith.cmpi slt, %jit3A, %sign3A_12 : i32
    %sign3A_14 = arith.extui %sign3A_13 : i1 to i32
    %sign3A_15 = arith.subi %sign3A_11, %sign3A_14 : i32
    %ne3A = arith.cmpi ne, %sign3A_8, %sign3A_15 : i32
    %rem3A = arith.remsi %add3A_2, %jit3A : i32
    %ne3A_16 = arith.constant 0 : i32
    %ne3A_17 = arith.cmpi ne, %rem3A, %ne3A_16 : i32
    %and3A = arith.andi %ne3A, %ne3A_17 : i1
    %sub3A = arith.constant 1 : i32
    %sub3A_18 = arith.subi %div3A, %sub3A : i32
    %select_n3A = arith.select %and3A, %sub3A_18, %div3A : i32
    %mul3A_19 = arith.constant 2 : i32
    %mul3A_20 = arith.muli %select_n3A, %mul3A_19 : i32
    %sub3A_21 = arith.subi %add3A_2, %mul3A_20 : i32
    %mul3A_22 = arith.constant 2048 : i32
    %mul3A_23 = arith.muli %add3A_2, %mul3A_22 : i32
    "tpu.region"() ({
      %run_scoped3A = tpu.sem_alloc : memref<!tpu.dma_semaphore, #tpu.memory_space<semaphore_mem>>
      %dma_start3A_346 = arith.constant 0 : i32
      %dma_start3A_347 = tpu.memref_slice %arg3[%select_n3A, %sub3A_21, %dma_start3A_346] : memref<16x2x2048xi32, #tpu.memory_space<hbm>> -> memref<1x1x2048xi32, #tpu.memory_space<hbm>>
      %dma_start3A_348 = tpu.memref_squeeze %dma_start3A_347 : memref<1x1x2048xi32, #tpu.memory_space<hbm>> -> memref<2048xi32, #tpu.memory_space<hbm>>
      %dma_start3A_349 = arith.constant 0 : i32
      %dma_start3A_350 = tpu.memref_slice %arg3[%select_n3A, %sub3A_21, %dma_start3A_349] : memref<16x2x2048xi32, #tpu.memory_space<hbm>> -> memref<1x1x2048xi32, #tpu.memory_space<hbm>>
      %dma_start3A_351 = tpu.memref_squeeze %dma_start3A_350 : memref<1x1x2048xi32, #tpu.memory_space<hbm>> -> memref<2048xi32, #tpu.memory_space<hbm>>
      tpu.enqueue_dma source(%dma_start3A_351 : memref<2048xi32, #tpu.memory_space<hbm>>) target(%arg5 : memref<2048xi32, #tpu.memory_space<vmem>>) target_semaphore(%run_scoped3A : memref<!tpu.dma_semaphore, #tpu.memory_space<semaphore_mem>>)
      %dma_wait3A_352 = arith.constant 0 : i32
      %dma_wait3A_353 = tpu.memref_slice %arg3[%select_n3A, %sub3A_21, %dma_wait3A_352] : memref<16x2x2048xi32, #tpu.memory_space<hbm>> -> memref<1x1x2048xi32, #tpu.memory_space<hbm>>
      %dma_wait3A_354 = tpu.memref_squeeze %dma_wait3A_353 : memref<1x1x2048xi32, #tpu.memory_space<hbm>> -> memref<2048xi32, #tpu.memory_space<hbm>>
      %dma_wait3A_355 = arith.constant 0 : i32
      %dma_wait3A_356 = tpu.memref_slice %arg3[%select_n3A, %sub3A_21, %dma_wait3A_355] : memref<16x2x2048xi32, #tpu.memory_space<hbm>> -> memref<1x1x2048xi32, #tpu.memory_space<hbm>>
      %dma_wait3A_357 = tpu.memref_squeeze %dma_wait3A_356 : memref<1x1x2048xi32, #tpu.memory_space<hbm>> -> memref<2048xi32, #tpu.memory_space<hbm>>
      tpu.wait_dma2 semaphore(%run_scoped3A : memref<!tpu.dma_semaphore, #tpu.memory_space<semaphore_mem>>) src(%dma_wait3A_357 : memref<2048xi32, #tpu.memory_space<hbm>>) dst(%arg5 : memref<2048xi32, #tpu.memory_space<vmem>>)
      tpu.yield
    }) : () -> ()
    %scan3A = arith.constant 0 : i32
    %scan3A_24 = arith.constant 128 : i32
    %scan3A_25 = arith.addi %scan3A, %scan3A_24 : i32
    %scan3A_26 = arith.constant 1 : i32
    scf.for %scan3A_346 = %scan3A to %scan3A_25 step %scan3A_26  : i32 {
      %mul3A_347 = arith.constant 16 : i32
      %mul3A_348 = arith.muli %scan3A_346, %mul3A_347 : i32
      %add3A_349 = arith.constant 0 : i32
      %add3A_350 = arith.addi %add3A_349, %mul3A_348 : i32
      %get3A = arith.index_cast %add3A_350 : i32 to index
      %get3A_351 = tpu.vector_load %arg5[%get3A] {strides = array<i32>} : memref<2048xi32, #tpu.memory_space<vmem>>, vector<16xi32>,
      %add3A_352 = vector.broadcast %mul3A_23 : i32 to vector<16xi32>
      %add3A_353 = arith.addi %get3A_351, %add3A_352 : vector<16xi32>
      %shift_right_arithmetic3A = arith.constant 7 : i32
      %shift_right_arithmetic3A_354 = arith.shrsi %add3A_350, %shift_right_arithmetic3A : i32
      %and3A_355 = arith.constant 127 : i32
      %and3A_356 = arith.andi %add3A_350, %and3A_355 : i32
      %swap3A = arith.index_cast %shift_right_arithmetic3A_354 : i32 to index
      %swap3A_357 = arith.index_cast %and3A_356 : i32 to index
      %swap3A_358 = tpu.vector_load %arg6[%swap3A, %swap3A_357] {strides = array<i32>} : memref<16x128xi32, #tpu.memory_space<vmem>>, vector<16xi32>,
      tpu.vector_store %arg6[%swap3A, %swap3A_357], %add3A_353 {strides = array<i32>} : memref<16x128xi32, #tpu.memory_space<vmem>>, vector<16xi32>,
    }
    %scan3A_27 = arith.constant 128 : i32
    %dma_start3A = arith.constant 0 : i32
    %dma_start3A_28 = arith.constant 0 : i32
    %dma_start3A_29 = arith.constant 0 : i32
    %dma_start3A_30 = tpu.memref_slice %arg7[%dma_start3A_28, %dma_start3A_29] : memref<512x128xf32, #tpu.memory_space<vmem>> -> memref<128x128xf32, #tpu.memory_space<vmem>>
    %dma_start3A_31 = arith.constant 0 : i32
    %dma_start3A_32 = tpu.memref_slice %arg6[%dma_start3A, %dma_start3A_31] : memref<16x128xi32, #tpu.memory_space<vmem>> -> memref<1x128xi32, #tpu.memory_space<vmem>>
    %dma_start3A_33 = tpu.memref_squeeze %dma_start3A_32 : memref<1x128xi32, #tpu.memory_space<vmem>> -> memref<128xi32, #tpu.memory_space<vmem>>
    %dma_start3A_34 = arith.constant 0 : i32
    %dma_start3A_35 = arith.constant 0 : i32
    %dma_start3A_36 = tpu.memref_slice %arg2[%dma_start3A_34, %dma_start3A_35] : memref<65536x128xf32, #tpu.memory_space<hbm>> -> memref<65536x128xf32, #tpu.memory_space<hbm>>
    tpu.enqueue_indirect_dma source(%dma_start3A_36 : memref<65536x128xf32, #tpu.memory_space<hbm>>) target(%dma_start3A_30 : memref<128x128xf32, #tpu.memory_space<vmem>>) offsets(%dma_start3A_33 : memref<128xi32, #tpu.memory_space<vmem>>) semaphore(%arg8 : memref<!tpu.dma_semaphore, #tpu.memory_space<semaphore_mem>>)
    %dma_start3A_37 = arith.constant 1 : i32
    %dma_start3A_38 = arith.constant 128 : i32
    %dma_start3A_39 = arith.constant 0 : i32
    %dma_start3A_40 = tpu.memref_slice %arg7[%dma_start3A_38, %dma_start3A_39] : memref<512x128xf32, #tpu.memory_space<vmem>> -> memref<128x128xf32, #tpu.memory_space<vmem>>
    %dma_start3A_41 = arith.constant 0 : i32
    %dma_start3A_42 = tpu.memref_slice %arg6[%dma_start3A_37, %dma_start3A_41] : memref<16x128xi32, #tpu.memory_space<vmem>> -> memref<1x128xi32, #tpu.memory_space<vmem>>
    %dma_start3A_43 = tpu.memref_squeeze %dma_start3A_42 : memref<1x128xi32, #tpu.memory_space<vmem>> -> memref<128xi32, #tpu.memory_space<vmem>>
    %dma_start3A_44 = arith.constant 0 : i32
    %dma_start3A_45 = arith.constant 0 : i32
    %dma_start3A_46 = tpu.memref_slice %arg2[%dma_start3A_44, %dma_start3A_45] : memref<65536x128xf32, #tpu.memory_space<hbm>> -> memref<65536x128xf32, #tpu.memory_space<hbm>>
    tpu.enqueue_indirect_dma source(%dma_start3A_46 : memref<65536x128xf32, #tpu.memory_space<hbm>>) target(%dma_start3A_40 : memref<128x128xf32, #tpu.memory_space<vmem>>) offsets(%dma_start3A_43 : memref<128xi32, #tpu.memory_space<vmem>>) semaphore(%arg8 : memref<!tpu.dma_semaphore, #tpu.memory_space<semaphore_mem>>)
    %dma_start3A_47 = arith.constant 2 : i32
    %dma_start3A_48 = arith.constant 256 : i32
    %dma_start3A_49 = arith.constant 0 : i32
    %dma_start3A_50 = tpu.memref_slice %arg7[%dma_start3A_48, %dma_start3A_49] : memref<512x128xf32, #tpu.memory_space<vmem>> -> memref<128x128xf32, #tpu.memory_space<vmem>>
    %dma_start3A_51 = arith.constant 0 : i32
    %dma_start3A_52 = tpu.memref_slice %arg6[%dma_start3A_47, %dma_start3A_51] : memref<16x128xi32, #tpu.memory_space<vmem>> -> memref<1x128xi32, #tpu.memory_space<vmem>>
    %dma_start3A_53 = tpu.memref_squeeze %dma_start3A_52 : memref<1x128xi32, #tpu.memory_space<vmem>> -> memref<128xi32, #tpu.memory_space<vmem>>
    %dma_start3A_54 = arith.constant 0 : i32
    %dma_start3A_55 = arith.constant 0 : i32
    %dma_start3A_56 = tpu.memref_slice %arg2[%dma_start3A_54, %dma_start3A_55] : memref<65536x128xf32, #tpu.memory_space<hbm>> -> memref<65536x128xf32, #tpu.memory_space<hbm>>
    tpu.enqueue_indirect_dma source(%dma_start3A_56 : memref<65536x128xf32, #tpu.memory_space<hbm>>) target(%dma_start3A_50 : memref<128x128xf32, #tpu.memory_space<vmem>>) offsets(%dma_start3A_53 : memref<128xi32, #tpu.memory_space<vmem>>) semaphore(%arg8 : memref<!tpu.dma_semaphore, #tpu.memory_space<semaphore_mem>>)
    %dma_start3A_57 = arith.constant 3 : i32
    %dma_start3A_58 = arith.constant 384 : i32
    %dma_start3A_59 = arith.constant 0 : i32
    %dma_start3A_60 = tpu.memref_slice %arg7[%dma_start3A_58, %dma_start3A_59] : memref<512x128xf32, #tpu.memory_space<vmem>> -> memref<128x128xf32, #tpu.memory_space<vmem>>
    %dma_start3A_61 = arith.constant 0 : i32
    %dma_start3A_62 = tpu.memref_slice %arg6[%dma_start3A_57, %dma_start3A_61] : memref<16x128xi32, #tpu.memory_space<vmem>> -> memref<1x128xi32, #tpu.memory_space<vmem>>
    %dma_start3A_63 = tpu.memref_squeeze %dma_start3A_62 : memref<1x128xi32, #tpu.memory_space<vmem>> -> memref<128xi32, #tpu.memory_space<vmem>>
    %dma_start3A_64 = arith.constant 0 : i32
    %dma_start3A_65 = arith.constant 0 : i32
    %dma_start3A_66 = tpu.memref_slice %arg2[%dma_start3A_64, %dma_start3A_65] : memref<65536x128xf32, #tpu.memory_space<hbm>> -> memref<65536x128xf32, #tpu.memory_space<hbm>>
    tpu.enqueue_indirect_dma source(%dma_start3A_66 : memref<65536x128xf32, #tpu.memory_space<hbm>>) target(%dma_start3A_60 : memref<128x128xf32, #tpu.memory_space<vmem>>) offsets(%dma_start3A_63 : memref<128xi32, #tpu.memory_space<vmem>>) semaphore(%arg8 : memref<!tpu.dma_semaphore, #tpu.memory_space<semaphore_mem>>)
    %dma_wait3A = arith.constant 0 : i32
    %dma_wait3A_67 = arith.constant 0 : i32
    %dma_wait3A_68 = arith.constant 0 : i32
    %dma_wait3A_69 = tpu.memref_slice %arg7[%dma_wait3A_67, %dma_wait3A_68] : memref<512x128xf32, #tpu.memory_space<vmem>> -> memref<128x128xf32, #tpu.memory_space<vmem>>
    %dma_wait3A_70 = arith.constant 0 : i32
    %dma_wait3A_71 = tpu.memref_slice %arg6[%dma_wait3A, %dma_wait3A_70] : memref<16x128xi32, #tpu.memory_space<vmem>> -> memref<1x128xi32, #tpu.memory_space<vmem>>
    %dma_wait3A_72 = tpu.memref_squeeze %dma_wait3A_71 : memref<1x128xi32, #tpu.memory_space<vmem>> -> memref<128xi32, #tpu.memory_space<vmem>>
    %dma_wait3A_73 = arith.constant 0 : i32
    %dma_wait3A_74 = arith.constant 0 : i32
    %dma_wait3A_75 = tpu.memref_slice %arg2[%dma_wait3A_73, %dma_wait3A_74] : memref<65536x128xf32, #tpu.memory_space<hbm>> -> memref<65536x128xf32, #tpu.memory_space<hbm>>
    tpu.wait_indirect_dma semaphore(%arg8 : memref<!tpu.dma_semaphore, #tpu.memory_space<semaphore_mem>>) src(%dma_wait3A_75 : memref<65536x128xf32, #tpu.memory_space<hbm>>) dst(%dma_wait3A_69 : memref<128x128xf32, #tpu.memory_space<vmem>>)
    %dma_wait3A_76 = arith.constant 1 : i32
    %dma_wait3A_77 = arith.constant 128 : i32
    %dma_wait3A_78 = arith.constant 0 : i32
    %dma_wait3A_79 = tpu.memref_slice %arg7[%dma_wait3A_77, %dma_wait3A_78] : memref<512x128xf32, #tpu.memory_space<vmem>> -> memref<128x128xf32, #tpu.memory_space<vmem>>
    %dma_wait3A_80 = arith.constant 0 : i32
    %dma_wait3A_81 = tpu.memref_slice %arg6[%dma_wait3A_76, %dma_wait3A_80] : memref<16x128xi32, #tpu.memory_space<vmem>> -> memref<1x128xi32, #tpu.memory_space<vmem>>
    %dma_wait3A_82 = tpu.memref_squeeze %dma_wait3A_81 : memref<1x128xi32, #tpu.memory_space<vmem>> -> memref<128xi32, #tpu.memory_space<vmem>>
    %dma_wait3A_83 = arith.constant 0 : i32
    %dma_wait3A_84 = arith.constant 0 : i32
    %dma_wait3A_85 = tpu.memref_slice %arg2[%dma_wait3A_83, %dma_wait3A_84] : memref<65536x128xf32, #tpu.memory_space<hbm>> -> memref<65536x128xf32, #tpu.memory_space<hbm>>
    tpu.wait_indirect_dma semaphore(%arg8 : memref<!tpu.dma_semaphore, #tpu.memory_space<semaphore_mem>>) src(%dma_wait3A_85 : memref<65536x128xf32, #tpu.memory_space<hbm>>) dst(%dma_wait3A_79 : memref<128x128xf32, #tpu.memory_space<vmem>>)
    %dma_wait3A_86 = arith.constant 2 : i32
    %dma_wait3A_87 = arith.constant 256 : i32
    %dma_wait3A_88 = arith.constant 0 : i32
    %dma_wait3A_89 = tpu.memref_slice %arg7[%dma_wait3A_87, %dma_wait3A_88] : memref<512x128xf32, #tpu.memory_space<vmem>> -> memref<128x128xf32, #tpu.memory_space<vmem>>
    %dma_wait3A_90 = arith.constant 0 : i32
    %dma_wait3A_91 = tpu.memref_slice %arg6[%dma_wait3A_86, %dma_wait3A_90] : memref<16x128xi32, #tpu.memory_space<vmem>> -> memref<1x128xi32, #tpu.memory_space<vmem>>
    %dma_wait3A_92 = tpu.memref_squeeze %dma_wait3A_91 : memref<1x128xi32, #tpu.memory_space<vmem>> -> memref<128xi32, #tpu.memory_space<vmem>>
    %dma_wait3A_93 = arith.constant 0 : i32
    %dma_wait3A_94 = arith.constant 0 : i32
    %dma_wait3A_95 = tpu.memref_slice %arg2[%dma_wait3A_93, %dma_wait3A_94] : memref<65536x128xf32, #tpu.memory_space<hbm>> -> memref<65536x128xf32, #tpu.memory_space<hbm>>
    tpu.wait_indirect_dma semaphore(%arg8 : memref<!tpu.dma_semaphore, #tpu.memory_space<semaphore_mem>>) src(%dma_wait3A_95 : memref<65536x128xf32, #tpu.memory_space<hbm>>) dst(%dma_wait3A_89 : memref<128x128xf32, #tpu.memory_space<vmem>>)
    %dma_wait3A_96 = arith.constant 3 : i32
    %dma_wait3A_97 = arith.constant 384 : i32
    %dma_wait3A_98 = arith.constant 0 : i32
    %dma_wait3A_99 = tpu.memref_slice %arg7[%dma_wait3A_97, %dma_wait3A_98] : memref<512x128xf32, #tpu.memory_space<vmem>> -> memref<128x128xf32, #tpu.memory_space<vmem>>
    %dma_wait3A_100 = arith.constant 0 : i32
    %dma_wait3A_101 = tpu.memref_slice %arg6[%dma_wait3A_96, %dma_wait3A_100] : memref<16x128xi32, #tpu.memory_space<vmem>> -> memref<1x128xi32, #tpu.memory_space<vmem>>
    %dma_wait3A_102 = tpu.memref_squeeze %dma_wait3A_101 : memref<1x128xi32, #tpu.memory_space<vmem>> -> memref<128xi32, #tpu.memory_space<vmem>>
    %dma_wait3A_103 = arith.constant 0 : i32
    %dma_wait3A_104 = arith.constant 0 : i32
    %dma_wait3A_105 = tpu.memref_slice %arg2[%dma_wait3A_103, %dma_wait3A_104] : memref<65536x128xf32, #tpu.memory_space<hbm>> -> memref<65536x128xf32, #tpu.memory_space<hbm>>
    tpu.wait_indirect_dma semaphore(%arg8 : memref<!tpu.dma_semaphore, #tpu.memory_space<semaphore_mem>>) src(%dma_wait3A_105 : memref<65536x128xf32, #tpu.memory_space<hbm>>) dst(%dma_wait3A_99 : memref<128x128xf32, #tpu.memory_space<vmem>>)
    "tpu.region"() ({
      %run_scoped3A = tpu.sem_alloc : memref<!tpu.dma_semaphore, #tpu.memory_space<semaphore_mem>>
      %dma_start3A_346 = arith.constant 0 : i32
      %dma_start3A_347 = arith.constant 0 : i32
      %dma_start3A_348 = tpu.memref_slice %arg4[%add3A_2, %dma_start3A_346, %dma_start3A_347] : memref<32x2048x128xf32, #tpu.memory_space<hbm>> -> memref<1x512x128xf32, #tpu.memory_space<hbm>>
      %dma_start3A_349 = tpu.memref_squeeze %dma_start3A_348 : memref<1x512x128xf32, #tpu.memory_space<hbm>> -> memref<512x128xf32, #tpu.memory_space<hbm>>
      %dma_start3A_350 = arith.constant 0 : i32
      %dma_start3A_351 = arith.constant 0 : i32
      %dma_start3A_352 = tpu.memref_slice %arg4[%add3A_2, %dma_start3A_350, %dma_start3A_351] : memref<32x2048x128xf32, #tpu.memory_space<hbm>> -> memref<1x512x128xf32, #tpu.memory_space<hbm>>
      %dma_start3A_353 = tpu.memref_squeeze %dma_start3A_352 : memref<1x512x128xf32, #tpu.memory_space<hbm>> -> memref<512x128xf32, #tpu.memory_space<hbm>>
      tpu.enqueue_dma source(%arg7 : memref<512x128xf32, #tpu.memory_space<vmem>>) target(%dma_start3A_353 : memref<512x128xf32, #tpu.memory_space<hbm>>) target_semaphore(%run_scoped3A : memref<!tpu.dma_semaphore, #tpu.memory_space<semaphore_mem>>)
      %dma_wait3A_354 = arith.constant 0 : i32
      %dma_wait3A_355 = arith.constant 0 : i32
      %dma_wait3A_356 = tpu.memref_slice %arg4[%add3A_2, %dma_wait3A_354, %dma_wait3A_355] : memref<32x2048x128xf32, #tpu.memory_space<hbm>> -> memref<1x512x128xf32, #tpu.memory_space<hbm>>
      %dma_wait3A_357 = tpu.memref_squeeze %dma_wait3A_356 : memref<1x512x128xf32, #tpu.memory_space<hbm>> -> memref<512x128xf32, #tpu.memory_space<hbm>>
      %dma_wait3A_358 = arith.constant 0 : i32
      %dma_wait3A_359 = arith.constant 0 : i32
      %dma_wait3A_360 = tpu.memref_slice %arg4[%add3A_2, %dma_wait3A_358, %dma_wait3A_359] : memref<32x2048x128xf32, #tpu.memory_space<hbm>> -> memref<1x512x128xf32, #tpu.memory_space<hbm>>
      %dma_wait3A_361 = tpu.memref_squeeze %dma_wait3A_360 : memref<1x512x128xf32, #tpu.memory_space<hbm>> -> memref<512x128xf32, #tpu.memory_space<hbm>>
      tpu.wait_dma2 semaphore(%run_scoped3A : memref<!tpu.dma_semaphore, #tpu.memory_space<semaphore_mem>>) src(%arg7 : memref<512x128xf32, #tpu.memory_space<vmem>>) dst(%dma_wait3A_361 : memref<512x128xf32, #tpu.memory_space<hbm>>)
      tpu.yield
    }) : () -> ()
    %dma_start3A_106 = arith.constant 4 : i32
    %dma_start3A_107 = arith.constant 0 : i32
    %dma_start3A_108 = arith.constant 0 : i32
    %dma_start3A_109 = tpu.memref_slice %arg7[%dma_start3A_107, %dma_start3A_108] : memref<512x128xf32, #tpu.memory_space<vmem>> -> memref<128x128xf32, #tpu.memory_space<vmem>>
    %dma_start3A_110 = arith.constant 0 : i32
    %dma_start3A_111 = tpu.memref_slice %arg6[%dma_start3A_106, %dma_start3A_110] : memref<16x128xi32, #tpu.memory_space<vmem>> -> memref<1x128xi32, #tpu.memory_space<vmem>>
    %dma_start3A_112 = tpu.memref_squeeze %dma_start3A_111 : memref<1x128xi32, #tpu.memory_space<vmem>> -> memref<128xi32, #tpu.memory_space<vmem>>
    %dma_start3A_113 = arith.constant 0 : i32
    %dma_start3A_114 = arith.constant 0 : i32
    %dma_start3A_115 = tpu.memref_slice %arg2[%dma_start3A_113, %dma_start3A_114] : memref<65536x128xf32, #tpu.memory_space<hbm>> -> memref<65536x128xf32, #tpu.memory_space<hbm>>
    tpu.enqueue_indirect_dma source(%dma_start3A_115 : memref<65536x128xf32, #tpu.memory_space<hbm>>) target(%dma_start3A_109 : memref<128x128xf32, #tpu.memory_space<vmem>>) offsets(%dma_start3A_112 : memref<128xi32, #tpu.memory_space<vmem>>) semaphore(%arg8 : memref<!tpu.dma_semaphore, #tpu.memory_space<semaphore_mem>>)
    %dma_start3A_116 = arith.constant 5 : i32
    %dma_start3A_117 = arith.constant 128 : i32
    %dma_start3A_118 = arith.constant 0 : i32
    %dma_start3A_119 = tpu.memref_slice %arg7[%dma_start3A_117, %dma_start3A_118] : memref<512x128xf32, #tpu.memory_space<vmem>> -> memref<128x128xf32, #tpu.memory_space<vmem>>
    %dma_start3A_120 = arith.constant 0 : i32
    %dma_start3A_121 = tpu.memref_slice %arg6[%dma_start3A_116, %dma_start3A_120] : memref<16x128xi32, #tpu.memory_space<vmem>> -> memref<1x128xi32, #tpu.memory_space<vmem>>
    %dma_start3A_122 = tpu.memref_squeeze %dma_start3A_121 : memref<1x128xi32, #tpu.memory_space<vmem>> -> memref<128xi32, #tpu.memory_space<vmem>>
    %dma_start3A_123 = arith.constant 0 : i32
    %dma_start3A_124 = arith.constant 0 : i32
    %dma_start3A_125 = tpu.memref_slice %arg2[%dma_start3A_123, %dma_start3A_124] : memref<65536x128xf32, #tpu.memory_space<hbm>> -> memref<65536x128xf32, #tpu.memory_space<hbm>>
    tpu.enqueue_indirect_dma source(%dma_start3A_125 : memref<65536x128xf32, #tpu.memory_space<hbm>>) target(%dma_start3A_119 : memref<128x128xf32, #tpu.memory_space<vmem>>) offsets(%dma_start3A_122 : memref<128xi32, #tpu.memory_space<vmem>>) semaphore(%arg8 : memref<!tpu.dma_semaphore, #tpu.memory_space<semaphore_mem>>)
    %dma_start3A_126 = arith.constant 6 : i32
    %dma_start3A_127 = arith.constant 256 : i32
    %dma_start3A_128 = arith.constant 0 : i32
    %dma_start3A_129 = tpu.memref_slice %arg7[%dma_start3A_127, %dma_start3A_128] : memref<512x128xf32, #tpu.memory_space<vmem>> -> memref<128x128xf32, #tpu.memory_space<vmem>>
    %dma_start3A_130 = arith.constant 0 : i32
    %dma_start3A_131 = tpu.memref_slice %arg6[%dma_start3A_126, %dma_start3A_130] : memref<16x128xi32, #tpu.memory_space<vmem>> -> memref<1x128xi32, #tpu.memory_space<vmem>>
    %dma_start3A_132 = tpu.memref_squeeze %dma_start3A_131 : memref<1x128xi32, #tpu.memory_space<vmem>> -> memref<128xi32, #tpu.memory_space<vmem>>
    %dma_start3A_133 = arith.constant 0 : i32
    %dma_start3A_134 = arith.constant 0 : i32
    %dma_start3A_135 = tpu.memref_slice %arg2[%dma_start3A_133, %dma_start3A_134] : memref<65536x128xf32, #tpu.memory_space<hbm>> -> memref<65536x128xf32, #tpu.memory_space<hbm>>
    tpu.enqueue_indirect_dma source(%dma_start3A_135 : memref<65536x128xf32, #tpu.memory_space<hbm>>) target(%dma_start3A_129 : memref<128x128xf32, #tpu.memory_space<vmem>>) offsets(%dma_start3A_132 : memref<128xi32, #tpu.memory_space<vmem>>) semaphore(%arg8 : memref<!tpu.dma_semaphore, #tpu.memory_space<semaphore_mem>>)
    %dma_start3A_136 = arith.constant 7 : i32
    %dma_start3A_137 = arith.constant 384 : i32
    %dma_start3A_138 = arith.constant 0 : i32
    %dma_start3A_139 = tpu.memref_slice %arg7[%dma_start3A_137, %dma_start3A_138] : memref<512x128xf32, #tpu.memory_space<vmem>> -> memref<128x128xf32, #tpu.memory_space<vmem>>
    %dma_start3A_140 = arith.constant 0 : i32
    %dma_start3A_141 = tpu.memref_slice %arg6[%dma_start3A_136, %dma_start3A_140] : memref<16x128xi32, #tpu.memory_space<vmem>> -> memref<1x128xi32, #tpu.memory_space<vmem>>
    %dma_start3A_142 = tpu.memref_squeeze %dma_start3A_141 : memref<1x128xi32, #tpu.memory_space<vmem>> -> memref<128xi32, #tpu.memory_space<vmem>>
    %dma_start3A_143 = arith.constant 0 : i32
    %dma_start3A_144 = arith.constant 0 : i32
    %dma_start3A_145 = tpu.memref_slice %arg2[%dma_start3A_143, %dma_start3A_144] : memref<65536x128xf32, #tpu.memory_space<hbm>> -> memref<65536x128xf32, #tpu.memory_space<hbm>>
    tpu.enqueue_indirect_dma source(%dma_start3A_145 : memref<65536x128xf32, #tpu.memory_space<hbm>>) target(%dma_start3A_139 : memref<128x128xf32, #tpu.memory_space<vmem>>) offsets(%dma_start3A_142 : memref<128xi32, #tpu.memory_space<vmem>>) semaphore(%arg8 : memref<!tpu.dma_semaphore, #tpu.memory_space<semaphore_mem>>)
    %dma_wait3A_146 = arith.constant 4 : i32
    %dma_wait3A_147 = arith.constant 0 : i32
    %dma_wait3A_148 = arith.constant 0 : i32
    %dma_wait3A_149 = tpu.memref_slice %arg7[%dma_wait3A_147, %dma_wait3A_148] : memref<512x128xf32, #tpu.memory_space<vmem>> -> memref<128x128xf32, #tpu.memory_space<vmem>>
    %dma_wait3A_150 = arith.constant 0 : i32
    %dma_wait3A_151 = tpu.memref_slice %arg6[%dma_wait3A_146, %dma_wait3A_150] : memref<16x128xi32, #tpu.memory_space<vmem>> -> memref<1x128xi32, #tpu.memory_space<vmem>>
    %dma_wait3A_152 = tpu.memref_squeeze %dma_wait3A_151 : memref<1x128xi32, #tpu.memory_space<vmem>> -> memref<128xi32, #tpu.memory_space<vmem>>
    %dma_wait3A_153 = arith.constant 0 : i32
    %dma_wait3A_154 = arith.constant 0 : i32
    %dma_wait3A_155 = tpu.memref_slice %arg2[%dma_wait3A_153, %dma_wait3A_154] : memref<65536x128xf32, #tpu.memory_space<hbm>> -> memref<65536x128xf32, #tpu.memory_space<hbm>>
    tpu.wait_indirect_dma semaphore(%arg8 : memref<!tpu.dma_semaphore, #tpu.memory_space<semaphore_mem>>) src(%dma_wait3A_155 : memref<65536x128xf32, #tpu.memory_space<hbm>>) dst(%dma_wait3A_149 : memref<128x128xf32, #tpu.memory_space<vmem>>)
    %dma_wait3A_156 = arith.constant 5 : i32
    %dma_wait3A_157 = arith.constant 128 : i32
    %dma_wait3A_158 = arith.constant 0 : i32
    %dma_wait3A_159 = tpu.memref_slice %arg7[%dma_wait3A_157, %dma_wait3A_158] : memref<512x128xf32, #tpu.memory_space<vmem>> -> memref<128x128xf32, #tpu.memory_space<vmem>>
    %dma_wait3A_160 = arith.constant 0 : i32
    %dma_wait3A_161 = tpu.memref_slice %arg6[%dma_wait3A_156, %dma_wait3A_160] : memref<16x128xi32, #tpu.memory_space<vmem>> -> memref<1x128xi32, #tpu.memory_space<vmem>>
    %dma_wait3A_162 = tpu.memref_squeeze %dma_wait3A_161 : memref<1x128xi32, #tpu.memory_space<vmem>> -> memref<128xi32, #tpu.memory_space<vmem>>
    %dma_wait3A_163 = arith.constant 0 : i32
    %dma_wait3A_164 = arith.constant 0 : i32
    %dma_wait3A_165 = tpu.memref_slice %arg2[%dma_wait3A_163, %dma_wait3A_164] : memref<65536x128xf32, #tpu.memory_space<hbm>> -> memref<65536x128xf32, #tpu.memory_space<hbm>>
    tpu.wait_indirect_dma semaphore(%arg8 : memref<!tpu.dma_semaphore, #tpu.memory_space<semaphore_mem>>) src(%dma_wait3A_165 : memref<65536x128xf32, #tpu.memory_space<hbm>>) dst(%dma_wait3A_159 : memref<128x128xf32, #tpu.memory_space<vmem>>)
    %dma_wait3A_166 = arith.constant 6 : i32
    %dma_wait3A_167 = arith.constant 256 : i32
    %dma_wait3A_168 = arith.constant 0 : i32
    %dma_wait3A_169 = tpu.memref_slice %arg7[%dma_wait3A_167, %dma_wait3A_168] : memref<512x128xf32, #tpu.memory_space<vmem>> -> memref<128x128xf32, #tpu.memory_space<vmem>>
    %dma_wait3A_170 = arith.constant 0 : i32
    %dma_wait3A_171 = tpu.memref_slice %arg6[%dma_wait3A_166, %dma_wait3A_170] : memref<16x128xi32, #tpu.memory_space<vmem>> -> memref<1x128xi32, #tpu.memory_space<vmem>>
    %dma_wait3A_172 = tpu.memref_squeeze %dma_wait3A_171 : memref<1x128xi32, #tpu.memory_space<vmem>> -> memref<128xi32, #tpu.memory_space<vmem>>
    %dma_wait3A_173 = arith.constant 0 : i32
    %dma_wait3A_174 = arith.constant 0 : i32
    %dma_wait3A_175 = tpu.memref_slice %arg2[%dma_wait3A_173, %dma_wait3A_174] : memref<65536x128xf32, #tpu.memory_space<hbm>> -> memref<65536x128xf32, #tpu.memory_space<hbm>>
    tpu.wait_indirect_dma semaphore(%arg8 : memref<!tpu.dma_semaphore, #tpu.memory_space<semaphore_mem>>) src(%dma_wait3A_175 : memref<65536x128xf32, #tpu.memory_space<hbm>>) dst(%dma_wait3A_169 : memref<128x128xf32, #tpu.memory_space<vmem>>)
    %dma_wait3A_176 = arith.constant 7 : i32
    %dma_wait3A_177 = arith.constant 384 : i32
    %dma_wait3A_178 = arith.constant 0 : i32
    %dma_wait3A_179 = tpu.memref_slice %arg7[%dma_wait3A_177, %dma_wait3A_178] : memref<512x128xf32, #tpu.memory_space<vmem>> -> memref<128x128xf32, #tpu.memory_space<vmem>>
    %dma_wait3A_180 = arith.constant 0 : i32
    %dma_wait3A_181 = tpu.memref_slice %arg6[%dma_wait3A_176, %dma_wait3A_180] : memref<16x128xi32, #tpu.memory_space<vmem>> -> memref<1x128xi32, #tpu.memory_space<vmem>>
    %dma_wait3A_182 = tpu.memref_squeeze %dma_wait3A_181 : memref<1x128xi32, #tpu.memory_space<vmem>> -> memref<128xi32, #tpu.memory_space<vmem>>
    %dma_wait3A_183 = arith.constant 0 : i32
    %dma_wait3A_184 = arith.constant 0 : i32
    %dma_wait3A_185 = tpu.memref_slice %arg2[%dma_wait3A_183, %dma_wait3A_184] : memref<65536x128xf32, #tpu.memory_space<hbm>> -> memref<65536x128xf32, #tpu.memory_space<hbm>>
    tpu.wait_indirect_dma semaphore(%arg8 : memref<!tpu.dma_semaphore, #tpu.memory_space<semaphore_mem>>) src(%dma_wait3A_185 : memref<65536x128xf32, #tpu.memory_space<hbm>>) dst(%dma_wait3A_179 : memref<128x128xf32, #tpu.memory_space<vmem>>)
    "tpu.region"() ({
      %run_scoped3A = tpu.sem_alloc : memref<!tpu.dma_semaphore, #tpu.memory_space<semaphore_mem>>
      %dma_start3A_346 = arith.constant 512 : i32
      %dma_start3A_347 = arith.constant 0 : i32
      %dma_start3A_348 = tpu.memref_slice %arg4[%add3A_2, %dma_start3A_346, %dma_start3A_347] : memref<32x2048x128xf32, #tpu.memory_space<hbm>> -> memref<1x512x128xf32, #tpu.memory_space<hbm>>
      %dma_start3A_349 = tpu.memref_squeeze %dma_start3A_348 : memref<1x512x128xf32, #tpu.memory_space<hbm>> -> memref<512x128xf32, #tpu.memory_space<hbm>>
      %dma_start3A_350 = arith.constant 512 : i32
      %dma_start3A_351 = arith.constant 0 : i32
      %dma_start3A_352 = tpu.memref_slice %arg4[%add3A_2, %dma_start3A_350, %dma_start3A_351] : memref<32x2048x128xf32, #tpu.memory_space<hbm>> -> memref<1x512x128xf32, #tpu.memory_space<hbm>>
      %dma_start3A_353 = tpu.memref_squeeze %dma_start3A_352 : memref<1x512x128xf32, #tpu.memory_space<hbm>> -> memref<512x128xf32, #tpu.memory_space<hbm>>
      tpu.enqueue_dma source(%arg7 : memref<512x128xf32, #tpu.memory_space<vmem>>) target(%dma_start3A_353 : memref<512x128xf32, #tpu.memory_space<hbm>>) target_semaphore(%run_scoped3A : memref<!tpu.dma_semaphore, #tpu.memory_space<semaphore_mem>>)
      %dma_wait3A_354 = arith.constant 512 : i32
      %dma_wait3A_355 = arith.constant 0 : i32
      %dma_wait3A_356 = tpu.memref_slice %arg4[%add3A_2, %dma_wait3A_354, %dma_wait3A_355] : memref<32x2048x128xf32, #tpu.memory_space<hbm>> -> memref<1x512x128xf32, #tpu.memory_space<hbm>>
      %dma_wait3A_357 = tpu.memref_squeeze %dma_wait3A_356 : memref<1x512x128xf32, #tpu.memory_space<hbm>> -> memref<512x128xf32, #tpu.memory_space<hbm>>
      %dma_wait3A_358 = arith.constant 512 : i32
      %dma_wait3A_359 = arith.constant 0 : i32
      %dma_wait3A_360 = tpu.memref_slice %arg4[%add3A_2, %dma_wait3A_358, %dma_wait3A_359] : memref<32x2048x128xf32, #tpu.memory_space<hbm>> -> memref<1x512x128xf32, #tpu.memory_space<hbm>>
      %dma_wait3A_361 = tpu.memref_squeeze %dma_wait3A_360 : memref<1x512x128xf32, #tpu.memory_space<hbm>> -> memref<512x128xf32, #tpu.memory_space<hbm>>
      tpu.wait_dma2 semaphore(%run_scoped3A : memref<!tpu.dma_semaphore, #tpu.memory_space<semaphore_mem>>) src(%arg7 : memref<512x128xf32, #tpu.memory_space<vmem>>) dst(%dma_wait3A_361 : memref<512x128xf32, #tpu.memory_space<hbm>>)
      tpu.yield
    }) : () -> ()
    %dma_start3A_186 = arith.constant 8 : i32
    %dma_start3A_187 = arith.constant 0 : i32
    %dma_start3A_188 = arith.constant 0 : i32
    %dma_start3A_189 = tpu.memref_slice %arg7[%dma_start3A_187, %dma_start3A_188] : memref<512x128xf32, #tpu.memory_space<vmem>> -> memref<128x128xf32, #tpu.memory_space<vmem>>
    %dma_start3A_190 = arith.constant 0 : i32
    %dma_start3A_191 = tpu.memref_slice %arg6[%dma_start3A_186, %dma_start3A_190] : memref<16x128xi32, #tpu.memory_space<vmem>> -> memref<1x128xi32, #tpu.memory_space<vmem>>
    %dma_start3A_192 = tpu.memref_squeeze %dma_start3A_191 : memref<1x128xi32, #tpu.memory_space<vmem>> -> memref<128xi32, #tpu.memory_space<vmem>>
    %dma_start3A_193 = arith.constant 0 : i32
    %dma_start3A_194 = arith.constant 0 : i32
    %dma_start3A_195 = tpu.memref_slice %arg2[%dma_start3A_193, %dma_start3A_194] : memref<65536x128xf32, #tpu.memory_space<hbm>> -> memref<65536x128xf32, #tpu.memory_space<hbm>>
    tpu.enqueue_indirect_dma source(%dma_start3A_195 : memref<65536x128xf32, #tpu.memory_space<hbm>>) target(%dma_start3A_189 : memref<128x128xf32, #tpu.memory_space<vmem>>) offsets(%dma_start3A_192 : memref<128xi32, #tpu.memory_space<vmem>>) semaphore(%arg8 : memref<!tpu.dma_semaphore, #tpu.memory_space<semaphore_mem>>)
    %dma_start3A_196 = arith.constant 9 : i32
    %dma_start3A_197 = arith.constant 128 : i32
    %dma_start3A_198 = arith.constant 0 : i32
    %dma_start3A_199 = tpu.memref_slice %arg7[%dma_start3A_197, %dma_start3A_198] : memref<512x128xf32, #tpu.memory_space<vmem>> -> memref<128x128xf32, #tpu.memory_space<vmem>>
    %dma_start3A_200 = arith.constant 0 : i32
    %dma_start3A_201 = tpu.memref_slice %arg6[%dma_start3A_196, %dma_start3A_200] : memref<16x128xi32, #tpu.memory_space<vmem>> -> memref<1x128xi32, #tpu.memory_space<vmem>>
    %dma_start3A_202 = tpu.memref_squeeze %dma_start3A_201 : memref<1x128xi32, #tpu.memory_space<vmem>> -> memref<128xi32, #tpu.memory_space<vmem>>
    %dma_start3A_203 = arith.constant 0 : i32
    %dma_start3A_204 = arith.constant 0 : i32
    %dma_start3A_205 = tpu.memref_slice %arg2[%dma_start3A_203, %dma_start3A_204] : memref<65536x128xf32, #tpu.memory_space<hbm>> -> memref<65536x128xf32, #tpu.memory_space<hbm>>
    tpu.enqueue_indirect_dma source(%dma_start3A_205 : memref<65536x128xf32, #tpu.memory_space<hbm>>) target(%dma_start3A_199 : memref<128x128xf32, #tpu.memory_space<vmem>>) offsets(%dma_start3A_202 : memref<128xi32, #tpu.memory_space<vmem>>) semaphore(%arg8 : memref<!tpu.dma_semaphore, #tpu.memory_space<semaphore_mem>>)
    %dma_start3A_206 = arith.constant 10 : i32
    %dma_start3A_207 = arith.constant 256 : i32
    %dma_start3A_208 = arith.constant 0 : i32
    %dma_start3A_209 = tpu.memref_slice %arg7[%dma_start3A_207, %dma_start3A_208] : memref<512x128xf32, #tpu.memory_space<vmem>> -> memref<128x128xf32, #tpu.memory_space<vmem>>
    %dma_start3A_210 = arith.constant 0 : i32
    %dma_start3A_211 = tpu.memref_slice %arg6[%dma_start3A_206, %dma_start3A_210] : memref<16x128xi32, #tpu.memory_space<vmem>> -> memref<1x128xi32, #tpu.memory_space<vmem>>
    %dma_start3A_212 = tpu.memref_squeeze %dma_start3A_211 : memref<1x128xi32, #tpu.memory_space<vmem>> -> memref<128xi32, #tpu.memory_space<vmem>>
    %dma_start3A_213 = arith.constant 0 : i32
    %dma_start3A_214 = arith.constant 0 : i32
    %dma_start3A_215 = tpu.memref_slice %arg2[%dma_start3A_213, %dma_start3A_214] : memref<65536x128xf32, #tpu.memory_space<hbm>> -> memref<65536x128xf32, #tpu.memory_space<hbm>>
    tpu.enqueue_indirect_dma source(%dma_start3A_215 : memref<65536x128xf32, #tpu.memory_space<hbm>>) target(%dma_start3A_209 : memref<128x128xf32, #tpu.memory_space<vmem>>) offsets(%dma_start3A_212 : memref<128xi32, #tpu.memory_space<vmem>>) semaphore(%arg8 : memref<!tpu.dma_semaphore, #tpu.memory_space<semaphore_mem>>)
    %dma_start3A_216 = arith.constant 11 : i32
    %dma_start3A_217 = arith.constant 384 : i32
    %dma_start3A_218 = arith.constant 0 : i32
    %dma_start3A_219 = tpu.memref_slice %arg7[%dma_start3A_217, %dma_start3A_218] : memref<512x128xf32, #tpu.memory_space<vmem>> -> memref<128x128xf32, #tpu.memory_space<vmem>>
    %dma_start3A_220 = arith.constant 0 : i32
    %dma_start3A_221 = tpu.memref_slice %arg6[%dma_start3A_216, %dma_start3A_220] : memref<16x128xi32, #tpu.memory_space<vmem>> -> memref<1x128xi32, #tpu.memory_space<vmem>>
    %dma_start3A_222 = tpu.memref_squeeze %dma_start3A_221 : memref<1x128xi32, #tpu.memory_space<vmem>> -> memref<128xi32, #tpu.memory_space<vmem>>
    %dma_start3A_223 = arith.constant 0 : i32
    %dma_start3A_224 = arith.constant 0 : i32
    %dma_start3A_225 = tpu.memref_slice %arg2[%dma_start3A_223, %dma_start3A_224] : memref<65536x128xf32, #tpu.memory_space<hbm>> -> memref<65536x128xf32, #tpu.memory_space<hbm>>
    tpu.enqueue_indirect_dma source(%dma_start3A_225 : memref<65536x128xf32, #tpu.memory_space<hbm>>) target(%dma_start3A_219 : memref<128x128xf32, #tpu.memory_space<vmem>>) offsets(%dma_start3A_222 : memref<128xi32, #tpu.memory_space<vmem>>) semaphore(%arg8 : memref<!tpu.dma_semaphore, #tpu.memory_space<semaphore_mem>>)
    %dma_wait3A_226 = arith.constant 8 : i32
    %dma_wait3A_227 = arith.constant 0 : i32
    %dma_wait3A_228 = arith.constant 0 : i32
    %dma_wait3A_229 = tpu.memref_slice %arg7[%dma_wait3A_227, %dma_wait3A_228] : memref<512x128xf32, #tpu.memory_space<vmem>> -> memref<128x128xf32, #tpu.memory_space<vmem>>
    %dma_wait3A_230 = arith.constant 0 : i32
    %dma_wait3A_231 = tpu.memref_slice %arg6[%dma_wait3A_226, %dma_wait3A_230] : memref<16x128xi32, #tpu.memory_space<vmem>> -> memref<1x128xi32, #tpu.memory_space<vmem>>
    %dma_wait3A_232 = tpu.memref_squeeze %dma_wait3A_231 : memref<1x128xi32, #tpu.memory_space<vmem>> -> memref<128xi32, #tpu.memory_space<vmem>>
    %dma_wait3A_233 = arith.constant 0 : i32
    %dma_wait3A_234 = arith.constant 0 : i32
    %dma_wait3A_235 = tpu.memref_slice %arg2[%dma_wait3A_233, %dma_wait3A_234] : memref<65536x128xf32, #tpu.memory_space<hbm>> -> memref<65536x128xf32, #tpu.memory_space<hbm>>
    tpu.wait_indirect_dma semaphore(%arg8 : memref<!tpu.dma_semaphore, #tpu.memory_space<semaphore_mem>>) src(%dma_wait3A_235 : memref<65536x128xf32, #tpu.memory_space<hbm>>) dst(%dma_wait3A_229 : memref<128x128xf32, #tpu.memory_space<vmem>>)
    %dma_wait3A_236 = arith.constant 9 : i32
    %dma_wait3A_237 = arith.constant 128 : i32
    %dma_wait3A_238 = arith.constant 0 : i32
    %dma_wait3A_239 = tpu.memref_slice %arg7[%dma_wait3A_237, %dma_wait3A_238] : memref<512x128xf32, #tpu.memory_space<vmem>> -> memref<128x128xf32, #tpu.memory_space<vmem>>
    %dma_wait3A_240 = arith.constant 0 : i32
    %dma_wait3A_241 = tpu.memref_slice %arg6[%dma_wait3A_236, %dma_wait3A_240] : memref<16x128xi32, #tpu.memory_space<vmem>> -> memref<1x128xi32, #tpu.memory_space<vmem>>
    %dma_wait3A_242 = tpu.memref_squeeze %dma_wait3A_241 : memref<1x128xi32, #tpu.memory_space<vmem>> -> memref<128xi32, #tpu.memory_space<vmem>>
    %dma_wait3A_243 = arith.constant 0 : i32
    %dma_wait3A_244 = arith.constant 0 : i32
    %dma_wait3A_245 = tpu.memref_slice %arg2[%dma_wait3A_243, %dma_wait3A_244] : memref<65536x128xf32, #tpu.memory_space<hbm>> -> memref<65536x128xf32, #tpu.memory_space<hbm>>
    tpu.wait_indirect_dma semaphore(%arg8 : memref<!tpu.dma_semaphore, #tpu.memory_space<semaphore_mem>>) src(%dma_wait3A_245 : memref<65536x128xf32, #tpu.memory_space<hbm>>) dst(%dma_wait3A_239 : memref<128x128xf32, #tpu.memory_space<vmem>>)
    %dma_wait3A_246 = arith.constant 10 : i32
    %dma_wait3A_247 = arith.constant 256 : i32
    %dma_wait3A_248 = arith.constant 0 : i32
    %dma_wait3A_249 = tpu.memref_slice %arg7[%dma_wait3A_247, %dma_wait3A_248] : memref<512x128xf32, #tpu.memory_space<vmem>> -> memref<128x128xf32, #tpu.memory_space<vmem>>
    %dma_wait3A_250 = arith.constant 0 : i32
    %dma_wait3A_251 = tpu.memref_slice %arg6[%dma_wait3A_246, %dma_wait3A_250] : memref<16x128xi32, #tpu.memory_space<vmem>> -> memref<1x128xi32, #tpu.memory_space<vmem>>
    %dma_wait3A_252 = tpu.memref_squeeze %dma_wait3A_251 : memref<1x128xi32, #tpu.memory_space<vmem>> -> memref<128xi32, #tpu.memory_space<vmem>>
    %dma_wait3A_253 = arith.constant 0 : i32
    %dma_wait3A_254 = arith.constant 0 : i32
    %dma_wait3A_255 = tpu.memref_slice %arg2[%dma_wait3A_253, %dma_wait3A_254] : memref<65536x128xf32, #tpu.memory_space<hbm>> -> memref<65536x128xf32, #tpu.memory_space<hbm>>
    tpu.wait_indirect_dma semaphore(%arg8 : memref<!tpu.dma_semaphore, #tpu.memory_space<semaphore_mem>>) src(%dma_wait3A_255 : memref<65536x128xf32, #tpu.memory_space<hbm>>) dst(%dma_wait3A_249 : memref<128x128xf32, #tpu.memory_space<vmem>>)
    %dma_wait3A_256 = arith.constant 11 : i32
    %dma_wait3A_257 = arith.constant 384 : i32
    %dma_wait3A_258 = arith.constant 0 : i32
    %dma_wait3A_259 = tpu.memref_slice %arg7[%dma_wait3A_257, %dma_wait3A_258] : memref<512x128xf32, #tpu.memory_space<vmem>> -> memref<128x128xf32, #tpu.memory_space<vmem>>
    %dma_wait3A_260 = arith.constant 0 : i32
    %dma_wait3A_261 = tpu.memref_slice %arg6[%dma_wait3A_256, %dma_wait3A_260] : memref<16x128xi32, #tpu.memory_space<vmem>> -> memref<1x128xi32, #tpu.memory_space<vmem>>
    %dma_wait3A_262 = tpu.memref_squeeze %dma_wait3A_261 : memref<1x128xi32, #tpu.memory_space<vmem>> -> memref<128xi32, #tpu.memory_space<vmem>>
    %dma_wait3A_263 = arith.constant 0 : i32
    %dma_wait3A_264 = arith.constant 0 : i32
    %dma_wait3A_265 = tpu.memref_slice %arg2[%dma_wait3A_263, %dma_wait3A_264] : memref<65536x128xf32, #tpu.memory_space<hbm>> -> memref<65536x128xf32, #tpu.memory_space<hbm>>
    tpu.wait_indirect_dma semaphore(%arg8 : memref<!tpu.dma_semaphore, #tpu.memory_space<semaphore_mem>>) src(%dma_wait3A_265 : memref<65536x128xf32, #tpu.memory_space<hbm>>) dst(%dma_wait3A_259 : memref<128x128xf32, #tpu.memory_space<vmem>>)
    "tpu.region"() ({
      %run_scoped3A = tpu.sem_alloc : memref<!tpu.dma_semaphore, #tpu.memory_space<semaphore_mem>>
      %dma_start3A_346 = arith.constant 1024 : i32
      %dma_start3A_347 = arith.constant 0 : i32
      %dma_start3A_348 = tpu.memref_slice %arg4[%add3A_2, %dma_start3A_346, %dma_start3A_347] : memref<32x2048x128xf32, #tpu.memory_space<hbm>> -> memref<1x512x128xf32, #tpu.memory_space<hbm>>
      %dma_start3A_349 = tpu.memref_squeeze %dma_start3A_348 : memref<1x512x128xf32, #tpu.memory_space<hbm>> -> memref<512x128xf32, #tpu.memory_space<hbm>>
      %dma_start3A_350 = arith.constant 1024 : i32
      %dma_start3A_351 = arith.constant 0 : i32
      %dma_start3A_352 = tpu.memref_slice %arg4[%add3A_2, %dma_start3A_350, %dma_start3A_351] : memref<32x2048x128xf32, #tpu.memory_space<hbm>> -> memref<1x512x128xf32, #tpu.memory_space<hbm>>
      %dma_start3A_353 = tpu.memref_squeeze %dma_start3A_352 : memref<1x512x128xf32, #tpu.memory_space<hbm>> -> memref<512x128xf32, #tpu.memory_space<hbm>>
      tpu.enqueue_dma source(%arg7 : memref<512x128xf32, #tpu.memory_space<vmem>>) target(%dma_start3A_353 : memref<512x128xf32, #tpu.memory_space<hbm>>) target_semaphore(%run_scoped3A : memref<!tpu.dma_semaphore, #tpu.memory_space<semaphore_mem>>)
      %dma_wait3A_354 = arith.constant 1024 : i32
      %dma_wait3A_355 = arith.constant 0 : i32
      %dma_wait3A_356 = tpu.memref_slice %arg4[%add3A_2, %dma_wait3A_354, %dma_wait3A_355] : memref<32x2048x128xf32, #tpu.memory_space<hbm>> -> memref<1x512x128xf32, #tpu.memory_space<hbm>>
      %dma_wait3A_357 = tpu.memref_squeeze %dma_wait3A_356 : memref<1x512x128xf32, #tpu.memory_space<hbm>> -> memref<512x128xf32, #tpu.memory_space<hbm>>
      %dma_wait3A_358 = arith.constant 1024 : i32
      %dma_wait3A_359 = arith.constant 0 : i32
      %dma_wait3A_360 = tpu.memref_slice %arg4[%add3A_2, %dma_wait3A_358, %dma_wait3A_359] : memref<32x2048x128xf32, #tpu.memory_space<hbm>> -> memref<1x512x128xf32, #tpu.memory_space<hbm>>
      %dma_wait3A_361 = tpu.memref_squeeze %dma_wait3A_360 : memref<1x512x128xf32, #tpu.memory_space<hbm>> -> memref<512x128xf32, #tpu.memory_space<hbm>>
      tpu.wait_dma2 semaphore(%run_scoped3A : memref<!tpu.dma_semaphore, #tpu.memory_space<semaphore_mem>>) src(%arg7 : memref<512x128xf32, #tpu.memory_space<vmem>>) dst(%dma_wait3A_361 : memref<512x128xf32, #tpu.memory_space<hbm>>)
      tpu.yield
    }) : () -> ()
    %dma_start3A_266 = arith.constant 12 : i32
    %dma_start3A_267 = arith.constant 0 : i32
    %dma_start3A_268 = arith.constant 0 : i32
    %dma_start3A_269 = tpu.memref_slice %arg7[%dma_start3A_267, %dma_start3A_268] : memref<512x128xf32, #tpu.memory_space<vmem>> -> memref<128x128xf32, #tpu.memory_space<vmem>>
    %dma_start3A_270 = arith.constant 0 : i32
    %dma_start3A_271 = tpu.memref_slice %arg6[%dma_start3A_266, %dma_start3A_270] : memref<16x128xi32, #tpu.memory_space<vmem>> -> memref<1x128xi32, #tpu.memory_space<vmem>>
    %dma_start3A_272 = tpu.memref_squeeze %dma_start3A_271 : memref<1x128xi32, #tpu.memory_space<vmem>> -> memref<128xi32, #tpu.memory_space<vmem>>
    %dma_start3A_273 = arith.constant 0 : i32
    %dma_start3A_274 = arith.constant 0 : i32
    %dma_start3A_275 = tpu.memref_slice %arg2[%dma_start3A_273, %dma_start3A_274] : memref<65536x128xf32, #tpu.memory_space<hbm>> -> memref<65536x128xf32, #tpu.memory_space<hbm>>
    tpu.enqueue_indirect_dma source(%dma_start3A_275 : memref<65536x128xf32, #tpu.memory_space<hbm>>) target(%dma_start3A_269 : memref<128x128xf32, #tpu.memory_space<vmem>>) offsets(%dma_start3A_272 : memref<128xi32, #tpu.memory_space<vmem>>) semaphore(%arg8 : memref<!tpu.dma_semaphore, #tpu.memory_space<semaphore_mem>>)
    %dma_start3A_276 = arith.constant 13 : i32
    %dma_start3A_277 = arith.constant 128 : i32
    %dma_start3A_278 = arith.constant 0 : i32
    %dma_start3A_279 = tpu.memref_slice %arg7[%dma_start3A_277, %dma_start3A_278] : memref<512x128xf32, #tpu.memory_space<vmem>> -> memref<128x128xf32, #tpu.memory_space<vmem>>
    %dma_start3A_280 = arith.constant 0 : i32
    %dma_start3A_281 = tpu.memref_slice %arg6[%dma_start3A_276, %dma_start3A_280] : memref<16x128xi32, #tpu.memory_space<vmem>> -> memref<1x128xi32, #tpu.memory_space<vmem>>
    %dma_start3A_282 = tpu.memref_squeeze %dma_start3A_281 : memref<1x128xi32, #tpu.memory_space<vmem>> -> memref<128xi32, #tpu.memory_space<vmem>>
    %dma_start3A_283 = arith.constant 0 : i32
    %dma_start3A_284 = arith.constant 0 : i32
    %dma_start3A_285 = tpu.memref_slice %arg2[%dma_start3A_283, %dma_start3A_284] : memref<65536x128xf32, #tpu.memory_space<hbm>> -> memref<65536x128xf32, #tpu.memory_space<hbm>>
    tpu.enqueue_indirect_dma source(%dma_start3A_285 : memref<65536x128xf32, #tpu.memory_space<hbm>>) target(%dma_start3A_279 : memref<128x128xf32, #tpu.memory_space<vmem>>) offsets(%dma_start3A_282 : memref<128xi32, #tpu.memory_space<vmem>>) semaphore(%arg8 : memref<!tpu.dma_semaphore, #tpu.memory_space<semaphore_mem>>)
    %dma_start3A_286 = arith.constant 14 : i32
    %dma_start3A_287 = arith.constant 256 : i32
    %dma_start3A_288 = arith.constant 0 : i32
    %dma_start3A_289 = tpu.memref_slice %arg7[%dma_start3A_287, %dma_start3A_288] : memref<512x128xf32, #tpu.memory_space<vmem>> -> memref<128x128xf32, #tpu.memory_space<vmem>>
    %dma_start3A_290 = arith.constant 0 : i32
    %dma_start3A_291 = tpu.memref_slice %arg6[%dma_start3A_286, %dma_start3A_290] : memref<16x128xi32, #tpu.memory_space<vmem>> -> memref<1x128xi32, #tpu.memory_space<vmem>>
    %dma_start3A_292 = tpu.memref_squeeze %dma_start3A_291 : memref<1x128xi32, #tpu.memory_space<vmem>> -> memref<128xi32, #tpu.memory_space<vmem>>
    %dma_start3A_293 = arith.constant 0 : i32
    %dma_start3A_294 = arith.constant 0 : i32
    %dma_start3A_295 = tpu.memref_slice %arg2[%dma_start3A_293, %dma_start3A_294] : memref<65536x128xf32, #tpu.memory_space<hbm>> -> memref<65536x128xf32, #tpu.memory_space<hbm>>
    tpu.enqueue_indirect_dma source(%dma_start3A_295 : memref<65536x128xf32, #tpu.memory_space<hbm>>) target(%dma_start3A_289 : memref<128x128xf32, #tpu.memory_space<vmem>>) offsets(%dma_start3A_292 : memref<128xi32, #tpu.memory_space<vmem>>) semaphore(%arg8 : memref<!tpu.dma_semaphore, #tpu.memory_space<semaphore_mem>>)
    %dma_start3A_296 = arith.constant 15 : i32
    %dma_start3A_297 = arith.constant 384 : i32
    %dma_start3A_298 = arith.constant 0 : i32
    %dma_start3A_299 = tpu.memref_slice %arg7[%dma_start3A_297, %dma_start3A_298] : memref<512x128xf32, #tpu.memory_space<vmem>> -> memref<128x128xf32, #tpu.memory_space<vmem>>
    %dma_start3A_300 = arith.constant 0 : i32
    %dma_start3A_301 = tpu.memref_slice %arg6[%dma_start3A_296, %dma_start3A_300] : memref<16x128xi32, #tpu.memory_space<vmem>> -> memref<1x128xi32, #tpu.memory_space<vmem>>
    %dma_start3A_302 = tpu.memref_squeeze %dma_start3A_301 : memref<1x128xi32, #tpu.memory_space<vmem>> -> memref<128xi32, #tpu.memory_space<vmem>>
    %dma_start3A_303 = arith.constant 0 : i32
    %dma_start3A_304 = arith.constant 0 : i32
    %dma_start3A_305 = tpu.memref_slice %arg2[%dma_start3A_303, %dma_start3A_304] : memref<65536x128xf32, #tpu.memory_space<hbm>> -> memref<65536x128xf32, #tpu.memory_space<hbm>>
    tpu.enqueue_indirect_dma source(%dma_start3A_305 : memref<65536x128xf32, #tpu.memory_space<hbm>>) target(%dma_start3A_299 : memref<128x128xf32, #tpu.memory_space<vmem>>) offsets(%dma_start3A_302 : memref<128xi32, #tpu.memory_space<vmem>>) semaphore(%arg8 : memref<!tpu.dma_semaphore, #tpu.memory_space<semaphore_mem>>)
    %dma_wait3A_306 = arith.constant 12 : i32
    %dma_wait3A_307 = arith.constant 0 : i32
    %dma_wait3A_308 = arith.constant 0 : i32
    %dma_wait3A_309 = tpu.memref_slice %arg7[%dma_wait3A_307, %dma_wait3A_308] : memref<512x128xf32, #tpu.memory_space<vmem>> -> memref<128x128xf32, #tpu.memory_space<vmem>>
    %dma_wait3A_310 = arith.constant 0 : i32
    %dma_wait3A_311 = tpu.memref_slice %arg6[%dma_wait3A_306, %dma_wait3A_310] : memref<16x128xi32, #tpu.memory_space<vmem>> -> memref<1x128xi32, #tpu.memory_space<vmem>>
    %dma_wait3A_312 = tpu.memref_squeeze %dma_wait3A_311 : memref<1x128xi32, #tpu.memory_space<vmem>> -> memref<128xi32, #tpu.memory_space<vmem>>
    %dma_wait3A_313 = arith.constant 0 : i32
    %dma_wait3A_314 = arith.constant 0 : i32
    %dma_wait3A_315 = tpu.memref_slice %arg2[%dma_wait3A_313, %dma_wait3A_314] : memref<65536x128xf32, #tpu.memory_space<hbm>> -> memref<65536x128xf32, #tpu.memory_space<hbm>>
    tpu.wait_indirect_dma semaphore(%arg8 : memref<!tpu.dma_semaphore, #tpu.memory_space<semaphore_mem>>) src(%dma_wait3A_315 : memref<65536x128xf32, #tpu.memory_space<hbm>>) dst(%dma_wait3A_309 : memref<128x128xf32, #tpu.memory_space<vmem>>)
    %dma_wait3A_316 = arith.constant 13 : i32
    %dma_wait3A_317 = arith.constant 128 : i32
    %dma_wait3A_318 = arith.constant 0 : i32
    %dma_wait3A_319 = tpu.memref_slice %arg7[%dma_wait3A_317, %dma_wait3A_318] : memref<512x128xf32, #tpu.memory_space<vmem>> -> memref<128x128xf32, #tpu.memory_space<vmem>>
    %dma_wait3A_320 = arith.constant 0 : i32
    %dma_wait3A_321 = tpu.memref_slice %arg6[%dma_wait3A_316, %dma_wait3A_320] : memref<16x128xi32, #tpu.memory_space<vmem>> -> memref<1x128xi32, #tpu.memory_space<vmem>>
    %dma_wait3A_322 = tpu.memref_squeeze %dma_wait3A_321 : memref<1x128xi32, #tpu.memory_space<vmem>> -> memref<128xi32, #tpu.memory_space<vmem>>
    %dma_wait3A_323 = arith.constant 0 : i32
    %dma_wait3A_324 = arith.constant 0 : i32
    %dma_wait3A_325 = tpu.memref_slice %arg2[%dma_wait3A_323, %dma_wait3A_324] : memref<65536x128xf32, #tpu.memory_space<hbm>> -> memref<65536x128xf32, #tpu.memory_space<hbm>>
    tpu.wait_indirect_dma semaphore(%arg8 : memref<!tpu.dma_semaphore, #tpu.memory_space<semaphore_mem>>) src(%dma_wait3A_325 : memref<65536x128xf32, #tpu.memory_space<hbm>>) dst(%dma_wait3A_319 : memref<128x128xf32, #tpu.memory_space<vmem>>)
    %dma_wait3A_326 = arith.constant 14 : i32
    %dma_wait3A_327 = arith.constant 256 : i32
    %dma_wait3A_328 = arith.constant 0 : i32
    %dma_wait3A_329 = tpu.memref_slice %arg7[%dma_wait3A_327, %dma_wait3A_328] : memref<512x128xf32, #tpu.memory_space<vmem>> -> memref<128x128xf32, #tpu.memory_space<vmem>>
    %dma_wait3A_330 = arith.constant 0 : i32
    %dma_wait3A_331 = tpu.memref_slice %arg6[%dma_wait3A_326, %dma_wait3A_330] : memref<16x128xi32, #tpu.memory_space<vmem>> -> memref<1x128xi32, #tpu.memory_space<vmem>>
    %dma_wait3A_332 = tpu.memref_squeeze %dma_wait3A_331 : memref<1x128xi32, #tpu.memory_space<vmem>> -> memref<128xi32, #tpu.memory_space<vmem>>
    %dma_wait3A_333 = arith.constant 0 : i32
    %dma_wait3A_334 = arith.constant 0 : i32
    %dma_wait3A_335 = tpu.memref_slice %arg2[%dma_wait3A_333, %dma_wait3A_334] : memref<65536x128xf32, #tpu.memory_space<hbm>> -> memref<65536x128xf32, #tpu.memory_space<hbm>>
    tpu.wait_indirect_dma semaphore(%arg8 : memref<!tpu.dma_semaphore, #tpu.memory_space<semaphore_mem>>) src(%dma_wait3A_335 : memref<65536x128xf32, #tpu.memory_space<hbm>>) dst(%dma_wait3A_329 : memref<128x128xf32, #tpu.memory_space<vmem>>)
    %dma_wait3A_336 = arith.constant 15 : i32
    %dma_wait3A_337 = arith.constant 384 : i32
    %dma_wait3A_338 = arith.constant 0 : i32
    %dma_wait3A_339 = tpu.memref_slice %arg7[%dma_wait3A_337, %dma_wait3A_338] : memref<512x128xf32, #tpu.memory_space<vmem>> -> memref<128x128xf32, #tpu.memory_space<vmem>>
    %dma_wait3A_340 = arith.constant 0 : i32
    %dma_wait3A_341 = tpu.memref_slice %arg6[%dma_wait3A_336, %dma_wait3A_340] : memref<16x128xi32, #tpu.memory_space<vmem>> -> memref<1x128xi32, #tpu.memory_space<vmem>>
    %dma_wait3A_342 = tpu.memref_squeeze %dma_wait3A_341 : memref<1x128xi32, #tpu.memory_space<vmem>> -> memref<128xi32, #tpu.memory_space<vmem>>
    %dma_wait3A_343 = arith.constant 0 : i32
    %dma_wait3A_344 = arith.constant 0 : i32
    %dma_wait3A_345 = tpu.memref_slice %arg2[%dma_wait3A_343, %dma_wait3A_344] : memref<65536x128xf32, #tpu.memory_space<hbm>> -> memref<65536x128xf32, #tpu.memory_space<hbm>>
    tpu.wait_indirect_dma semaphore(%arg8 : memref<!tpu.dma_semaphore, #tpu.memory_space<semaphore_mem>>) src(%dma_wait3A_345 : memref<65536x128xf32, #tpu.memory_space<hbm>>) dst(%dma_wait3A_339 : memref<128x128xf32, #tpu.memory_space<vmem>>)
    "tpu.region"() ({
      %run_scoped3A = tpu.sem_alloc : memref<!tpu.dma_semaphore, #tpu.memory_space<semaphore_mem>>
      %dma_start3A_346 = arith.constant 1536 : i32
      %dma_start3A_347 = arith.constant 0 : i32
      %dma_start3A_348 = tpu.memref_slice %arg4[%add3A_2, %dma_start3A_346, %dma_start3A_347] : memref<32x2048x128xf32, #tpu.memory_space<hbm>> -> memref<1x512x128xf32, #tpu.memory_space<hbm>>
      %dma_start3A_349 = tpu.memref_squeeze %dma_start3A_348 : memref<1x512x128xf32, #tpu.memory_space<hbm>> -> memref<512x128xf32, #tpu.memory_space<hbm>>
      %dma_start3A_350 = arith.constant 1536 : i32
      %dma_start3A_351 = arith.constant 0 : i32
      %dma_start3A_352 = tpu.memref_slice %arg4[%add3A_2, %dma_start3A_350, %dma_start3A_351] : memref<32x2048x128xf32, #tpu.memory_space<hbm>> -> memref<1x512x128xf32, #tpu.memory_space<hbm>>
      %dma_start3A_353 = tpu.memref_squeeze %dma_start3A_352 : memref<1x512x128xf32, #tpu.memory_space<hbm>> -> memref<512x128xf32, #tpu.memory_space<hbm>>
      tpu.enqueue_dma source(%arg7 : memref<512x128xf32, #tpu.memory_space<vmem>>) target(%dma_start3A_353 : memref<512x128xf32, #tpu.memory_space<hbm>>) target_semaphore(%run_scoped3A : memref<!tpu.dma_semaphore, #tpu.memory_space<semaphore_mem>>)
      %dma_wait3A_354 = arith.constant 1536 : i32
      %dma_wait3A_355 = arith.constant 0 : i32
      %dma_wait3A_356 = tpu.memref_slice %arg4[%add3A_2, %dma_wait3A_354, %dma_wait3A_355] : memref<32x2048x128xf32, #tpu.memory_space<hbm>> -> memref<1x512x128xf32, #tpu.memory_space<hbm>>
      %dma_wait3A_357 = tpu.memref_squeeze %dma_wait3A_356 : memref<1x512x128xf32, #tpu.memory_space<hbm>> -> memref<512x128xf32, #tpu.memory_space<hbm>>
      %dma_wait3A_358 = arith.constant 1536 : i32
      %dma_wait3A_359 = arith.constant 0 : i32
      %dma_wait3A_360 = tpu.memref_slice %arg4[%add3A_2, %dma_wait3A_358, %dma_wait3A_359] : memref<32x2048x128xf32, #tpu.memory_space<hbm>> -> memref<1x512x128xf32, #tpu.memory_space<hbm>>
      %dma_wait3A_361 = tpu.memref_squeeze %dma_wait3A_360 : memref<1x512x128xf32, #tpu.memory_space<hbm>> -> memref<512x128xf32, #tpu.memory_space<hbm>>
      tpu.wait_dma2 semaphore(%run_scoped3A : memref<!tpu.dma_semaphore, #tpu.memory_space<semaphore_mem>>) src(%arg7 : memref<512x128xf32, #tpu.memory_space<vmem>>) dst(%dma_wait3A_361 : memref<512x128xf32, #tpu.memory_space<hbm>>)
      tpu.yield
    }) : () -> ()
    return
  }
}

#map = affine_map<(d0, d1) -> (0, 0)>
#map1 = affine_map<(d0, d1) -> (0, 0, 0)>
module attributes {stable_mosaic.version = 14 : i64} {
  func.func @body(%arg0: i32, %arg1: i32, %arg2: memref<65536x128xf32, #tpu.memory_space<hbm>>, %arg3: memref<16x2x2048xi32, #tpu.memory_space<hbm>>, %arg4: memref<32x2048x128xf32, #tpu.memory_space<hbm>>, %arg5: memref<2048xi32, #tpu.memory_space<vmem>>, %arg6: memref<16x128xi32, #tpu.memory_space<vmem>>, %arg7: memref<512x128xf32, #tpu.memory_space<vmem>>, %arg8: memref<!tpu.dma_semaphore, #tpu.memory_space<semaphore_mem>>) attributes {dimension_semantics = [#tpu.dimension_semantics<core_parallel>, #tpu.dimension_semantics<subcore_parallel>], iteration_bounds = array<i64: 2, 16>, scalar_prefetch = 0 : i64, scratch_operands = 4 : i64, tpu.core_type = #tpu.core_type<sc_vector_subcore>, window_params = [{transform_indices = #map}, {transform_indices = #map1}, {transform_indices = #map1}]} {
    %mul3A = arith.constant 2 : i32
    %mul3A_0 = arith.muli %arg1, %mul3A : i32
    %add3A = arith.addi %mul3A_0, %arg0 : i32
    %add3A_1 = arith.constant 0 : i32
    %add3A_2 = arith.addi %add3A_1, %add3A : i32
    %jit3A = arith.constant 2 : i32
    %div3A = arith.divsi %add3A_2, %jit3A : i32
    %sign3A = arith.constant 0 : i32
    %sign3A_3 = arith.cmpi sgt, %add3A_2, %sign3A : i32
    %sign3A_4 = arith.extui %sign3A_3 : i1 to i32
    %sign3A_5 = arith.constant 0 : i32
    %sign3A_6 = arith.cmpi slt, %add3A_2, %sign3A_5 : i32
    %sign3A_7 = arith.extui %sign3A_6 : i1 to i32
    %sign3A_8 = arith.subi %sign3A_4, %sign3A_7 : i32
    %sign3A_9 = arith.constant 0 : i32
    %sign3A_10 = arith.cmpi sgt, %jit3A, %sign3A_9 : i32
    %sign3A_11 = arith.extui %sign3A_10 : i1 to i32
    %sign3A_12 = arith.constant 0 : i32
    %sign3A_13 = arith.cmpi slt, %jit3A, %sign3A_12 : i32
    %sign3A_14 = arith.extui %sign3A_13 : i1 to i32
    %sign3A_15 = arith.subi %sign3A_11, %sign3A_14 : i32
    %ne3A = arith.cmpi ne, %sign3A_8, %sign3A_15 : i32
    %rem3A = arith.remsi %add3A_2, %jit3A : i32
    %ne3A_16 = arith.constant 0 : i32
    %ne3A_17 = arith.cmpi ne, %rem3A, %ne3A_16 : i32
    %and3A = arith.andi %ne3A, %ne3A_17 : i1
    %sub3A = arith.constant 1 : i32
    %sub3A_18 = arith.subi %div3A, %sub3A : i32
    %select_n3A = arith.select %and3A, %sub3A_18, %div3A : i32
    %mul3A_19 = arith.constant 2 : i32
    %mul3A_20 = arith.muli %select_n3A, %mul3A_19 : i32
    %sub3A_21 = arith.subi %add3A_2, %mul3A_20 : i32
    %mul3A_22 = arith.constant 2048 : i32
    %mul3A_23 = arith.muli %add3A_2, %mul3A_22 : i32
    "tpu.region"() ({
      %run_scoped3A = tpu.sem_alloc : memref<!tpu.dma_semaphore, #tpu.memory_space<semaphore_mem>>
      %dma_start3A_346 = arith.constant 0 : i32
      %dma_start3A_347 = tpu.memref_slice %arg3[%select_n3A, %sub3A_21, %dma_start3A_346] : memref<16x2x2048xi32, #tpu.memory_space<hbm>> -> memref<1x1x2048xi32, #tpu.memory_space<hbm>>
      %dma_start3A_348 = tpu.memref_squeeze %dma_start3A_347 : memref<1x1x2048xi32, #tpu.memory_space<hbm>> -> memref<2048xi32, #tpu.memory_space<hbm>>
      %dma_start3A_349 = arith.constant 0 : i32
      %dma_start3A_350 = tpu.memref_slice %arg3[%select_n3A, %sub3A_21, %dma_start3A_349] : memref<16x2x2048xi32, #tpu.memory_space<hbm>> -> memref<1x1x2048xi32, #tpu.memory_space<hbm>>
      %dma_start3A_351 = tpu.memref_squeeze %dma_start3A_350 : memref<1x1x2048xi32, #tpu.memory_space<hbm>> -> memref<2048xi32, #tpu.memory_space<hbm>>
      tpu.enqueue_dma source(%dma_start3A_351 : memref<2048xi32, #tpu.memory_space<hbm>>) target(%arg5 : memref<2048xi32, #tpu.memory_space<vmem>>) target_semaphore(%run_scoped3A : memref<!tpu.dma_semaphore, #tpu.memory_space<semaphore_mem>>)
      %dma_wait3A_352 = arith.constant 0 : i32
      %dma_wait3A_353 = tpu.memref_slice %arg3[%select_n3A, %sub3A_21, %dma_wait3A_352] : memref<16x2x2048xi32, #tpu.memory_space<hbm>> -> memref<1x1x2048xi32, #tpu.memory_space<hbm>>
      %dma_wait3A_354 = tpu.memref_squeeze %dma_wait3A_353 : memref<1x1x2048xi32, #tpu.memory_space<hbm>> -> memref<2048xi32, #tpu.memory_space<hbm>>
      %dma_wait3A_355 = arith.constant 0 : i32
      %dma_wait3A_356 = tpu.memref_slice %arg3[%select_n3A, %sub3A_21, %dma_wait3A_355] : memref<16x2x2048xi32, #tpu.memory_space<hbm>> -> memref<1x1x2048xi32, #tpu.memory_space<hbm>>
      %dma_wait3A_357 = tpu.memref_squeeze %dma_wait3A_356 : memref<1x1x2048xi32, #tpu.memory_space<hbm>> -> memref<2048xi32, #tpu.memory_space<hbm>>
      tpu.wait_dma2 semaphore(%run_scoped3A : memref<!tpu.dma_semaphore, #tpu.memory_space<semaphore_mem>>) src(%dma_wait3A_357 : memref<2048xi32, #tpu.memory_space<hbm>>) dst(%arg5 : memref<2048xi32, #tpu.memory_space<vmem>>)
      tpu.yield
    }) : () -> ()
    %scan3A = arith.constant 0 : i32
    %scan3A_24 = arith.constant 128 : i32
    %scan3A_25 = arith.addi %scan3A, %scan3A_24 : i32
    %scan3A_26 = arith.constant 1 : i32
    scf.for %scan3A_346 = %scan3A to %scan3A_25 step %scan3A_26  : i32 {
      %mul3A_347 = arith.constant 16 : i32
      %mul3A_348 = arith.muli %scan3A_346, %mul3A_347 : i32
      %add3A_349 = arith.constant 0 : i32
      %add3A_350 = arith.addi %add3A_349, %mul3A_348 : i32
      %get3A = arith.index_cast %add3A_350 : i32 to index
      %get3A_351 = tpu.vector_load %arg5[%get3A] {strides = array<i32>} : memref<2048xi32, #tpu.memory_space<vmem>>, vector<16xi32>,
      %add3A_352 = vector.broadcast %mul3A_23 : i32 to vector<16xi32>
      %add3A_353 = arith.addi %get3A_351, %add3A_352 : vector<16xi32>
      %shift_right_arithmetic3A = arith.constant 7 : i32
      %shift_right_arithmetic3A_354 = arith.shrsi %add3A_350, %shift_right_arithmetic3A : i32
      %and3A_355 = arith.constant 127 : i32
      %and3A_356 = arith.andi %add3A_350, %and3A_355 : i32
      %swap3A = arith.index_cast %shift_right_arithmetic3A_354 : i32 to index
      %swap3A_357 = arith.index_cast %and3A_356 : i32 to index
      %swap3A_358 = tpu.vector_load %arg6[%swap3A, %swap3A_357] {strides = array<i32>} : memref<16x128xi32, #tpu.memory_space<vmem>>, vector<16xi32>,
      tpu.vector_store %arg6[%swap3A, %swap3A_357], %add3A_353 {strides = array<i32>} : memref<16x128xi32, #tpu.memory_space<vmem>>, vector<16xi32>,
    }
    %scan3A_27 = arith.constant 128 : i32
    %dma_start3A = arith.constant 0 : i32
    %dma_start3A_28 = arith.constant 0 : i32
    %dma_start3A_29 = arith.constant 0 : i32
    %dma_start3A_30 = tpu.memref_slice %arg7[%dma_start3A_28, %dma_start3A_29] : memref<512x128xf32, #tpu.memory_space<vmem>> -> memref<128x128xf32, #tpu.memory_space<vmem>>
    %dma_start3A_31 = arith.constant 0 : i32
    %dma_start3A_32 = tpu.memref_slice %arg6[%dma_start3A, %dma_start3A_31] : memref<16x128xi32, #tpu.memory_space<vmem>> -> memref<1x128xi32, #tpu.memory_space<vmem>>
    %dma_start3A_33 = tpu.memref_squeeze %dma_start3A_32 : memref<1x128xi32, #tpu.memory_space<vmem>> -> memref<128xi32, #tpu.memory_space<vmem>>
    %dma_start3A_34 = arith.constant 0 : i32
    %dma_start3A_35 = arith.constant 0 : i32
    %dma_start3A_36 = tpu.memref_slice %arg2[%dma_start3A_34, %dma_start3A_35] : memref<65536x128xf32, #tpu.memory_space<hbm>> -> memref<65536x128xf32, #tpu.memory_space<hbm>>
    tpu.enqueue_indirect_dma source(%dma_start3A_36 : memref<65536x128xf32, #tpu.memory_space<hbm>>) target(%dma_start3A_30 : memref<128x128xf32, #tpu.memory_space<vmem>>) offsets(%dma_start3A_33 : memref<128xi32, #tpu.memory_space<vmem>>) semaphore(%arg8 : memref<!tpu.dma_semaphore, #tpu.memory_space<semaphore_mem>>)
    %dma_start3A_37 = arith.constant 1 : i32
    %dma_start3A_38 = arith.constant 128 : i32
    %dma_start3A_39 = arith.constant 0 : i32
    %dma_start3A_40 = tpu.memref_slice %arg7[%dma_start3A_38, %dma_start3A_39] : memref<512x128xf32, #tpu.memory_space<vmem>> -> memref<128x128xf32, #tpu.memory_space<vmem>>
    %dma_start3A_41 = arith.constant 0 : i32
    %dma_start3A_42 = tpu.memref_slice %arg6[%dma_start3A_37, %dma_start3A_41] : memref<16x128xi32, #tpu.memory_space<vmem>> -> memref<1x128xi32, #tpu.memory_space<vmem>>
    %dma_start3A_43 = tpu.memref_squeeze %dma_start3A_42 : memref<1x128xi32, #tpu.memory_space<vmem>> -> memref<128xi32, #tpu.memory_space<vmem>>
    %dma_start3A_44 = arith.constant 0 : i32
    %dma_start3A_45 = arith.constant 0 : i32
    %dma_start3A_46 = tpu.memref_slice %arg2[%dma_start3A_44, %dma_start3A_45] : memref<65536x128xf32, #tpu.memory_space<hbm>> -> memref<65536x128xf32, #tpu.memory_space<hbm>>
    tpu.enqueue_indirect_dma source(%dma_start3A_46 : memref<65536x128xf32, #tpu.memory_space<hbm>>) target(%dma_start3A_40 : memref<128x128xf32, #tpu.memory_space<vmem>>) offsets(%dma_start3A_43 : memref<128xi32, #tpu.memory_space<vmem>>) semaphore(%arg8 : memref<!tpu.dma_semaphore, #tpu.memory_space<semaphore_mem>>)
    %dma_start3A_47 = arith.constant 2 : i32
    %dma_start3A_48 = arith.constant 256 : i32
    %dma_start3A_49 = arith.constant 0 : i32
    %dma_start3A_50 = tpu.memref_slice %arg7[%dma_start3A_48, %dma_start3A_49] : memref<512x128xf32, #tpu.memory_space<vmem>> -> memref<128x128xf32, #tpu.memory_space<vmem>>
    %dma_start3A_51 = arith.constant 0 : i32
    %dma_start3A_52 = tpu.memref_slice %arg6[%dma_start3A_47, %dma_start3A_51] : memref<16x128xi32, #tpu.memory_space<vmem>> -> memref<1x128xi32, #tpu.memory_space<vmem>>
    %dma_start3A_53 = tpu.memref_squeeze %dma_start3A_52 : memref<1x128xi32, #tpu.memory_space<vmem>> -> memref<128xi32, #tpu.memory_space<vmem>>
    %dma_start3A_54 = arith.constant 0 : i32
    %dma_start3A_55 = arith.constant 0 : i32
    %dma_start3A_56 = tpu.memref_slice %arg2[%dma_start3A_54, %dma_start3A_55] : memref<65536x128xf32, #tpu.memory_space<hbm>> -> memref<65536x128xf32, #tpu.memory_space<hbm>>
    tpu.enqueue_indirect_dma source(%dma_start3A_56 : memref<65536x128xf32, #tpu.memory_space<hbm>>) target(%dma_start3A_50 : memref<128x128xf32, #tpu.memory_space<vmem>>) offsets(%dma_start3A_53 : memref<128xi32, #tpu.memory_space<vmem>>) semaphore(%arg8 : memref<!tpu.dma_semaphore, #tpu.memory_space<semaphore_mem>>)
    %dma_start3A_57 = arith.constant 3 : i32
    %dma_start3A_58 = arith.constant 384 : i32
    %dma_start3A_59 = arith.constant 0 : i32
    %dma_start3A_60 = tpu.memref_slice %arg7[%dma_start3A_58, %dma_start3A_59] : memref<512x128xf32, #tpu.memory_space<vmem>> -> memref<128x128xf32, #tpu.memory_space<vmem>>
    %dma_start3A_61 = arith.constant 0 : i32
    %dma_start3A_62 = tpu.memref_slice %arg6[%dma_start3A_57, %dma_start3A_61] : memref<16x128xi32, #tpu.memory_space<vmem>> -> memref<1x128xi32, #tpu.memory_space<vmem>>
    %dma_start3A_63 = tpu.memref_squeeze %dma_start3A_62 : memref<1x128xi32, #tpu.memory_space<vmem>> -> memref<128xi32, #tpu.memory_space<vmem>>
    %dma_start3A_64 = arith.constant 0 : i32
    %dma_start3A_65 = arith.constant 0 : i32
    %dma_start3A_66 = tpu.memref_slice %arg2[%dma_start3A_64, %dma_start3A_65] : memref<65536x128xf32, #tpu.memory_space<hbm>> -> memref<65536x128xf32, #tpu.memory_space<hbm>>
    tpu.enqueue_indirect_dma source(%dma_start3A_66 : memref<65536x128xf32, #tpu.memory_space<hbm>>) target(%dma_start3A_60 : memref<128x128xf32, #tpu.memory_space<vmem>>) offsets(%dma_start3A_63 : memref<128xi32, #tpu.memory_space<vmem>>) semaphore(%arg8 : memref<!tpu.dma_semaphore, #tpu.memory_space<semaphore_mem>>)
    %dma_wait3A = arith.constant 0 : i32
    %dma_wait3A_67 = arith.constant 0 : i32
    %dma_wait3A_68 = arith.constant 0 : i32
    %dma_wait3A_69 = tpu.memref_slice %arg7[%dma_wait3A_67, %dma_wait3A_68] : memref<512x128xf32, #tpu.memory_space<vmem>> -> memref<128x128xf32, #tpu.memory_space<vmem>>
    %dma_wait3A_70 = arith.constant 0 : i32
    %dma_wait3A_71 = tpu.memref_slice %arg6[%dma_wait3A, %dma_wait3A_70] : memref<16x128xi32, #tpu.memory_space<vmem>> -> memref<1x128xi32, #tpu.memory_space<vmem>>
    %dma_wait3A_72 = tpu.memref_squeeze %dma_wait3A_71 : memref<1x128xi32, #tpu.memory_space<vmem>> -> memref<128xi32, #tpu.memory_space<vmem>>
    %dma_wait3A_73 = arith.constant 0 : i32
    %dma_wait3A_74 = arith.constant 0 : i32
    %dma_wait3A_75 = tpu.memref_slice %arg2[%dma_wait3A_73, %dma_wait3A_74] : memref<65536x128xf32, #tpu.memory_space<hbm>> -> memref<65536x128xf32, #tpu.memory_space<hbm>>
    tpu.wait_indirect_dma semaphore(%arg8 : memref<!tpu.dma_semaphore, #tpu.memory_space<semaphore_mem>>) src(%dma_wait3A_75 : memref<65536x128xf32, #tpu.memory_space<hbm>>) dst(%dma_wait3A_69 : memref<128x128xf32, #tpu.memory_space<vmem>>)
    %dma_wait3A_76 = arith.constant 1 : i32
    %dma_wait3A_77 = arith.constant 128 : i32
    %dma_wait3A_78 = arith.constant 0 : i32
    %dma_wait3A_79 = tpu.memref_slice %arg7[%dma_wait3A_77, %dma_wait3A_78] : memref<512x128xf32, #tpu.memory_space<vmem>> -> memref<128x128xf32, #tpu.memory_space<vmem>>
    %dma_wait3A_80 = arith.constant 0 : i32
    %dma_wait3A_81 = tpu.memref_slice %arg6[%dma_wait3A_76, %dma_wait3A_80] : memref<16x128xi32, #tpu.memory_space<vmem>> -> memref<1x128xi32, #tpu.memory_space<vmem>>
    %dma_wait3A_82 = tpu.memref_squeeze %dma_wait3A_81 : memref<1x128xi32, #tpu.memory_space<vmem>> -> memref<128xi32, #tpu.memory_space<vmem>>
    %dma_wait3A_83 = arith.constant 0 : i32
    %dma_wait3A_84 = arith.constant 0 : i32
    %dma_wait3A_85 = tpu.memref_slice %arg2[%dma_wait3A_83, %dma_wait3A_84] : memref<65536x128xf32, #tpu.memory_space<hbm>> -> memref<65536x128xf32, #tpu.memory_space<hbm>>
    tpu.wait_indirect_dma semaphore(%arg8 : memref<!tpu.dma_semaphore, #tpu.memory_space<semaphore_mem>>) src(%dma_wait3A_85 : memref<65536x128xf32, #tpu.memory_space<hbm>>) dst(%dma_wait3A_79 : memref<128x128xf32, #tpu.memory_space<vmem>>)
    %dma_wait3A_86 = arith.constant 2 : i32
    %dma_wait3A_87 = arith.constant 256 : i32
    %dma_wait3A_88 = arith.constant 0 : i32
    %dma_wait3A_89 = tpu.memref_slice %arg7[%dma_wait3A_87, %dma_wait3A_88] : memref<512x128xf32, #tpu.memory_space<vmem>> -> memref<128x128xf32, #tpu.memory_space<vmem>>
    %dma_wait3A_90 = arith.constant 0 : i32
    %dma_wait3A_91 = tpu.memref_slice %arg6[%dma_wait3A_86, %dma_wait3A_90] : memref<16x128xi32, #tpu.memory_space<vmem>> -> memref<1x128xi32, #tpu.memory_space<vmem>>
    %dma_wait3A_92 = tpu.memref_squeeze %dma_wait3A_91 : memref<1x128xi32, #tpu.memory_space<vmem>> -> memref<128xi32, #tpu.memory_space<vmem>>
    %dma_wait3A_93 = arith.constant 0 : i32
    %dma_wait3A_94 = arith.constant 0 : i32
    %dma_wait3A_95 = tpu.memref_slice %arg2[%dma_wait3A_93, %dma_wait3A_94] : memref<65536x128xf32, #tpu.memory_space<hbm>> -> memref<65536x128xf32, #tpu.memory_space<hbm>>
    tpu.wait_indirect_dma semaphore(%arg8 : memref<!tpu.dma_semaphore, #tpu.memory_space<semaphore_mem>>) src(%dma_wait3A_95 : memref<65536x128xf32, #tpu.memory_space<hbm>>) dst(%dma_wait3A_89 : memref<128x128xf32, #tpu.memory_space<vmem>>)
    %dma_wait3A_96 = arith.constant 3 : i32
    %dma_wait3A_97 = arith.constant 384 : i32
    %dma_wait3A_98 = arith.constant 0 : i32
    %dma_wait3A_99 = tpu.memref_slice %arg7[%dma_wait3A_97, %dma_wait3A_98] : memref<512x128xf32, #tpu.memory_space<vmem>> -> memref<128x128xf32, #tpu.memory_space<vmem>>
    %dma_wait3A_100 = arith.constant 0 : i32
    %dma_wait3A_101 = tpu.memref_slice %arg6[%dma_wait3A_96, %dma_wait3A_100] : memref<16x128xi32, #tpu.memory_space<vmem>> -> memref<1x128xi32, #tpu.memory_space<vmem>>
    %dma_wait3A_102 = tpu.memref_squeeze %dma_wait3A_101 : memref<1x128xi32, #tpu.memory_space<vmem>> -> memref<128xi32, #tpu.memory_space<vmem>>
    %dma_wait3A_103 = arith.constant 0 : i32
    %dma_wait3A_104 = arith.constant 0 : i32
    %dma_wait3A_105 = tpu.memref_slice %arg2[%dma_wait3A_103, %dma_wait3A_104] : memref<65536x128xf32, #tpu.memory_space<hbm>> -> memref<65536x128xf32, #tpu.memory_space<hbm>>
    tpu.wait_indirect_dma semaphore(%arg8 : memref<!tpu.dma_semaphore, #tpu.memory_space<semaphore_mem>>) src(%dma_wait3A_105 : memref<65536x128xf32, #tpu.memory_space<hbm>>) dst(%dma_wait3A_99 : memref<128x128xf32, #tpu.memory_space<vmem>>)
    "tpu.region"() ({
      %run_scoped3A = tpu.sem_alloc : memref<!tpu.dma_semaphore, #tpu.memory_space<semaphore_mem>>
      %dma_start3A_346 = arith.constant 0 : i32
      %dma_start3A_347 = arith.constant 0 : i32
      %dma_start3A_348 = tpu.memref_slice %arg4[%add3A_2, %dma_start3A_346, %dma_start3A_347] : memref<32x2048x128xf32, #tpu.memory_space<hbm>> -> memref<1x512x128xf32, #tpu.memory_space<hbm>>
      %dma_start3A_349 = tpu.memref_squeeze %dma_start3A_348 : memref<1x512x128xf32, #tpu.memory_space<hbm>> -> memref<512x128xf32, #tpu.memory_space<hbm>>
      %dma_start3A_350 = arith.constant 0 : i32
      %dma_start3A_351 = arith.constant 0 : i32
      %dma_start3A_352 = tpu.memref_slice %arg4[%add3A_2, %dma_start3A_350, %dma_start3A_351] : memref<32x2048x128xf32, #tpu.memory_space<hbm>> -> memref<1x512x128xf32, #tpu.memory_space<hbm>>
      %dma_start3A_353 = tpu.memref_squeeze %dma_start3A_352 : memref<1x512x128xf32, #tpu.memory_space<hbm>> -> memref<512x128xf32, #tpu.memory_space<hbm>>
      tpu.enqueue_dma source(%arg7 : memref<512x128xf32, #tpu.memory_space<vmem>>) target(%dma_start3A_353 : memref<512x128xf32, #tpu.memory_space<hbm>>) target_semaphore(%run_scoped3A : memref<!tpu.dma_semaphore, #tpu.memory_space<semaphore_mem>>)
      %dma_wait3A_354 = arith.constant 0 : i32
      %dma_wait3A_355 = arith.constant 0 : i32
      %dma_wait3A_356 = tpu.memref_slice %arg4[%add3A_2, %dma_wait3A_354, %dma_wait3A_355] : memref<32x2048x128xf32, #tpu.memory_space<hbm>> -> memref<1x512x128xf32, #tpu.memory_space<hbm>>
      %dma_wait3A_357 = tpu.memref_squeeze %dma_wait3A_356 : memref<1x512x128xf32, #tpu.memory_space<hbm>> -> memref<512x128xf32, #tpu.memory_space<hbm>>
      %dma_wait3A_358 = arith.constant 0 : i32
      %dma_wait3A_359 = arith.constant 0 : i32
      %dma_wait3A_360 = tpu.memref_slice %arg4[%add3A_2, %dma_wait3A_358, %dma_wait3A_359] : memref<32x2048x128xf32, #tpu.memory_space<hbm>> -> memref<1x512x128xf32, #tpu.memory_space<hbm>>
      %dma_wait3A_361 = tpu.memref_squeeze %dma_wait3A_360 : memref<1x512x128xf32, #tpu.memory_space<hbm>> -> memref<512x128xf32, #tpu.memory_space<hbm>>
      tpu.wait_dma2 semaphore(%run_scoped3A : memref<!tpu.dma_semaphore, #tpu.memory_space<semaphore_mem>>) src(%arg7 : memref<512x128xf32, #tpu.memory_space<vmem>>) dst(%dma_wait3A_361 : memref<512x128xf32, #tpu.memory_space<hbm>>)
      tpu.yield
    }) : () -> ()
    %dma_start3A_106 = arith.constant 4 : i32
    %dma_start3A_107 = arith.constant 0 : i32
    %dma_start3A_108 = arith.constant 0 : i32
    %dma_start3A_109 = tpu.memref_slice %arg7[%dma_start3A_107, %dma_start3A_108] : memref<512x128xf32, #tpu.memory_space<vmem>> -> memref<128x128xf32, #tpu.memory_space<vmem>>
    %dma_start3A_110 = arith.constant 0 : i32
    %dma_start3A_111 = tpu.memref_slice %arg6[%dma_start3A_106, %dma_start3A_110] : memref<16x128xi32, #tpu.memory_space<vmem>> -> memref<1x128xi32, #tpu.memory_space<vmem>>
    %dma_start3A_112 = tpu.memref_squeeze %dma_start3A_111 : memref<1x128xi32, #tpu.memory_space<vmem>> -> memref<128xi32, #tpu.memory_space<vmem>>
    %dma_start3A_113 = arith.constant 0 : i32
    %dma_start3A_114 = arith.constant 0 : i32
    %dma_start3A_115 = tpu.memref_slice %arg2[%dma_start3A_113, %dma_start3A_114] : memref<65536x128xf32, #tpu.memory_space<hbm>> -> memref<65536x128xf32, #tpu.memory_space<hbm>>
    tpu.enqueue_indirect_dma source(%dma_start3A_115 : memref<65536x128xf32, #tpu.memory_space<hbm>>) target(%dma_start3A_109 : memref<128x128xf32, #tpu.memory_space<vmem>>) offsets(%dma_start3A_112 : memref<128xi32, #tpu.memory_space<vmem>>) semaphore(%arg8 : memref<!tpu.dma_semaphore, #tpu.memory_space<semaphore_mem>>)
    %dma_start3A_116 = arith.constant 5 : i32
    %dma_start3A_117 = arith.constant 128 : i32
    %dma_start3A_118 = arith.constant 0 : i32
    %dma_start3A_119 = tpu.memref_slice %arg7[%dma_start3A_117, %dma_start3A_118] : memref<512x128xf32, #tpu.memory_space<vmem>> -> memref<128x128xf32, #tpu.memory_space<vmem>>
    %dma_start3A_120 = arith.constant 0 : i32
    %dma_start3A_121 = tpu.memref_slice %arg6[%dma_start3A_116, %dma_start3A_120] : memref<16x128xi32, #tpu.memory_space<vmem>> -> memref<1x128xi32, #tpu.memory_space<vmem>>
    %dma_start3A_122 = tpu.memref_squeeze %dma_start3A_121 : memref<1x128xi32, #tpu.memory_space<vmem>> -> memref<128xi32, #tpu.memory_space<vmem>>
    %dma_start3A_123 = arith.constant 0 : i32
    %dma_start3A_124 = arith.constant 0 : i32
    %dma_start3A_125 = tpu.memref_slice %arg2[%dma_start3A_123, %dma_start3A_124] : memref<65536x128xf32, #tpu.memory_space<hbm>> -> memref<65536x128xf32, #tpu.memory_space<hbm>>
    tpu.enqueue_indirect_dma source(%dma_start3A_125 : memref<65536x128xf32, #tpu.memory_space<hbm>>) target(%dma_start3A_119 : memref<128x128xf32, #tpu.memory_space<vmem>>) offsets(%dma_start3A_122 : memref<128xi32, #tpu.memory_space<vmem>>) semaphore(%arg8 : memref<!tpu.dma_semaphore, #tpu.memory_space<semaphore_mem>>)
    %dma_start3A_126 = arith.constant 6 : i32
    %dma_start3A_127 = arith.constant 256 : i32
    %dma_start3A_128 = arith.constant 0 : i32
    %dma_start3A_129 = tpu.memref_slice %arg7[%dma_start3A_127, %dma_start3A_128] : memref<512x128xf32, #tpu.memory_space<vmem>> -> memref<128x128xf32, #tpu.memory_space<vmem>>
    %dma_start3A_130 = arith.constant 0 : i32
    %dma_start3A_131 = tpu.memref_slice %arg6[%dma_start3A_126, %dma_start3A_130] : memref<16x128xi32, #tpu.memory_space<vmem>> -> memref<1x128xi32, #tpu.memory_space<vmem>>
    %dma_start3A_132 = tpu.memref_squeeze %dma_start3A_131 : memref<1x128xi32, #tpu.memory_space<vmem>> -> memref<128xi32, #tpu.memory_space<vmem>>
    %dma_start3A_133 = arith.constant 0 : i32
    %dma_start3A_134 = arith.constant 0 : i32
    %dma_start3A_135 = tpu.memref_slice %arg2[%dma_start3A_133, %dma_start3A_134] : memref<65536x128xf32, #tpu.memory_space<hbm>> -> memref<65536x128xf32, #tpu.memory_space<hbm>>
    tpu.enqueue_indirect_dma source(%dma_start3A_135 : memref<65536x128xf32, #tpu.memory_space<hbm>>) target(%dma_start3A_129 : memref<128x128xf32, #tpu.memory_space<vmem>>) offsets(%dma_start3A_132 : memref<128xi32, #tpu.memory_space<vmem>>) semaphore(%arg8 : memref<!tpu.dma_semaphore, #tpu.memory_space<semaphore_mem>>)
    %dma_start3A_136 = arith.constant 7 : i32
    %dma_start3A_137 = arith.constant 384 : i32
    %dma_start3A_138 = arith.constant 0 : i32
    %dma_start3A_139 = tpu.memref_slice %arg7[%dma_start3A_137, %dma_start3A_138] : memref<512x128xf32, #tpu.memory_space<vmem>> -> memref<128x128xf32, #tpu.memory_space<vmem>>
    %dma_start3A_140 = arith.constant 0 : i32
    %dma_start3A_141 = tpu.memref_slice %arg6[%dma_start3A_136, %dma_start3A_140] : memref<16x128xi32, #tpu.memory_space<vmem>> -> memref<1x128xi32, #tpu.memory_space<vmem>>
    %dma_start3A_142 = tpu.memref_squeeze %dma_start3A_141 : memref<1x128xi32, #tpu.memory_space<vmem>> -> memref<128xi32, #tpu.memory_space<vmem>>
    %dma_start3A_143 = arith.constant 0 : i32
    %dma_start3A_144 = arith.constant 0 : i32
    %dma_start3A_145 = tpu.memref_slice %arg2[%dma_start3A_143, %dma_start3A_144] : memref<65536x128xf32, #tpu.memory_space<hbm>> -> memref<65536x128xf32, #tpu.memory_space<hbm>>
    tpu.enqueue_indirect_dma source(%dma_start3A_145 : memref<65536x128xf32, #tpu.memory_space<hbm>>) target(%dma_start3A_139 : memref<128x128xf32, #tpu.memory_space<vmem>>) offsets(%dma_start3A_142 : memref<128xi32, #tpu.memory_space<vmem>>) semaphore(%arg8 : memref<!tpu.dma_semaphore, #tpu.memory_space<semaphore_mem>>)
    %dma_wait3A_146 = arith.constant 4 : i32
    %dma_wait3A_147 = arith.constant 0 : i32
    %dma_wait3A_148 = arith.constant 0 : i32
    %dma_wait3A_149 = tpu.memref_slice %arg7[%dma_wait3A_147, %dma_wait3A_148] : memref<512x128xf32, #tpu.memory_space<vmem>> -> memref<128x128xf32, #tpu.memory_space<vmem>>
    %dma_wait3A_150 = arith.constant 0 : i32
    %dma_wait3A_151 = tpu.memref_slice %arg6[%dma_wait3A_146, %dma_wait3A_150] : memref<16x128xi32, #tpu.memory_space<vmem>> -> memref<1x128xi32, #tpu.memory_space<vmem>>
    %dma_wait3A_152 = tpu.memref_squeeze %dma_wait3A_151 : memref<1x128xi32, #tpu.memory_space<vmem>> -> memref<128xi32, #tpu.memory_space<vmem>>
    %dma_wait3A_153 = arith.constant 0 : i32
    %dma_wait3A_154 = arith.constant 0 : i32
    %dma_wait3A_155 = tpu.memref_slice %arg2[%dma_wait3A_153, %dma_wait3A_154] : memref<65536x128xf32, #tpu.memory_space<hbm>> -> memref<65536x128xf32, #tpu.memory_space<hbm>>
    tpu.wait_indirect_dma semaphore(%arg8 : memref<!tpu.dma_semaphore, #tpu.memory_space<semaphore_mem>>) src(%dma_wait3A_155 : memref<65536x128xf32, #tpu.memory_space<hbm>>) dst(%dma_wait3A_149 : memref<128x128xf32, #tpu.memory_space<vmem>>)
    %dma_wait3A_156 = arith.constant 5 : i32
    %dma_wait3A_157 = arith.constant 128 : i32
    %dma_wait3A_158 = arith.constant 0 : i32
    %dma_wait3A_159 = tpu.memref_slice %arg7[%dma_wait3A_157, %dma_wait3A_158] : memref<512x128xf32, #tpu.memory_space<vmem>> -> memref<128x128xf32, #tpu.memory_space<vmem>>
    %dma_wait3A_160 = arith.constant 0 : i32
    %dma_wait3A_161 = tpu.memref_slice %arg6[%dma_wait3A_156, %dma_wait3A_160] : memref<16x128xi32, #tpu.memory_space<vmem>> -> memref<1x128xi32, #tpu.memory_space<vmem>>
    %dma_wait3A_162 = tpu.memref_squeeze %dma_wait3A_161 : memref<1x128xi32, #tpu.memory_space<vmem>> -> memref<128xi32, #tpu.memory_space<vmem>>
    %dma_wait3A_163 = arith.constant 0 : i32
    %dma_wait3A_164 = arith.constant 0 : i32
    %dma_wait3A_165 = tpu.memref_slice %arg2[%dma_wait3A_163, %dma_wait3A_164] : memref<65536x128xf32, #tpu.memory_space<hbm>> -> memref<65536x128xf32, #tpu.memory_space<hbm>>
    tpu.wait_indirect_dma semaphore(%arg8 : memref<!tpu.dma_semaphore, #tpu.memory_space<semaphore_mem>>) src(%dma_wait3A_165 : memref<65536x128xf32, #tpu.memory_space<hbm>>) dst(%dma_wait3A_159 : memref<128x128xf32, #tpu.memory_space<vmem>>)
    %dma_wait3A_166 = arith.constant 6 : i32
    %dma_wait3A_167 = arith.constant 256 : i32
    %dma_wait3A_168 = arith.constant 0 : i32
    %dma_wait3A_169 = tpu.memref_slice %arg7[%dma_wait3A_167, %dma_wait3A_168] : memref<512x128xf32, #tpu.memory_space<vmem>> -> memref<128x128xf32, #tpu.memory_space<vmem>>
    %dma_wait3A_170 = arith.constant 0 : i32
    %dma_wait3A_171 = tpu.memref_slice %arg6[%dma_wait3A_166, %dma_wait3A_170] : memref<16x128xi32, #tpu.memory_space<vmem>> -> memref<1x128xi32, #tpu.memory_space<vmem>>
    %dma_wait3A_172 = tpu.memref_squeeze %dma_wait3A_171 : memref<1x128xi32, #tpu.memory_space<vmem>> -> memref<128xi32, #tpu.memory_space<vmem>>
    %dma_wait3A_173 = arith.constant 0 : i32
    %dma_wait3A_174 = arith.constant 0 : i32
    %dma_wait3A_175 = tpu.memref_slice %arg2[%dma_wait3A_173, %dma_wait3A_174] : memref<65536x128xf32, #tpu.memory_space<hbm>> -> memref<65536x128xf32, #tpu.memory_space<hbm>>
    tpu.wait_indirect_dma semaphore(%arg8 : memref<!tpu.dma_semaphore, #tpu.memory_space<semaphore_mem>>) src(%dma_wait3A_175 : memref<65536x128xf32, #tpu.memory_space<hbm>>) dst(%dma_wait3A_169 : memref<128x128xf32, #tpu.memory_space<vmem>>)
    %dma_wait3A_176 = arith.constant 7 : i32
    %dma_wait3A_177 = arith.constant 384 : i32
    %dma_wait3A_178 = arith.constant 0 : i32
    %dma_wait3A_179 = tpu.memref_slice %arg7[%dma_wait3A_177, %dma_wait3A_178] : memref<512x128xf32, #tpu.memory_space<vmem>> -> memref<128x128xf32, #tpu.memory_space<vmem>>
    %dma_wait3A_180 = arith.constant 0 : i32
    %dma_wait3A_181 = tpu.memref_slice %arg6[%dma_wait3A_176, %dma_wait3A_180] : memref<16x128xi32, #tpu.memory_space<vmem>> -> memref<1x128xi32, #tpu.memory_space<vmem>>
    %dma_wait3A_182 = tpu.memref_squeeze %dma_wait3A_181 : memref<1x128xi32, #tpu.memory_space<vmem>> -> memref<128xi32, #tpu.memory_space<vmem>>
    %dma_wait3A_183 = arith.constant 0 : i32
    %dma_wait3A_184 = arith.constant 0 : i32
    %dma_wait3A_185 = tpu.memref_slice %arg2[%dma_wait3A_183, %dma_wait3A_184] : memref<65536x128xf32, #tpu.memory_space<hbm>> -> memref<65536x128xf32, #tpu.memory_space<hbm>>
    tpu.wait_indirect_dma semaphore(%arg8 : memref<!tpu.dma_semaphore, #tpu.memory_space<semaphore_mem>>) src(%dma_wait3A_185 : memref<65536x128xf32, #tpu.memory_space<hbm>>) dst(%dma_wait3A_179 : memref<128x128xf32, #tpu.memory_space<vmem>>)
    "tpu.region"() ({
      %run_scoped3A = tpu.sem_alloc : memref<!tpu.dma_semaphore, #tpu.memory_space<semaphore_mem>>
      %dma_start3A_346 = arith.constant 512 : i32
      %dma_start3A_347 = arith.constant 0 : i32
      %dma_start3A_348 = tpu.memref_slice %arg4[%add3A_2, %dma_start3A_346, %dma_start3A_347] : memref<32x2048x128xf32, #tpu.memory_space<hbm>> -> memref<1x512x128xf32, #tpu.memory_space<hbm>>
      %dma_start3A_349 = tpu.memref_squeeze %dma_start3A_348 : memref<1x512x128xf32, #tpu.memory_space<hbm>> -> memref<512x128xf32, #tpu.memory_space<hbm>>
      %dma_start3A_350 = arith.constant 512 : i32
      %dma_start3A_351 = arith.constant 0 : i32
      %dma_start3A_352 = tpu.memref_slice %arg4[%add3A_2, %dma_start3A_350, %dma_start3A_351] : memref<32x2048x128xf32, #tpu.memory_space<hbm>> -> memref<1x512x128xf32, #tpu.memory_space<hbm>>
      %dma_start3A_353 = tpu.memref_squeeze %dma_start3A_352 : memref<1x512x128xf32, #tpu.memory_space<hbm>> -> memref<512x128xf32, #tpu.memory_space<hbm>>
      tpu.enqueue_dma source(%arg7 : memref<512x128xf32, #tpu.memory_space<vmem>>) target(%dma_start3A_353 : memref<512x128xf32, #tpu.memory_space<hbm>>) target_semaphore(%run_scoped3A : memref<!tpu.dma_semaphore, #tpu.memory_space<semaphore_mem>>)
      %dma_wait3A_354 = arith.constant 512 : i32
      %dma_wait3A_355 = arith.constant 0 : i32
      %dma_wait3A_356 = tpu.memref_slice %arg4[%add3A_2, %dma_wait3A_354, %dma_wait3A_355] : memref<32x2048x128xf32, #tpu.memory_space<hbm>> -> memref<1x512x128xf32, #tpu.memory_space<hbm>>
      %dma_wait3A_357 = tpu.memref_squeeze %dma_wait3A_356 : memref<1x512x128xf32, #tpu.memory_space<hbm>> -> memref<512x128xf32, #tpu.memory_space<hbm>>
      %dma_wait3A_358 = arith.constant 512 : i32
      %dma_wait3A_359 = arith.constant 0 : i32
      %dma_wait3A_360 = tpu.memref_slice %arg4[%add3A_2, %dma_wait3A_358, %dma_wait3A_359] : memref<32x2048x128xf32, #tpu.memory_space<hbm>> -> memref<1x512x128xf32, #tpu.memory_space<hbm>>
      %dma_wait3A_361 = tpu.memref_squeeze %dma_wait3A_360 : memref<1x512x128xf32, #tpu.memory_space<hbm>> -> memref<512x128xf32, #tpu.memory_space<hbm>>
      tpu.wait_dma2 semaphore(%run_scoped3A : memref<!tpu.dma_semaphore, #tpu.memory_space<semaphore_mem>>) src(%arg7 : memref<512x128xf32, #tpu.memory_space<vmem>>) dst(%dma_wait3A_361 : memref<512x128xf32, #tpu.memory_space<hbm>>)
      tpu.yield
    }) : () -> ()
    %dma_start3A_186 = arith.constant 8 : i32
    %dma_start3A_187 = arith.constant 0 : i32
    %dma_start3A_188 = arith.constant 0 : i32
    %dma_start3A_189 = tpu.memref_slice %arg7[%dma_start3A_187, %dma_start3A_188] : memref<512x128xf32, #tpu.memory_space<vmem>> -> memref<128x128xf32, #tpu.memory_space<vmem>>
    %dma_start3A_190 = arith.constant 0 : i32
    %dma_start3A_191 = tpu.memref_slice %arg6[%dma_start3A_186, %dma_start3A_190] : memref<16x128xi32, #tpu.memory_space<vmem>> -> memref<1x128xi32, #tpu.memory_space<vmem>>
    %dma_start3A_192 = tpu.memref_squeeze %dma_start3A_191 : memref<1x128xi32, #tpu.memory_space<vmem>> -> memref<128xi32, #tpu.memory_space<vmem>>
    %dma_start3A_193 = arith.constant 0 : i32
    %dma_start3A_194 = arith.constant 0 : i32
    %dma_start3A_195 = tpu.memref_slice %arg2[%dma_start3A_193, %dma_start3A_194] : memref<65536x128xf32, #tpu.memory_space<hbm>> -> memref<65536x128xf32, #tpu.memory_space<hbm>>
    tpu.enqueue_indirect_dma source(%dma_start3A_195 : memref<65536x128xf32, #tpu.memory_space<hbm>>) target(%dma_start3A_189 : memref<128x128xf32, #tpu.memory_space<vmem>>) offsets(%dma_start3A_192 : memref<128xi32, #tpu.memory_space<vmem>>) semaphore(%arg8 : memref<!tpu.dma_semaphore, #tpu.memory_space<semaphore_mem>>)
    %dma_start3A_196 = arith.constant 9 : i32
    %dma_start3A_197 = arith.constant 128 : i32
    %dma_start3A_198 = arith.constant 0 : i32
    %dma_start3A_199 = tpu.memref_slice %arg7[%dma_start3A_197, %dma_start3A_198] : memref<512x128xf32, #tpu.memory_space<vmem>> -> memref<128x128xf32, #tpu.memory_space<vmem>>
    %dma_start3A_200 = arith.constant 0 : i32
    %dma_start3A_201 = tpu.memref_slice %arg6[%dma_start3A_196, %dma_start3A_200] : memref<16x128xi32, #tpu.memory_space<vmem>> -> memref<1x128xi32, #tpu.memory_space<vmem>>
    %dma_start3A_202 = tpu.memref_squeeze %dma_start3A_201 : memref<1x128xi32, #tpu.memory_space<vmem>> -> memref<128xi32, #tpu.memory_space<vmem>>
    %dma_start3A_203 = arith.constant 0 : i32
    %dma_start3A_204 = arith.constant 0 : i32
    %dma_start3A_205 = tpu.memref_slice %arg2[%dma_start3A_203, %dma_start3A_204] : memref<65536x128xf32, #tpu.memory_space<hbm>> -> memref<65536x128xf32, #tpu.memory_space<hbm>>
    tpu.enqueue_indirect_dma source(%dma_start3A_205 : memref<65536x128xf32, #tpu.memory_space<hbm>>) target(%dma_start3A_199 : memref<128x128xf32, #tpu.memory_space<vmem>>) offsets(%dma_start3A_202 : memref<128xi32, #tpu.memory_space<vmem>>) semaphore(%arg8 : memref<!tpu.dma_semaphore, #tpu.memory_space<semaphore_mem>>)
    %dma_start3A_206 = arith.constant 10 : i32
    %dma_start3A_207 = arith.constant 256 : i32
    %dma_start3A_208 = arith.constant 0 : i32
    %dma_start3A_209 = tpu.memref_slice %arg7[%dma_start3A_207, %dma_start3A_208] : memref<512x128xf32, #tpu.memory_space<vmem>> -> memref<128x128xf32, #tpu.memory_space<vmem>>
    %dma_start3A_210 = arith.constant 0 : i32
    %dma_start3A_211 = tpu.memref_slice %arg6[%dma_start3A_206, %dma_start3A_210] : memref<16x128xi32, #tpu.memory_space<vmem>> -> memref<1x128xi32, #tpu.memory_space<vmem>>
    %dma_start3A_212 = tpu.memref_squeeze %dma_start3A_211 : memref<1x128xi32, #tpu.memory_space<vmem>> -> memref<128xi32, #tpu.memory_space<vmem>>
    %dma_start3A_213 = arith.constant 0 : i32
    %dma_start3A_214 = arith.constant 0 : i32
    %dma_start3A_215 = tpu.memref_slice %arg2[%dma_start3A_213, %dma_start3A_214] : memref<65536x128xf32, #tpu.memory_space<hbm>> -> memref<65536x128xf32, #tpu.memory_space<hbm>>
    tpu.enqueue_indirect_dma source(%dma_start3A_215 : memref<65536x128xf32, #tpu.memory_space<hbm>>) target(%dma_start3A_209 : memref<128x128xf32, #tpu.memory_space<vmem>>) offsets(%dma_start3A_212 : memref<128xi32, #tpu.memory_space<vmem>>) semaphore(%arg8 : memref<!tpu.dma_semaphore, #tpu.memory_space<semaphore_mem>>)
    %dma_start3A_216 = arith.constant 11 : i32
    %dma_start3A_217 = arith.constant 384 : i32
    %dma_start3A_218 = arith.constant 0 : i32
    %dma_start3A_219 = tpu.memref_slice %arg7[%dma_start3A_217, %dma_start3A_218] : memref<512x128xf32, #tpu.memory_space<vmem>> -> memref<128x128xf32, #tpu.memory_space<vmem>>
    %dma_start3A_220 = arith.constant 0 : i32
    %dma_start3A_221 = tpu.memref_slice %arg6[%dma_start3A_216, %dma_start3A_220] : memref<16x128xi32, #tpu.memory_space<vmem>> -> memref<1x128xi32, #tpu.memory_space<vmem>>
    %dma_start3A_222 = tpu.memref_squeeze %dma_start3A_221 : memref<1x128xi32, #tpu.memory_space<vmem>> -> memref<128xi32, #tpu.memory_space<vmem>>
    %dma_start3A_223 = arith.constant 0 : i32
    %dma_start3A_224 = arith.constant 0 : i32
    %dma_start3A_225 = tpu.memref_slice %arg2[%dma_start3A_223, %dma_start3A_224] : memref<65536x128xf32, #tpu.memory_space<hbm>> -> memref<65536x128xf32, #tpu.memory_space<hbm>>
    tpu.enqueue_indirect_dma source(%dma_start3A_225 : memref<65536x128xf32, #tpu.memory_space<hbm>>) target(%dma_start3A_219 : memref<128x128xf32, #tpu.memory_space<vmem>>) offsets(%dma_start3A_222 : memref<128xi32, #tpu.memory_space<vmem>>) semaphore(%arg8 : memref<!tpu.dma_semaphore, #tpu.memory_space<semaphore_mem>>)
    %dma_wait3A_226 = arith.constant 8 : i32
    %dma_wait3A_227 = arith.constant 0 : i32
    %dma_wait3A_228 = arith.constant 0 : i32
    %dma_wait3A_229 = tpu.memref_slice %arg7[%dma_wait3A_227, %dma_wait3A_228] : memref<512x128xf32, #tpu.memory_space<vmem>> -> memref<128x128xf32, #tpu.memory_space<vmem>>
    %dma_wait3A_230 = arith.constant 0 : i32
    %dma_wait3A_231 = tpu.memref_slice %arg6[%dma_wait3A_226, %dma_wait3A_230] : memref<16x128xi32, #tpu.memory_space<vmem>> -> memref<1x128xi32, #tpu.memory_space<vmem>>
    %dma_wait3A_232 = tpu.memref_squeeze %dma_wait3A_231 : memref<1x128xi32, #tpu.memory_space<vmem>> -> memref<128xi32, #tpu.memory_space<vmem>>
    %dma_wait3A_233 = arith.constant 0 : i32
    %dma_wait3A_234 = arith.constant 0 : i32
    %dma_wait3A_235 = tpu.memref_slice %arg2[%dma_wait3A_233, %dma_wait3A_234] : memref<65536x128xf32, #tpu.memory_space<hbm>> -> memref<65536x128xf32, #tpu.memory_space<hbm>>
    tpu.wait_indirect_dma semaphore(%arg8 : memref<!tpu.dma_semaphore, #tpu.memory_space<semaphore_mem>>) src(%dma_wait3A_235 : memref<65536x128xf32, #tpu.memory_space<hbm>>) dst(%dma_wait3A_229 : memref<128x128xf32, #tpu.memory_space<vmem>>)
    %dma_wait3A_236 = arith.constant 9 : i32
    %dma_wait3A_237 = arith.constant 128 : i32
    %dma_wait3A_238 = arith.constant 0 : i32
    %dma_wait3A_239 = tpu.memref_slice %arg7[%dma_wait3A_237, %dma_wait3A_238] : memref<512x128xf32, #tpu.memory_space<vmem>> -> memref<128x128xf32, #tpu.memory_space<vmem>>
    %dma_wait3A_240 = arith.constant 0 : i32
    %dma_wait3A_241 = tpu.memref_slice %arg6[%dma_wait3A_236, %dma_wait3A_240] : memref<16x128xi32, #tpu.memory_space<vmem>> -> memref<1x128xi32, #tpu.memory_space<vmem>>
    %dma_wait3A_242 = tpu.memref_squeeze %dma_wait3A_241 : memref<1x128xi32, #tpu.memory_space<vmem>> -> memref<128xi32, #tpu.memory_space<vmem>>
    %dma_wait3A_243 = arith.constant 0 : i32
    %dma_wait3A_244 = arith.constant 0 : i32
    %dma_wait3A_245 = tpu.memref_slice %arg2[%dma_wait3A_243, %dma_wait3A_244] : memref<65536x128xf32, #tpu.memory_space<hbm>> -> memref<65536x128xf32, #tpu.memory_space<hbm>>
    tpu.wait_indirect_dma semaphore(%arg8 : memref<!tpu.dma_semaphore, #tpu.memory_space<semaphore_mem>>) src(%dma_wait3A_245 : memref<65536x128xf32, #tpu.memory_space<hbm>>) dst(%dma_wait3A_239 : memref<128x128xf32, #tpu.memory_space<vmem>>)
    %dma_wait3A_246 = arith.constant 10 : i32
    %dma_wait3A_247 = arith.constant 256 : i32
    %dma_wait3A_248 = arith.constant 0 : i32
    %dma_wait3A_249 = tpu.memref_slice %arg7[%dma_wait3A_247, %dma_wait3A_248] : memref<512x128xf32, #tpu.memory_space<vmem>> -> memref<128x128xf32, #tpu.memory_space<vmem>>
    %dma_wait3A_250 = arith.constant 0 : i32
    %dma_wait3A_251 = tpu.memref_slice %arg6[%dma_wait3A_246, %dma_wait3A_250] : memref<16x128xi32, #tpu.memory_space<vmem>> -> memref<1x128xi32, #tpu.memory_space<vmem>>
    %dma_wait3A_252 = tpu.memref_squeeze %dma_wait3A_251 : memref<1x128xi32, #tpu.memory_space<vmem>> -> memref<128xi32, #tpu.memory_space<vmem>>
    %dma_wait3A_253 = arith.constant 0 : i32
    %dma_wait3A_254 = arith.constant 0 : i32
    %dma_wait3A_255 = tpu.memref_slice %arg2[%dma_wait3A_253, %dma_wait3A_254] : memref<65536x128xf32, #tpu.memory_space<hbm>> -> memref<65536x128xf32, #tpu.memory_space<hbm>>
    tpu.wait_indirect_dma semaphore(%arg8 : memref<!tpu.dma_semaphore, #tpu.memory_space<semaphore_mem>>) src(%dma_wait3A_255 : memref<65536x128xf32, #tpu.memory_space<hbm>>) dst(%dma_wait3A_249 : memref<128x128xf32, #tpu.memory_space<vmem>>)
    %dma_wait3A_256 = arith.constant 11 : i32
    %dma_wait3A_257 = arith.constant 384 : i32
    %dma_wait3A_258 = arith.constant 0 : i32
    %dma_wait3A_259 = tpu.memref_slice %arg7[%dma_wait3A_257, %dma_wait3A_258] : memref<512x128xf32, #tpu.memory_space<vmem>> -> memref<128x128xf32, #tpu.memory_space<vmem>>
    %dma_wait3A_260 = arith.constant 0 : i32
    %dma_wait3A_261 = tpu.memref_slice %arg6[%dma_wait3A_256, %dma_wait3A_260] : memref<16x128xi32, #tpu.memory_space<vmem>> -> memref<1x128xi32, #tpu.memory_space<vmem>>
    %dma_wait3A_262 = tpu.memref_squeeze %dma_wait3A_261 : memref<1x128xi32, #tpu.memory_space<vmem>> -> memref<128xi32, #tpu.memory_space<vmem>>
    %dma_wait3A_263 = arith.constant 0 : i32
    %dma_wait3A_264 = arith.constant 0 : i32
    %dma_wait3A_265 = tpu.memref_slice %arg2[%dma_wait3A_263, %dma_wait3A_264] : memref<65536x128xf32, #tpu.memory_space<hbm>> -> memref<65536x128xf32, #tpu.memory_space<hbm>>
    tpu.wait_indirect_dma semaphore(%arg8 : memref<!tpu.dma_semaphore, #tpu.memory_space<semaphore_mem>>) src(%dma_wait3A_265 : memref<65536x128xf32, #tpu.memory_space<hbm>>) dst(%dma_wait3A_259 : memref<128x128xf32, #tpu.memory_space<vmem>>)
    "tpu.region"() ({
      %run_scoped3A = tpu.sem_alloc : memref<!tpu.dma_semaphore, #tpu.memory_space<semaphore_mem>>
      %dma_start3A_346 = arith.constant 1024 : i32
      %dma_start3A_347 = arith.constant 0 : i32
      %dma_start3A_348 = tpu.memref_slice %arg4[%add3A_2, %dma_start3A_346, %dma_start3A_347] : memref<32x2048x128xf32, #tpu.memory_space<hbm>> -> memref<1x512x128xf32, #tpu.memory_space<hbm>>
      %dma_start3A_349 = tpu.memref_squeeze %dma_start3A_348 : memref<1x512x128xf32, #tpu.memory_space<hbm>> -> memref<512x128xf32, #tpu.memory_space<hbm>>
      %dma_start3A_350 = arith.constant 1024 : i32
      %dma_start3A_351 = arith.constant 0 : i32
      %dma_start3A_352 = tpu.memref_slice %arg4[%add3A_2, %dma_start3A_350, %dma_start3A_351] : memref<32x2048x128xf32, #tpu.memory_space<hbm>> -> memref<1x512x128xf32, #tpu.memory_space<hbm>>
      %dma_start3A_353 = tpu.memref_squeeze %dma_start3A_352 : memref<1x512x128xf32, #tpu.memory_space<hbm>> -> memref<512x128xf32, #tpu.memory_space<hbm>>
      tpu.enqueue_dma source(%arg7 : memref<512x128xf32, #tpu.memory_space<vmem>>) target(%dma_start3A_353 : memref<512x128xf32, #tpu.memory_space<hbm>>) target_semaphore(%run_scoped3A : memref<!tpu.dma_semaphore, #tpu.memory_space<semaphore_mem>>)
      %dma_wait3A_354 = arith.constant 1024 : i32
      %dma_wait3A_355 = arith.constant 0 : i32
      %dma_wait3A_356 = tpu.memref_slice %arg4[%add3A_2, %dma_wait3A_354, %dma_wait3A_355] : memref<32x2048x128xf32, #tpu.memory_space<hbm>> -> memref<1x512x128xf32, #tpu.memory_space<hbm>>
      %dma_wait3A_357 = tpu.memref_squeeze %dma_wait3A_356 : memref<1x512x128xf32, #tpu.memory_space<hbm>> -> memref<512x128xf32, #tpu.memory_space<hbm>>
      %dma_wait3A_358 = arith.constant 1024 : i32
      %dma_wait3A_359 = arith.constant 0 : i32
      %dma_wait3A_360 = tpu.memref_slice %arg4[%add3A_2, %dma_wait3A_358, %dma_wait3A_359] : memref<32x2048x128xf32, #tpu.memory_space<hbm>> -> memref<1x512x128xf32, #tpu.memory_space<hbm>>
      %dma_wait3A_361 = tpu.memref_squeeze %dma_wait3A_360 : memref<1x512x128xf32, #tpu.memory_space<hbm>> -> memref<512x128xf32, #tpu.memory_space<hbm>>
      tpu.wait_dma2 semaphore(%run_scoped3A : memref<!tpu.dma_semaphore, #tpu.memory_space<semaphore_mem>>) src(%arg7 : memref<512x128xf32, #tpu.memory_space<vmem>>) dst(%dma_wait3A_361 : memref<512x128xf32, #tpu.memory_space<hbm>>)
      tpu.yield
    }) : () -> ()
    %dma_start3A_266 = arith.constant 12 : i32
    %dma_start3A_267 = arith.constant 0 : i32
    %dma_start3A_268 = arith.constant 0 : i32
    %dma_start3A_269 = tpu.memref_slice %arg7[%dma_start3A_267, %dma_start3A_268] : memref<512x128xf32, #tpu.memory_space<vmem>> -> memref<128x128xf32, #tpu.memory_space<vmem>>
    %dma_start3A_270 = arith.constant 0 : i32
    %dma_start3A_271 = tpu.memref_slice %arg6[%dma_start3A_266, %dma_start3A_270] : memref<16x128xi32, #tpu.memory_space<vmem>> -> memref<1x128xi32, #tpu.memory_space<vmem>>
    %dma_start3A_272 = tpu.memref_squeeze %dma_start3A_271 : memref<1x128xi32, #tpu.memory_space<vmem>> -> memref<128xi32, #tpu.memory_space<vmem>>
    %dma_start3A_273 = arith.constant 0 : i32
    %dma_start3A_274 = arith.constant 0 : i32
    %dma_start3A_275 = tpu.memref_slice %arg2[%dma_start3A_273, %dma_start3A_274] : memref<65536x128xf32, #tpu.memory_space<hbm>> -> memref<65536x128xf32, #tpu.memory_space<hbm>>
    tpu.enqueue_indirect_dma source(%dma_start3A_275 : memref<65536x128xf32, #tpu.memory_space<hbm>>) target(%dma_start3A_269 : memref<128x128xf32, #tpu.memory_space<vmem>>) offsets(%dma_start3A_272 : memref<128xi32, #tpu.memory_space<vmem>>) semaphore(%arg8 : memref<!tpu.dma_semaphore, #tpu.memory_space<semaphore_mem>>)
    %dma_start3A_276 = arith.constant 13 : i32
    %dma_start3A_277 = arith.constant 128 : i32
    %dma_start3A_278 = arith.constant 0 : i32
    %dma_start3A_279 = tpu.memref_slice %arg7[%dma_start3A_277, %dma_start3A_278] : memref<512x128xf32, #tpu.memory_space<vmem>> -> memref<128x128xf32, #tpu.memory_space<vmem>>
    %dma_start3A_280 = arith.constant 0 : i32
    %dma_start3A_281 = tpu.memref_slice %arg6[%dma_start3A_276, %dma_start3A_280] : memref<16x128xi32, #tpu.memory_space<vmem>> -> memref<1x128xi32, #tpu.memory_space<vmem>>
    %dma_start3A_282 = tpu.memref_squeeze %dma_start3A_281 : memref<1x128xi32, #tpu.memory_space<vmem>> -> memref<128xi32, #tpu.memory_space<vmem>>
    %dma_start3A_283 = arith.constant 0 : i32
    %dma_start3A_284 = arith.constant 0 : i32
    %dma_start3A_285 = tpu.memref_slice %arg2[%dma_start3A_283, %dma_start3A_284] : memref<65536x128xf32, #tpu.memory_space<hbm>> -> memref<65536x128xf32, #tpu.memory_space<hbm>>
    tpu.enqueue_indirect_dma source(%dma_start3A_285 : memref<65536x128xf32, #tpu.memory_space<hbm>>) target(%dma_start3A_279 : memref<128x128xf32, #tpu.memory_space<vmem>>) offsets(%dma_start3A_282 : memref<128xi32, #tpu.memory_space<vmem>>) semaphore(%arg8 : memref<!tpu.dma_semaphore, #tpu.memory_space<semaphore_mem>>)
    %dma_start3A_286 = arith.constant 14 : i32
    %dma_start3A_287 = arith.constant 256 : i32
    %dma_start3A_288 = arith.constant 0 : i32
    %dma_start3A_289 = tpu.memref_slice %arg7[%dma_start3A_287, %dma_start3A_288] : memref<512x128xf32, #tpu.memory_space<vmem>> -> memref<128x128xf32, #tpu.memory_space<vmem>>
    %dma_start3A_290 = arith.constant 0 : i32
    %dma_start3A_291 = tpu.memref_slice %arg6[%dma_start3A_286, %dma_start3A_290] : memref<16x128xi32, #tpu.memory_space<vmem>> -> memref<1x128xi32, #tpu.memory_space<vmem>>
    %dma_start3A_292 = tpu.memref_squeeze %dma_start3A_291 : memref<1x128xi32, #tpu.memory_space<vmem>> -> memref<128xi32, #tpu.memory_space<vmem>>
    %dma_start3A_293 = arith.constant 0 : i32
    %dma_start3A_294 = arith.constant 0 : i32
    %dma_start3A_295 = tpu.memref_slice %arg2[%dma_start3A_293, %dma_start3A_294] : memref<65536x128xf32, #tpu.memory_space<hbm>> -> memref<65536x128xf32, #tpu.memory_space<hbm>>
    tpu.enqueue_indirect_dma source(%dma_start3A_295 : memref<65536x128xf32, #tpu.memory_space<hbm>>) target(%dma_start3A_289 : memref<128x128xf32, #tpu.memory_space<vmem>>) offsets(%dma_start3A_292 : memref<128xi32, #tpu.memory_space<vmem>>) semaphore(%arg8 : memref<!tpu.dma_semaphore, #tpu.memory_space<semaphore_mem>>)
    %dma_start3A_296 = arith.constant 15 : i32
    %dma_start3A_297 = arith.constant 384 : i32
    %dma_start3A_298 = arith.constant 0 : i32
    %dma_start3A_299 = tpu.memref_slice %arg7[%dma_start3A_297, %dma_start3A_298] : memref<512x128xf32, #tpu.memory_space<vmem>> -> memref<128x128xf32, #tpu.memory_space<vmem>>
    %dma_start3A_300 = arith.constant 0 : i32
    %dma_start3A_301 = tpu.memref_slice %arg6[%dma_start3A_296, %dma_start3A_300] : memref<16x128xi32, #tpu.memory_space<vmem>> -> memref<1x128xi32, #tpu.memory_space<vmem>>
    %dma_start3A_302 = tpu.memref_squeeze %dma_start3A_301 : memref<1x128xi32, #tpu.memory_space<vmem>> -> memref<128xi32, #tpu.memory_space<vmem>>
    %dma_start3A_303 = arith.constant 0 : i32
    %dma_start3A_304 = arith.constant 0 : i32
    %dma_start3A_305 = tpu.memref_slice %arg2[%dma_start3A_303, %dma_start3A_304] : memref<65536x128xf32, #tpu.memory_space<hbm>> -> memref<65536x128xf32, #tpu.memory_space<hbm>>
    tpu.enqueue_indirect_dma source(%dma_start3A_305 : memref<65536x128xf32, #tpu.memory_space<hbm>>) target(%dma_start3A_299 : memref<128x128xf32, #tpu.memory_space<vmem>>) offsets(%dma_start3A_302 : memref<128xi32, #tpu.memory_space<vmem>>) semaphore(%arg8 : memref<!tpu.dma_semaphore, #tpu.memory_space<semaphore_mem>>)
    %dma_wait3A_306 = arith.constant 12 : i32
    %dma_wait3A_307 = arith.constant 0 : i32
    %dma_wait3A_308 = arith.constant 0 : i32
    %dma_wait3A_309 = tpu.memref_slice %arg7[%dma_wait3A_307, %dma_wait3A_308] : memref<512x128xf32, #tpu.memory_space<vmem>> -> memref<128x128xf32, #tpu.memory_space<vmem>>
    %dma_wait3A_310 = arith.constant 0 : i32
    %dma_wait3A_311 = tpu.memref_slice %arg6[%dma_wait3A_306, %dma_wait3A_310] : memref<16x128xi32, #tpu.memory_space<vmem>> -> memref<1x128xi32, #tpu.memory_space<vmem>>
    %dma_wait3A_312 = tpu.memref_squeeze %dma_wait3A_311 : memref<1x128xi32, #tpu.memory_space<vmem>> -> memref<128xi32, #tpu.memory_space<vmem>>
    %dma_wait3A_313 = arith.constant 0 : i32
    %dma_wait3A_314 = arith.constant 0 : i32
    %dma_wait3A_315 = tpu.memref_slice %arg2[%dma_wait3A_313, %dma_wait3A_314] : memref<65536x128xf32, #tpu.memory_space<hbm>> -> memref<65536x128xf32, #tpu.memory_space<hbm>>
    tpu.wait_indirect_dma semaphore(%arg8 : memref<!tpu.dma_semaphore, #tpu.memory_space<semaphore_mem>>) src(%dma_wait3A_315 : memref<65536x128xf32, #tpu.memory_space<hbm>>) dst(%dma_wait3A_309 : memref<128x128xf32, #tpu.memory_space<vmem>>)
    %dma_wait3A_316 = arith.constant 13 : i32
    %dma_wait3A_317 = arith.constant 128 : i32
    %dma_wait3A_318 = arith.constant 0 : i32
    %dma_wait3A_319 = tpu.memref_slice %arg7[%dma_wait3A_317, %dma_wait3A_318] : memref<512x128xf32, #tpu.memory_space<vmem>> -> memref<128x128xf32, #tpu.memory_space<vmem>>
    %dma_wait3A_320 = arith.constant 0 : i32
    %dma_wait3A_321 = tpu.memref_slice %arg6[%dma_wait3A_316, %dma_wait3A_320] : memref<16x128xi32, #tpu.memory_space<vmem>> -> memref<1x128xi32, #tpu.memory_space<vmem>>
    %dma_wait3A_322 = tpu.memref_squeeze %dma_wait3A_321 : memref<1x128xi32, #tpu.memory_space<vmem>> -> memref<128xi32, #tpu.memory_space<vmem>>
    %dma_wait3A_323 = arith.constant 0 : i32
    %dma_wait3A_324 = arith.constant 0 : i32
    %dma_wait3A_325 = tpu.memref_slice %arg2[%dma_wait3A_323, %dma_wait3A_324] : memref<65536x128xf32, #tpu.memory_space<hbm>> -> memref<65536x128xf32, #tpu.memory_space<hbm>>
    tpu.wait_indirect_dma semaphore(%arg8 : memref<!tpu.dma_semaphore, #tpu.memory_space<semaphore_mem>>) src(%dma_wait3A_325 : memref<65536x128xf32, #tpu.memory_space<hbm>>) dst(%dma_wait3A_319 : memref<128x128xf32, #tpu.memory_space<vmem>>)
    %dma_wait3A_326 = arith.constant 14 : i32
    %dma_wait3A_327 = arith.constant 256 : i32
    %dma_wait3A_328 = arith.constant 0 : i32
    %dma_wait3A_329 = tpu.memref_slice %arg7[%dma_wait3A_327, %dma_wait3A_328] : memref<512x128xf32, #tpu.memory_space<vmem>> -> memref<128x128xf32, #tpu.memory_space<vmem>>
    %dma_wait3A_330 = arith.constant 0 : i32
    %dma_wait3A_331 = tpu.memref_slice %arg6[%dma_wait3A_326, %dma_wait3A_330] : memref<16x128xi32, #tpu.memory_space<vmem>> -> memref<1x128xi32, #tpu.memory_space<vmem>>
    %dma_wait3A_332 = tpu.memref_squeeze %dma_wait3A_331 : memref<1x128xi32, #tpu.memory_space<vmem>> -> memref<128xi32, #tpu.memory_space<vmem>>
    %dma_wait3A_333 = arith.constant 0 : i32
    %dma_wait3A_334 = arith.constant 0 : i32
    %dma_wait3A_335 = tpu.memref_slice %arg2[%dma_wait3A_333, %dma_wait3A_334] : memref<65536x128xf32, #tpu.memory_space<hbm>> -> memref<65536x128xf32, #tpu.memory_space<hbm>>
    tpu.wait_indirect_dma semaphore(%arg8 : memref<!tpu.dma_semaphore, #tpu.memory_space<semaphore_mem>>) src(%dma_wait3A_335 : memref<65536x128xf32, #tpu.memory_space<hbm>>) dst(%dma_wait3A_329 : memref<128x128xf32, #tpu.memory_space<vmem>>)
    %dma_wait3A_336 = arith.constant 15 : i32
    %dma_wait3A_337 = arith.constant 384 : i32
    %dma_wait3A_338 = arith.constant 0 : i32
    %dma_wait3A_339 = tpu.memref_slice %arg7[%dma_wait3A_337, %dma_wait3A_338] : memref<512x128xf32, #tpu.memory_space<vmem>> -> memref<128x128xf32, #tpu.memory_space<vmem>>
    %dma_wait3A_340 = arith.constant 0 : i32
    %dma_wait3A_341 = tpu.memref_slice %arg6[%dma_wait3A_336, %dma_wait3A_340] : memref<16x128xi32, #tpu.memory_space<vmem>> -> memref<1x128xi32, #tpu.memory_space<vmem>>
    %dma_wait3A_342 = tpu.memref_squeeze %dma_wait3A_341 : memref<1x128xi32, #tpu.memory_space<vmem>> -> memref<128xi32, #tpu.memory_space<vmem>>
    %dma_wait3A_343 = arith.constant 0 : i32
    %dma_wait3A_344 = arith.constant 0 : i32
    %dma_wait3A_345 = tpu.memref_slice %arg2[%dma_wait3A_343, %dma_wait3A_344] : memref<65536x128xf32, #tpu.memory_space<hbm>> -> memref<65536x128xf32, #tpu.memory_space<hbm>>
    tpu.wait_indirect_dma semaphore(%arg8 : memref<!tpu.dma_semaphore, #tpu.memory_space<semaphore_mem>>) src(%dma_wait3A_345 : memref<65536x128xf32, #tpu.memory_space<hbm>>) dst(%dma_wait3A_339 : memref<128x128xf32, #tpu.memory_space<vmem>>)
    "tpu.region"() ({
      %run_scoped3A = tpu.sem_alloc : memref<!tpu.dma_semaphore, #tpu.memory_space<semaphore_mem>>
      %dma_start3A_346 = arith.constant 1536 : i32
      %dma_start3A_347 = arith.constant 0 : i32
      %dma_start3A_348 = tpu.memref_slice %arg4[%add3A_2, %dma_start3A_346, %dma_start3A_347] : memref<32x2048x128xf32, #tpu.memory_space<hbm>> -> memref<1x512x128xf32, #tpu.memory_space<hbm>>
      %dma_start3A_349 = tpu.memref_squeeze %dma_start3A_348 : memref<1x512x128xf32, #tpu.memory_space<hbm>> -> memref<512x128xf32, #tpu.memory_space<hbm>>
      %dma_start3A_350 = arith.constant 1536 : i32
      %dma_start3A_351 = arith.constant 0 : i32
      %dma_start3A_352 = tpu.memref_slice %arg4[%add3A_2, %dma_start3A_350, %dma_start3A_351] : memref<32x2048x128xf32, #tpu.memory_space<hbm>> -> memref<1x512x128xf32, #tpu.memory_space<hbm>>
      %dma_start3A_353 = tpu.memref_squeeze %dma_start3A_352 : memref<1x512x128xf32, #tpu.memory_space<hbm>> -> memref<512x128xf32, #tpu.memory_space<hbm>>
      tpu.enqueue_dma source(%arg7 : memref<512x128xf32, #tpu.memory_space<vmem>>) target(%dma_start3A_353 : memref<512x128xf32, #tpu.memory_space<hbm>>) target_semaphore(%run_scoped3A : memref<!tpu.dma_semaphore, #tpu.memory_space<semaphore_mem>>)
      %dma_wait3A_354 = arith.constant 1536 : i32
      %dma_wait3A_355 = arith.constant 0 : i32
      %dma_wait3A_356 = tpu.memref_slice %arg4[%add3A_2, %dma_wait3A_354, %dma_wait3A_355] : memref<32x2048x128xf32, #tpu.memory_space<hbm>> -> memref<1x512x128xf32, #tpu.memory_space<hbm>>
      %dma_wait3A_357 = tpu.memref_squeeze %dma_wait3A_356 : memref<1x512x128xf32, #tpu.memory_space<hbm>> -> memref<512x128xf32, #tpu.memory_space<hbm>>
      %dma_wait3A_358 = arith.constant 1536 : i32
      %dma_wait3A_359 = arith.constant 0 : i32
      %dma_wait3A_360 = tpu.memref_slice %arg4[%add3A_2, %dma_wait3A_358, %dma_wait3A_359] : memref<32x2048x128xf32, #tpu.memory_space<hbm>> -> memref<1x512x128xf32, #tpu.memory_space<hbm>>
      %dma_wait3A_361 = tpu.memref_squeeze %dma_wait3A_360 : memref<1x512x128xf32, #tpu.memory_space<hbm>> -> memref<512x128xf32, #tpu.memory_space<hbm>>
      tpu.wait_dma2 semaphore(%run_scoped3A : memref<!tpu.dma_semaphore, #tpu.memory_space<semaphore_mem>>) src(%arg7 : memref<512x128xf32, #tpu.memory_space<vmem>>) dst(%dma_wait3A_361 : memref<512x128xf32, #tpu.memory_space<hbm>>)
      tpu.yield
    }) : () -> ()
    return
  }
}

#map = affine_map<(d0, d1) -> (0, 0)>
#map1 = affine_map<(d0, d1) -> (0, 0, 0)>
module attributes {stable_mosaic.version = 14 : i64} {
  func.func @body(%arg0: i32, %arg1: i32, %arg2: memref<32768x128xf32, #tpu.memory_space<hbm>>, %arg3: memref<16x2x2048xi32, #tpu.memory_space<hbm>>, %arg4: memref<32x2048x128xf32, #tpu.memory_space<hbm>>, %arg5: memref<32x2048xi32, #tpu.memory_space<hbm>>, %arg6: memref<2048xi32, #tpu.memory_space<vmem>>, %arg7: memref<2048xi32, #tpu.memory_space<vmem>>, %arg8: memref<16x128xi32, #tpu.memory_space<vmem>>, %arg9: memref<512x128xf32, #tpu.memory_space<vmem>>, %arg10: memref<!tpu.dma_semaphore, #tpu.memory_space<semaphore_mem>>) attributes {dimension_semantics = [#tpu.dimension_semantics<core_parallel>, #tpu.dimension_semantics<subcore_parallel>], iteration_bounds = array<i64: 2, 16>, scalar_prefetch = 0 : i64, scratch_operands = 5 : i64, tpu.core_type = #tpu.core_type<sc_vector_subcore>, window_params = [{transform_indices = #map}, {transform_indices = #map1}, {transform_indices = #map1}, {transform_indices = #map}]} {
    %mul3A = arith.constant 2 : i32
    %mul3A_0 = arith.muli %arg1, %mul3A : i32
    %add3A = arith.addi %mul3A_0, %arg0 : i32
    %add3A_1 = arith.constant 0 : i32
    %add3A_2 = arith.addi %add3A_1, %add3A : i32
    %jit3A = arith.constant 2 : i32
    %div3A = arith.divsi %add3A_2, %jit3A : i32
    %sign3A = arith.constant 0 : i32
    %sign3A_3 = arith.cmpi sgt, %add3A_2, %sign3A : i32
    %sign3A_4 = arith.extui %sign3A_3 : i1 to i32
    %sign3A_5 = arith.constant 0 : i32
    %sign3A_6 = arith.cmpi slt, %add3A_2, %sign3A_5 : i32
    %sign3A_7 = arith.extui %sign3A_6 : i1 to i32
    %sign3A_8 = arith.subi %sign3A_4, %sign3A_7 : i32
    %sign3A_9 = arith.constant 0 : i32
    %sign3A_10 = arith.cmpi sgt, %jit3A, %sign3A_9 : i32
    %sign3A_11 = arith.extui %sign3A_10 : i1 to i32
    %sign3A_12 = arith.constant 0 : i32
    %sign3A_13 = arith.cmpi slt, %jit3A, %sign3A_12 : i32
    %sign3A_14 = arith.extui %sign3A_13 : i1 to i32
    %sign3A_15 = arith.subi %sign3A_11, %sign3A_14 : i32
    %ne3A = arith.cmpi ne, %sign3A_8, %sign3A_15 : i32
    %rem3A = arith.remsi %add3A_2, %jit3A : i32
    %ne3A_16 = arith.constant 0 : i32
    %ne3A_17 = arith.cmpi ne, %rem3A, %ne3A_16 : i32
    %and3A = arith.andi %ne3A, %ne3A_17 : i1
    %sub3A = arith.constant 1 : i32
    %sub3A_18 = arith.subi %div3A, %sub3A : i32
    %select_n3A = arith.select %and3A, %sub3A_18, %div3A : i32
    %mul3A_19 = arith.constant 2 : i32
    %mul3A_20 = arith.muli %select_n3A, %mul3A_19 : i32
    %sub3A_21 = arith.subi %add3A_2, %mul3A_20 : i32
    %mul3A_22 = arith.constant 2048 : i32
    %mul3A_23 = arith.muli %select_n3A, %mul3A_22 : i32
    "tpu.region"() ({
      %run_scoped3A = tpu.sem_alloc : memref<!tpu.dma_semaphore, #tpu.memory_space<semaphore_mem>>
      %dma_start3A_346 = arith.constant 0 : i32
      %dma_start3A_347 = tpu.memref_slice %arg3[%select_n3A, %sub3A_21, %dma_start3A_346] : memref<16x2x2048xi32, #tpu.memory_space<hbm>> -> memref<1x1x2048xi32, #tpu.memory_space<hbm>>
      %dma_start3A_348 = tpu.memref_squeeze %dma_start3A_347 : memref<1x1x2048xi32, #tpu.memory_space<hbm>> -> memref<2048xi32, #tpu.memory_space<hbm>>
      %dma_start3A_349 = arith.constant 0 : i32
      %dma_start3A_350 = tpu.memref_slice %arg3[%select_n3A, %sub3A_21, %dma_start3A_349] : memref<16x2x2048xi32, #tpu.memory_space<hbm>> -> memref<1x1x2048xi32, #tpu.memory_space<hbm>>
      %dma_start3A_351 = tpu.memref_squeeze %dma_start3A_350 : memref<1x1x2048xi32, #tpu.memory_space<hbm>> -> memref<2048xi32, #tpu.memory_space<hbm>>
      tpu.enqueue_dma source(%dma_start3A_351 : memref<2048xi32, #tpu.memory_space<hbm>>) target(%arg6 : memref<2048xi32, #tpu.memory_space<vmem>>) target_semaphore(%run_scoped3A : memref<!tpu.dma_semaphore, #tpu.memory_space<semaphore_mem>>)
      %dma_wait3A_352 = arith.constant 0 : i32
      %dma_wait3A_353 = tpu.memref_slice %arg3[%select_n3A, %sub3A_21, %dma_wait3A_352] : memref<16x2x2048xi32, #tpu.memory_space<hbm>> -> memref<1x1x2048xi32, #tpu.memory_space<hbm>>
      %dma_wait3A_354 = tpu.memref_squeeze %dma_wait3A_353 : memref<1x1x2048xi32, #tpu.memory_space<hbm>> -> memref<2048xi32, #tpu.memory_space<hbm>>
      %dma_wait3A_355 = arith.constant 0 : i32
      %dma_wait3A_356 = tpu.memref_slice %arg3[%select_n3A, %sub3A_21, %dma_wait3A_355] : memref<16x2x2048xi32, #tpu.memory_space<hbm>> -> memref<1x1x2048xi32, #tpu.memory_space<hbm>>
      %dma_wait3A_357 = tpu.memref_squeeze %dma_wait3A_356 : memref<1x1x2048xi32, #tpu.memory_space<hbm>> -> memref<2048xi32, #tpu.memory_space<hbm>>
      tpu.wait_dma2 semaphore(%run_scoped3A : memref<!tpu.dma_semaphore, #tpu.memory_space<semaphore_mem>>) src(%dma_wait3A_357 : memref<2048xi32, #tpu.memory_space<hbm>>) dst(%arg6 : memref<2048xi32, #tpu.memory_space<vmem>>)
      tpu.yield
    }) : () -> ()
    %scan3A = arith.constant 0 : i32
    %scan3A_24 = arith.constant 128 : i32
    %scan3A_25 = arith.addi %scan3A, %scan3A_24 : i32
    %scan3A_26 = arith.constant 1 : i32
    scf.for %scan3A_346 = %scan3A to %scan3A_25 step %scan3A_26  : i32 {
      %mul3A_347 = arith.constant 16 : i32
      %mul3A_348 = arith.muli %scan3A_346, %mul3A_347 : i32
      %add3A_349 = arith.constant 0 : i32
      %add3A_350 = arith.addi %add3A_349, %mul3A_348 : i32
      %iota3A = tpu.iota {dimensions = array<i32: 0>} : vector<16xi32>
      %add3A_351 = vector.broadcast %add3A_350 : i32 to vector<16xi32>
      %add3A_352 = arith.addi %iota3A, %add3A_351 : vector<16xi32>
      %get3A = arith.index_cast %add3A_350 : i32 to index
      %get3A_353 = tpu.vector_load %arg6[%get3A] {strides = array<i32>} : memref<2048xi32, #tpu.memory_space<vmem>>, vector<16xi32>,
      tpu.vector_store_idx %arg7[%get3A_353], %add3A_352 : memref<2048xi32, #tpu.memory_space<vmem>>[vector<16xi32>], vector<16xi32>,
      %shift_right_arithmetic3A = arith.constant 7 : i32
      %shift_right_arithmetic3A_354 = vector.broadcast %shift_right_arithmetic3A : i32 to vector<16xi32>
      %shift_right_arithmetic3A_355 = arith.shrsi %get3A_353, %shift_right_arithmetic3A_354 : vector<16xi32>
      %and3A_356 = arith.constant 127 : i32
      %and3A_357 = vector.broadcast %and3A_356 : i32 to vector<16xi32>
      %and3A_358 = arith.andi %get3A_353, %and3A_357 : vector<16xi32>
      %add3A_359 = vector.broadcast %mul3A_23 : i32 to vector<16xi32>
      %add3A_360 = arith.addi %add3A_352, %add3A_359 : vector<16xi32>
      tpu.vector_store_idx %arg8[%shift_right_arithmetic3A_355, %and3A_358], %add3A_360 : memref<16x128xi32, #tpu.memory_space<vmem>>[vector<16xi32>, vector<16xi32>], vector<16xi32>,
    }
    %scan3A_27 = arith.constant 128 : i32
    "tpu.region"() ({
      %run_scoped3A = tpu.sem_alloc : memref<!tpu.dma_semaphore, #tpu.memory_space<semaphore_mem>>
      %dma_start3A_346 = arith.constant 0 : i32
      %dma_start3A_347 = tpu.memref_slice %arg5[%add3A_2, %dma_start3A_346] : memref<32x2048xi32, #tpu.memory_space<hbm>> -> memref<1x2048xi32, #tpu.memory_space<hbm>>
      %dma_start3A_348 = tpu.memref_squeeze %dma_start3A_347 : memref<1x2048xi32, #tpu.memory_space<hbm>> -> memref<2048xi32, #tpu.memory_space<hbm>>
      %dma_start3A_349 = arith.constant 0 : i32
      %dma_start3A_350 = tpu.memref_slice %arg5[%add3A_2, %dma_start3A_349] : memref<32x2048xi32, #tpu.memory_space<hbm>> -> memref<1x2048xi32, #tpu.memory_space<hbm>>
      %dma_start3A_351 = tpu.memref_squeeze %dma_start3A_350 : memref<1x2048xi32, #tpu.memory_space<hbm>> -> memref<2048xi32, #tpu.memory_space<hbm>>
      tpu.enqueue_dma source(%arg7 : memref<2048xi32, #tpu.memory_space<vmem>>) target(%dma_start3A_351 : memref<2048xi32, #tpu.memory_space<hbm>>) target_semaphore(%run_scoped3A : memref<!tpu.dma_semaphore, #tpu.memory_space<semaphore_mem>>)
      %dma_wait3A_352 = arith.constant 0 : i32
      %dma_wait3A_353 = tpu.memref_slice %arg5[%add3A_2, %dma_wait3A_352] : memref<32x2048xi32, #tpu.memory_space<hbm>> -> memref<1x2048xi32, #tpu.memory_space<hbm>>
      %dma_wait3A_354 = tpu.memref_squeeze %dma_wait3A_353 : memref<1x2048xi32, #tpu.memory_space<hbm>> -> memref<2048xi32, #tpu.memory_space<hbm>>
      %dma_wait3A_355 = arith.constant 0 : i32
      %dma_wait3A_356 = tpu.memref_slice %arg5[%add3A_2, %dma_wait3A_355] : memref<32x2048xi32, #tpu.memory_space<hbm>> -> memref<1x2048xi32, #tpu.memory_space<hbm>>
      %dma_wait3A_357 = tpu.memref_squeeze %dma_wait3A_356 : memref<1x2048xi32, #tpu.memory_space<hbm>> -> memref<2048xi32, #tpu.memory_space<hbm>>
      tpu.wait_dma2 semaphore(%run_scoped3A : memref<!tpu.dma_semaphore, #tpu.memory_space<semaphore_mem>>) src(%arg7 : memref<2048xi32, #tpu.memory_space<vmem>>) dst(%dma_wait3A_357 : memref<2048xi32, #tpu.memory_space<hbm>>)
      tpu.yield
    }) : () -> ()
    %dma_start3A = arith.constant 0 : i32
    %dma_start3A_28 = arith.constant 0 : i32
    %dma_start3A_29 = arith.constant 0 : i32
    %dma_start3A_30 = tpu.memref_slice %arg9[%dma_start3A_28, %dma_start3A_29] : memref<512x128xf32, #tpu.memory_space<vmem>> -> memref<128x128xf32, #tpu.memory_space<vmem>>
    %dma_start3A_31 = arith.constant 0 : i32
    %dma_start3A_32 = tpu.memref_slice %arg8[%dma_start3A, %dma_start3A_31] : memref<16x128xi32, #tpu.memory_space<vmem>> -> memref<1x128xi32, #tpu.memory_space<vmem>>
    %dma_start3A_33 = tpu.memref_squeeze %dma_start3A_32 : memref<1x128xi32, #tpu.memory_space<vmem>> -> memref<128xi32, #tpu.memory_space<vmem>>
    %dma_start3A_34 = arith.constant 0 : i32
    %dma_start3A_35 = arith.constant 0 : i32
    %dma_start3A_36 = tpu.memref_slice %arg2[%dma_start3A_34, %dma_start3A_35] : memref<32768x128xf32, #tpu.memory_space<hbm>> -> memref<32768x128xf32, #tpu.memory_space<hbm>>
    tpu.enqueue_indirect_dma source(%dma_start3A_36 : memref<32768x128xf32, #tpu.memory_space<hbm>>) target(%dma_start3A_30 : memref<128x128xf32, #tpu.memory_space<vmem>>) offsets(%dma_start3A_33 : memref<128xi32, #tpu.memory_space<vmem>>) semaphore(%arg10 : memref<!tpu.dma_semaphore, #tpu.memory_space<semaphore_mem>>)
    %dma_start3A_37 = arith.constant 1 : i32
    %dma_start3A_38 = arith.constant 128 : i32
    %dma_start3A_39 = arith.constant 0 : i32
    %dma_start3A_40 = tpu.memref_slice %arg9[%dma_start3A_38, %dma_start3A_39] : memref<512x128xf32, #tpu.memory_space<vmem>> -> memref<128x128xf32, #tpu.memory_space<vmem>>
    %dma_start3A_41 = arith.constant 0 : i32
    %dma_start3A_42 = tpu.memref_slice %arg8[%dma_start3A_37, %dma_start3A_41] : memref<16x128xi32, #tpu.memory_space<vmem>> -> memref<1x128xi32, #tpu.memory_space<vmem>>
    %dma_start3A_43 = tpu.memref_squeeze %dma_start3A_42 : memref<1x128xi32, #tpu.memory_space<vmem>> -> memref<128xi32, #tpu.memory_space<vmem>>
    %dma_start3A_44 = arith.constant 0 : i32
    %dma_start3A_45 = arith.constant 0 : i32
    %dma_start3A_46 = tpu.memref_slice %arg2[%dma_start3A_44, %dma_start3A_45] : memref<32768x128xf32, #tpu.memory_space<hbm>> -> memref<32768x128xf32, #tpu.memory_space<hbm>>
    tpu.enqueue_indirect_dma source(%dma_start3A_46 : memref<32768x128xf32, #tpu.memory_space<hbm>>) target(%dma_start3A_40 : memref<128x128xf32, #tpu.memory_space<vmem>>) offsets(%dma_start3A_43 : memref<128xi32, #tpu.memory_space<vmem>>) semaphore(%arg10 : memref<!tpu.dma_semaphore, #tpu.memory_space<semaphore_mem>>)
    %dma_start3A_47 = arith.constant 2 : i32
    %dma_start3A_48 = arith.constant 256 : i32
    %dma_start3A_49 = arith.constant 0 : i32
    %dma_start3A_50 = tpu.memref_slice %arg9[%dma_start3A_48, %dma_start3A_49] : memref<512x128xf32, #tpu.memory_space<vmem>> -> memref<128x128xf32, #tpu.memory_space<vmem>>
    %dma_start3A_51 = arith.constant 0 : i32
    %dma_start3A_52 = tpu.memref_slice %arg8[%dma_start3A_47, %dma_start3A_51] : memref<16x128xi32, #tpu.memory_space<vmem>> -> memref<1x128xi32, #tpu.memory_space<vmem>>
    %dma_start3A_53 = tpu.memref_squeeze %dma_start3A_52 : memref<1x128xi32, #tpu.memory_space<vmem>> -> memref<128xi32, #tpu.memory_space<vmem>>
    %dma_start3A_54 = arith.constant 0 : i32
    %dma_start3A_55 = arith.constant 0 : i32
    %dma_start3A_56 = tpu.memref_slice %arg2[%dma_start3A_54, %dma_start3A_55] : memref<32768x128xf32, #tpu.memory_space<hbm>> -> memref<32768x128xf32, #tpu.memory_space<hbm>>
    tpu.enqueue_indirect_dma source(%dma_start3A_56 : memref<32768x128xf32, #tpu.memory_space<hbm>>) target(%dma_start3A_50 : memref<128x128xf32, #tpu.memory_space<vmem>>) offsets(%dma_start3A_53 : memref<128xi32, #tpu.memory_space<vmem>>) semaphore(%arg10 : memref<!tpu.dma_semaphore, #tpu.memory_space<semaphore_mem>>)
    %dma_start3A_57 = arith.constant 3 : i32
    %dma_start3A_58 = arith.constant 384 : i32
    %dma_start3A_59 = arith.constant 0 : i32
    %dma_start3A_60 = tpu.memref_slice %arg9[%dma_start3A_58, %dma_start3A_59] : memref<512x128xf32, #tpu.memory_space<vmem>> -> memref<128x128xf32, #tpu.memory_space<vmem>>
    %dma_start3A_61 = arith.constant 0 : i32
    %dma_start3A_62 = tpu.memref_slice %arg8[%dma_start3A_57, %dma_start3A_61] : memref<16x128xi32, #tpu.memory_space<vmem>> -> memref<1x128xi32, #tpu.memory_space<vmem>>
    %dma_start3A_63 = tpu.memref_squeeze %dma_start3A_62 : memref<1x128xi32, #tpu.memory_space<vmem>> -> memref<128xi32, #tpu.memory_space<vmem>>
    %dma_start3A_64 = arith.constant 0 : i32
    %dma_start3A_65 = arith.constant 0 : i32
    %dma_start3A_66 = tpu.memref_slice %arg2[%dma_start3A_64, %dma_start3A_65] : memref<32768x128xf32, #tpu.memory_space<hbm>> -> memref<32768x128xf32, #tpu.memory_space<hbm>>
    tpu.enqueue_indirect_dma source(%dma_start3A_66 : memref<32768x128xf32, #tpu.memory_space<hbm>>) target(%dma_start3A_60 : memref<128x128xf32, #tpu.memory_space<vmem>>) offsets(%dma_start3A_63 : memref<128xi32, #tpu.memory_space<vmem>>) semaphore(%arg10 : memref<!tpu.dma_semaphore, #tpu.memory_space<semaphore_mem>>)
    %dma_wait3A = arith.constant 0 : i32
    %dma_wait3A_67 = arith.constant 0 : i32
    %dma_wait3A_68 = arith.constant 0 : i32
    %dma_wait3A_69 = tpu.memref_slice %arg9[%dma_wait3A_67, %dma_wait3A_68] : memref<512x128xf32, #tpu.memory_space<vmem>> -> memref<128x128xf32, #tpu.memory_space<vmem>>
    %dma_wait3A_70 = arith.constant 0 : i32
    %dma_wait3A_71 = tpu.memref_slice %arg8[%dma_wait3A, %dma_wait3A_70] : memref<16x128xi32, #tpu.memory_space<vmem>> -> memref<1x128xi32, #tpu.memory_space<vmem>>
    %dma_wait3A_72 = tpu.memref_squeeze %dma_wait3A_71 : memref<1x128xi32, #tpu.memory_space<vmem>> -> memref<128xi32, #tpu.memory_space<vmem>>
    %dma_wait3A_73 = arith.constant 0 : i32
    %dma_wait3A_74 = arith.constant 0 : i32
    %dma_wait3A_75 = tpu.memref_slice %arg2[%dma_wait3A_73, %dma_wait3A_74] : memref<32768x128xf32, #tpu.memory_space<hbm>> -> memref<32768x128xf32, #tpu.memory_space<hbm>>
    tpu.wait_indirect_dma semaphore(%arg10 : memref<!tpu.dma_semaphore, #tpu.memory_space<semaphore_mem>>) src(%dma_wait3A_75 : memref<32768x128xf32, #tpu.memory_space<hbm>>) dst(%dma_wait3A_69 : memref<128x128xf32, #tpu.memory_space<vmem>>)
    %dma_wait3A_76 = arith.constant 1 : i32
    %dma_wait3A_77 = arith.constant 128 : i32
    %dma_wait3A_78 = arith.constant 0 : i32
    %dma_wait3A_79 = tpu.memref_slice %arg9[%dma_wait3A_77, %dma_wait3A_78] : memref<512x128xf32, #tpu.memory_space<vmem>> -> memref<128x128xf32, #tpu.memory_space<vmem>>
    %dma_wait3A_80 = arith.constant 0 : i32
    %dma_wait3A_81 = tpu.memref_slice %arg8[%dma_wait3A_76, %dma_wait3A_80] : memref<16x128xi32, #tpu.memory_space<vmem>> -> memref<1x128xi32, #tpu.memory_space<vmem>>
    %dma_wait3A_82 = tpu.memref_squeeze %dma_wait3A_81 : memref<1x128xi32, #tpu.memory_space<vmem>> -> memref<128xi32, #tpu.memory_space<vmem>>
    %dma_wait3A_83 = arith.constant 0 : i32
    %dma_wait3A_84 = arith.constant 0 : i32
    %dma_wait3A_85 = tpu.memref_slice %arg2[%dma_wait3A_83, %dma_wait3A_84] : memref<32768x128xf32, #tpu.memory_space<hbm>> -> memref<32768x128xf32, #tpu.memory_space<hbm>>
    tpu.wait_indirect_dma semaphore(%arg10 : memref<!tpu.dma_semaphore, #tpu.memory_space<semaphore_mem>>) src(%dma_wait3A_85 : memref<32768x128xf32, #tpu.memory_space<hbm>>) dst(%dma_wait3A_79 : memref<128x128xf32, #tpu.memory_space<vmem>>)
    %dma_wait3A_86 = arith.constant 2 : i32
    %dma_wait3A_87 = arith.constant 256 : i32
    %dma_wait3A_88 = arith.constant 0 : i32
    %dma_wait3A_89 = tpu.memref_slice %arg9[%dma_wait3A_87, %dma_wait3A_88] : memref<512x128xf32, #tpu.memory_space<vmem>> -> memref<128x128xf32, #tpu.memory_space<vmem>>
    %dma_wait3A_90 = arith.constant 0 : i32
    %dma_wait3A_91 = tpu.memref_slice %arg8[%dma_wait3A_86, %dma_wait3A_90] : memref<16x128xi32, #tpu.memory_space<vmem>> -> memref<1x128xi32, #tpu.memory_space<vmem>>
    %dma_wait3A_92 = tpu.memref_squeeze %dma_wait3A_91 : memref<1x128xi32, #tpu.memory_space<vmem>> -> memref<128xi32, #tpu.memory_space<vmem>>
    %dma_wait3A_93 = arith.constant 0 : i32
    %dma_wait3A_94 = arith.constant 0 : i32
    %dma_wait3A_95 = tpu.memref_slice %arg2[%dma_wait3A_93, %dma_wait3A_94] : memref<32768x128xf32, #tpu.memory_space<hbm>> -> memref<32768x128xf32, #tpu.memory_space<hbm>>
    tpu.wait_indirect_dma semaphore(%arg10 : memref<!tpu.dma_semaphore, #tpu.memory_space<semaphore_mem>>) src(%dma_wait3A_95 : memref<32768x128xf32, #tpu.memory_space<hbm>>) dst(%dma_wait3A_89 : memref<128x128xf32, #tpu.memory_space<vmem>>)
    %dma_wait3A_96 = arith.constant 3 : i32
    %dma_wait3A_97 = arith.constant 384 : i32
    %dma_wait3A_98 = arith.constant 0 : i32
    %dma_wait3A_99 = tpu.memref_slice %arg9[%dma_wait3A_97, %dma_wait3A_98] : memref<512x128xf32, #tpu.memory_space<vmem>> -> memref<128x128xf32, #tpu.memory_space<vmem>>
    %dma_wait3A_100 = arith.constant 0 : i32
    %dma_wait3A_101 = tpu.memref_slice %arg8[%dma_wait3A_96, %dma_wait3A_100] : memref<16x128xi32, #tpu.memory_space<vmem>> -> memref<1x128xi32, #tpu.memory_space<vmem>>
    %dma_wait3A_102 = tpu.memref_squeeze %dma_wait3A_101 : memref<1x128xi32, #tpu.memory_space<vmem>> -> memref<128xi32, #tpu.memory_space<vmem>>
    %dma_wait3A_103 = arith.constant 0 : i32
    %dma_wait3A_104 = arith.constant 0 : i32
    %dma_wait3A_105 = tpu.memref_slice %arg2[%dma_wait3A_103, %dma_wait3A_104] : memref<32768x128xf32, #tpu.memory_space<hbm>> -> memref<32768x128xf32, #tpu.memory_space<hbm>>
    tpu.wait_indirect_dma semaphore(%arg10 : memref<!tpu.dma_semaphore, #tpu.memory_space<semaphore_mem>>) src(%dma_wait3A_105 : memref<32768x128xf32, #tpu.memory_space<hbm>>) dst(%dma_wait3A_99 : memref<128x128xf32, #tpu.memory_space<vmem>>)
    "tpu.region"() ({
      %run_scoped3A = tpu.sem_alloc : memref<!tpu.dma_semaphore, #tpu.memory_space<semaphore_mem>>
      %dma_start3A_346 = arith.constant 0 : i32
      %dma_start3A_347 = arith.constant 0 : i32
      %dma_start3A_348 = tpu.memref_slice %arg4[%add3A_2, %dma_start3A_346, %dma_start3A_347] : memref<32x2048x128xf32, #tpu.memory_space<hbm>> -> memref<1x512x128xf32, #tpu.memory_space<hbm>>
      %dma_start3A_349 = tpu.memref_squeeze %dma_start3A_348 : memref<1x512x128xf32, #tpu.memory_space<hbm>> -> memref<512x128xf32, #tpu.memory_space<hbm>>
      %dma_start3A_350 = arith.constant 0 : i32
      %dma_start3A_351 = arith.constant 0 : i32
      %dma_start3A_352 = tpu.memref_slice %arg4[%add3A_2, %dma_start3A_350, %dma_start3A_351] : memref<32x2048x128xf32, #tpu.memory_space<hbm>> -> memref<1x512x128xf32, #tpu.memory_space<hbm>>
      %dma_start3A_353 = tpu.memref_squeeze %dma_start3A_352 : memref<1x512x128xf32, #tpu.memory_space<hbm>> -> memref<512x128xf32, #tpu.memory_space<hbm>>
      tpu.enqueue_dma source(%arg9 : memref<512x128xf32, #tpu.memory_space<vmem>>) target(%dma_start3A_353 : memref<512x128xf32, #tpu.memory_space<hbm>>) target_semaphore(%run_scoped3A : memref<!tpu.dma_semaphore, #tpu.memory_space<semaphore_mem>>)
      %dma_wait3A_354 = arith.constant 0 : i32
      %dma_wait3A_355 = arith.constant 0 : i32
      %dma_wait3A_356 = tpu.memref_slice %arg4[%add3A_2, %dma_wait3A_354, %dma_wait3A_355] : memref<32x2048x128xf32, #tpu.memory_space<hbm>> -> memref<1x512x128xf32, #tpu.memory_space<hbm>>
      %dma_wait3A_357 = tpu.memref_squeeze %dma_wait3A_356 : memref<1x512x128xf32, #tpu.memory_space<hbm>> -> memref<512x128xf32, #tpu.memory_space<hbm>>
      %dma_wait3A_358 = arith.constant 0 : i32
      %dma_wait3A_359 = arith.constant 0 : i32
      %dma_wait3A_360 = tpu.memref_slice %arg4[%add3A_2, %dma_wait3A_358, %dma_wait3A_359] : memref<32x2048x128xf32, #tpu.memory_space<hbm>> -> memref<1x512x128xf32, #tpu.memory_space<hbm>>
      %dma_wait3A_361 = tpu.memref_squeeze %dma_wait3A_360 : memref<1x512x128xf32, #tpu.memory_space<hbm>> -> memref<512x128xf32, #tpu.memory_space<hbm>>
      tpu.wait_dma2 semaphore(%run_scoped3A : memref<!tpu.dma_semaphore, #tpu.memory_space<semaphore_mem>>) src(%arg9 : memref<512x128xf32, #tpu.memory_space<vmem>>) dst(%dma_wait3A_361 : memref<512x128xf32, #tpu.memory_space<hbm>>)
      tpu.yield
    }) : () -> ()
    %dma_start3A_106 = arith.constant 4 : i32
    %dma_start3A_107 = arith.constant 0 : i32
    %dma_start3A_108 = arith.constant 0 : i32
    %dma_start3A_109 = tpu.memref_slice %arg9[%dma_start3A_107, %dma_start3A_108] : memref<512x128xf32, #tpu.memory_space<vmem>> -> memref<128x128xf32, #tpu.memory_space<vmem>>
    %dma_start3A_110 = arith.constant 0 : i32
    %dma_start3A_111 = tpu.memref_slice %arg8[%dma_start3A_106, %dma_start3A_110] : memref<16x128xi32, #tpu.memory_space<vmem>> -> memref<1x128xi32, #tpu.memory_space<vmem>>
    %dma_start3A_112 = tpu.memref_squeeze %dma_start3A_111 : memref<1x128xi32, #tpu.memory_space<vmem>> -> memref<128xi32, #tpu.memory_space<vmem>>
    %dma_start3A_113 = arith.constant 0 : i32
    %dma_start3A_114 = arith.constant 0 : i32
    %dma_start3A_115 = tpu.memref_slice %arg2[%dma_start3A_113, %dma_start3A_114] : memref<32768x128xf32, #tpu.memory_space<hbm>> -> memref<32768x128xf32, #tpu.memory_space<hbm>>
    tpu.enqueue_indirect_dma source(%dma_start3A_115 : memref<32768x128xf32, #tpu.memory_space<hbm>>) target(%dma_start3A_109 : memref<128x128xf32, #tpu.memory_space<vmem>>) offsets(%dma_start3A_112 : memref<128xi32, #tpu.memory_space<vmem>>) semaphore(%arg10 : memref<!tpu.dma_semaphore, #tpu.memory_space<semaphore_mem>>)
    %dma_start3A_116 = arith.constant 5 : i32
    %dma_start3A_117 = arith.constant 128 : i32
    %dma_start3A_118 = arith.constant 0 : i32
    %dma_start3A_119 = tpu.memref_slice %arg9[%dma_start3A_117, %dma_start3A_118] : memref<512x128xf32, #tpu.memory_space<vmem>> -> memref<128x128xf32, #tpu.memory_space<vmem>>
    %dma_start3A_120 = arith.constant 0 : i32
    %dma_start3A_121 = tpu.memref_slice %arg8[%dma_start3A_116, %dma_start3A_120] : memref<16x128xi32, #tpu.memory_space<vmem>> -> memref<1x128xi32, #tpu.memory_space<vmem>>
    %dma_start3A_122 = tpu.memref_squeeze %dma_start3A_121 : memref<1x128xi32, #tpu.memory_space<vmem>> -> memref<128xi32, #tpu.memory_space<vmem>>
    %dma_start3A_123 = arith.constant 0 : i32
    %dma_start3A_124 = arith.constant 0 : i32
    %dma_start3A_125 = tpu.memref_slice %arg2[%dma_start3A_123, %dma_start3A_124] : memref<32768x128xf32, #tpu.memory_space<hbm>> -> memref<32768x128xf32, #tpu.memory_space<hbm>>
    tpu.enqueue_indirect_dma source(%dma_start3A_125 : memref<32768x128xf32, #tpu.memory_space<hbm>>) target(%dma_start3A_119 : memref<128x128xf32, #tpu.memory_space<vmem>>) offsets(%dma_start3A_122 : memref<128xi32, #tpu.memory_space<vmem>>) semaphore(%arg10 : memref<!tpu.dma_semaphore, #tpu.memory_space<semaphore_mem>>)
    %dma_start3A_126 = arith.constant 6 : i32
    %dma_start3A_127 = arith.constant 256 : i32
    %dma_start3A_128 = arith.constant 0 : i32
    %dma_start3A_129 = tpu.memref_slice %arg9[%dma_start3A_127, %dma_start3A_128] : memref<512x128xf32, #tpu.memory_space<vmem>> -> memref<128x128xf32, #tpu.memory_space<vmem>>
    %dma_start3A_130 = arith.constant 0 : i32
    %dma_start3A_131 = tpu.memref_slice %arg8[%dma_start3A_126, %dma_start3A_130] : memref<16x128xi32, #tpu.memory_space<vmem>> -> memref<1x128xi32, #tpu.memory_space<vmem>>
    %dma_start3A_132 = tpu.memref_squeeze %dma_start3A_131 : memref<1x128xi32, #tpu.memory_space<vmem>> -> memref<128xi32, #tpu.memory_space<vmem>>
    %dma_start3A_133 = arith.constant 0 : i32
    %dma_start3A_134 = arith.constant 0 : i32
    %dma_start3A_135 = tpu.memref_slice %arg2[%dma_start3A_133, %dma_start3A_134] : memref<32768x128xf32, #tpu.memory_space<hbm>> -> memref<32768x128xf32, #tpu.memory_space<hbm>>
    tpu.enqueue_indirect_dma source(%dma_start3A_135 : memref<32768x128xf32, #tpu.memory_space<hbm>>) target(%dma_start3A_129 : memref<128x128xf32, #tpu.memory_space<vmem>>) offsets(%dma_start3A_132 : memref<128xi32, #tpu.memory_space<vmem>>) semaphore(%arg10 : memref<!tpu.dma_semaphore, #tpu.memory_space<semaphore_mem>>)
    %dma_start3A_136 = arith.constant 7 : i32
    %dma_start3A_137 = arith.constant 384 : i32
    %dma_start3A_138 = arith.constant 0 : i32
    %dma_start3A_139 = tpu.memref_slice %arg9[%dma_start3A_137, %dma_start3A_138] : memref<512x128xf32, #tpu.memory_space<vmem>> -> memref<128x128xf32, #tpu.memory_space<vmem>>
    %dma_start3A_140 = arith.constant 0 : i32
    %dma_start3A_141 = tpu.memref_slice %arg8[%dma_start3A_136, %dma_start3A_140] : memref<16x128xi32, #tpu.memory_space<vmem>> -> memref<1x128xi32, #tpu.memory_space<vmem>>
    %dma_start3A_142 = tpu.memref_squeeze %dma_start3A_141 : memref<1x128xi32, #tpu.memory_space<vmem>> -> memref<128xi32, #tpu.memory_space<vmem>>
    %dma_start3A_143 = arith.constant 0 : i32
    %dma_start3A_144 = arith.constant 0 : i32
    %dma_start3A_145 = tpu.memref_slice %arg2[%dma_start3A_143, %dma_start3A_144] : memref<32768x128xf32, #tpu.memory_space<hbm>> -> memref<32768x128xf32, #tpu.memory_space<hbm>>
    tpu.enqueue_indirect_dma source(%dma_start3A_145 : memref<32768x128xf32, #tpu.memory_space<hbm>>) target(%dma_start3A_139 : memref<128x128xf32, #tpu.memory_space<vmem>>) offsets(%dma_start3A_142 : memref<128xi32, #tpu.memory_space<vmem>>) semaphore(%arg10 : memref<!tpu.dma_semaphore, #tpu.memory_space<semaphore_mem>>)
    %dma_wait3A_146 = arith.constant 4 : i32
    %dma_wait3A_147 = arith.constant 0 : i32
    %dma_wait3A_148 = arith.constant 0 : i32
    %dma_wait3A_149 = tpu.memref_slice %arg9[%dma_wait3A_147, %dma_wait3A_148] : memref<512x128xf32, #tpu.memory_space<vmem>> -> memref<128x128xf32, #tpu.memory_space<vmem>>
    %dma_wait3A_150 = arith.constant 0 : i32
    %dma_wait3A_151 = tpu.memref_slice %arg8[%dma_wait3A_146, %dma_wait3A_150] : memref<16x128xi32, #tpu.memory_space<vmem>> -> memref<1x128xi32, #tpu.memory_space<vmem>>
    %dma_wait3A_152 = tpu.memref_squeeze %dma_wait3A_151 : memref<1x128xi32, #tpu.memory_space<vmem>> -> memref<128xi32, #tpu.memory_space<vmem>>
    %dma_wait3A_153 = arith.constant 0 : i32
    %dma_wait3A_154 = arith.constant 0 : i32
    %dma_wait3A_155 = tpu.memref_slice %arg2[%dma_wait3A_153, %dma_wait3A_154] : memref<32768x128xf32, #tpu.memory_space<hbm>> -> memref<32768x128xf32, #tpu.memory_space<hbm>>
    tpu.wait_indirect_dma semaphore(%arg10 : memref<!tpu.dma_semaphore, #tpu.memory_space<semaphore_mem>>) src(%dma_wait3A_155 : memref<32768x128xf32, #tpu.memory_space<hbm>>) dst(%dma_wait3A_149 : memref<128x128xf32, #tpu.memory_space<vmem>>)
    %dma_wait3A_156 = arith.constant 5 : i32
    %dma_wait3A_157 = arith.constant 128 : i32
    %dma_wait3A_158 = arith.constant 0 : i32
    %dma_wait3A_159 = tpu.memref_slice %arg9[%dma_wait3A_157, %dma_wait3A_158] : memref<512x128xf32, #tpu.memory_space<vmem>> -> memref<128x128xf32, #tpu.memory_space<vmem>>
    %dma_wait3A_160 = arith.constant 0 : i32
    %dma_wait3A_161 = tpu.memref_slice %arg8[%dma_wait3A_156, %dma_wait3A_160] : memref<16x128xi32, #tpu.memory_space<vmem>> -> memref<1x128xi32, #tpu.memory_space<vmem>>
    %dma_wait3A_162 = tpu.memref_squeeze %dma_wait3A_161 : memref<1x128xi32, #tpu.memory_space<vmem>> -> memref<128xi32, #tpu.memory_space<vmem>>
    %dma_wait3A_163 = arith.constant 0 : i32
    %dma_wait3A_164 = arith.constant 0 : i32
    %dma_wait3A_165 = tpu.memref_slice %arg2[%dma_wait3A_163, %dma_wait3A_164] : memref<32768x128xf32, #tpu.memory_space<hbm>> -> memref<32768x128xf32, #tpu.memory_space<hbm>>
    tpu.wait_indirect_dma semaphore(%arg10 : memref<!tpu.dma_semaphore, #tpu.memory_space<semaphore_mem>>) src(%dma_wait3A_165 : memref<32768x128xf32, #tpu.memory_space<hbm>>) dst(%dma_wait3A_159 : memref<128x128xf32, #tpu.memory_space<vmem>>)
    %dma_wait3A_166 = arith.constant 6 : i32
    %dma_wait3A_167 = arith.constant 256 : i32
    %dma_wait3A_168 = arith.constant 0 : i32
    %dma_wait3A_169 = tpu.memref_slice %arg9[%dma_wait3A_167, %dma_wait3A_168] : memref<512x128xf32, #tpu.memory_space<vmem>> -> memref<128x128xf32, #tpu.memory_space<vmem>>
    %dma_wait3A_170 = arith.constant 0 : i32
    %dma_wait3A_171 = tpu.memref_slice %arg8[%dma_wait3A_166, %dma_wait3A_170] : memref<16x128xi32, #tpu.memory_space<vmem>> -> memref<1x128xi32, #tpu.memory_space<vmem>>
    %dma_wait3A_172 = tpu.memref_squeeze %dma_wait3A_171 : memref<1x128xi32, #tpu.memory_space<vmem>> -> memref<128xi32, #tpu.memory_space<vmem>>
    %dma_wait3A_173 = arith.constant 0 : i32
    %dma_wait3A_174 = arith.constant 0 : i32
    %dma_wait3A_175 = tpu.memref_slice %arg2[%dma_wait3A_173, %dma_wait3A_174] : memref<32768x128xf32, #tpu.memory_space<hbm>> -> memref<32768x128xf32, #tpu.memory_space<hbm>>
    tpu.wait_indirect_dma semaphore(%arg10 : memref<!tpu.dma_semaphore, #tpu.memory_space<semaphore_mem>>) src(%dma_wait3A_175 : memref<32768x128xf32, #tpu.memory_space<hbm>>) dst(%dma_wait3A_169 : memref<128x128xf32, #tpu.memory_space<vmem>>)
    %dma_wait3A_176 = arith.constant 7 : i32
    %dma_wait3A_177 = arith.constant 384 : i32
    %dma_wait3A_178 = arith.constant 0 : i32
    %dma_wait3A_179 = tpu.memref_slice %arg9[%dma_wait3A_177, %dma_wait3A_178] : memref<512x128xf32, #tpu.memory_space<vmem>> -> memref<128x128xf32, #tpu.memory_space<vmem>>
    %dma_wait3A_180 = arith.constant 0 : i32
    %dma_wait3A_181 = tpu.memref_slice %arg8[%dma_wait3A_176, %dma_wait3A_180] : memref<16x128xi32, #tpu.memory_space<vmem>> -> memref<1x128xi32, #tpu.memory_space<vmem>>
    %dma_wait3A_182 = tpu.memref_squeeze %dma_wait3A_181 : memref<1x128xi32, #tpu.memory_space<vmem>> -> memref<128xi32, #tpu.memory_space<vmem>>
    %dma_wait3A_183 = arith.constant 0 : i32
    %dma_wait3A_184 = arith.constant 0 : i32
    %dma_wait3A_185 = tpu.memref_slice %arg2[%dma_wait3A_183, %dma_wait3A_184] : memref<32768x128xf32, #tpu.memory_space<hbm>> -> memref<32768x128xf32, #tpu.memory_space<hbm>>
    tpu.wait_indirect_dma semaphore(%arg10 : memref<!tpu.dma_semaphore, #tpu.memory_space<semaphore_mem>>) src(%dma_wait3A_185 : memref<32768x128xf32, #tpu.memory_space<hbm>>) dst(%dma_wait3A_179 : memref<128x128xf32, #tpu.memory_space<vmem>>)
    "tpu.region"() ({
      %run_scoped3A = tpu.sem_alloc : memref<!tpu.dma_semaphore, #tpu.memory_space<semaphore_mem>>
      %dma_start3A_346 = arith.constant 512 : i32
      %dma_start3A_347 = arith.constant 0 : i32
      %dma_start3A_348 = tpu.memref_slice %arg4[%add3A_2, %dma_start3A_346, %dma_start3A_347] : memref<32x2048x128xf32, #tpu.memory_space<hbm>> -> memref<1x512x128xf32, #tpu.memory_space<hbm>>
      %dma_start3A_349 = tpu.memref_squeeze %dma_start3A_348 : memref<1x512x128xf32, #tpu.memory_space<hbm>> -> memref<512x128xf32, #tpu.memory_space<hbm>>
      %dma_start3A_350 = arith.constant 512 : i32
      %dma_start3A_351 = arith.constant 0 : i32
      %dma_start3A_352 = tpu.memref_slice %arg4[%add3A_2, %dma_start3A_350, %dma_start3A_351] : memref<32x2048x128xf32, #tpu.memory_space<hbm>> -> memref<1x512x128xf32, #tpu.memory_space<hbm>>
      %dma_start3A_353 = tpu.memref_squeeze %dma_start3A_352 : memref<1x512x128xf32, #tpu.memory_space<hbm>> -> memref<512x128xf32, #tpu.memory_space<hbm>>
      tpu.enqueue_dma source(%arg9 : memref<512x128xf32, #tpu.memory_space<vmem>>) target(%dma_start3A_353 : memref<512x128xf32, #tpu.memory_space<hbm>>) target_semaphore(%run_scoped3A : memref<!tpu.dma_semaphore, #tpu.memory_space<semaphore_mem>>)
      %dma_wait3A_354 = arith.constant 512 : i32
      %dma_wait3A_355 = arith.constant 0 : i32
      %dma_wait3A_356 = tpu.memref_slice %arg4[%add3A_2, %dma_wait3A_354, %dma_wait3A_355] : memref<32x2048x128xf32, #tpu.memory_space<hbm>> -> memref<1x512x128xf32, #tpu.memory_space<hbm>>
      %dma_wait3A_357 = tpu.memref_squeeze %dma_wait3A_356 : memref<1x512x128xf32, #tpu.memory_space<hbm>> -> memref<512x128xf32, #tpu.memory_space<hbm>>
      %dma_wait3A_358 = arith.constant 512 : i32
      %dma_wait3A_359 = arith.constant 0 : i32
      %dma_wait3A_360 = tpu.memref_slice %arg4[%add3A_2, %dma_wait3A_358, %dma_wait3A_359] : memref<32x2048x128xf32, #tpu.memory_space<hbm>> -> memref<1x512x128xf32, #tpu.memory_space<hbm>>
      %dma_wait3A_361 = tpu.memref_squeeze %dma_wait3A_360 : memref<1x512x128xf32, #tpu.memory_space<hbm>> -> memref<512x128xf32, #tpu.memory_space<hbm>>
      tpu.wait_dma2 semaphore(%run_scoped3A : memref<!tpu.dma_semaphore, #tpu.memory_space<semaphore_mem>>) src(%arg9 : memref<512x128xf32, #tpu.memory_space<vmem>>) dst(%dma_wait3A_361 : memref<512x128xf32, #tpu.memory_space<hbm>>)
      tpu.yield
    }) : () -> ()
    %dma_start3A_186 = arith.constant 8 : i32
    %dma_start3A_187 = arith.constant 0 : i32
    %dma_start3A_188 = arith.constant 0 : i32
    %dma_start3A_189 = tpu.memref_slice %arg9[%dma_start3A_187, %dma_start3A_188] : memref<512x128xf32, #tpu.memory_space<vmem>> -> memref<128x128xf32, #tpu.memory_space<vmem>>
    %dma_start3A_190 = arith.constant 0 : i32
    %dma_start3A_191 = tpu.memref_slice %arg8[%dma_start3A_186, %dma_start3A_190] : memref<16x128xi32, #tpu.memory_space<vmem>> -> memref<1x128xi32, #tpu.memory_space<vmem>>
    %dma_start3A_192 = tpu.memref_squeeze %dma_start3A_191 : memref<1x128xi32, #tpu.memory_space<vmem>> -> memref<128xi32, #tpu.memory_space<vmem>>
    %dma_start3A_193 = arith.constant 0 : i32
    %dma_start3A_194 = arith.constant 0 : i32
    %dma_start3A_195 = tpu.memref_slice %arg2[%dma_start3A_193, %dma_start3A_194] : memref<32768x128xf32, #tpu.memory_space<hbm>> -> memref<32768x128xf32, #tpu.memory_space<hbm>>
    tpu.enqueue_indirect_dma source(%dma_start3A_195 : memref<32768x128xf32, #tpu.memory_space<hbm>>) target(%dma_start3A_189 : memref<128x128xf32, #tpu.memory_space<vmem>>) offsets(%dma_start3A_192 : memref<128xi32, #tpu.memory_space<vmem>>) semaphore(%arg10 : memref<!tpu.dma_semaphore, #tpu.memory_space<semaphore_mem>>)
    %dma_start3A_196 = arith.constant 9 : i32
    %dma_start3A_197 = arith.constant 128 : i32
    %dma_start3A_198 = arith.constant 0 : i32
    %dma_start3A_199 = tpu.memref_slice %arg9[%dma_start3A_197, %dma_start3A_198] : memref<512x128xf32, #tpu.memory_space<vmem>> -> memref<128x128xf32, #tpu.memory_space<vmem>>
    %dma_start3A_200 = arith.constant 0 : i32
    %dma_start3A_201 = tpu.memref_slice %arg8[%dma_start3A_196, %dma_start3A_200] : memref<16x128xi32, #tpu.memory_space<vmem>> -> memref<1x128xi32, #tpu.memory_space<vmem>>
    %dma_start3A_202 = tpu.memref_squeeze %dma_start3A_201 : memref<1x128xi32, #tpu.memory_space<vmem>> -> memref<128xi32, #tpu.memory_space<vmem>>
    %dma_start3A_203 = arith.constant 0 : i32
    %dma_start3A_204 = arith.constant 0 : i32
    %dma_start3A_205 = tpu.memref_slice %arg2[%dma_start3A_203, %dma_start3A_204] : memref<32768x128xf32, #tpu.memory_space<hbm>> -> memref<32768x128xf32, #tpu.memory_space<hbm>>
    tpu.enqueue_indirect_dma source(%dma_start3A_205 : memref<32768x128xf32, #tpu.memory_space<hbm>>) target(%dma_start3A_199 : memref<128x128xf32, #tpu.memory_space<vmem>>) offsets(%dma_start3A_202 : memref<128xi32, #tpu.memory_space<vmem>>) semaphore(%arg10 : memref<!tpu.dma_semaphore, #tpu.memory_space<semaphore_mem>>)
    %dma_start3A_206 = arith.constant 10 : i32
    %dma_start3A_207 = arith.constant 256 : i32
    %dma_start3A_208 = arith.constant 0 : i32
    %dma_start3A_209 = tpu.memref_slice %arg9[%dma_start3A_207, %dma_start3A_208] : memref<512x128xf32, #tpu.memory_space<vmem>> -> memref<128x128xf32, #tpu.memory_space<vmem>>
    %dma_start3A_210 = arith.constant 0 : i32
    %dma_start3A_211 = tpu.memref_slice %arg8[%dma_start3A_206, %dma_start3A_210] : memref<16x128xi32, #tpu.memory_space<vmem>> -> memref<1x128xi32, #tpu.memory_space<vmem>>
    %dma_start3A_212 = tpu.memref_squeeze %dma_start3A_211 : memref<1x128xi32, #tpu.memory_space<vmem>> -> memref<128xi32, #tpu.memory_space<vmem>>
    %dma_start3A_213 = arith.constant 0 : i32
    %dma_start3A_214 = arith.constant 0 : i32
    %dma_start3A_215 = tpu.memref_slice %arg2[%dma_start3A_213, %dma_start3A_214] : memref<32768x128xf32, #tpu.memory_space<hbm>> -> memref<32768x128xf32, #tpu.memory_space<hbm>>
    tpu.enqueue_indirect_dma source(%dma_start3A_215 : memref<32768x128xf32, #tpu.memory_space<hbm>>) target(%dma_start3A_209 : memref<128x128xf32, #tpu.memory_space<vmem>>) offsets(%dma_start3A_212 : memref<128xi32, #tpu.memory_space<vmem>>) semaphore(%arg10 : memref<!tpu.dma_semaphore, #tpu.memory_space<semaphore_mem>>)
    %dma_start3A_216 = arith.constant 11 : i32
    %dma_start3A_217 = arith.constant 384 : i32
    %dma_start3A_218 = arith.constant 0 : i32
    %dma_start3A_219 = tpu.memref_slice %arg9[%dma_start3A_217, %dma_start3A_218] : memref<512x128xf32, #tpu.memory_space<vmem>> -> memref<128x128xf32, #tpu.memory_space<vmem>>
    %dma_start3A_220 = arith.constant 0 : i32
    %dma_start3A_221 = tpu.memref_slice %arg8[%dma_start3A_216, %dma_start3A_220] : memref<16x128xi32, #tpu.memory_space<vmem>> -> memref<1x128xi32, #tpu.memory_space<vmem>>
    %dma_start3A_222 = tpu.memref_squeeze %dma_start3A_221 : memref<1x128xi32, #tpu.memory_space<vmem>> -> memref<128xi32, #tpu.memory_space<vmem>>
    %dma_start3A_223 = arith.constant 0 : i32
    %dma_start3A_224 = arith.constant 0 : i32
    %dma_start3A_225 = tpu.memref_slice %arg2[%dma_start3A_223, %dma_start3A_224] : memref<32768x128xf32, #tpu.memory_space<hbm>> -> memref<32768x128xf32, #tpu.memory_space<hbm>>
    tpu.enqueue_indirect_dma source(%dma_start3A_225 : memref<32768x128xf32, #tpu.memory_space<hbm>>) target(%dma_start3A_219 : memref<128x128xf32, #tpu.memory_space<vmem>>) offsets(%dma_start3A_222 : memref<128xi32, #tpu.memory_space<vmem>>) semaphore(%arg10 : memref<!tpu.dma_semaphore, #tpu.memory_space<semaphore_mem>>)
    %dma_wait3A_226 = arith.constant 8 : i32
    %dma_wait3A_227 = arith.constant 0 : i32
    %dma_wait3A_228 = arith.constant 0 : i32
    %dma_wait3A_229 = tpu.memref_slice %arg9[%dma_wait3A_227, %dma_wait3A_228] : memref<512x128xf32, #tpu.memory_space<vmem>> -> memref<128x128xf32, #tpu.memory_space<vmem>>
    %dma_wait3A_230 = arith.constant 0 : i32
    %dma_wait3A_231 = tpu.memref_slice %arg8[%dma_wait3A_226, %dma_wait3A_230] : memref<16x128xi32, #tpu.memory_space<vmem>> -> memref<1x128xi32, #tpu.memory_space<vmem>>
    %dma_wait3A_232 = tpu.memref_squeeze %dma_wait3A_231 : memref<1x128xi32, #tpu.memory_space<vmem>> -> memref<128xi32, #tpu.memory_space<vmem>>
    %dma_wait3A_233 = arith.constant 0 : i32
    %dma_wait3A_234 = arith.constant 0 : i32
    %dma_wait3A_235 = tpu.memref_slice %arg2[%dma_wait3A_233, %dma_wait3A_234] : memref<32768x128xf32, #tpu.memory_space<hbm>> -> memref<32768x128xf32, #tpu.memory_space<hbm>>
    tpu.wait_indirect_dma semaphore(%arg10 : memref<!tpu.dma_semaphore, #tpu.memory_space<semaphore_mem>>) src(%dma_wait3A_235 : memref<32768x128xf32, #tpu.memory_space<hbm>>) dst(%dma_wait3A_229 : memref<128x128xf32, #tpu.memory_space<vmem>>)
    %dma_wait3A_236 = arith.constant 9 : i32
    %dma_wait3A_237 = arith.constant 128 : i32
    %dma_wait3A_238 = arith.constant 0 : i32
    %dma_wait3A_239 = tpu.memref_slice %arg9[%dma_wait3A_237, %dma_wait3A_238] : memref<512x128xf32, #tpu.memory_space<vmem>> -> memref<128x128xf32, #tpu.memory_space<vmem>>
    %dma_wait3A_240 = arith.constant 0 : i32
    %dma_wait3A_241 = tpu.memref_slice %arg8[%dma_wait3A_236, %dma_wait3A_240] : memref<16x128xi32, #tpu.memory_space<vmem>> -> memref<1x128xi32, #tpu.memory_space<vmem>>
    %dma_wait3A_242 = tpu.memref_squeeze %dma_wait3A_241 : memref<1x128xi32, #tpu.memory_space<vmem>> -> memref<128xi32, #tpu.memory_space<vmem>>
    %dma_wait3A_243 = arith.constant 0 : i32
    %dma_wait3A_244 = arith.constant 0 : i32
    %dma_wait3A_245 = tpu.memref_slice %arg2[%dma_wait3A_243, %dma_wait3A_244] : memref<32768x128xf32, #tpu.memory_space<hbm>> -> memref<32768x128xf32, #tpu.memory_space<hbm>>
    tpu.wait_indirect_dma semaphore(%arg10 : memref<!tpu.dma_semaphore, #tpu.memory_space<semaphore_mem>>) src(%dma_wait3A_245 : memref<32768x128xf32, #tpu.memory_space<hbm>>) dst(%dma_wait3A_239 : memref<128x128xf32, #tpu.memory_space<vmem>>)
    %dma_wait3A_246 = arith.constant 10 : i32
    %dma_wait3A_247 = arith.constant 256 : i32
    %dma_wait3A_248 = arith.constant 0 : i32
    %dma_wait3A_249 = tpu.memref_slice %arg9[%dma_wait3A_247, %dma_wait3A_248] : memref<512x128xf32, #tpu.memory_space<vmem>> -> memref<128x128xf32, #tpu.memory_space<vmem>>
    %dma_wait3A_250 = arith.constant 0 : i32
    %dma_wait3A_251 = tpu.memref_slice %arg8[%dma_wait3A_246, %dma_wait3A_250] : memref<16x128xi32, #tpu.memory_space<vmem>> -> memref<1x128xi32, #tpu.memory_space<vmem>>
    %dma_wait3A_252 = tpu.memref_squeeze %dma_wait3A_251 : memref<1x128xi32, #tpu.memory_space<vmem>> -> memref<128xi32, #tpu.memory_space<vmem>>
    %dma_wait3A_253 = arith.constant 0 : i32
    %dma_wait3A_254 = arith.constant 0 : i32
    %dma_wait3A_255 = tpu.memref_slice %arg2[%dma_wait3A_253, %dma_wait3A_254] : memref<32768x128xf32, #tpu.memory_space<hbm>> -> memref<32768x128xf32, #tpu.memory_space<hbm>>
    tpu.wait_indirect_dma semaphore(%arg10 : memref<!tpu.dma_semaphore, #tpu.memory_space<semaphore_mem>>) src(%dma_wait3A_255 : memref<32768x128xf32, #tpu.memory_space<hbm>>) dst(%dma_wait3A_249 : memref<128x128xf32, #tpu.memory_space<vmem>>)
    %dma_wait3A_256 = arith.constant 11 : i32
    %dma_wait3A_257 = arith.constant 384 : i32
    %dma_wait3A_258 = arith.constant 0 : i32
    %dma_wait3A_259 = tpu.memref_slice %arg9[%dma_wait3A_257, %dma_wait3A_258] : memref<512x128xf32, #tpu.memory_space<vmem>> -> memref<128x128xf32, #tpu.memory_space<vmem>>
    %dma_wait3A_260 = arith.constant 0 : i32
    %dma_wait3A_261 = tpu.memref_slice %arg8[%dma_wait3A_256, %dma_wait3A_260] : memref<16x128xi32, #tpu.memory_space<vmem>> -> memref<1x128xi32, #tpu.memory_space<vmem>>
    %dma_wait3A_262 = tpu.memref_squeeze %dma_wait3A_261 : memref<1x128xi32, #tpu.memory_space<vmem>> -> memref<128xi32, #tpu.memory_space<vmem>>
    %dma_wait3A_263 = arith.constant 0 : i32
    %dma_wait3A_264 = arith.constant 0 : i32
    %dma_wait3A_265 = tpu.memref_slice %arg2[%dma_wait3A_263, %dma_wait3A_264] : memref<32768x128xf32, #tpu.memory_space<hbm>> -> memref<32768x128xf32, #tpu.memory_space<hbm>>
    tpu.wait_indirect_dma semaphore(%arg10 : memref<!tpu.dma_semaphore, #tpu.memory_space<semaphore_mem>>) src(%dma_wait3A_265 : memref<32768x128xf32, #tpu.memory_space<hbm>>) dst(%dma_wait3A_259 : memref<128x128xf32, #tpu.memory_space<vmem>>)
    "tpu.region"() ({
      %run_scoped3A = tpu.sem_alloc : memref<!tpu.dma_semaphore, #tpu.memory_space<semaphore_mem>>
      %dma_start3A_346 = arith.constant 1024 : i32
      %dma_start3A_347 = arith.constant 0 : i32
      %dma_start3A_348 = tpu.memref_slice %arg4[%add3A_2, %dma_start3A_346, %dma_start3A_347] : memref<32x2048x128xf32, #tpu.memory_space<hbm>> -> memref<1x512x128xf32, #tpu.memory_space<hbm>>
      %dma_start3A_349 = tpu.memref_squeeze %dma_start3A_348 : memref<1x512x128xf32, #tpu.memory_space<hbm>> -> memref<512x128xf32, #tpu.memory_space<hbm>>
      %dma_start3A_350 = arith.constant 1024 : i32
      %dma_start3A_351 = arith.constant 0 : i32
      %dma_start3A_352 = tpu.memref_slice %arg4[%add3A_2, %dma_start3A_350, %dma_start3A_351] : memref<32x2048x128xf32, #tpu.memory_space<hbm>> -> memref<1x512x128xf32, #tpu.memory_space<hbm>>
      %dma_start3A_353 = tpu.memref_squeeze %dma_start3A_352 : memref<1x512x128xf32, #tpu.memory_space<hbm>> -> memref<512x128xf32, #tpu.memory_space<hbm>>
      tpu.enqueue_dma source(%arg9 : memref<512x128xf32, #tpu.memory_space<vmem>>) target(%dma_start3A_353 : memref<512x128xf32, #tpu.memory_space<hbm>>) target_semaphore(%run_scoped3A : memref<!tpu.dma_semaphore, #tpu.memory_space<semaphore_mem>>)
      %dma_wait3A_354 = arith.constant 1024 : i32
      %dma_wait3A_355 = arith.constant 0 : i32
      %dma_wait3A_356 = tpu.memref_slice %arg4[%add3A_2, %dma_wait3A_354, %dma_wait3A_355] : memref<32x2048x128xf32, #tpu.memory_space<hbm>> -> memref<1x512x128xf32, #tpu.memory_space<hbm>>
      %dma_wait3A_357 = tpu.memref_squeeze %dma_wait3A_356 : memref<1x512x128xf32, #tpu.memory_space<hbm>> -> memref<512x128xf32, #tpu.memory_space<hbm>>
      %dma_wait3A_358 = arith.constant 1024 : i32
      %dma_wait3A_359 = arith.constant 0 : i32
      %dma_wait3A_360 = tpu.memref_slice %arg4[%add3A_2, %dma_wait3A_358, %dma_wait3A_359] : memref<32x2048x128xf32, #tpu.memory_space<hbm>> -> memref<1x512x128xf32, #tpu.memory_space<hbm>>
      %dma_wait3A_361 = tpu.memref_squeeze %dma_wait3A_360 : memref<1x512x128xf32, #tpu.memory_space<hbm>> -> memref<512x128xf32, #tpu.memory_space<hbm>>
      tpu.wait_dma2 semaphore(%run_scoped3A : memref<!tpu.dma_semaphore, #tpu.memory_space<semaphore_mem>>) src(%arg9 : memref<512x128xf32, #tpu.memory_space<vmem>>) dst(%dma_wait3A_361 : memref<512x128xf32, #tpu.memory_space<hbm>>)
      tpu.yield
    }) : () -> ()
    %dma_start3A_266 = arith.constant 12 : i32
    %dma_start3A_267 = arith.constant 0 : i32
    %dma_start3A_268 = arith.constant 0 : i32
    %dma_start3A_269 = tpu.memref_slice %arg9[%dma_start3A_267, %dma_start3A_268] : memref<512x128xf32, #tpu.memory_space<vmem>> -> memref<128x128xf32, #tpu.memory_space<vmem>>
    %dma_start3A_270 = arith.constant 0 : i32
    %dma_start3A_271 = tpu.memref_slice %arg8[%dma_start3A_266, %dma_start3A_270] : memref<16x128xi32, #tpu.memory_space<vmem>> -> memref<1x128xi32, #tpu.memory_space<vmem>>
    %dma_start3A_272 = tpu.memref_squeeze %dma_start3A_271 : memref<1x128xi32, #tpu.memory_space<vmem>> -> memref<128xi32, #tpu.memory_space<vmem>>
    %dma_start3A_273 = arith.constant 0 : i32
    %dma_start3A_274 = arith.constant 0 : i32
    %dma_start3A_275 = tpu.memref_slice %arg2[%dma_start3A_273, %dma_start3A_274] : memref<32768x128xf32, #tpu.memory_space<hbm>> -> memref<32768x128xf32, #tpu.memory_space<hbm>>
    tpu.enqueue_indirect_dma source(%dma_start3A_275 : memref<32768x128xf32, #tpu.memory_space<hbm>>) target(%dma_start3A_269 : memref<128x128xf32, #tpu.memory_space<vmem>>) offsets(%dma_start3A_272 : memref<128xi32, #tpu.memory_space<vmem>>) semaphore(%arg10 : memref<!tpu.dma_semaphore, #tpu.memory_space<semaphore_mem>>)
    %dma_start3A_276 = arith.constant 13 : i32
    %dma_start3A_277 = arith.constant 128 : i32
    %dma_start3A_278 = arith.constant 0 : i32
    %dma_start3A_279 = tpu.memref_slice %arg9[%dma_start3A_277, %dma_start3A_278] : memref<512x128xf32, #tpu.memory_space<vmem>> -> memref<128x128xf32, #tpu.memory_space<vmem>>
    %dma_start3A_280 = arith.constant 0 : i32
    %dma_start3A_281 = tpu.memref_slice %arg8[%dma_start3A_276, %dma_start3A_280] : memref<16x128xi32, #tpu.memory_space<vmem>> -> memref<1x128xi32, #tpu.memory_space<vmem>>
    %dma_start3A_282 = tpu.memref_squeeze %dma_start3A_281 : memref<1x128xi32, #tpu.memory_space<vmem>> -> memref<128xi32, #tpu.memory_space<vmem>>
    %dma_start3A_283 = arith.constant 0 : i32
    %dma_start3A_284 = arith.constant 0 : i32
    %dma_start3A_285 = tpu.memref_slice %arg2[%dma_start3A_283, %dma_start3A_284] : memref<32768x128xf32, #tpu.memory_space<hbm>> -> memref<32768x128xf32, #tpu.memory_space<hbm>>
    tpu.enqueue_indirect_dma source(%dma_start3A_285 : memref<32768x128xf32, #tpu.memory_space<hbm>>) target(%dma_start3A_279 : memref<128x128xf32, #tpu.memory_space<vmem>>) offsets(%dma_start3A_282 : memref<128xi32, #tpu.memory_space<vmem>>) semaphore(%arg10 : memref<!tpu.dma_semaphore, #tpu.memory_space<semaphore_mem>>)
    %dma_start3A_286 = arith.constant 14 : i32
    %dma_start3A_287 = arith.constant 256 : i32
    %dma_start3A_288 = arith.constant 0 : i32
    %dma_start3A_289 = tpu.memref_slice %arg9[%dma_start3A_287, %dma_start3A_288] : memref<512x128xf32, #tpu.memory_space<vmem>> -> memref<128x128xf32, #tpu.memory_space<vmem>>
    %dma_start3A_290 = arith.constant 0 : i32
    %dma_start3A_291 = tpu.memref_slice %arg8[%dma_start3A_286, %dma_start3A_290] : memref<16x128xi32, #tpu.memory_space<vmem>> -> memref<1x128xi32, #tpu.memory_space<vmem>>
    %dma_start3A_292 = tpu.memref_squeeze %dma_start3A_291 : memref<1x128xi32, #tpu.memory_space<vmem>> -> memref<128xi32, #tpu.memory_space<vmem>>
    %dma_start3A_293 = arith.constant 0 : i32
    %dma_start3A_294 = arith.constant 0 : i32
    %dma_start3A_295 = tpu.memref_slice %arg2[%dma_start3A_293, %dma_start3A_294] : memref<32768x128xf32, #tpu.memory_space<hbm>> -> memref<32768x128xf32, #tpu.memory_space<hbm>>
    tpu.enqueue_indirect_dma source(%dma_start3A_295 : memref<32768x128xf32, #tpu.memory_space<hbm>>) target(%dma_start3A_289 : memref<128x128xf32, #tpu.memory_space<vmem>>) offsets(%dma_start3A_292 : memref<128xi32, #tpu.memory_space<vmem>>) semaphore(%arg10 : memref<!tpu.dma_semaphore, #tpu.memory_space<semaphore_mem>>)
    %dma_start3A_296 = arith.constant 15 : i32
    %dma_start3A_297 = arith.constant 384 : i32
    %dma_start3A_298 = arith.constant 0 : i32
    %dma_start3A_299 = tpu.memref_slice %arg9[%dma_start3A_297, %dma_start3A_298] : memref<512x128xf32, #tpu.memory_space<vmem>> -> memref<128x128xf32, #tpu.memory_space<vmem>>
    %dma_start3A_300 = arith.constant 0 : i32
    %dma_start3A_301 = tpu.memref_slice %arg8[%dma_start3A_296, %dma_start3A_300] : memref<16x128xi32, #tpu.memory_space<vmem>> -> memref<1x128xi32, #tpu.memory_space<vmem>>
    %dma_start3A_302 = tpu.memref_squeeze %dma_start3A_301 : memref<1x128xi32, #tpu.memory_space<vmem>> -> memref<128xi32, #tpu.memory_space<vmem>>
    %dma_start3A_303 = arith.constant 0 : i32
    %dma_start3A_304 = arith.constant 0 : i32
    %dma_start3A_305 = tpu.memref_slice %arg2[%dma_start3A_303, %dma_start3A_304] : memref<32768x128xf32, #tpu.memory_space<hbm>> -> memref<32768x128xf32, #tpu.memory_space<hbm>>
    tpu.enqueue_indirect_dma source(%dma_start3A_305 : memref<32768x128xf32, #tpu.memory_space<hbm>>) target(%dma_start3A_299 : memref<128x128xf32, #tpu.memory_space<vmem>>) offsets(%dma_start3A_302 : memref<128xi32, #tpu.memory_space<vmem>>) semaphore(%arg10 : memref<!tpu.dma_semaphore, #tpu.memory_space<semaphore_mem>>)
    %dma_wait3A_306 = arith.constant 12 : i32
    %dma_wait3A_307 = arith.constant 0 : i32
    %dma_wait3A_308 = arith.constant 0 : i32
    %dma_wait3A_309 = tpu.memref_slice %arg9[%dma_wait3A_307, %dma_wait3A_308] : memref<512x128xf32, #tpu.memory_space<vmem>> -> memref<128x128xf32, #tpu.memory_space<vmem>>
    %dma_wait3A_310 = arith.constant 0 : i32
    %dma_wait3A_311 = tpu.memref_slice %arg8[%dma_wait3A_306, %dma_wait3A_310] : memref<16x128xi32, #tpu.memory_space<vmem>> -> memref<1x128xi32, #tpu.memory_space<vmem>>
    %dma_wait3A_312 = tpu.memref_squeeze %dma_wait3A_311 : memref<1x128xi32, #tpu.memory_space<vmem>> -> memref<128xi32, #tpu.memory_space<vmem>>
    %dma_wait3A_313 = arith.constant 0 : i32
    %dma_wait3A_314 = arith.constant 0 : i32
    %dma_wait3A_315 = tpu.memref_slice %arg2[%dma_wait3A_313, %dma_wait3A_314] : memref<32768x128xf32, #tpu.memory_space<hbm>> -> memref<32768x128xf32, #tpu.memory_space<hbm>>
    tpu.wait_indirect_dma semaphore(%arg10 : memref<!tpu.dma_semaphore, #tpu.memory_space<semaphore_mem>>) src(%dma_wait3A_315 : memref<32768x128xf32, #tpu.memory_space<hbm>>) dst(%dma_wait3A_309 : memref<128x128xf32, #tpu.memory_space<vmem>>)
    %dma_wait3A_316 = arith.constant 13 : i32
    %dma_wait3A_317 = arith.constant 128 : i32
    %dma_wait3A_318 = arith.constant 0 : i32
    %dma_wait3A_319 = tpu.memref_slice %arg9[%dma_wait3A_317, %dma_wait3A_318] : memref<512x128xf32, #tpu.memory_space<vmem>> -> memref<128x128xf32, #tpu.memory_space<vmem>>
    %dma_wait3A_320 = arith.constant 0 : i32
    %dma_wait3A_321 = tpu.memref_slice %arg8[%dma_wait3A_316, %dma_wait3A_320] : memref<16x128xi32, #tpu.memory_space<vmem>> -> memref<1x128xi32, #tpu.memory_space<vmem>>
    %dma_wait3A_322 = tpu.memref_squeeze %dma_wait3A_321 : memref<1x128xi32, #tpu.memory_space<vmem>> -> memref<128xi32, #tpu.memory_space<vmem>>
    %dma_wait3A_323 = arith.constant 0 : i32
    %dma_wait3A_324 = arith.constant 0 : i32
    %dma_wait3A_325 = tpu.memref_slice %arg2[%dma_wait3A_323, %dma_wait3A_324] : memref<32768x128xf32, #tpu.memory_space<hbm>> -> memref<32768x128xf32, #tpu.memory_space<hbm>>
    tpu.wait_indirect_dma semaphore(%arg10 : memref<!tpu.dma_semaphore, #tpu.memory_space<semaphore_mem>>) src(%dma_wait3A_325 : memref<32768x128xf32, #tpu.memory_space<hbm>>) dst(%dma_wait3A_319 : memref<128x128xf32, #tpu.memory_space<vmem>>)
    %dma_wait3A_326 = arith.constant 14 : i32
    %dma_wait3A_327 = arith.constant 256 : i32
    %dma_wait3A_328 = arith.constant 0 : i32
    %dma_wait3A_329 = tpu.memref_slice %arg9[%dma_wait3A_327, %dma_wait3A_328] : memref<512x128xf32, #tpu.memory_space<vmem>> -> memref<128x128xf32, #tpu.memory_space<vmem>>
    %dma_wait3A_330 = arith.constant 0 : i32
    %dma_wait3A_331 = tpu.memref_slice %arg8[%dma_wait3A_326, %dma_wait3A_330] : memref<16x128xi32, #tpu.memory_space<vmem>> -> memref<1x128xi32, #tpu.memory_space<vmem>>
    %dma_wait3A_332 = tpu.memref_squeeze %dma_wait3A_331 : memref<1x128xi32, #tpu.memory_space<vmem>> -> memref<128xi32, #tpu.memory_space<vmem>>
    %dma_wait3A_333 = arith.constant 0 : i32
    %dma_wait3A_334 = arith.constant 0 : i32
    %dma_wait3A_335 = tpu.memref_slice %arg2[%dma_wait3A_333, %dma_wait3A_334] : memref<32768x128xf32, #tpu.memory_space<hbm>> -> memref<32768x128xf32, #tpu.memory_space<hbm>>
    tpu.wait_indirect_dma semaphore(%arg10 : memref<!tpu.dma_semaphore, #tpu.memory_space<semaphore_mem>>) src(%dma_wait3A_335 : memref<32768x128xf32, #tpu.memory_space<hbm>>) dst(%dma_wait3A_329 : memref<128x128xf32, #tpu.memory_space<vmem>>)
    %dma_wait3A_336 = arith.constant 15 : i32
    %dma_wait3A_337 = arith.constant 384 : i32
    %dma_wait3A_338 = arith.constant 0 : i32
    %dma_wait3A_339 = tpu.memref_slice %arg9[%dma_wait3A_337, %dma_wait3A_338] : memref<512x128xf32, #tpu.memory_space<vmem>> -> memref<128x128xf32, #tpu.memory_space<vmem>>
    %dma_wait3A_340 = arith.constant 0 : i32
    %dma_wait3A_341 = tpu.memref_slice %arg8[%dma_wait3A_336, %dma_wait3A_340] : memref<16x128xi32, #tpu.memory_space<vmem>> -> memref<1x128xi32, #tpu.memory_space<vmem>>
    %dma_wait3A_342 = tpu.memref_squeeze %dma_wait3A_341 : memref<1x128xi32, #tpu.memory_space<vmem>> -> memref<128xi32, #tpu.memory_space<vmem>>
    %dma_wait3A_343 = arith.constant 0 : i32
    %dma_wait3A_344 = arith.constant 0 : i32
    %dma_wait3A_345 = tpu.memref_slice %arg2[%dma_wait3A_343, %dma_wait3A_344] : memref<32768x128xf32, #tpu.memory_space<hbm>> -> memref<32768x128xf32, #tpu.memory_space<hbm>>
    tpu.wait_indirect_dma semaphore(%arg10 : memref<!tpu.dma_semaphore, #tpu.memory_space<semaphore_mem>>) src(%dma_wait3A_345 : memref<32768x128xf32, #tpu.memory_space<hbm>>) dst(%dma_wait3A_339 : memref<128x128xf32, #tpu.memory_space<vmem>>)
    "tpu.region"() ({
      %run_scoped3A = tpu.sem_alloc : memref<!tpu.dma_semaphore, #tpu.memory_space<semaphore_mem>>
      %dma_start3A_346 = arith.constant 1536 : i32
      %dma_start3A_347 = arith.constant 0 : i32
      %dma_start3A_348 = tpu.memref_slice %arg4[%add3A_2, %dma_start3A_346, %dma_start3A_347] : memref<32x2048x128xf32, #tpu.memory_space<hbm>> -> memref<1x512x128xf32, #tpu.memory_space<hbm>>
      %dma_start3A_349 = tpu.memref_squeeze %dma_start3A_348 : memref<1x512x128xf32, #tpu.memory_space<hbm>> -> memref<512x128xf32, #tpu.memory_space<hbm>>
      %dma_start3A_350 = arith.constant 1536 : i32
      %dma_start3A_351 = arith.constant 0 : i32
      %dma_start3A_352 = tpu.memref_slice %arg4[%add3A_2, %dma_start3A_350, %dma_start3A_351] : memref<32x2048x128xf32, #tpu.memory_space<hbm>> -> memref<1x512x128xf32, #tpu.memory_space<hbm>>
      %dma_start3A_353 = tpu.memref_squeeze %dma_start3A_352 : memref<1x512x128xf32, #tpu.memory_space<hbm>> -> memref<512x128xf32, #tpu.memory_space<hbm>>
      tpu.enqueue_dma source(%arg9 : memref<512x128xf32, #tpu.memory_space<vmem>>) target(%dma_start3A_353 : memref<512x128xf32, #tpu.memory_space<hbm>>) target_semaphore(%run_scoped3A : memref<!tpu.dma_semaphore, #tpu.memory_space<semaphore_mem>>)
      %dma_wait3A_354 = arith.constant 1536 : i32
      %dma_wait3A_355 = arith.constant 0 : i32
      %dma_wait3A_356 = tpu.memref_slice %arg4[%add3A_2, %dma_wait3A_354, %dma_wait3A_355] : memref<32x2048x128xf32, #tpu.memory_space<hbm>> -> memref<1x512x128xf32, #tpu.memory_space<hbm>>
      %dma_wait3A_357 = tpu.memref_squeeze %dma_wait3A_356 : memref<1x512x128xf32, #tpu.memory_space<hbm>> -> memref<512x128xf32, #tpu.memory_space<hbm>>
      %dma_wait3A_358 = arith.constant 1536 : i32
      %dma_wait3A_359 = arith.constant 0 : i32
      %dma_wait3A_360 = tpu.memref_slice %arg4[%add3A_2, %dma_wait3A_358, %dma_wait3A_359] : memref<32x2048x128xf32, #tpu.memory_space<hbm>> -> memref<1x512x128xf32, #tpu.memory_space<hbm>>
      %dma_wait3A_361 = tpu.memref_squeeze %dma_wait3A_360 : memref<1x512x128xf32, #tpu.memory_space<hbm>> -> memref<512x128xf32, #tpu.memory_space<hbm>>
      tpu.wait_dma2 semaphore(%run_scoped3A : memref<!tpu.dma_semaphore, #tpu.memory_space<semaphore_mem>>) src(%arg9 : memref<512x128xf32, #tpu.memory_space<vmem>>) dst(%dma_wait3A_361 : memref<512x128xf32, #tpu.memory_space<hbm>>)
      tpu.yield
    }) : () -> ()
    return
  }
}

module attributes {stable_mosaic.version = 14 : i64} {
  func.func @_hash_perm_body(%arg0: i32, %arg1: memref<1x2048x64xf32, #tpu.memory_space<vmem>>, %arg2: memref<1x2048x64xf32, #tpu.memory_space<vmem>>, %arg3: memref<1x64x32xf32, #tpu.memory_space<vmem>>, %arg4: memref<1x2048x128xf32, #tpu.memory_space<vmem>>, %arg5: memref<1x2x2048xi32, #tpu.memory_space<vmem>>) attributes {dimension_semantics = [#tpu.dimension_semantics<arbitrary>], iteration_bounds = array<i64: 16>, scalar_prefetch = 0 : i64, scratch_operands = 0 : i64, tpu.core_type = #tpu.core_type<tc>, window_params = [{transform_indices = @transform_0, window_bounds = array<i64: 1, 2048, 64>}, {transform_indices = @transform_1, window_bounds = array<i64: 1, 2048, 64>}, {transform_indices = @transform_2, window_bounds = array<i64: 1, 64, 32>}, {transform_indices = @transform_3, window_bounds = array<i64: 1, 2048, 128>}, {transform_indices = @transform_4, window_bounds = array<i64: 1, 2, 2048>}]} {
    %get3A = arith.constant 0 : index
    %get3A_0 = arith.constant 0 : index
    %get3A_1 = arith.constant 0 : index
    %get3A_2 = vector.load %arg1[%get3A, %get3A_0, %get3A_1] : memref<1x2048x64xf32, #tpu.memory_space<vmem>>, vector<1x2048x64xf32>
    %get3A_3 = vector.shape_cast %get3A_2 : vector<1x2048x64xf32> to vector<2048x64xf32>
    %get3A_4 = arith.constant 0 : index
    %get3A_5 = arith.constant 0 : index
    %get3A_6 = arith.constant 0 : index
    %get3A_7 = vector.load %arg2[%get3A_4, %get3A_5, %get3A_6] : memref<1x2048x64xf32, #tpu.memory_space<vmem>>, vector<1x2048x64xf32>
    %get3A_8 = vector.shape_cast %get3A_7 : vector<1x2048x64xf32> to vector<2048x64xf32>
    %get3A_9 = arith.constant 0 : index
    %get3A_10 = arith.constant 0 : index
    %get3A_11 = arith.constant 0 : index
    %get3A_12 = vector.load %arg3[%get3A_9, %get3A_10, %get3A_11] : memref<1x64x32xf32, #tpu.memory_space<vmem>>, vector<1x64x32xf32>
    %get3A_13 = vector.shape_cast %get3A_12 : vector<1x64x32xf32> to vector<64x32xf32>
    %concatenate3A = tpu.concatenate %get3A_3, %get3A_8 in 1 : vector<2048x64xf32>, vector<2048x64xf32> -> vector<2048x128xf32>
    %swap3A = arith.constant 0 : index
    %swap3A_14 = arith.constant 0 : index
    %swap3A_15 = arith.constant 0 : index
    %swap3A_16 = vector.load %arg4[%swap3A, %swap3A_14, %swap3A_15] : memref<1x2048x128xf32, #tpu.memory_space<vmem>>, vector<1x2048x128xf32>
    %swap3A_17 = vector.shape_cast %swap3A_16 : vector<1x2048x128xf32> to vector<2048x128xf32>
    %swap3A_18 = vector.shape_cast %concatenate3A : vector<2048x128xf32> to vector<1x2048x128xf32>
    tpu.vector_store %arg4[%swap3A, %swap3A_14, %swap3A_15], %swap3A_18 {strides = array<i32>} : memref<1x2048x128xf32, #tpu.memory_space<vmem>>, vector<1x2048x128xf32>,
    %dot_general3A = arith.constant dense<0.000000e+00> : vector<2048x32xf32>
    %dot_general3A_19 = tpu.matmul %get3A_3, %get3A_13, %dot_general3A {dimension_numbers = #tpu.dot_dimension_numbers<[1], [0], [0], [1], [0, 0, 1, 1], [], []>, transpose_lhs_hint = false} : vector<2048x64xf32>, vector<64x32xf32>, vector<2048x32xf32> -> vector<2048x32xf32>
    %iota3A = tpu.iota {dimensions = array<i32: 1>} : vector<2048x32xi32>
    %convert_element_type3A = arith.sitofp %iota3A : vector<2048x32xi32> to vector<2048x32xf32>
    %slice3A = vector.extract_strided_slice %dot_general3A_19 {offsets = [0, 0], sizes = [2048, 16], strides = [1, 1]} : vector<2048x32xf32> to vector<2048x16xf32>
    %neg3A = arith.constant 0.000000e+00 : f32
    %neg3A_20 = vector.broadcast %neg3A : f32 to vector<2048x16xf32>
    %neg3A_21 = arith.subf %neg3A_20, %slice3A : vector<2048x16xf32>
    %concatenate3A_22 = tpu.concatenate %slice3A, %neg3A_21 in 1 : vector<2048x16xf32>, vector<2048x16xf32> -> vector<2048x32xf32>
    %reduce_max3A = arith.constant dense<0xFF800000> : vector<2048xf32>
    %reduce_max3A_23 = vector.multi_reduction <maximumf>, %concatenate3A_22, %reduce_max3A [1] : vector<2048x32xf32> to vector<2048xf32>
    %broadcast_in_dim3A = vector.shape_cast %reduce_max3A_23 : vector<2048xf32> to vector<2048x1xf32>
    %eq3A = vector.broadcast %broadcast_in_dim3A : vector<2048x1xf32> to vector<2048x32xf32>
    %eq3A_24 = arith.cmpf oeq, %concatenate3A_22, %eq3A : vector<2048x32xf32>
    %jit3A = arith.constant 6.400000e+01 : f32
    %broadcast_in_dim3A_25 = vector.broadcast %jit3A : f32 to vector<2048x32xf32>
    %select_n3A = arith.select %eq3A_24, %convert_element_type3A, %broadcast_in_dim3A_25 : vector<2048x32xi1>, vector<2048x32xf32>
    %reduce_min3A = arith.constant dense<0x7F800000> : vector<2048xf32>
    %reduce_min3A_26 = vector.multi_reduction <minimumf>, %select_n3A, %reduce_min3A [1] : vector<2048x32xf32> to vector<2048xf32>
    %broadcast_in_dim3A_27 = vector.shape_cast %reduce_min3A_26 : vector<2048xf32> to vector<2048x1xf32>
    %eq3A_28 = vector.broadcast %broadcast_in_dim3A_27 : vector<2048x1xf32> to vector<2048x32xf32>
    %eq3A_29 = arith.cmpf oeq, %convert_element_type3A, %eq3A_28 : vector<2048x32xf32>
    %convert_element_type3A_30 = arith.extui %eq3A_29 : vector<2048x32xi1> to vector<2048x32xi32>
    %convert_element_type3A_31 = arith.sitofp %convert_element_type3A_30 : vector<2048x32xi32> to vector<2048x32xf32>
    %slice3A_32 = vector.extract_strided_slice %dot_general3A_19 {offsets = [0, 16], sizes = [2048, 16], strides = [1, 1]} : vector<2048x32xf32> to vector<2048x16xf32>
    %neg3A_33 = arith.constant 0.000000e+00 : f32
    %neg3A_34 = vector.broadcast %neg3A_33 : f32 to vector<2048x16xf32>
    %neg3A_35 = arith.subf %neg3A_34, %slice3A_32 : vector<2048x16xf32>
    %concatenate3A_36 = tpu.concatenate %slice3A_32, %neg3A_35 in 1 : vector<2048x16xf32>, vector<2048x16xf32> -> vector<2048x32xf32>
    %reduce_max3A_37 = arith.constant dense<0xFF800000> : vector<2048xf32>
    %reduce_max3A_38 = vector.multi_reduction <maximumf>, %concatenate3A_36, %reduce_max3A_37 [1] : vector<2048x32xf32> to vector<2048xf32>
    %broadcast_in_dim3A_39 = vector.shape_cast %reduce_max3A_38 : vector<2048xf32> to vector<2048x1xf32>
    %eq3A_40 = vector.broadcast %broadcast_in_dim3A_39 : vector<2048x1xf32> to vector<2048x32xf32>
    %eq3A_41 = arith.cmpf oeq, %concatenate3A_36, %eq3A_40 : vector<2048x32xf32>
    %jit3A_42 = arith.constant 6.400000e+01 : f32
    %broadcast_in_dim3A_43 = vector.broadcast %jit3A_42 : f32 to vector<2048x32xf32>
    %select_n3A_44 = arith.select %eq3A_41, %convert_element_type3A, %broadcast_in_dim3A_43 : vector<2048x32xi1>, vector<2048x32xf32>
    %reduce_min3A_45 = arith.constant dense<0x7F800000> : vector<2048xf32>
    %reduce_min3A_46 = vector.multi_reduction <minimumf>, %select_n3A_44, %reduce_min3A_45 [1] : vector<2048x32xf32> to vector<2048xf32>
    %broadcast_in_dim3A_47 = vector.shape_cast %reduce_min3A_46 : vector<2048xf32> to vector<2048x1xf32>
    %eq3A_48 = vector.broadcast %broadcast_in_dim3A_47 : vector<2048x1xf32> to vector<2048x32xf32>
    %eq3A_49 = arith.cmpf oeq, %convert_element_type3A, %eq3A_48 : vector<2048x32xf32>
    %convert_element_type3A_50 = arith.extui %eq3A_49 : vector<2048x32xi1> to vector<2048x32xi32>
    %convert_element_type3A_51 = arith.sitofp %convert_element_type3A_50 : vector<2048x32xi32> to vector<2048x32xf32>
    %concatenate3A_52 = tpu.concatenate %convert_element_type3A_31, %convert_element_type3A_51 in 1 : vector<2048x32xf32>, vector<2048x32xf32> -> vector<2048x64xf32>
    %convert_element_type3A_53 = arith.truncf %concatenate3A_52 : vector<2048x64xf32> to vector<2048x64xbf16>
    %reshape3A = vector.shape_cast %convert_element_type3A_53 : vector<2048x64xbf16> to vector<16x128x64xbf16>
    %iota3A_54 = tpu.iota {dimensions = array<i32: 0>} : vector<128x128xi32>
    %iota3A_55 = tpu.iota {dimensions = array<i32: 1>} : vector<128x128xi32>
    %lt3A = arith.cmpi slt, %iota3A_55, %iota3A_54 : vector<128x128xi32>
    %convert_element_type3A_56 = arith.extui %lt3A : vector<128x128xi1> to vector<128x128xi32>
    %convert_element_type3A_57 = arith.sitofp %convert_element_type3A_56 : vector<128x128xi32> to vector<128x128xf32>
    %convert_element_type3A_58 = arith.truncf %convert_element_type3A_57 : vector<128x128xf32> to vector<128x128xbf16>
    %broadcast_in_dim3A_59 = vector.shape_cast %convert_element_type3A_58 : vector<128x128xbf16> to vector<1x128x128xbf16>
    %broadcast_in_dim3A_60 = vector.shape_cast %broadcast_in_dim3A_59 : vector<1x128x128xbf16> to vector<1x128x128xbf16>
    %broadcast_in_dim3A_61 = vector.broadcast %broadcast_in_dim3A_60 : vector<1x128x128xbf16> to vector<16x128x128xbf16>
    %dot_general3A_62 = arith.constant dense<0.000000e+00> : vector<16x128x64xf32>
    %dot_general3A_63 = tpu.matmul %broadcast_in_dim3A_61, %reshape3A, %dot_general3A_62 {dimension_numbers = #tpu.dot_dimension_numbers<[2], [1], [1], [2], [0, 0, 0, 1, 1, 2], [0], [0]>, transpose_lhs_hint = false} : vector<16x128x128xbf16>, vector<16x128x64xbf16>, vector<16x128x64xf32> -> vector<16x128x64xf32>
    %convert_element_type3A_64 = arith.extf %reshape3A : vector<16x128x64xbf16> to vector<16x128x64xf32>
    %reduce_sum3A = arith.constant dense<0.000000e+00> : vector<16x64xf32>
    %reduce_sum3A_65 = vector.multi_reduction <add>, %convert_element_type3A_64, %reduce_sum3A [1] : vector<16x128x64xf32> to vector<16x64xf32>
    %iota3A_66 = tpu.iota {dimensions = array<i32: 0>} : vector<16x16xi32>
    %iota3A_67 = tpu.iota {dimensions = array<i32: 1>} : vector<16x16xi32>
    %lt3A_68 = arith.cmpi slt, %iota3A_67, %iota3A_66 : vector<16x16xi32>
    %convert_element_type3A_69 = arith.extui %lt3A_68 : vector<16x16xi1> to vector<16x16xi32>
    %convert_element_type3A_70 = arith.sitofp %convert_element_type3A_69 : vector<16x16xi32> to vector<16x16xf32>
    %convert_element_type3A_71 = arith.truncf %convert_element_type3A_70 : vector<16x16xf32> to vector<16x16xbf16>
    %convert_element_type3A_72 = arith.truncf %reduce_sum3A_65 : vector<16x64xf32> to vector<16x64xbf16>
    %dot_general3A_73 = arith.constant dense<0.000000e+00> : vector<16x64xf32>
    %dot_general3A_74 = tpu.matmul %convert_element_type3A_71, %convert_element_type3A_72, %dot_general3A_73 {dimension_numbers = #tpu.dot_dimension_numbers<[1], [0], [0], [1], [0, 0, 1, 1], [], []>, transpose_lhs_hint = false} : vector<16x16xbf16>, vector<16x64xbf16>, vector<16x64xf32> -> vector<16x64xf32>
    %broadcast_in_dim3A_75 = vector.shape_cast %dot_general3A_74 : vector<16x64xf32> to vector<16x1x64xf32>
    %add3A = vector.broadcast %broadcast_in_dim3A_75 : vector<16x1x64xf32> to vector<16x128x64xf32>
    %add3A_76 = arith.addf %dot_general3A_63, %add3A : vector<16x128x64xf32>
    %reshape3A_77 = vector.shape_cast %add3A_76 : vector<16x128x64xf32> to vector<2048x64xf32>
    %slice3A_78 = vector.extract_strided_slice %dot_general3A_74 {offsets = [15, 0], sizes = [1, 64], strides = [1, 1]} : vector<16x64xf32> to vector<1x64xf32>
    %slice3A_79 = vector.extract_strided_slice %reduce_sum3A_65 {offsets = [15, 0], sizes = [1, 64], strides = [1, 1]} : vector<16x64xf32> to vector<1x64xf32>
    %add3A_80 = arith.addf %slice3A_78, %slice3A_79 : vector<1x64xf32>
    %iota3A_81 = tpu.iota {dimensions = array<i32: 0>} : vector<64x64xi32>
    %iota3A_82 = tpu.iota {dimensions = array<i32: 1>} : vector<64x64xi32>
    %lt3A_83 = arith.cmpi slt, %iota3A_81, %iota3A_82 : vector<64x64xi32>
    %lt3A_84 = arith.constant 32 : i32
    %lt3A_85 = vector.broadcast %lt3A_84 : i32 to vector<64x64xi32>
    %lt3A_86 = arith.cmpi slt, %iota3A_81, %lt3A_85 : vector<64x64xi32>
    %lt3A_87 = arith.constant 32 : i32
    %lt3A_88 = vector.broadcast %lt3A_87 : i32 to vector<64x64xi32>
    %lt3A_89 = arith.cmpi slt, %iota3A_82, %lt3A_88 : vector<64x64xi32>
    %eq3A_90 = arith.xori %lt3A_86, %lt3A_89 : vector<64x64xi1>
    %eq3A_91 = arith.constant dense<true> : vector<64x64xi1>
    %eq3A_92 = arith.xori %eq3A_90, %eq3A_91 : vector<64x64xi1>
    %and3A = arith.andi %lt3A_83, %eq3A_92 : vector<64x64xi1>
    %convert_element_type3A_93 = arith.extui %and3A : vector<64x64xi1> to vector<64x64xi32>
    %convert_element_type3A_94 = arith.sitofp %convert_element_type3A_93 : vector<64x64xi32> to vector<64x64xf32>
    %dot_general3A_95 = arith.constant dense<0.000000e+00> : vector<1x64xf32>
    %dot_general3A_96 = tpu.matmul %add3A_80, %convert_element_type3A_94, %dot_general3A_95 {dimension_numbers = #tpu.dot_dimension_numbers<[1], [0], [0], [1], [0, 0, 1, 1], [], []>, precision = #tpu.contract_precision<fp32>, transpose_lhs_hint = false} : vector<1x64xf32>, vector<64x64xf32>, vector<1x64xf32> -> vector<1x64xf32>
    %add3A_97 = vector.broadcast %dot_general3A_96 : vector<1x64xf32> to vector<2048x64xf32>
    %add3A_98 = arith.addf %reshape3A_77, %add3A_97 : vector<2048x64xf32>
    %mul3A = arith.mulf %add3A_98, %concatenate3A_52 : vector<2048x64xf32>
    %iota3A_99 = tpu.iota {dimensions = array<i32: 0>} : vector<64x2xi32>
    %iota3A_100 = tpu.iota {dimensions = array<i32: 1>} : vector<64x2xi32>
    %jit3A_101 = arith.constant 32 : i32
    %div3A = vector.broadcast %jit3A_101 : i32 to vector<64x2xi32>
    %div3A_102 = arith.divsi %iota3A_99, %div3A : vector<64x2xi32>
    %sign3A = arith.constant 0 : i32
    %sign3A_103 = vector.broadcast %sign3A : i32 to vector<64x2xi32>
    %sign3A_104 = arith.cmpi sgt, %iota3A_99, %sign3A_103 : vector<64x2xi32>
    %sign3A_105 = arith.extui %sign3A_104 : vector<64x2xi1> to vector<64x2xi32>
    %sign3A_106 = arith.constant 0 : i32
    %sign3A_107 = vector.broadcast %sign3A_106 : i32 to vector<64x2xi32>
    %sign3A_108 = arith.cmpi slt, %iota3A_99, %sign3A_107 : vector<64x2xi32>
    %sign3A_109 = arith.extui %sign3A_108 : vector<64x2xi1> to vector<64x2xi32>
    %sign3A_110 = arith.subi %sign3A_105, %sign3A_109 : vector<64x2xi32>
    %sign3A_111 = arith.constant 0 : i32
    %sign3A_112 = arith.cmpi sgt, %jit3A_101, %sign3A_111 : i32
    %sign3A_113 = arith.extui %sign3A_112 : i1 to i32
    %sign3A_114 = arith.constant 0 : i32
    %sign3A_115 = arith.cmpi slt, %jit3A_101, %sign3A_114 : i32
    %sign3A_116 = arith.extui %sign3A_115 : i1 to i32
    %sign3A_117 = arith.subi %sign3A_113, %sign3A_116 : i32
    %ne3A = vector.broadcast %sign3A_117 : i32 to vector<64x2xi32>
    %ne3A_118 = arith.cmpi ne, %sign3A_110, %ne3A : vector<64x2xi32>
    %rem3A = vector.broadcast %jit3A_101 : i32 to vector<64x2xi32>
    %rem3A_119 = arith.remsi %iota3A_99, %rem3A : vector<64x2xi32>
    %ne3A_120 = arith.constant 0 : i32
    %ne3A_121 = vector.broadcast %ne3A_120 : i32 to vector<64x2xi32>
    %ne3A_122 = arith.cmpi ne, %rem3A_119, %ne3A_121 : vector<64x2xi32>
    %and3A_123 = arith.andi %ne3A_118, %ne3A_122 : vector<64x2xi1>
    %sub3A = arith.constant 1 : i32
    %sub3A_124 = vector.broadcast %sub3A : i32 to vector<64x2xi32>
    %sub3A_125 = arith.subi %div3A_102, %sub3A_124 : vector<64x2xi32>
    %select_n3A_126 = arith.select %and3A_123, %sub3A_125, %div3A_102 : vector<64x2xi1>, vector<64x2xi32>
    %eq3A_127 = arith.cmpi eq, %select_n3A_126, %iota3A_100 : vector<64x2xi32>
    %convert_element_type3A_128 = arith.extui %eq3A_127 : vector<64x2xi1> to vector<64x2xi32>
    %convert_element_type3A_129 = arith.sitofp %convert_element_type3A_128 : vector<64x2xi32> to vector<64x2xf32>
    %dot_general3A_130 = arith.constant dense<0.000000e+00> : vector<2048x2xf32>
    %dot_general3A_131 = tpu.matmul %mul3A, %convert_element_type3A_129, %dot_general3A_130 {dimension_numbers = #tpu.dot_dimension_numbers<[1], [0], [0], [1], [0, 0, 1, 1], [], []>, precision = #tpu.contract_precision<fp32>, transpose_lhs_hint = false} : vector<2048x64xf32>, vector<64x2xf32>, vector<2048x2xf32> -> vector<2048x2xf32>
    %convert_element_type3A_132 = arith.fptosi %dot_general3A_131 : vector<2048x2xf32> to vector<2048x2xi32>
    %transpose3A = tpu.transpose %convert_element_type3A_132, [1, 0] : vector<2048x2xi32> -> vector<2x2048xi32>
    %swap3A_133 = arith.constant 0 : index
    %swap3A_134 = arith.constant 0 : index
    %swap3A_135 = arith.constant 0 : index
    %swap3A_136 = vector.load %arg5[%swap3A_133, %swap3A_134, %swap3A_135] : memref<1x2x2048xi32, #tpu.memory_space<vmem>>, vector<1x2x2048xi32>
    %swap3A_137 = vector.shape_cast %swap3A_136 : vector<1x2x2048xi32> to vector<2x2048xi32>
    %swap3A_138 = vector.shape_cast %transpose3A : vector<2x2048xi32> to vector<1x2x2048xi32>
    tpu.vector_store %arg5[%swap3A_133, %swap3A_134, %swap3A_135], %swap3A_138 {strides = array<i32>} : memref<1x2x2048xi32, #tpu.memory_space<vmem>>, vector<1x2x2048xi32>,
    return
  }
  func.func @transform_0(%arg0: i32) -> (i32, i32, i32) {
    %c0_i32 = arith.constant 0 : i32
    %c0_i32_0 = arith.constant 0 : i32
    %c0_i32_1 = arith.constant 0 : i32
    return %arg0, %c0_i32, %c0_i32_0 : i32, i32, i32
  }
  func.func @transform_1(%arg0: i32) -> (i32, i32, i32) {
    %c0_i32 = arith.constant 0 : i32
    %c0_i32_0 = arith.constant 0 : i32
    %c0_i32_1 = arith.constant 0 : i32
    return %arg0, %c0_i32, %c0_i32_0 : i32, i32, i32
  }
  func.func @transform_2(%arg0: i32) -> (i32, i32, i32) {
    %c0_i32 = arith.constant 0 : i32
    %c0_i32_0 = arith.constant 0 : i32
    %c0_i32_1 = arith.constant 0 : i32
    return %arg0, %c0_i32, %c0_i32_0 : i32, i32, i32
  }
  func.func @transform_3(%arg0: i32) -> (i32, i32, i32) {
    %c0_i32 = arith.constant 0 : i32
    %c0_i32_0 = arith.constant 0 : i32
    %c0_i32_1 = arith.constant 0 : i32
    return %arg0, %c0_i32, %c0_i32_0 : i32, i32, i32
  }
  func.func @transform_4(%arg0: i32) -> (i32, i32, i32) {
    %c0_i32 = arith.constant 0 : i32
    %c0_i32_0 = arith.constant 0 : i32
    %c0_i32_1 = arith.constant 0 : i32
    return %arg0, %c0_i32, %c0_i32_0 : i32, i32, i32
  }
}

module attributes {stable_mosaic.version = 14 : i64} {
  func.func @_attn_body(%arg0: i32, %arg1: memref<1x2048x128xf32, #tpu.memory_space<vmem>>, %arg2: memref<1x32x64xi32, #tpu.memory_space<vmem>>, %arg3: memref<1x32x64xi32, #tpu.memory_space<vmem>>, %arg4: memref<1x2048x128xf32, #tpu.memory_space<vmem>>) attributes {dimension_semantics = [#tpu.dimension_semantics<arbitrary>], iteration_bounds = array<i64: 32>, scalar_prefetch = 0 : i64, scratch_operands = 0 : i64, tpu.core_type = #tpu.core_type<tc>, window_params = [{transform_indices = @transform_0, window_bounds = array<i64: 1, 2048, 128>}, {transform_indices = @transform_1, window_bounds = array<i64: 1, 32, 64>}, {transform_indices = @transform_2, window_bounds = array<i64: 1, 32, 64>}, {transform_indices = @transform_3, window_bounds = array<i64: 1, 2048, 128>}]} {
    %get3A = arith.constant 0 : index
    %get3A_0 = arith.constant 0 : index
    %get3A_1 = arith.constant 0 : index
    %get3A_2 = vector.load %arg1[%get3A, %get3A_0, %get3A_1] : memref<1x2048x128xf32, #tpu.memory_space<vmem>>, vector<1x2048x128xf32>
    %get3A_3 = vector.shape_cast %get3A_2 : vector<1x2048x128xf32> to vector<2048x128xf32>
    %slice3A = vector.extract_strided_slice %get3A_3 {offsets = [0, 0], sizes = [2048, 64], strides = [1, 1]} : vector<2048x128xf32> to vector<2048x64xf32>
    %reshape3A = vector.shape_cast %slice3A : vector<2048x64xf32> to vector<32x64x64xf32>
    %slice3A_4 = vector.extract_strided_slice %get3A_3 {offsets = [0, 64], sizes = [2048, 64], strides = [1, 1]} : vector<2048x128xf32> to vector<2048x64xf32>
    %reshape3A_5 = vector.shape_cast %slice3A_4 : vector<2048x64xf32> to vector<32x64x64xf32>
    %get3A_6 = arith.constant 0 : index
    %get3A_7 = arith.constant 0 : index
    %get3A_8 = arith.constant 0 : index
    %get3A_9 = vector.load %arg2[%get3A_6, %get3A_7, %get3A_8] : memref<1x32x64xi32, #tpu.memory_space<vmem>>, vector<1x32x64xi32>
    %get3A_10 = vector.shape_cast %get3A_9 : vector<1x32x64xi32> to vector<32x64xi32>
    %reshape3A_11 = vector.shape_cast %get3A_10 : vector<32x64xi32> to vector<32x64x1xi32>
    %get3A_12 = arith.constant 0 : index
    %get3A_13 = arith.constant 0 : index
    %get3A_14 = arith.constant 0 : index
    %get3A_15 = vector.load %arg3[%get3A_12, %get3A_13, %get3A_14] : memref<1x32x64xi32, #tpu.memory_space<vmem>>, vector<1x32x64xi32>
    %get3A_16 = vector.shape_cast %get3A_15 : vector<1x32x64xi32> to vector<32x64xi32>
    %reshape3A_17 = vector.shape_cast %get3A_16 : vector<32x64xi32> to vector<32x64x1xi32>
    %slice3A_18 = vector.extract_strided_slice %reshape3A {offsets = [31, 0, 0], sizes = [1, 64, 64], strides = [1, 1, 1]} : vector<32x64x64xf32> to vector<1x64x64xf32>
    %slice3A_19 = vector.extract_strided_slice %reshape3A {offsets = [0, 0, 0], sizes = [31, 64, 64], strides = [1, 1, 1]} : vector<32x64x64xf32> to vector<31x64x64xf32>
    %concatenate3A = tpu.concatenate %slice3A_18, %slice3A_19 in 0 : vector<1x64x64xf32>, vector<31x64x64xf32> -> vector<32x64x64xf32>
    %concatenate3A_20 = tpu.concatenate %concatenate3A, %reshape3A in 1 : vector<32x64x64xf32>, vector<32x64x64xf32> -> vector<32x128x64xf32>
    %slice3A_21 = vector.extract_strided_slice %reshape3A_5 {offsets = [31, 0, 0], sizes = [1, 64, 64], strides = [1, 1, 1]} : vector<32x64x64xf32> to vector<1x64x64xf32>
    %slice3A_22 = vector.extract_strided_slice %reshape3A_5 {offsets = [0, 0, 0], sizes = [31, 64, 64], strides = [1, 1, 1]} : vector<32x64x64xf32> to vector<31x64x64xf32>
    %concatenate3A_23 = tpu.concatenate %slice3A_21, %slice3A_22 in 0 : vector<1x64x64xf32>, vector<31x64x64xf32> -> vector<32x64x64xf32>
    %concatenate3A_24 = tpu.concatenate %concatenate3A_23, %reshape3A_5 in 1 : vector<32x64x64xf32>, vector<32x64x64xf32> -> vector<32x128x64xf32>
    %mul3A = arith.mulf %concatenate3A_20, %concatenate3A_20 : vector<32x128x64xf32>
    %reduce_sum3A = arith.constant dense<0.000000e+00> : vector<32x128xf32>
    %reduce_sum3A_25 = vector.multi_reduction <add>, %mul3A, %reduce_sum3A [2] : vector<32x128x64xf32> to vector<32x128xf32>
    %broadcast_in_dim3A = vector.shape_cast %reduce_sum3A_25 : vector<32x128xf32> to vector<32x128x1xf32>
    %max3A = arith.constant 9.99999996E-13 : f32
    %max3A_26 = vector.broadcast %max3A : f32 to vector<32x128x1xf32>
    %max3A_27 = arith.maximumf %broadcast_in_dim3A, %max3A_26 : vector<32x128x1xf32>
    %rsqrt3A = math.rsqrt %max3A_27 : vector<32x128x1xf32>
    %mul3A_28 = vector.broadcast %rsqrt3A : vector<32x128x1xf32> to vector<32x128x64xf32>
    %mul3A_29 = arith.mulf %concatenate3A_20, %mul3A_28 : vector<32x128x64xf32>
    %dot_general3A = arith.constant dense<0.000000e+00> : vector<32x64x128xf32>
    %dot_general3A_30 = tpu.matmul %reshape3A, %mul3A_29, %dot_general3A {dimension_numbers = #tpu.dot_dimension_numbers<[2], [2], [1], [1], [0, 0, 0, 1, 1, 1], [0], [0]>, transpose_lhs_hint = false} : vector<32x64x64xf32>, vector<32x128x64xf32>, vector<32x64x128xf32> -> vector<32x64x128xf32>
    %mul3A_31 = arith.constant 1.250000e-01 : f32
    %mul3A_32 = vector.broadcast %mul3A_31 : f32 to vector<32x64x128xf32>
    %mul3A_33 = arith.mulf %dot_general3A_30, %mul3A_32 : vector<32x64x128xf32>
    %slice3A_34 = vector.extract_strided_slice %get3A_10 {offsets = [31, 0], sizes = [1, 64], strides = [1, 1]} : vector<32x64xi32> to vector<1x64xi32>
    %slice3A_35 = vector.extract_strided_slice %get3A_10 {offsets = [0, 0], sizes = [31, 64], strides = [1, 1]} : vector<32x64xi32> to vector<31x64xi32>
    %concatenate3A_36 = tpu.concatenate %slice3A_34, %slice3A_35 in 0 : vector<1x64xi32>, vector<31x64xi32> -> vector<32x64xi32>
    %concatenate3A_37 = tpu.concatenate %concatenate3A_36, %get3A_10 in 1 : vector<32x64xi32>, vector<32x64xi32> -> vector<32x128xi32>
    %reshape3A_38 = vector.shape_cast %concatenate3A_37 : vector<32x128xi32> to vector<32x1x128xi32>
    %lt3A = vector.broadcast %reshape3A_11 : vector<32x64x1xi32> to vector<32x64x128xi32>
    %lt3A_39 = vector.broadcast %reshape3A_38 : vector<32x1x128xi32> to vector<32x64x128xi32>
    %lt3A_40 = arith.cmpi slt, %lt3A, %lt3A_39 : vector<32x64x128xi32>
    %jit3A = arith.constant -1.000000e+09 : f32
    %broadcast_in_dim3A_41 = vector.broadcast %jit3A : f32 to vector<32x64x128xf32>
    %select_n3A = arith.select %lt3A_40, %broadcast_in_dim3A_41, %mul3A_33 : vector<32x64x128xi1>, vector<32x64x128xf32>
    %eq3A = vector.broadcast %reshape3A_11 : vector<32x64x1xi32> to vector<32x64x128xi32>
    %eq3A_42 = vector.broadcast %reshape3A_38 : vector<32x1x128xi32> to vector<32x64x128xi32>
    %eq3A_43 = arith.cmpi eq, %eq3A, %eq3A_42 : vector<32x64x128xi32>
    %jit3A_44 = arith.constant -1.000000e+05 : f32
    %broadcast_in_dim3A_45 = vector.broadcast %jit3A_44 : f32 to vector<32x64x128xf32>
    %select_n3A_46 = arith.select %eq3A_43, %broadcast_in_dim3A_45, %select_n3A : vector<32x64x128xi1>, vector<32x64x128xf32>
    %slice3A_47 = vector.extract_strided_slice %reshape3A_17 {offsets = [31, 0, 0], sizes = [1, 64, 1], strides = [1, 1, 1]} : vector<32x64x1xi32> to vector<1x64x1xi32>
    %slice3A_48 = vector.extract_strided_slice %reshape3A_17 {offsets = [0, 0, 0], sizes = [31, 64, 1], strides = [1, 1, 1]} : vector<32x64x1xi32> to vector<31x64x1xi32>
    %concatenate3A_49 = tpu.concatenate %slice3A_47, %slice3A_48 in 0 : vector<1x64x1xi32>, vector<31x64x1xi32> -> vector<32x64x1xi32>
    %concatenate3A_50 = tpu.concatenate %concatenate3A_49, %reshape3A_17 in 1 : vector<32x64x1xi32>, vector<32x64x1xi32> -> vector<32x128x1xi32>
    %eq3A_51 = vector.broadcast %concatenate3A_50 : vector<32x128x1xi32> to vector<32x128x128xi32>
    %eq3A_52 = vector.broadcast %reshape3A_38 : vector<32x1x128xi32> to vector<32x128x128xi32>
    %eq3A_53 = arith.cmpi eq, %eq3A_51, %eq3A_52 : vector<32x128x128xi32>
    %convert_element_type3A = arith.extui %eq3A_53 : vector<32x128x128xi1> to vector<32x128x128xi32>
    %convert_element_type3A_54 = arith.sitofp %convert_element_type3A : vector<32x128x128xi32> to vector<32x128x128xf32>
    %reduce_sum3A_55 = arith.constant dense<0.000000e+00> : vector<32x128xf32>
    %reduce_sum3A_56 = vector.multi_reduction <add>, %convert_element_type3A_54, %reduce_sum3A_55 [1] : vector<32x128x128xf32> to vector<32x128xf32>
    %reshape3A_57 = vector.shape_cast %reduce_sum3A_56 : vector<32x128xf32> to vector<32x1x128xf32>
    %add3A = arith.constant 1.000000e+00 : f32
    %add3A_58 = vector.broadcast %add3A : f32 to vector<32x1x128xf32>
    %add3A_59 = arith.addf %add3A_58, %reshape3A_57 : vector<32x1x128xf32>
    %reduce_max3A = arith.constant dense<0xFF800000> : vector<32x64xf32>
    %reduce_max3A_60 = vector.multi_reduction <maximumf>, %select_n3A_46, %reduce_max3A [2] : vector<32x64x128xf32> to vector<32x64xf32>
    %broadcast_in_dim3A_61 = vector.shape_cast %reduce_max3A_60 : vector<32x64xf32> to vector<32x64x1xf32>
    %sub3A = vector.broadcast %broadcast_in_dim3A_61 : vector<32x64x1xf32> to vector<32x64x128xf32>
    %sub3A_62 = arith.subf %select_n3A_46, %sub3A : vector<32x64x128xf32>
    %exp3A = math.exp %sub3A_62 : vector<32x64x128xf32>
    %reduce_sum3A_63 = arith.constant dense<0.000000e+00> : vector<32x64xf32>
    %reduce_sum3A_64 = vector.multi_reduction <add>, %exp3A, %reduce_sum3A_63 [2] : vector<32x64x128xf32> to vector<32x64xf32>
    %broadcast_in_dim3A_65 = vector.shape_cast %reduce_sum3A_64 : vector<32x64xf32> to vector<32x64x1xf32>
    %log3A = math.log %broadcast_in_dim3A_65 : vector<32x64x1xf32>
    %add3A_66 = arith.addf %log3A, %broadcast_in_dim3A_61 : vector<32x64x1xf32>
    %mul3A_67 = vector.broadcast %broadcast_in_dim3A_65 : vector<32x64x1xf32> to vector<32x64x128xf32>
    %mul3A_68 = vector.broadcast %add3A_59 : vector<32x1x128xf32> to vector<32x64x128xf32>
    %mul3A_69 = arith.mulf %mul3A_67, %mul3A_68 : vector<32x64x128xf32>
    %div3A = arith.divf %exp3A, %mul3A_69 : vector<32x64x128xf32>
    %dot_general3A_70 = arith.constant dense<0.000000e+00> : vector<32x64x64xf32>
    %dot_general3A_71 = tpu.matmul %div3A, %concatenate3A_24, %dot_general3A_70 {dimension_numbers = #tpu.dot_dimension_numbers<[2], [1], [1], [2], [0, 0, 0, 1, 1, 2], [0], [0]>, transpose_lhs_hint = false} : vector<32x64x128xf32>, vector<32x128x64xf32>, vector<32x64x64xf32> -> vector<32x64x64xf32>
    %broadcast_in_dim3A_72 = vector.shape_cast %add3A_66 : vector<32x64x1xf32> to vector<32x64x1xf32>
    %broadcast_in_dim3A_73 = vector.broadcast %broadcast_in_dim3A_72 : vector<32x64x1xf32> to vector<32x64x64xf32>
    %concatenate3A_74 = tpu.concatenate %dot_general3A_71, %broadcast_in_dim3A_73 in 2 : vector<32x64x64xf32>, vector<32x64x64xf32> -> vector<32x64x128xf32>
    %reshape3A_75 = vector.shape_cast %concatenate3A_74 : vector<32x64x128xf32> to vector<2048x128xf32>
    %swap3A = arith.constant 0 : index
    %swap3A_76 = arith.constant 0 : index
    %swap3A_77 = arith.constant 0 : index
    %swap3A_78 = vector.load %arg4[%swap3A, %swap3A_76, %swap3A_77] : memref<1x2048x128xf32, #tpu.memory_space<vmem>>, vector<1x2048x128xf32>
    %swap3A_79 = vector.shape_cast %swap3A_78 : vector<1x2048x128xf32> to vector<2048x128xf32>
    %swap3A_80 = vector.shape_cast %reshape3A_75 : vector<2048x128xf32> to vector<1x2048x128xf32>
    tpu.vector_store %arg4[%swap3A, %swap3A_76, %swap3A_77], %swap3A_80 {strides = array<i32>} : memref<1x2048x128xf32, #tpu.memory_space<vmem>>, vector<1x2048x128xf32>,
    return
  }
  func.func @transform_0(%arg0: i32) -> (i32, i32, i32) {
    %c0_i32 = arith.constant 0 : i32
    %c0_i32_0 = arith.constant 0 : i32
    %c0_i32_1 = arith.constant 0 : i32
    return %arg0, %c0_i32, %c0_i32_0 : i32, i32, i32
  }
  func.func @transform_1(%arg0: i32) -> (i32, i32, i32) {
    %c0_i32 = arith.constant 0 : i32
    %c0_i32_0 = arith.constant 0 : i32
    %c0_i32_1 = arith.constant 0 : i32
    return %arg0, %c0_i32, %c0_i32_0 : i32, i32, i32
  }
  func.func @transform_2(%arg0: i32) -> (i32, i32, i32) {
    %add3A = arith.constant 1 : i32
    %add3A_0 = arith.addi %arg0, %add3A : i32
    %jit3A = arith.constant 2 : i32
    %eq3A = arith.constant 0 : i32
    %eq3A_1 = arith.cmpi eq, %jit3A, %eq3A : i32
    %jit3A_2 = arith.constant 1 : i32
    %select_n3A = arith.select %eq3A_1, %jit3A_2, %jit3A : i32
    %rem3A = arith.remsi %arg0, %select_n3A : i32
    %ne3A = arith.constant 0 : i32
    %ne3A_3 = arith.cmpi ne, %rem3A, %ne3A : i32
    %lt3A = arith.constant 0 : i32
    %lt3A_4 = arith.cmpi slt, %rem3A, %lt3A : i32
    %lt3A_5 = arith.constant 0 : i32
    %lt3A_6 = arith.cmpi slt, %select_n3A, %lt3A_5 : i32
    %ne3A_7 = arith.xori %lt3A_4, %lt3A_6 : i1
    %and3A = arith.andi %ne3A_7, %ne3A_3 : i1
    %add3A_8 = arith.addi %rem3A, %select_n3A : i32
    %select_n3A_9 = arith.select %and3A, %add3A_8, %rem3A : i32
    %mul3A = arith.constant 2 : i32
    %mul3A_10 = arith.muli %mul3A, %select_n3A_9 : i32
    %sub3A = arith.subi %add3A_0, %mul3A_10 : i32
    %c0_i32 = arith.constant 0 : i32
    %c0_i32_11 = arith.constant 0 : i32
    %c0_i32_12 = arith.constant 0 : i32
    return %sub3A, %c0_i32, %c0_i32_11 : i32, i32, i32
  }
  func.func @transform_3(%arg0: i32) -> (i32, i32, i32) {
    %c0_i32 = arith.constant 0 : i32
    %c0_i32_0 = arith.constant 0 : i32
    %c0_i32_1 = arith.constant 0 : i32
    return %arg0, %c0_i32, %c0_i32_0 : i32, i32, i32
  }
}

module attributes {stable_mosaic.version = 14 : i64} {
  func.func @_combine_body(%arg0: i32, %arg1: memref<1x2048x128xf32, #tpu.memory_space<vmem>>, %arg2: memref<1x2048x128xf32, #tpu.memory_space<vmem>>, %arg3: memref<1x1024x128xf32, #tpu.memory_space<vmem>>) attributes {dimension_semantics = [#tpu.dimension_semantics<arbitrary>], iteration_bounds = array<i64: 16>, scalar_prefetch = 0 : i64, scratch_operands = 0 : i64, tpu.core_type = #tpu.core_type<tc>, window_params = [{transform_indices = @transform_0, window_bounds = array<i64: 1, 2048, 128>}, {transform_indices = @transform_1, window_bounds = array<i64: 1, 2048, 128>}, {transform_indices = @transform_2, window_bounds = array<i64: 1, 1024, 128>}]} {
    %get3A = arith.constant 0 : index
    %get3A_0 = arith.constant 0 : index
    %get3A_1 = arith.constant 0 : index
    %get3A_2 = vector.load %arg1[%get3A, %get3A_0, %get3A_1] : memref<1x2048x128xf32, #tpu.memory_space<vmem>>, vector<1x2048x128xf32>
    %get3A_3 = vector.shape_cast %get3A_2 : vector<1x2048x128xf32> to vector<2048x128xf32>
    %get3A_4 = arith.constant 0 : index
    %get3A_5 = arith.constant 0 : index
    %get3A_6 = arith.constant 0 : index
    %get3A_7 = vector.load %arg2[%get3A_4, %get3A_5, %get3A_6] : memref<1x2048x128xf32, #tpu.memory_space<vmem>>, vector<1x2048x128xf32>
    %get3A_8 = vector.shape_cast %get3A_7 : vector<1x2048x128xf32> to vector<2048x128xf32>
    %slice3A = vector.extract_strided_slice %get3A_3 {offsets = [0, 0], sizes = [2048, 64], strides = [1, 1]} : vector<2048x128xf32> to vector<2048x64xf32>
    %slice3A_9 = vector.extract_strided_slice %get3A_3 {offsets = [0, 64], sizes = [2048, 1], strides = [1, 1]} : vector<2048x128xf32> to vector<2048x1xf32>
    %slice3A_10 = vector.extract_strided_slice %get3A_8 {offsets = [0, 0], sizes = [2048, 64], strides = [1, 1]} : vector<2048x128xf32> to vector<2048x64xf32>
    %slice3A_11 = vector.extract_strided_slice %get3A_8 {offsets = [0, 64], sizes = [2048, 1], strides = [1, 1]} : vector<2048x128xf32> to vector<2048x1xf32>
    %max3A = arith.maximumf %slice3A_9, %slice3A_11 : vector<2048x1xf32>
    %sub3A = arith.subf %slice3A_9, %max3A : vector<2048x1xf32>
    %exp3A = math.exp %sub3A : vector<2048x1xf32>
    %sub3A_12 = arith.subf %slice3A_11, %max3A : vector<2048x1xf32>
    %exp3A_13 = math.exp %sub3A_12 : vector<2048x1xf32>
    %add3A = arith.addf %exp3A, %exp3A_13 : vector<2048x1xf32>
    %div3A = arith.divf %exp3A, %add3A : vector<2048x1xf32>
    %mul3A = vector.broadcast %div3A : vector<2048x1xf32> to vector<2048x64xf32>
    %mul3A_14 = arith.mulf %mul3A, %slice3A : vector<2048x64xf32>
    %div3A_15 = arith.divf %exp3A_13, %add3A : vector<2048x1xf32>
    %mul3A_16 = vector.broadcast %div3A_15 : vector<2048x1xf32> to vector<2048x64xf32>
    %mul3A_17 = arith.mulf %mul3A_16, %slice3A_10 : vector<2048x64xf32>
    %add3A_18 = arith.addf %mul3A_14, %mul3A_17 : vector<2048x64xf32>
    %reshape3A = vector.shape_cast %add3A_18 : vector<2048x64xf32> to vector<1024x2x64xf32>
    %slice3A_19 = vector.extract_strided_slice %reshape3A {offsets = [0, 0, 0], sizes = [1024, 1, 64], strides = [1, 1, 1]} : vector<1024x2x64xf32> to vector<1024x1x64xf32>
    %squeeze3A = vector.shape_cast %slice3A_19 : vector<1024x1x64xf32> to vector<1024x64xf32>
    %slice3A_20 = vector.extract_strided_slice %reshape3A {offsets = [0, 1, 0], sizes = [1024, 1, 64], strides = [1, 1, 1]} : vector<1024x2x64xf32> to vector<1024x1x64xf32>
    %squeeze3A_21 = vector.shape_cast %slice3A_20 : vector<1024x1x64xf32> to vector<1024x64xf32>
    %concatenate3A = tpu.concatenate %squeeze3A, %squeeze3A_21 in 1 : vector<1024x64xf32>, vector<1024x64xf32> -> vector<1024x128xf32>
    %swap3A = arith.constant 0 : index
    %swap3A_22 = arith.constant 0 : index
    %swap3A_23 = arith.constant 0 : index
    %swap3A_24 = vector.load %arg3[%swap3A, %swap3A_22, %swap3A_23] : memref<1x1024x128xf32, #tpu.memory_space<vmem>>, vector<1x1024x128xf32>
    %swap3A_25 = vector.shape_cast %swap3A_24 : vector<1x1024x128xf32> to vector<1024x128xf32>
    %swap3A_26 = vector.shape_cast %concatenate3A : vector<1024x128xf32> to vector<1x1024x128xf32>
    tpu.vector_store %arg3[%swap3A, %swap3A_22, %swap3A_23], %swap3A_26 {strides = array<i32>} : memref<1x1024x128xf32, #tpu.memory_space<vmem>>, vector<1x1024x128xf32>,
    return
  }
  func.func @transform_0(%arg0: i32) -> (i32, i32, i32) {
    %mul3A = arith.constant 2 : i32
    %mul3A_0 = arith.muli %mul3A, %arg0 : i32
    %c0_i32 = arith.constant 0 : i32
    %c0_i32_1 = arith.constant 0 : i32
    %c0_i32_2 = arith.constant 0 : i32
    return %mul3A_0, %c0_i32, %c0_i32_1 : i32, i32, i32
  }
  func.func @transform_1(%arg0: i32) -> (i32, i32, i32) {
    %mul3A = arith.constant 2 : i32
    %mul3A_0 = arith.muli %mul3A, %arg0 : i32
    %add3A = arith.constant 1 : i32
    %add3A_1 = arith.addi %mul3A_0, %add3A : i32
    %c0_i32 = arith.constant 0 : i32
    %c0_i32_2 = arith.constant 0 : i32
    %c0_i32_3 = arith.constant 0 : i32
    return %add3A_1, %c0_i32, %c0_i32_2 : i32, i32, i32
  }
  func.func @transform_2(%arg0: i32) -> (i32, i32, i32) {
    %c0_i32 = arith.constant 0 : i32
    %c0_i32_0 = arith.constant 0 : i32
    %c0_i32_1 = arith.constant 0 : i32
    return %arg0, %c0_i32, %c0_i32_0 : i32, i32, i32
  }
}

</mosaic_0001>

<sc_bundles>
// kernel: kernel.12.cloned.1.call-start
scs
__scs_entry_jumppad:
0x0: {  	(pc) =	sbr.rel $0x88, $3  }
0x1: {  	(tag) =	ssettag $0x0;
	lr =	simm.s32 $0x1  }
0x2: {  	[smem:$0x3F9E] =	sst lr;
	_ =	strace $0xD0000000  }
0x3: {  	_ = 	snop  }
0x4: {  	_ = 	snop  }
0x5: {  	_ = 	snop  }
0x6: {  	_ = 	snop  }
0x7: {  	_ = 	snop  }
__scs_overlays_trampoline_lowered:
0x8: {  	[smem:$0x3FAD] =	sst s0  }
0x9: {  	[smem:$0x3FAE] =	sst s1  }
0xa: {  	[smem:$0x3FAF] =	sst s2  }
0xb: {  	[smem:$0x3FB0] =	sst s3  }
0xc: {  	[smem:$0x3FB1] =	sst s4  }
0xd: {  	[smem:$0x3FB2] =	sst s5  }
0xe: {  	[smem:$0x3FB3] =	sst s6  }
0xf: {  	[smem:$0x3FB4] =	sst s7  }
0x10: {  	[smem:$0x3FB5] =	sst s8  }
0x11: {  	[smem:$0x3FB6] =	sst s9;
	s0 =	simm.s32 @!p0 $0x0  }
0x12: {  	s1 =	sld [smem:$0x3F9C];
	s0 =	simm.s32 @p0 $0x1  }
0x13: {  	[smem:$0x3FB7] =	sst s0;
	s0 =	simm.s32 @!p1 $0x0  }
0x14: {  	s2 =	sld [smem:$0x3F9B];
	s0 =	simm.s32 @p1 $0x1  }
0x15: {  	[smem:$0x3FB8] =	sst s0;
	s0 =	simm.s32 @!p2 $0x0  }
0x16: {  	s3 =	sld [smem:$0x3FDB];
	s0 =	simm.s32 @p2 $0x1  }
0x17: {  	s4 =	simm.s32 $0x1BF5;
	[smem:$0x3FBA] =	sst s0  }
0x18: {  	s0 =	sld [smem:$0x3F9D];
	_ =	swait.ge [sflag:s4], $0x0  }
0x19: {  	s7 =	sld [smem:$0x3F9E]  }
0x1a: {  	s8 =	sadd.s32 $0xFFFFE003, lr  }
0x1b: {  	s9 =	sadd.s32 $0xFFFFFEF7, lr;
	s5 =	simm.s32 $0xFFFFFFFF;
	p2 =	slt.u32 s8, $0xFFFFF086  }
0x1c: {  	p1 =	slt.u32 s9, $0xF7A;
	s5 =	simm.s32 @!p2 $0x0  }
0x1d: {  	s5 =	simm.s32 @p1 $0x1;
	p0 =	seq.s32 s7, s2  }
0x1e: {  	s7 =	smul.u32 @!p0 $0xF7A, s2;
	p2 =	seq.s32 @!p0 s5, $0x0  }
0x1f: {  	s9 =	smul.u32 $0xF7A, s1;
	s8 =	simm.s32 @!p0 $0x1BF5;
	p2 =	por !p2, p0  }
0x20: {  	[sflag:s8] =	ssyncset.s32 @!p0 $0xFFFFF086;
	s6 =	sadd.s32 @!p0 s3, s7;
	s7 =	simm.s32 @!p0 $0x108  }
0x21: {  	s3 =	sadd.s32 s3, s9;
	s6 =	sadd.s32 @!p0 $0x88, s6;
	s7 =	simm.s32 @p2 $0x1082  }
0x22: {  	[simem:s7], [sflag:s8] =	dma.local @!p0 [hbm:s6], $0xF7A  }
0x23: {  	s9 =	sor.u32 $0xD0000000, s2;
	s6 =	simm.s32 $0x108;
	_ =	swait.ge @!p0 [sflag:s8], $0x0  }
0x24: {  	s3 =	sadd.s32 $0x88, s3;
	s6 =	simm.s32 @!p1 $0x1082;
	[sflag:s4] =	ssyncset.s32 $0xFFFFF086  }
0x25: {  	[simem:s6], [sflag:s4] =	dma.local [hbm:s3], $0xF7A  }
0x26: {  	[smem:$0x3F9E] =	sst s1;
	(tag) =	ssettag s2;
	_ =	strace s9  }
0x27: {  	s1 =	sld [smem:$0x3FAE]  }
0x28: {  	s2 =	sld [smem:$0x3FAF]  }
0x29: {  	s4 =	sld [smem:$0x3FB1]  }
0x2a: {  	p0 =	seq.s32 s5, $0x0;
	s5 =	sld [smem:$0x3FB2]  }
0x2b: {  	s6 =	sld [smem:$0x3FB3]  }
0x2c: {  	s7 =	sld [smem:$0x3FB4]  }
0x2d: {  	s3 =	simm.s32 $0x108;
	s8 =	sld [smem:$0x3FB5]  }
0x2e: {  	s3 =	simm.s32 @!p0 $0x1082;
	s9 =	sld [smem:$0x3FB6]  }
0x2f: {  	lr =	sadd.s32 s0, s3;
	s0 =	sld [smem:$0x3FAD]  }
0x30: {  	s3 =	sld [smem:$0x3FB0]  }
0x31: {  	[smem:$0x3FB9] =	sst s10  }
0x32: {  	s10 =	sld [smem:$0x3FB7];
	_ =	sdelay $0x3  }
0x33: {  	p0 =	seq.s32 s10, $0x1;
	s10 =	sld [smem:$0x3FB9];
	_ =	sdelay $0x3  }
0x34: {  	[smem:$0x3FB9] =	sst s10  }
0x35: {  	s10 =	sld [smem:$0x3FB8];
	_ =	sdelay $0x3  }
0x36: {  	p1 =	seq.s32 s10, $0x1;
	s10 =	sld [smem:$0x3FB9];
	_ =	sdelay $0x3  }
0x37: {  	[smem:$0x3FB9] =	sst s10  }
0x38: {  	s10 =	sld [smem:$0x3FBA]  }
0x39: {  	_ = 	snop;
	(pc) =	sbr.ind lr, $3  }
0x3a: {  	_ = 	snop  }
0x3b: {  	_ = 	snop  }
0x3c: {  	p2 =	seq.s32 s10, $0x1;
	s10 =	sld [smem:$0x3FB9]  }
0x3d: {  	_ =	shalt  }
0x3e: {  	_ =	shalt  }
0x3f: {  	_ =	shalt  }
0x40: {  	_ =	shalt  }
0x41: {  	_ =	shalt  }
0x42: {  	_ =	shalt  }
0x43: {  	_ =	shalt  }
0x44: {  	_ =	shalt  }
0x45: {  	_ =	shalt  }
0x46: {  	_ =	shalt  }
0x47: {  	_ =	shalt  }
0x48: {  	_ =	shalt  }
0x49: {  	_ =	shalt  }
0x4a: {  	_ =	shalt  }
0x4b: {  	_ =	shalt  }
0x4c: {  	_ =	shalt  }
0x4d: {  	_ =	shalt  }
0x4e: {  	_ =	shalt  }
0x4f: {  	_ =	shalt  }
0x50: {  	_ =	shalt  }
0x51: {  	_ =	shalt  }
0x52: {  	_ =	shalt  }
0x53: {  	_ =	shalt  }
0x54: {  	_ =	shalt  }
0x55: {  	_ =	shalt  }
0x56: {  	_ =	shalt  }
0x57: {  	_ =	shalt  }
0x58: {  	_ =	shalt  }
0x59: {  	_ =	shalt  }
0x5a: {  	_ =	shalt  }
0x5b: {  	_ =	shalt  }
0x5c: {  	_ =	shalt  }
0x5d: {  	_ =	shalt  }
0x5e: {  	_ =	shalt  }
0x5f: {  	_ =	shalt  }
0x60: {  	_ =	shalt  }
0x61: {  	_ =	shalt  }
0x62: {  	_ =	shalt  }
0x63: {  	_ =	shalt  }
0x64: {  	_ =	shalt  }
0x65: {  	_ =	shalt  }
0x66: {  	_ =	shalt  }
0x67: {  	_ =	shalt  }
0x68: {  	_ =	shalt  }
0x69: {  	_ =	shalt  }
0x6a: {  	_ =	shalt  }
0x6b: {  	_ =	shalt  }
0x6c: {  	_ =	shalt  }
0x6d: {  	_ =	shalt  }
0x6e: {  	_ =	shalt  }
0x6f: {  	_ =	shalt  }
0x70: {  	_ =	shalt  }
0x71: {  	_ =	shalt  }
0x72: {  	_ =	shalt  }
0x73: {  	_ =	shalt  }
0x74: {  	_ =	shalt  }
0x75: {  	_ =	shalt  }
0x76: {  	_ =	shalt  }
0x77: {  	_ =	shalt  }
0x78: {  	_ =	shalt  }
0x79: {  	_ =	shalt  }
0x7a: {  	_ =	shalt  }
0x7b: {  	_ =	shalt  }
0x7c: {  	_ =	shalt  }
0x7d: {  	_ =	shalt  }
0x7e: {  	_ =	shalt  }
0x7f: {  	_ =	shalt  }
0x80: {  	_ =	shalt  }
0x81: {  	_ =	shalt  }
0x82: {  	_ =	shalt  }
0x83: {  	_ =	shalt  }
0x84: {  	_ =	shalt  }
0x85: {  	_ =	shalt  }
0x86: {  	_ =	shalt  }
0x87: {  	_ =	shalt  }
.Lfunc_end0:
.L_simem_size_0:
called_computation_lowered:
.L_overlay_start_0:
0x88: {  	s2 =	sld [smem:$0x3FD9]  }
0x89: {  	s3 =	sld [smem:$0x3FFE];
	_ =	sdelay $0x1  }
0x8a: {  	s1 =	srdreg.scid  }
0x8b: {  	s0 =	sand.u32 $0x1, s1  }
0x8c: {  	s16 =	sshll.u32 s0, $0xA;
	s2 =	sadd.s32 s3, s2  }
0x8d: {  	s2 =	sadd.s32 s2, s16  }
0x8e: {  	[smem:$0x3FC5] =	sst s2  }
0x8f: {  	_ = 	snop  }
0x90: {  	(tm) =	ssettm $0x1  }
0x91: {  	s17 =	sld [smem:$0x3FFB];
	_ =	sdelay $0x3  }
0x92: {  	_ =	strace s17  }
0x93: {  	s2 =	sld [smem:$0x3FFC];
	_ =	sdelay $0x3  }
0x94: {  	_ =	strace s2  }
0x95: {  	s2 =	sld [smem:$0x3FFD];
	_ =	sdelay $0x3  }
0x96: {  	_ =	strace s2  }
0x97: {  	_ =	strace $0x8FFFFFFF  }
0x98: {  	s18 =	sld [smem:$0x3FDB];
	_ =	sdelay $0x1  }
0x99: {  	s19 =	simm.s32 $_scs_section_size  }
0x9a: {  	s4 =	simm.s32 $_size__tile_overlayer_lowered;
	s5 =	simm.s32 $_tile_overlayer_lowered  }
0x9b: {  	s22 =	simm.s32 $0x1BFF;
	s21 =	sshll.u32 s5, $0x1;
	s2 =	sadd.s32 s19, s18  }
0x9c: {  	s6 =	simm.s32 $0x0;
	s20 =	sshll.u32 s4, $0x1;
	s4 =	sadd.s32 s21, s2  }
0x9d: {  	[timem:s6], [sflag:s22] =	dma.local [hbm:s4], s20  }
0x9e: {  	_ =	swait.ge [sflag:s22], s20  }
0x9f: {  	s3 =	ssub.s32 $0x0, s20;
	[sflag:s22] =	ssyncset.done $0x0  }
0xa0: {  	[sflag:s22] =	ssyncadd.s32 s3;
	_ =	sdelay $0x1  }
0xa1: {  	s23 =	simm.s32 $0x1B8B  }
0xa2: {  	_ =	swait.ge [sflag:s23], $0x1  }
0xa3: {  	[sflag:s23] =	ssyncset.done $0x0  }
0xa4: {  	s25 =	simm.s32 $0x1B8E;
	s24 =	sld [smem:$0x3FFE];
	[sflag:s23] =	ssyncadd.s32 $0xFFFFFFFF  }
0xa5: {  	s26 =	simm.s32 $execute0_lowered;
	[smem:$0x3FD2] =	sst s25  }
0xa6: {  	s4 =	sshll.u32 s26, $0x1;
	_ =	strace $0x80000046;
	[dreg:$0x1] =	wrdreg $0xFFFFFFFF  }
0xa7: {  	s28 =	simm.s32 $_size_execute0_lowered;
	s2 =	sadd.s32 s2, s4;
	[dreg:$0x0] =	wrdreg $0x0  }
0xa8: {  	s4 =	sshll.u32 s28, $0x1;
	[dreg:$0x2] =	wrdreg s2  }
0xa9: {  	[dreg:$0x3] =	wrdreg s4  }
0xaa: {  	[dreg:$0x4] =	wrdreg $0xC0  }
0xab: {  	_ =	task [dreg:s6], $0x5FFFF  }
0xac: {  	[dreg:$0x1] =	wrdreg $0xFFFFFFFF  }
0xad: {  	[dreg:$0x0] =	wrdreg $0x60  }
0xae: {  	[dreg:$0x2] =	wrdreg s24  }
0xaf: {  	[dreg:$0x3] =	wrdreg $0x9  }
0xb0: {  	_ =	task.clear_ibuf [dreg:s6], $0x4FFFF;
	_ =	strace $0x90000046  }
0xb1: {  	s29 =	simm.s32 $0x9;
	_ =	strace $0x80000048  }
0xb2: {  	_ =	swait.ge [sflag:s29], $0x1  }
0xb3: {  	[sflag:s29] =	ssyncadd.s32 $0xFFFFFFFF  }
0xb4: {  	_ =	strace $0x90000048  }
0xb5: {  	_ =	sfence  }
0xb6: {  	s30 =	sld [smem:$0x0];
	_ =	sdelay $0x2  }
0xb7: {  	s31 =	sshll.u32 s1, $0xD;
	s1 =	sshrl.u32 s1, $0x2  }
0xb8: {  	s3 =	sand.u32 $0x4000, s31;
	s1 =	sadd.s32 s1, s30  }
0xb9: {  	s0 =	sor.u32 s3, s0;
	s1 =	sshll.u32 s1, $0x11  }
0xba: {  	s0 =	sor.u32 s1, s0  }
0xbb: {  	s0 =	sadd.s32 $0x8F2B, s0  }
0xbc: {  	[sflag:s0] =	ssyncadd.remote.s32 $0x1  }
0xbd: {  	_ =	sfence.sel $0xFFFF  }
0xbe: {  	[dreg:$0x0] =	wrdreg $0xFFFFFFFF;
	(pc) =	sbr.abs _section_cstart, $3  }
0xbf: {  	[dreg:$0x1] =	wrdreg $0xFFFFFFFF  }
0xc0: {  	_ =	task.clear_ibuf [dreg:s6], $0x2FFFF;
	_ =	strace $0x9FFFFFFF  }
0xc1: {  	(tm) =	ssettm $0x7FFFFFFF  }
tec
execute0_lowered:
.L_overlay_start_1:
0x0: {  	(tag) =	ssettag $0x1  }
0x1: {  	s0 =	srdreg.scid;
	s3 =	stileid.u32;
	s2 =	simm.s32 $0x1  }
0x2: {  	s7 =	rddreg [dreg:$0x0];
	s12 =	simm.s32 $0x80;
	s14 =	simm.s32 $0x2  }
0x3: {  	s15 =	simm.s32 $0x800;
	s16 =	simm.s32 $0x1000;
	s18 =	simm.s32 $0x1800  }
0x4: {  	s20 =	simm.s32 $0x5800;
	s22 =	simm.s32 $0x9800;
	s24 =	simm.s32 $0xD800  }
0x5: {  	s29 =	simm.s32 $0x1380;
	s30 =	simm.s32 $0x1400;
	s31 =	simm.s32 $0x1480  }
0x6: {  	s13 =	simm.s32 $0x1600;
	s17 =	simm.s32 $0x1680;
	s21 =	simm.s32 $0x1780  }
0x7: {  	s23 =	simm.s32 $0x0;
	s0 =	sand.u32 $0x1, s0;
	s1 =	sshll.u32 s3, $0x1  }
0x8: {  	s1 =	sor.u32 s0, s1;
	p1 =	seq.s32 s0, $0x1;
	s26 =	sshll.u32 s0, $0x7  }
0x9: {  	s0 =	ssub.s32 $0x2, s0;
	p0 =	seq.s32 s1, $0x0;
	s6 =	sshll.u32 s1, $0xB  }
0xa: {  	s9 =	sshll.u32 s1, $0x7;
	s1 =	sshll.u32 s1, $0xF;
	p0 =	por !p0, !p1  }
0xb: {  	s28 =	sshrl.u32 s0, $0x1;
	s1 =	sadd.s32 s1, s7;
	p0 =	por !p0, !p0  }
0xc: {  	s0 =	ssub.s32 s0, s28;
	s10 =	sadd.s32 $0xCD600, s1;
	s2 =	simm.s32 @!p0 $0x0  }
0xd: {  	s11 =	smax.u32 s0, $0x1;
	s5 =	ssub.s32 s3, s2;
	s2 =	simm.s32 $0x0  }
0xe: {  	s0 =	simm.s32 $0x1580;
	s3 =	sshll.u32 s5, $0xC;
	[smem:$0x7FF] =	sst s2  }
0xf: {  	s19 =	sshll.u32 s5, $0xB;
	s4 =	ssub.s32 s6, s3;
	_ =	strace $0x80000047  }
0x10: {  	v0 =	vlaneseq.u32;
	s6 =	sor.u32 s9, s6;
	s9 =	sadd.s32 $0xCB600, s1;
	s4 =	sand.u32 $0xFFFFF000, s4  }
0x11: {  	v1 =	vor.u32 s19, v0;
	s19 =	simm.s32 $0x1700;
	s6 =	sand.u32 $0xC380, s6;
	s3 =	sadd.s32 s3, s4  }
0x12: {  	s6 =	sshrl.u32 s6, $0x3;
	s4 =	sor.u32 s26, s3;
	s3 =	sadd.s32 $0x43600, s7  }
0x13: {  	s6 =	sadd.s32 s6, s7;
	s8 =	sshrl.u32 s4, $0x3;
	s4 =	simm.s32 $0x1  }
0x14: {  	s6 =	sadd.s32 $0xC5600, s6;
	s8 =	sadd.s32 s8, s7;
	s7 =	sadd.s32 $0xC7600, s1  }
0x15: {  	s5 =	sadd.s32 $0xC3600, s8;
	s8 =	sadd.s32 $0xC9600, s1;
	s1 =	simm.s32 $0x1500  }
.LBB2_1:
0x16: {  	s25 =	simm.s32 $0x100  }
0x17: {  	[tilespmem:s2], [sflag:$0x2] =	stream.strided.gather [hbm4b:s5+s12], $0x800, s25, s12, $0x38;
	[tilespmem:$0x11800] =	vst v63  }
0x18: {  	_ =	swait.ge [sflag:s14], $0x800  }
0x19: {  	[sflag:s14] =	ssyncset.done $0x0  }
0x1a: {  	[sflag:s14] =	ssyncadd.s32 $0xFFFFF800  }
0x1b: {  	v2 =	vld [tilespmem:s2+$0x0]  }
0x1c: {  	s26 =	simm.s32 $0x10;
	s28 =	simm.s32 $0x0;
	s25 =	simm.s32 $0x0  }
.LBB2_2:
0x1d: {  	p0 =	sne.s32 s26, $0x7F0;
	_ =	sdelay $0x4  }
.Ltmp0:
0x1e: {  	v3 =	vor.u32 s25, v0;
	(pc) =	sbr.rel @p0 .LBB2_2-.Ltmp0, $4  }
0x1f: {  	[tilespmem:v2+s15+$0x0] =	vst.idx.msk $0xffff, v3;
	v3 =	vor.u32 s25, v1;
	s25 =	smov.u32 s26  }
0x20: {  	s28 =	sadd.s32 $0x10, s28;
	[tilespmem:v2+s16+$0x0] =	vst.idx.msk $0xffff, v3  }
0x21: {  	v2 =	vld [tilespmem:s28+$0x0]  }
0x22: {  	s26 =	sadd.s32 $0x10, s26  }
0x23: {  	_ =	sdelay $0x5  }
0x24: {  	v3 =	vor.u32 s25, v0  }
0x25: {  	v4 =	vor.u32 s25, v1;
	[tilespmem:v2+s15+$0x0] =	vst.idx.msk $0xffff, v3  }
0x26: {  	s28 =	simm.s32 $0x400;
	[tilespmem:v2+s16+$0x0] =	vst.idx.msk $0xffff, v4  }
0x27: {  	[hbm4b:s6+s12] =	stream.strided.scatter [tilespmem:s15], [sflag:$0x2], $0x800, s28, s12, $0x38;
	[tilespmem:$0x11800] =	vst v63  }
0x28: {  	_ =	swait.ge [sflag:s14], $0x800  }
0x29: {  	[sflag:s14] =	ssyncset.done $0x0  }
0x2a: {  	[sflag:s14] =	ssyncadd.s32 $0xFFFFF800  }
0x2b: {  	[tilespmem:s18], [sflag:$0x1] =	stream.indirect.gather [hbm4b:s3+s12], $0x80, s16, s12, $0xb8;
	[tilespmem:$0x11800] =	vst v63  }
0x2c: {  	s26 =	simm.s32 $0x1080  }
0x2d: {  	[tilespmem:s20], [sflag:$0x1] =	stream.indirect.gather [hbm4b:s3+s12], $0x80, s26, s12, $0xb8;
	[tilespmem:$0x11800] =	vst v63  }
0x2e: {  	s28 =	simm.s32 $0x1100  }
0x2f: {  	[tilespmem:s22], [sflag:$0x1] =	stream.indirect.gather [hbm4b:s3+s12], $0x80, s28, s12, $0xb8;
	[tilespmem:$0x11800] =	vst v63  }
0x30: {  	s26 =	simm.s32 $0x1180  }
0x31: {  	[tilespmem:s24], [sflag:$0x1] =	stream.indirect.gather [hbm4b:s3+s12], $0x80, s26, s12, $0xb8;
	[tilespmem:$0x11800] =	vst v63  }
0x32: {  	_ =	swait.ge [sflag:s4], $0x4000  }
0x33: {  	[sflag:s4] =	ssyncset.done $0x0  }
0x34: {  	[sflag:s4] =	ssyncadd.s32 $0xFFFFC000  }
0x35: {  	_ =	swait.ge [sflag:s4], $0x4000  }
0x36: {  	[sflag:s4] =	ssyncset.done $0x0  }
0x37: {  	[sflag:s4] =	ssyncadd.s32 $0xFFFFC000  }
0x38: {  	_ =	swait.ge [sflag:s4], $0x4000  }
0x39: {  	[sflag:s4] =	ssyncset.done $0x0  }
0x3a: {  	[sflag:s4] =	ssyncadd.s32 $0xFFFFC000  }
0x3b: {  	_ =	swait.ge [sflag:s4], $0x4000  }
0x3c: {  	[sflag:s4] =	ssyncset.done $0x0  }
0x3d: {  	[sflag:s4] =	ssyncadd.s32 $0xFFFFC000  }
0x3e: {  	[hbm4b:s7+s2] =	stream.linear.scatter [tilespmem:s18], [sflag:$0x2], $0x10000, $0x38;
	[tilespmem:$0x11800] =	vst v63  }
0x3f: {  	_ =	swait.ge [sflag:s14], $0x10000  }
0x40: {  	[sflag:s14] =	ssyncset.done $0x0  }
0x41: {  	s28 =	simm.s32 $0x1200;
	[sflag:s14] =	ssyncadd.s32 $0xFFFF0000  }
0x42: {  	[tilespmem:s18], [sflag:$0x1] =	stream.indirect.gather [hbm4b:s3+s12], $0x80, s28, s12, $0xb8;
	[tilespmem:$0x11800] =	vst v63  }
0x43: {  	s26 =	simm.s32 $0x1280  }
0x44: {  	[tilespmem:s20], [sflag:$0x1] =	stream.indirect.gather [hbm4b:s3+s12], $0x80, s26, s12, $0xb8;
	[tilespmem:$0x11800] =	vst v63  }
0x45: {  	s28 =	simm.s32 $0x1300  }
0x46: {  	[tilespmem:s22], [sflag:$0x1] =	stream.indirect.gather [hbm4b:s3+s12], $0x80, s28, s12, $0xb8;
	[tilespmem:$0x11800] =	vst v63  }
0x47: {  	_ = 	snop  }
0x48: {  	[tilespmem:s24], [sflag:$0x1] =	stream.indirect.gather [hbm4b:s3+s12], $0x80, s29, s12, $0xb8;
	[tilespmem:$0x11800] =	vst v63  }
0x49: {  	_ =	swait.ge [sflag:s4], $0x4000  }
0x4a: {  	[sflag:s4] =	ssyncset.done $0x0  }
0x4b: {  	[sflag:s4] =	ssyncadd.s32 $0xFFFFC000  }
0x4c: {  	_ =	swait.ge [sflag:s4], $0x4000  }
0x4d: {  	[sflag:s4] =	ssyncset.done $0x0  }
0x4e: {  	[sflag:s4] =	ssyncadd.s32 $0xFFFFC000  }
0x4f: {  	_ =	swait.ge [sflag:s4], $0x4000  }
0x50: {  	[sflag:s4] =	ssyncset.done $0x0  }
0x51: {  	[sflag:s4] =	ssyncadd.s32 $0xFFFFC000  }
0x52: {  	_ =	swait.ge [sflag:s4], $0x4000  }
0x53: {  	[sflag:s4] =	ssyncset.done $0x0  }
0x54: {  	[sflag:s4] =	ssyncadd.s32 $0xFFFFC000  }
0x55: {  	[hbm4b:s8+s2] =	stream.linear.scatter [tilespmem:s18], [sflag:$0x2], $0x10000, $0x38;
	[tilespmem:$0x11800] =	vst v63  }
0x56: {  	_ =	swait.ge [sflag:s14], $0x10000  }
0x57: {  	[sflag:s14] =	ssyncset.done $0x0  }
0x58: {  	[sflag:s14] =	ssyncadd.s32 $0xFFFF0000  }
0x59: {  	[tilespmem:s18], [sflag:$0x1] =	stream.indirect.gather [hbm4b:s3+s12], $0x80, s30, s12, $0xb8;
	[tilespmem:$0x11800] =	vst v63  }
0x5a: {  	_ = 	snop  }
0x5b: {  	[tilespmem:s20], [sflag:$0x1] =	stream.indirect.gather [hbm4b:s3+s12], $0x80, s31, s12, $0xb8;
	[tilespmem:$0x11800] =	vst v63  }
0x5c: {  	_ = 	snop  }
0x5d: {  	[tilespmem:s22], [sflag:$0x1] =	stream.indirect.gather [hbm4b:s3+s12], $0x80, s1, s12, $0xb8;
	[tilespmem:$0x11800] =	vst v63  }
0x5e: {  	_ = 	snop  }
0x5f: {  	[tilespmem:s24], [sflag:$0x1] =	stream.indirect.gather [hbm4b:s3+s12], $0x80, s0, s12, $0xb8;
	[tilespmem:$0x11800] =	vst v63  }
0x60: {  	_ =	swait.ge [sflag:s4], $0x4000  }
0x61: {  	[sflag:s4] =	ssyncset.done $0x0  }
0x62: {  	[sflag:s4] =	ssyncadd.s32 $0xFFFFC000  }
0x63: {  	_ =	swait.ge [sflag:s4], $0x4000  }
0x64: {  	[sflag:s4] =	ssyncset.done $0x0  }
0x65: {  	[sflag:s4] =	ssyncadd.s32 $0xFFFFC000  }
0x66: {  	_ =	swait.ge [sflag:s4], $0x4000  }
0x67: {  	[sflag:s4] =	ssyncset.done $0x0  }
0x68: {  	[sflag:s4] =	ssyncadd.s32 $0xFFFFC000  }
0x69: {  	_ =	swait.ge [sflag:s4], $0x4000  }
0x6a: {  	[sflag:s4] =	ssyncset.done $0x0  }
0x6b: {  	[sflag:s4] =	ssyncadd.s32 $0xFFFFC000  }
0x6c: {  	[hbm4b:s9+s2] =	stream.linear.scatter [tilespmem:s18], [sflag:$0x2], $0x10000, $0x38;
	[tilespmem:$0x11800] =	vst v63  }
0x6d: {  	_ =	swait.ge [sflag:s14], $0x10000  }
0x6e: {  	[sflag:s14] =	ssyncset.done $0x0  }
0x6f: {  	[sflag:s14] =	ssyncadd.s32 $0xFFFF0000  }
0x70: {  	[tilespmem:s18], [sflag:$0x1] =	stream.indirect.gather [hbm4b:s3+s12], $0x80, s13, s12, $0xb8;
	[tilespmem:$0x11800] =	vst v63  }
0x71: {  	_ = 	snop  }
0x72: {  	[tilespmem:s20], [sflag:$0x1] =	stream.indirect.gather [hbm4b:s3+s12], $0x80, s17, s12, $0xb8;
	[tilespmem:$0x11800] =	vst v63  }
0x73: {  	_ = 	snop  }
0x74: {  	[tilespmem:s22], [sflag:$0x1] =	stream.indirect.gather [hbm4b:s3+s12], $0x80, s19, s12, $0xb8;
	[tilespmem:$0x11800] =	vst v63  }
0x75: {  	_ = 	snop  }
0x76: {  	[tilespmem:s24], [sflag:$0x1] =	stream.indirect.gather [hbm4b:s3+s12], $0x80, s21, s12, $0xb8;
	[tilespmem:$0x11800] =	vst v63  }
0x77: {  	_ =	swait.ge [sflag:s4], $0x4000  }
0x78: {  	[sflag:s4] =	ssyncset.done $0x0  }
0x79: {  	[sflag:s4] =	ssyncadd.s32 $0xFFFFC000  }
0x7a: {  	_ =	swait.ge [sflag:s4], $0x4000  }
0x7b: {  	[sflag:s4] =	ssyncset.done $0x0  }
0x7c: {  	[sflag:s4] =	ssyncadd.s32 $0xFFFFC000  }
0x7d: {  	_ =	swait.ge [sflag:s4], $0x4000  }
0x7e: {  	[sflag:s4] =	ssyncset.done $0x0  }
0x7f: {  	[sflag:s4] =	ssyncadd.s32 $0xFFFFC000  }
0x80: {  	s23 =	sadd.s32 $0x1, s23;
	_ =	swait.ge [sflag:s4], $0x4000  }
0x81: {  	p0 =	sne.s32 s23, s11;
	[sflag:s4] =	ssyncset.done $0x0  }
.Ltmp1:
0x82: {  	[sflag:s4] =	ssyncadd.s32 $0xFFFFC000;
	(pc) =	sbr.rel @p0 .LBB2_1-.Ltmp1, $4  }
0x83: {  	[hbm4b:s10+s2] =	stream.linear.scatter [tilespmem:s18], [sflag:$0x2], $0x10000, $0x38;
	[tilespmem:$0x11800] =	vst v63  }
0x84: {  	_ =	swait.ge [sflag:s14], $0x10000  }
0x85: {  	[sflag:s14] =	ssyncset.done $0x0  }
0x86: {  	[sflag:s14] =	ssyncadd.s32 $0xFFFF0000  }
0x87: {  	_ =	sfence.sel $0x180000  }
0x88: {  	[bflag:$0x0] =	sbarrier.arrive $0xFFFF  }
0x89: {  	_ =	strace $0x90000047  }
0x8a: {  	s0 =	stileid.u32;
	[bflag:$0x2] =	sbarrier.arrive $0xFFFF  }
0x8b: {  	p0 =	sne.s32 s0, $0x0;
	s0 =	rddreg [dreg:$0x1]  }
0x8c: {  	s0 =	sadd.s32 @!p0 $0x100000, s0  }
0x8d: {  	[sflag:s0] =	ssyncadd.tile.s32 @!p0 $0x1;
	_ =	shalt  }
.Lfunc_end2:
_tile_overlayer_lowered:
.L_overlay_start_2:
0x8e: {  	(tag) =	ssettag $0x2  }
0x8f: {  	s0 =	rddreg [dreg:$0x0];
	s2 =	stileid.u32  }
0x90: {  	s1 =	rddreg [dreg:$0x1];
	p0 =	sne.s32 s2, $0x0  }
0x91: {  	s3 =	rddreg [dreg:$0x2];
	[bflag:$0x3] =	sbarrier.arrive $0xFFFF;
	s2 =	simm.s32 @!p0 $0x1C02  }
0x92: {  	[timem:s3], [sflag:s2] =	dma.local @!p0 [hbm:s0], s1  }
0x93: {  	s0 =	simm.s32 @!p0 $0x2  }
0x94: {  	_ =	swait.ge @!p0 [sflag:s0], s1  }
0x95: {  	s1 =	ssub.s32 @!p0 $0x0, s1;
	[sflag:s0] =	ssyncset.done @!p0 $0x0  }
0x96: {  	[sflag:s0] =	ssyncadd.s32 @!p0 s1  }
0x97: {  	[bflag:$0x3] =	sbarrier.arrive $0xFFFF  }
0x98: {  	_ =	shalt  }

// kernel: kernel.15.cloned.1.call-start
scs
__scs_entry_jumppad:
0x0: {  	(pc) =	sbr.rel $0x88, $3  }
0x1: {  	(tag) =	ssettag $0x0;
	lr =	simm.s32 $0x1  }
0x2: {  	[smem:$0x3F9E] =	sst lr;
	_ =	strace $0xD0000000  }
0x3: {  	_ = 	snop  }
0x4: {  	_ = 	snop  }
0x5: {  	_ = 	snop  }
0x6: {  	_ = 	snop  }
0x7: {  	_ = 	snop  }
__scs_overlays_trampoline_lowered:
0x8: {  	[smem:$0x3FAD] =	sst s0  }
0x9: {  	[smem:$0x3FAE] =	sst s1  }
0xa: {  	[smem:$0x3FAF] =	sst s2  }
0xb: {  	[smem:$0x3FB0] =	sst s3  }
0xc: {  	[smem:$0x3FB1] =	sst s4  }
0xd: {  	[smem:$0x3FB2] =	sst s5  }
0xe: {  	[smem:$0x3FB3] =	sst s6  }
0xf: {  	[smem:$0x3FB4] =	sst s7  }
0x10: {  	[smem:$0x3FB5] =	sst s8  }
0x11: {  	[smem:$0x3FB6] =	sst s9;
	s0 =	simm.s32 @!p0 $0x0  }
0x12: {  	s1 =	sld [smem:$0x3F9C];
	s0 =	simm.s32 @p0 $0x1  }
0x13: {  	[smem:$0x3FB7] =	sst s0;
	s0 =	simm.s32 @!p1 $0x0  }
0x14: {  	s2 =	sld [smem:$0x3F9B];
	s0 =	simm.s32 @p1 $0x1  }
0x15: {  	[smem:$0x3FB8] =	sst s0;
	s0 =	simm.s32 @!p2 $0x0  }
0x16: {  	s3 =	sld [smem:$0x3FDB];
	s0 =	simm.s32 @p2 $0x1  }
0x17: {  	s4 =	simm.s32 $0x1BF5;
	[smem:$0x3FBA] =	sst s0  }
0x18: {  	s0 =	sld [smem:$0x3F9D];
	_ =	swait.ge [sflag:s4], $0x0  }
0x19: {  	s7 =	sld [smem:$0x3F9E]  }
0x1a: {  	s8 =	sadd.s32 $0xFFFFE003, lr  }
0x1b: {  	s9 =	sadd.s32 $0xFFFFFEF7, lr;
	s5 =	simm.s32 $0xFFFFFFFF;
	p2 =	slt.u32 s8, $0xFFFFF086  }
0x1c: {  	p1 =	slt.u32 s9, $0xF7A;
	s5 =	simm.s32 @!p2 $0x0  }
0x1d: {  	s5 =	simm.s32 @p1 $0x1;
	p0 =	seq.s32 s7, s2  }
0x1e: {  	s7 =	smul.u32 @!p0 $0xF7A, s2;
	p2 =	seq.s32 @!p0 s5, $0x0  }
0x1f: {  	s9 =	smul.u32 $0xF7A, s1;
	s8 =	simm.s32 @!p0 $0x1BF5;
	p2 =	por !p2, p0  }
0x20: {  	[sflag:s8] =	ssyncset.s32 @!p0 $0xFFFFF086;
	s6 =	sadd.s32 @!p0 s3, s7;
	s7 =	simm.s32 @!p0 $0x108  }
0x21: {  	s3 =	sadd.s32 s3, s9;
	s6 =	sadd.s32 @!p0 $0x88, s6;
	s7 =	simm.s32 @p2 $0x1082  }
0x22: {  	[simem:s7], [sflag:s8] =	dma.local @!p0 [hbm:s6], $0xF7A  }
0x23: {  	s9 =	sor.u32 $0xD0000000, s2;
	s6 =	simm.s32 $0x108;
	_ =	swait.ge @!p0 [sflag:s8], $0x0  }
0x24: {  	s3 =	sadd.s32 $0x88, s3;
	s6 =	simm.s32 @!p1 $0x1082;
	[sflag:s4] =	ssyncset.s32 $0xFFFFF086  }
0x25: {  	[simem:s6], [sflag:s4] =	dma.local [hbm:s3], $0xF7A  }
0x26: {  	[smem:$0x3F9E] =	sst s1;
	(tag) =	ssettag s2;
	_ =	strace s9  }
0x27: {  	s1 =	sld [smem:$0x3FAE]  }
0x28: {  	s2 =	sld [smem:$0x3FAF]  }
0x29: {  	s4 =	sld [smem:$0x3FB1]  }
0x2a: {  	p0 =	seq.s32 s5, $0x0;
	s5 =	sld [smem:$0x3FB2]  }
0x2b: {  	s6 =	sld [smem:$0x3FB3]  }
0x2c: {  	s7 =	sld [smem:$0x3FB4]  }
0x2d: {  	s3 =	simm.s32 $0x108;
	s8 =	sld [smem:$0x3FB5]  }
0x2e: {  	s3 =	simm.s32 @!p0 $0x1082;
	s9 =	sld [smem:$0x3FB6]  }
0x2f: {  	lr =	sadd.s32 s0, s3;
	s0 =	sld [smem:$0x3FAD]  }
0x30: {  	s3 =	sld [smem:$0x3FB0]  }
0x31: {  	[smem:$0x3FB9] =	sst s10  }
0x32: {  	s10 =	sld [smem:$0x3FB7];
	_ =	sdelay $0x3  }
0x33: {  	p0 =	seq.s32 s10, $0x1;
	s10 =	sld [smem:$0x3FB9];
	_ =	sdelay $0x3  }
0x34: {  	[smem:$0x3FB9] =	sst s10  }
0x35: {  	s10 =	sld [smem:$0x3FB8];
	_ =	sdelay $0x3  }
0x36: {  	p1 =	seq.s32 s10, $0x1;
	s10 =	sld [smem:$0x3FB9];
	_ =	sdelay $0x3  }
0x37: {  	[smem:$0x3FB9] =	sst s10  }
0x38: {  	s10 =	sld [smem:$0x3FBA]  }
0x39: {  	_ = 	snop;
	(pc) =	sbr.ind lr, $3  }
0x3a: {  	_ = 	snop  }
0x3b: {  	_ = 	snop  }
0x3c: {  	p2 =	seq.s32 s10, $0x1;
	s10 =	sld [smem:$0x3FB9]  }
0x3d: {  	_ =	shalt  }
0x3e: {  	_ =	shalt  }
0x3f: {  	_ =	shalt  }
0x40: {  	_ =	shalt  }
0x41: {  	_ =	shalt  }
0x42: {  	_ =	shalt  }
0x43: {  	_ =	shalt  }
0x44: {  	_ =	shalt  }
0x45: {  	_ =	shalt  }
0x46: {  	_ =	shalt  }
0x47: {  	_ =	shalt  }
0x48: {  	_ =	shalt  }
0x49: {  	_ =	shalt  }
0x4a: {  	_ =	shalt  }
0x4b: {  	_ =	shalt  }
0x4c: {  	_ =	shalt  }
0x4d: {  	_ =	shalt  }
0x4e: {  	_ =	shalt  }
0x4f: {  	_ =	shalt  }
0x50: {  	_ =	shalt  }
0x51: {  	_ =	shalt  }
0x52: {  	_ =	shalt  }
0x53: {  	_ =	shalt  }
0x54: {  	_ =	shalt  }
0x55: {  	_ =	shalt  }
0x56: {  	_ =	shalt  }
0x57: {  	_ =	shalt  }
0x58: {  	_ =	shalt  }
0x59: {  	_ =	shalt  }
0x5a: {  	_ =	shalt  }
0x5b: {  	_ =	shalt  }
0x5c: {  	_ =	shalt  }
0x5d: {  	_ =	shalt  }
0x5e: {  	_ =	shalt  }
0x5f: {  	_ =	shalt  }
0x60: {  	_ =	shalt  }
0x61: {  	_ =	shalt  }
0x62: {  	_ =	shalt  }
0x63: {  	_ =	shalt  }
0x64: {  	_ =	shalt  }
0x65: {  	_ =	shalt  }
0x66: {  	_ =	shalt  }
0x67: {  	_ =	shalt  }
0x68: {  	_ =	shalt  }
0x69: {  	_ =	shalt  }
0x6a: {  	_ =	shalt  }
0x6b: {  	_ =	shalt  }
0x6c: {  	_ =	shalt  }
0x6d: {  	_ =	shalt  }
0x6e: {  	_ =	shalt  }
0x6f: {  	_ =	shalt  }
0x70: {  	_ =	shalt  }
0x71: {  	_ =	shalt  }
0x72: {  	_ =	shalt  }
0x73: {  	_ =	shalt  }
0x74: {  	_ =	shalt  }
0x75: {  	_ =	shalt  }
0x76: {  	_ =	shalt  }
0x77: {  	_ =	shalt  }
0x78: {  	_ =	shalt  }
0x79: {  	_ =	shalt  }
0x7a: {  	_ =	shalt  }
0x7b: {  	_ =	shalt  }
0x7c: {  	_ =	shalt  }
0x7d: {  	_ =	shalt  }
0x7e: {  	_ =	shalt  }
0x7f: {  	_ =	shalt  }
0x80: {  	_ =	shalt  }
0x81: {  	_ =	shalt  }
0x82: {  	_ =	shalt  }
0x83: {  	_ =	shalt  }
0x84: {  	_ =	shalt  }
0x85: {  	_ =	shalt  }
0x86: {  	_ =	shalt  }
0x87: {  	_ =	shalt  }
.Lfunc_end0:
.L_simem_size_0:
called_computation.1_lowered:
.L_overlay_start_0:
0x88: {  	s2 =	sld [smem:$0x3FD9]  }
0x89: {  	s3 =	sld [smem:$0x3FFE];
	_ =	sdelay $0x1  }
0x8a: {  	s1 =	srdreg.scid  }
0x8b: {  	s0 =	sand.u32 $0x1, s1  }
0x8c: {  	s17 =	sshll.u32 s0, $0xA;
	s2 =	sadd.s32 s3, s2  }
0x8d: {  	s2 =	sadd.s32 s2, s17  }
0x8e: {  	[smem:$0x3FC5] =	sst s2  }
0x8f: {  	_ = 	snop  }
0x90: {  	(tm) =	ssettm $0x1  }
0x91: {  	s18 =	sld [smem:$0x3FFB];
	_ =	sdelay $0x3  }
0x92: {  	_ =	strace s18  }
0x93: {  	s2 =	sld [smem:$0x3FFC];
	_ =	sdelay $0x3  }
0x94: {  	_ =	strace s2  }
0x95: {  	s2 =	sld [smem:$0x3FFD];
	_ =	sdelay $0x3  }
0x96: {  	_ =	strace s2  }
0x97: {  	_ =	strace $0x8FFFFFFF  }
0x98: {  	s19 =	sld [smem:$0x3FDB];
	_ =	sdelay $0x1  }
0x99: {  	s20 =	simm.s32 $_scs_section_size  }
0x9a: {  	s4 =	simm.s32 $_size__tile_overlayer_lowered;
	s5 =	simm.s32 $_tile_overlayer_lowered  }
0x9b: {  	s6 =	simm.s32 $0x1BFF;
	s21 =	sshll.u32 s5, $0x1;
	s3 =	sadd.s32 s20, s19  }
0x9c: {  	s22 =	simm.s32 $0x0;
	s4 =	sshll.u32 s4, $0x1;
	s5 =	sadd.s32 s21, s3  }
0x9d: {  	[timem:s22], [sflag:s6] =	dma.local [hbm:s5], s4  }
0x9e: {  	_ =	swait.ge [sflag:s6], s4  }
0x9f: {  	s4 =	ssub.s32 $0x0, s4;
	[sflag:s6] =	ssyncset.done $0x0  }
0xa0: {  	[sflag:s6] =	ssyncadd.s32 s4;
	_ =	sdelay $0x1  }
0xa1: {  	s23 =	simm.s32 $0x1B8B  }
0xa2: {  	_ =	swait.ge [sflag:s23], $0x1  }
0xa3: {  	[sflag:s23] =	ssyncset.done $0x0  }
0xa4: {  	[sflag:s23] =	ssyncadd.s32 $0xFFFFFFFF  }
0xa5: {  	s4 =	sld [smem:$0x0]  }
0xa6: {  	s5 =	sand.u32 $0xFFFFFFFE, s1  }
0xa7: {  	p0 =	sne.s32 s1, s5  }
0xa8: {  	s5 =	sshll.u32 @p0 s5, $0xE  }
0xa9: {  	s5 =	sadd.s32 @p0 $0x11B8D, s5;
	s6 =	sshll.u32 @p0 s4, $0x11  }
0xaa: {  	s5 =	sor.u32 @p0 s6, s5  }
0xab: {  	[sflag:s5] =	ssyncadd.remote.s32 @p0 $0x1;
	_ =	sdelay $0x1  }
0xac: {  	s5 =	simm.s32 @p0 $0x1B8D  }
0xad: {  	_ =	swait.eq @p0 [sflag:s5], $0x1  }
0xae: {  	[sflag:s5] =	ssyncadd.s32 @p0 $0xFFFFFFFF  }
0xaf: {  	s6 =	sshll.u32 @!p0 s1, $0xE  }
0xb0: {  	s6 =	sor.u32 @!p0 $0x4000, s6;
	s5 =	simm.s32 @!p0 $0x1B8D  }
0xb1: {  	s4 =	sshll.u32 @!p0 s4, $0x11;
	s6 =	sadd.s32 @!p0 $0x11B8D, s6;
	_ =	swait.eq @!p0 [sflag:s5], $0x1  }
0xb2: {  	s4 =	sor.u32 @!p0 s4, s6;
	[sflag:s5] =	ssyncadd.s32 @!p0 $0xFFFFFFFF  }
0xb3: {  	s25 =	simm.s32 $0x1B8E;
	s24 =	sld [smem:$0x3FFE];
	[sflag:s4] =	ssyncadd.remote.s32 @!p0 $0x1  }
0xb4: {  	s26 =	simm.s32 $execute0_lowered;
	[smem:$0x3FD2] =	sst s25  }
0xb5: {  	s5 =	sshll.u32 s26, $0x1;
	_ =	strace $0x8000004C;
	[dreg:$0x1] =	wrdreg $0xFFFFFFFF  }
0xb6: {  	s28 =	simm.s32 $_size_execute0_lowered;
	s3 =	sadd.s32 s3, s5;
	[dreg:$0x0] =	wrdreg $0x0  }
0xb7: {  	s5 =	sshll.u32 s28, $0x1;
	[dreg:$0x2] =	wrdreg s3  }
0xb8: {  	[dreg:$0x3] =	wrdreg s5  }
0xb9: {  	[dreg:$0x4] =	wrdreg $0xC0  }
0xba: {  	_ =	task [dreg:s22], $0x5FFFF  }
0xbb: {  	[dreg:$0x1] =	wrdreg $0xFFFFFFFF  }
0xbc: {  	[dreg:$0x0] =	wrdreg $0x60  }
0xbd: {  	[dreg:$0x2] =	wrdreg s24  }
0xbe: {  	[dreg:$0x3] =	wrdreg $0x9  }
0xbf: {  	_ =	task.clear_ibuf [dreg:s22], $0x4FFFF;
	_ =	strace $0x9000004C  }
0xc0: {  	s29 =	simm.s32 $0x9;
	_ =	strace $0x8000004E  }
0xc1: {  	_ =	swait.ge [sflag:s29], $0x1  }
0xc2: {  	[sflag:s29] =	ssyncadd.s32 $0xFFFFFFFF  }
0xc3: {  	_ =	strace $0x9000004E  }
0xc4: {  	_ =	sfence  }
0xc5: {  	s30 =	sld [smem:$0x0];
	_ =	sdelay $0x2  }
0xc6: {  	s31 =	sshll.u32 s1, $0xD;
	s1 =	sshrl.u32 s1, $0x2  }
0xc7: {  	s4 =	sand.u32 $0x4000, s31;
	s1 =	sadd.s32 s1, s30  }
0xc8: {  	s0 =	sor.u32 s4, s0;
	s1 =	sshll.u32 s1, $0x11  }
0xc9: {  	s0 =	sor.u32 s1, s0  }
0xca: {  	s0 =	sadd.s32 $0x8F2B, s0  }
0xcb: {  	[sflag:s0] =	ssyncadd.remote.s32 $0x1  }
0xcc: {  	_ =	sfence.sel $0xFFFF  }
0xcd: {  	[dreg:$0x0] =	wrdreg $0xFFFFFFFF;
	(pc) =	sbr.abs _section_cstart, $3  }
0xce: {  	[dreg:$0x1] =	wrdreg $0xFFFFFFFF  }
0xcf: {  	_ =	task.clear_ibuf [dreg:s22], $0x2FFFF;
	_ =	strace $0x9FFFFFFF  }
0xd0: {  	(tm) =	ssettm $0x7FFFFFFF  }
0xd1: {  	_ =	shalt  }
tec
execute0_lowered:
.L_overlay_start_1:
0x0: {  	(tag) =	ssettag $0x1  }
0x1: {  	s0 =	srdreg.scid;
	s3 =	stileid.u32;
	s2 =	simm.s32 $0x1  }
0x2: {  	s5 =	rddreg [dreg:$0x0];
	s11 =	simm.s32 $0x80;
	s13 =	simm.s32 $0x2  }
0x3: {  	s15 =	simm.s32 $0x1000;
	s17 =	simm.s32 $0x5000;
	s19 =	simm.s32 $0x9000  }
0x4: {  	s21 =	simm.s32 $0xD000;
	s22 =	simm.s32 $0xA00;
	s23 =	simm.s32 $0xA80  }
0x5: {  	s24 =	simm.s32 $0xB00;
	s0 =	sand.u32 $0x1, s0;
	s1 =	sshll.u32 s3, $0x1  }
0x6: {  	s25 =	simm.s32 $0xB80;
	s28 =	simm.s32 $0xC80;
	s1 =	sor.u32 s0, s1  }
0x7: {  	s29 =	simm.s32 $0xD00;
	p1 =	seq.s32 s0, $0x1;
	p0 =	seq.s32 s1, $0x0  }
0x8: {  	s30 =	simm.s32 $0xD80;
	s31 =	simm.s32 $0xE00;
	p0 =	por !p0, !p1  }
0x9: {  	s14 =	simm.s32 $0x0;
	s7 =	sshll.u32 s0, $0x7;
	p0 =	por !p0, !p0  }
0xa: {  	s0 =	ssub.s32 $0x2, s0;
	s12 =	sshll.u32 s1, $0xB;
	s2 =	simm.s32 @!p0 $0x0  }
0xb: {  	s1 =	sshll.u32 s1, $0xF;
	s26 =	sshrl.u32 s0, $0x1;
	s3 =	ssub.s32 s3, s2  }
0xc: {  	s1 =	sadd.s32 s1, s5;
	s0 =	ssub.s32 s0, s26;
	s4 =	sshll.u32 s3, $0xC  }
0xd: {  	s26 =	simm.s32 $0xC00;
	s8 =	sadd.s32 $0xC9600, s1;
	s3 =	ssub.s32 s12, s4  }
0xe: {  	s9 =	sadd.s32 $0xCB600, s1;
	s2 =	simm.s32 $0x0;
	s6 =	sand.u32 $0xFFFFF000, s3  }
0xf: {  	s10 =	smax.u32 s0, $0x1;
	[smem:$0x7FF] =	sst s2;
	s6 =	sadd.s32 s4, s6  }
0x10: {  	s0 =	simm.s32 $0xF00;
	_ =	strace $0x8000004D;
	s6 =	sor.u32 s7, s6  }
0x11: {  	v0 =	vmov s12;
	s12 =	simm.s32 $0xF80;
	s3 =	sadd.s32 $0x2C7600, s5;
	s6 =	sshrl.u32 s6, $0x3  }
0x12: {  	s4 =	simm.s32 $0x1;
	s7 =	sadd.s32 $0xC7600, s1;
	s6 =	sadd.s32 s6, s5  }
0x13: {  	s5 =	sadd.s32 $0xC3600, s6;
	s6 =	sadd.s32 $0xC5600, s1;
	s1 =	simm.s32 $0xE80  }
.LBB2_1:
0x14: {  	s16 =	simm.s32 $0x100  }
0x15: {  	[tilespmem:s2], [sflag:$0x2] =	stream.strided.gather [hbm4b:s5+s11], $0x800, s16, s11, $0x38;
	[tilespmem:$0x11000] =	vst v63  }
0x16: {  	_ =	swait.ge [sflag:s13], $0x800  }
0x17: {  	[sflag:s13] =	ssyncset.done $0x0  }
0x18: {  	s16 =	simm.s32 $0x0;
	[sflag:s13] =	ssyncadd.s32 $0xFFFFF800  }
0x19: {  	s18 =	simm.s32 $0x40;
	v1 =	vld [tilespmem:s16+$0x0]  }
.LBB2_2:
0x1a: {  	p0 =	sne.s32 s18, $0x1FC0  }
.Ltmp0:
0x1b: {  	_ = 	snop;
	(pc) =	sbr.rel @p0 .LBB2_2-.Ltmp0, $3  }
0x1c: {  	_ =	sdelay $0x1  }
0x1d: {  	s20 =	sshra.s32 s18, $0x2;
	s18 =	sadd.s32 $0x40, s18;
	v2 =	vadd.s32 v0, v1  }
0x1e: {  	v1 =	vld [tilespmem:s20+$0x0];
	[tilespmem:s16+$0x800] =	vst v2;
	s16 =	smov.u32 s20  }
0x1f: {  	_ =	sdelay $0x3  }
0x20: {  	v1 =	vadd.s32 v0, v1  }
0x21: {  	s18 =	simm.s32 $0x800;
	[tilespmem:s16+$0x800] =	vst v1  }
0x22: {  	[tilespmem:s15], [sflag:$0x1] =	stream.indirect.gather [hbm4b:s3+s11], $0x80, s18, s11, $0xb8;
	[tilespmem:$0x11000] =	vst v63  }
0x23: {  	s20 =	simm.s32 $0x880  }
0x24: {  	[tilespmem:s17], [sflag:$0x1] =	stream.indirect.gather [hbm4b:s3+s11], $0x80, s20, s11, $0xb8;
	[tilespmem:$0x11000] =	vst v63  }
0x25: {  	s18 =	simm.s32 $0x900  }
0x26: {  	[tilespmem:s19], [sflag:$0x1] =	stream.indirect.gather [hbm4b:s3+s11], $0x80, s18, s11, $0xb8;
	[tilespmem:$0x11000] =	vst v63  }
0x27: {  	s20 =	simm.s32 $0x980  }
0x28: {  	[tilespmem:s21], [sflag:$0x1] =	stream.indirect.gather [hbm4b:s3+s11], $0x80, s20, s11, $0xb8;
	[tilespmem:$0x11000] =	vst v63  }
0x29: {  	_ =	swait.ge [sflag:s4], $0x4000  }
0x2a: {  	[sflag:s4] =	ssyncset.done $0x0  }
0x2b: {  	[sflag:s4] =	ssyncadd.s32 $0xFFFFC000  }
0x2c: {  	_ =	swait.ge [sflag:s4], $0x4000  }
0x2d: {  	[sflag:s4] =	ssyncset.done $0x0  }
0x2e: {  	[sflag:s4] =	ssyncadd.s32 $0xFFFFC000  }
0x2f: {  	_ =	swait.ge [sflag:s4], $0x4000  }
0x30: {  	[sflag:s4] =	ssyncset.done $0x0  }
0x31: {  	[sflag:s4] =	ssyncadd.s32 $0xFFFFC000  }
0x32: {  	_ =	swait.ge [sflag:s4], $0x4000  }
0x33: {  	[sflag:s4] =	ssyncset.done $0x0  }
0x34: {  	[sflag:s4] =	ssyncadd.s32 $0xFFFFC000  }
0x35: {  	[hbm4b:s6+s2] =	stream.linear.scatter [tilespmem:s15], [sflag:$0x2], $0x10000, $0x38;
	[tilespmem:$0x11000] =	vst v63  }
0x36: {  	_ =	swait.ge [sflag:s13], $0x10000  }
0x37: {  	[sflag:s13] =	ssyncset.done $0x0  }
0x38: {  	[sflag:s13] =	ssyncadd.s32 $0xFFFF0000  }
0x39: {  	[tilespmem:s15], [sflag:$0x1] =	stream.indirect.gather [hbm4b:s3+s11], $0x80, s22, s11, $0xb8;
	[tilespmem:$0x11000] =	vst v63  }
0x3a: {  	_ = 	snop  }
0x3b: {  	[tilespmem:s17], [sflag:$0x1] =	stream.indirect.gather [hbm4b:s3+s11], $0x80, s23, s11, $0xb8;
	[tilespmem:$0x11000] =	vst v63  }
0x3c: {  	_ = 	snop  }
0x3d: {  	[tilespmem:s19], [sflag:$0x1] =	stream.indirect.gather [hbm4b:s3+s11], $0x80, s24, s11, $0xb8;
	[tilespmem:$0x11000] =	vst v63  }
0x3e: {  	_ = 	snop  }
0x3f: {  	[tilespmem:s21], [sflag:$0x1] =	stream.indirect.gather [hbm4b:s3+s11], $0x80, s25, s11, $0xb8;
	[tilespmem:$0x11000] =	vst v63  }
0x40: {  	_ =	swait.ge [sflag:s4], $0x4000  }
0x41: {  	[sflag:s4] =	ssyncset.done $0x0  }
0x42: {  	[sflag:s4] =	ssyncadd.s32 $0xFFFFC000  }
0x43: {  	_ =	swait.ge [sflag:s4], $0x4000  }
0x44: {  	[sflag:s4] =	ssyncset.done $0x0  }
0x45: {  	[sflag:s4] =	ssyncadd.s32 $0xFFFFC000  }
0x46: {  	_ =	swait.ge [sflag:s4], $0x4000  }
0x47: {  	[sflag:s4] =	ssyncset.done $0x0  }
0x48: {  	[sflag:s4] =	ssyncadd.s32 $0xFFFFC000  }
0x49: {  	_ =	swait.ge [sflag:s4], $0x4000  }
0x4a: {  	[sflag:s4] =	ssyncset.done $0x0  }
0x4b: {  	[sflag:s4] =	ssyncadd.s32 $0xFFFFC000  }
0x4c: {  	[hbm4b:s7+s2] =	stream.linear.scatter [tilespmem:s15], [sflag:$0x2], $0x10000, $0x38;
	[tilespmem:$0x11000] =	vst v63  }
0x4d: {  	_ =	swait.ge [sflag:s13], $0x10000  }
0x4e: {  	[sflag:s13] =	ssyncset.done $0x0  }
0x4f: {  	[sflag:s13] =	ssyncadd.s32 $0xFFFF0000  }
0x50: {  	[tilespmem:s15], [sflag:$0x1] =	stream.indirect.gather [hbm4b:s3+s11], $0x80, s26, s11, $0xb8;
	[tilespmem:$0x11000] =	vst v63  }
0x51: {  	_ = 	snop  }
0x52: {  	[tilespmem:s17], [sflag:$0x1] =	stream.indirect.gather [hbm4b:s3+s11], $0x80, s28, s11, $0xb8;
	[tilespmem:$0x11000] =	vst v63  }
0x53: {  	_ = 	snop  }
0x54: {  	[tilespmem:s19], [sflag:$0x1] =	stream.indirect.gather [hbm4b:s3+s11], $0x80, s29, s11, $0xb8;
	[tilespmem:$0x11000] =	vst v63  }
0x55: {  	_ = 	snop  }
0x56: {  	[tilespmem:s21], [sflag:$0x1] =	stream.indirect.gather [hbm4b:s3+s11], $0x80, s30, s11, $0xb8;
	[tilespmem:$0x11000] =	vst v63  }
0x57: {  	_ =	swait.ge [sflag:s4], $0x4000  }
0x58: {  	[sflag:s4] =	ssyncset.done $0x0  }
0x59: {  	[sflag:s4] =	ssyncadd.s32 $0xFFFFC000  }
0x5a: {  	_ =	swait.ge [sflag:s4], $0x4000  }
0x5b: {  	[sflag:s4] =	ssyncset.done $0x0  }
0x5c: {  	[sflag:s4] =	ssyncadd.s32 $0xFFFFC000  }
0x5d: {  	_ =	swait.ge [sflag:s4], $0x4000  }
0x5e: {  	[sflag:s4] =	ssyncset.done $0x0  }
0x5f: {  	[sflag:s4] =	ssyncadd.s32 $0xFFFFC000  }
0x60: {  	_ =	swait.ge [sflag:s4], $0x4000  }
0x61: {  	[sflag:s4] =	ssyncset.done $0x0  }
0x62: {  	[sflag:s4] =	ssyncadd.s32 $0xFFFFC000  }
0x63: {  	[hbm4b:s8+s2] =	stream.linear.scatter [tilespmem:s15], [sflag:$0x2], $0x10000, $0x38;
	[tilespmem:$0x11000] =	vst v63  }
0x64: {  	_ =	swait.ge [sflag:s13], $0x10000  }
0x65: {  	[sflag:s13] =	ssyncset.done $0x0  }
0x66: {  	[sflag:s13] =	ssyncadd.s32 $0xFFFF0000  }
0x67: {  	[tilespmem:s15], [sflag:$0x1] =	stream.indirect.gather [hbm4b:s3+s11], $0x80, s31, s11, $0xb8;
	[tilespmem:$0x11000] =	vst v63  }
0x68: {  	_ = 	snop  }
0x69: {  	[tilespmem:s17], [sflag:$0x1] =	stream.indirect.gather [hbm4b:s3+s11], $0x80, s1, s11, $0xb8;
	[tilespmem:$0x11000] =	vst v63  }
0x6a: {  	_ = 	snop  }
0x6b: {  	[tilespmem:s19], [sflag:$0x1] =	stream.indirect.gather [hbm4b:s3+s11], $0x80, s0, s11, $0xb8;
	[tilespmem:$0x11000] =	vst v63  }
0x6c: {  	_ = 	snop  }
0x6d: {  	[tilespmem:s21], [sflag:$0x1] =	stream.indirect.gather [hbm4b:s3+s11], $0x80, s12, s11, $0xb8;
	[tilespmem:$0x11000] =	vst v63  }
0x6e: {  	_ =	swait.ge [sflag:s4], $0x4000  }
0x6f: {  	[sflag:s4] =	ssyncset.done $0x0  }
0x70: {  	[sflag:s4] =	ssyncadd.s32 $0xFFFFC000  }
0x71: {  	_ =	swait.ge [sflag:s4], $0x4000  }
0x72: {  	[sflag:s4] =	ssyncset.done $0x0  }
0x73: {  	[sflag:s4] =	ssyncadd.s32 $0xFFFFC000  }
0x74: {  	_ =	swait.ge [sflag:s4], $0x4000  }
0x75: {  	[sflag:s4] =	ssyncset.done $0x0  }
0x76: {  	[sflag:s4] =	ssyncadd.s32 $0xFFFFC000  }
0x77: {  	s14 =	sadd.s32 $0x1, s14;
	_ =	swait.ge [sflag:s4], $0x4000  }
0x78: {  	p0 =	sne.s32 s14, s10;
	[sflag:s4] =	ssyncset.done $0x0  }
.Ltmp1:
0x79: {  	[sflag:s4] =	ssyncadd.s32 $0xFFFFC000;
	(pc) =	sbr.rel @p0 .LBB2_1-.Ltmp1, $4  }
0x7a: {  	[hbm4b:s9+s2] =	stream.linear.scatter [tilespmem:s15], [sflag:$0x2], $0x10000, $0x38;
	[tilespmem:$0x11000] =	vst v63  }
0x7b: {  	_ =	swait.ge [sflag:s13], $0x10000  }
0x7c: {  	[sflag:s13] =	ssyncset.done $0x0  }
0x7d: {  	[sflag:s13] =	ssyncadd.s32 $0xFFFF0000  }
0x7e: {  	_ =	sfence.sel $0x180000  }
0x7f: {  	[bflag:$0x0] =	sbarrier.arrive $0xFFFF  }
0x80: {  	_ =	strace $0x9000004D  }
0x81: {  	s0 =	stileid.u32;
	[bflag:$0x2] =	sbarrier.arrive $0xFFFF  }
0x82: {  	p0 =	sne.s32 s0, $0x0;
	s0 =	rddreg [dreg:$0x1]  }
0x83: {  	s0 =	sadd.s32 @!p0 $0x100000, s0  }
0x84: {  	[sflag:s0] =	ssyncadd.tile.s32 @!p0 $0x1;
	_ =	shalt  }
.Lfunc_end2:
_tile_overlayer_lowered:
.L_overlay_start_2:
0x85: {  	(tag) =	ssettag $0x2  }
0x86: {  	s0 =	rddreg [dreg:$0x0];
	s2 =	stileid.u32  }
0x87: {  	s1 =	rddreg [dreg:$0x1];
	p0 =	sne.s32 s2, $0x0  }
0x88: {  	s3 =	rddreg [dreg:$0x2];
	[bflag:$0x3] =	sbarrier.arrive $0xFFFF;
	s2 =	simm.s32 @!p0 $0x1C02  }
0x89: {  	[timem:s3], [sflag:s2] =	dma.local @!p0 [hbm:s0], s1  }
0x8a: {  	s0 =	simm.s32 @!p0 $0x2  }
0x8b: {  	_ =	swait.ge @!p0 [sflag:s0], s1  }
0x8c: {  	s1 =	ssub.s32 @!p0 $0x0, s1;
	[sflag:s0] =	ssyncset.done @!p0 $0x0  }
0x8d: {  	[sflag:s0] =	ssyncadd.s32 @!p0 s1  }
0x8e: {  	[bflag:$0x3] =	sbarrier.arrive $0xFFFF  }
0x8f: {  	_ =	shalt  }

// kernel: kernel.18.cloned.1.call-start
scs
__scs_entry_jumppad:
0x0: {  	(pc) =	sbr.rel $0x88, $3  }
0x1: {  	(tag) =	ssettag $0x0;
	lr =	simm.s32 $0x1  }
0x2: {  	[smem:$0x3F9E] =	sst lr;
	_ =	strace $0xD0000000  }
0x3: {  	_ = 	snop  }
0x4: {  	_ = 	snop  }
0x5: {  	_ = 	snop  }
0x6: {  	_ = 	snop  }
0x7: {  	_ = 	snop  }
__scs_overlays_trampoline_lowered:
0x8: {  	[smem:$0x3FAD] =	sst s0  }
0x9: {  	[smem:$0x3FAE] =	sst s1  }
0xa: {  	[smem:$0x3FAF] =	sst s2  }
0xb: {  	[smem:$0x3FB0] =	sst s3  }
0xc: {  	[smem:$0x3FB1] =	sst s4  }
0xd: {  	[smem:$0x3FB2] =	sst s5  }
0xe: {  	[smem:$0x3FB3] =	sst s6  }
0xf: {  	[smem:$0x3FB4] =	sst s7  }
0x10: {  	[smem:$0x3FB5] =	sst s8  }
0x11: {  	[smem:$0x3FB6] =	sst s9;
	s0 =	simm.s32 @!p0 $0x0  }
0x12: {  	s1 =	sld [smem:$0x3F9C];
	s0 =	simm.s32 @p0 $0x1  }
0x13: {  	[smem:$0x3FB7] =	sst s0;
	s0 =	simm.s32 @!p1 $0x0  }
0x14: {  	s2 =	sld [smem:$0x3F9B];
	s0 =	simm.s32 @p1 $0x1  }
0x15: {  	[smem:$0x3FB8] =	sst s0;
	s0 =	simm.s32 @!p2 $0x0  }
0x16: {  	s3 =	sld [smem:$0x3FDB];
	s0 =	simm.s32 @p2 $0x1  }
0x17: {  	s4 =	simm.s32 $0x1BF5;
	[smem:$0x3FBA] =	sst s0  }
0x18: {  	s0 =	sld [smem:$0x3F9D];
	_ =	swait.ge [sflag:s4], $0x0  }
0x19: {  	s7 =	sld [smem:$0x3F9E]  }
0x1a: {  	s8 =	sadd.s32 $0xFFFFE003, lr  }
0x1b: {  	s9 =	sadd.s32 $0xFFFFFEF7, lr;
	s5 =	simm.s32 $0xFFFFFFFF;
	p2 =	slt.u32 s8, $0xFFFFF086  }
0x1c: {  	p1 =	slt.u32 s9, $0xF7A;
	s5 =	simm.s32 @!p2 $0x0  }
0x1d: {  	s5 =	simm.s32 @p1 $0x1;
	p0 =	seq.s32 s7, s2  }
0x1e: {  	s7 =	smul.u32 @!p0 $0xF7A, s2;
	p2 =	seq.s32 @!p0 s5, $0x0  }
0x1f: {  	s9 =	smul.u32 $0xF7A, s1;
	s8 =	simm.s32 @!p0 $0x1BF5;
	p2 =	por !p2, p0  }
0x20: {  	[sflag:s8] =	ssyncset.s32 @!p0 $0xFFFFF086;
	s6 =	sadd.s32 @!p0 s3, s7;
	s7 =	simm.s32 @!p0 $0x108  }
0x21: {  	s3 =	sadd.s32 s3, s9;
	s6 =	sadd.s32 @!p0 $0x88, s6;
	s7 =	simm.s32 @p2 $0x1082  }
0x22: {  	[simem:s7], [sflag:s8] =	dma.local @!p0 [hbm:s6], $0xF7A  }
0x23: {  	s9 =	sor.u32 $0xD0000000, s2;
	s6 =	simm.s32 $0x108;
	_ =	swait.ge @!p0 [sflag:s8], $0x0  }
0x24: {  	s3 =	sadd.s32 $0x88, s3;
	s6 =	simm.s32 @!p1 $0x1082;
	[sflag:s4] =	ssyncset.s32 $0xFFFFF086  }
0x25: {  	[simem:s6], [sflag:s4] =	dma.local [hbm:s3], $0xF7A  }
0x26: {  	[smem:$0x3F9E] =	sst s1;
	(tag) =	ssettag s2;
	_ =	strace s9  }
0x27: {  	s1 =	sld [smem:$0x3FAE]  }
0x28: {  	s2 =	sld [smem:$0x3FAF]  }
0x29: {  	s4 =	sld [smem:$0x3FB1]  }
0x2a: {  	p0 =	seq.s32 s5, $0x0;
	s5 =	sld [smem:$0x3FB2]  }
0x2b: {  	s6 =	sld [smem:$0x3FB3]  }
0x2c: {  	s7 =	sld [smem:$0x3FB4]  }
0x2d: {  	s3 =	simm.s32 $0x108;
	s8 =	sld [smem:$0x3FB5]  }
0x2e: {  	s3 =	simm.s32 @!p0 $0x1082;
	s9 =	sld [smem:$0x3FB6]  }
0x2f: {  	lr =	sadd.s32 s0, s3;
	s0 =	sld [smem:$0x3FAD]  }
0x30: {  	s3 =	sld [smem:$0x3FB0]  }
0x31: {  	[smem:$0x3FB9] =	sst s10  }
0x32: {  	s10 =	sld [smem:$0x3FB7];
	_ =	sdelay $0x3  }
0x33: {  	p0 =	seq.s32 s10, $0x1;
	s10 =	sld [smem:$0x3FB9];
	_ =	sdelay $0x3  }
0x34: {  	[smem:$0x3FB9] =	sst s10  }
0x35: {  	s10 =	sld [smem:$0x3FB8];
	_ =	sdelay $0x3  }
0x36: {  	p1 =	seq.s32 s10, $0x1;
	s10 =	sld [smem:$0x3FB9];
	_ =	sdelay $0x3  }
0x37: {  	[smem:$0x3FB9] =	sst s10  }
0x38: {  	s10 =	sld [smem:$0x3FBA]  }
0x39: {  	_ = 	snop;
	(pc) =	sbr.ind lr, $3  }
0x3a: {  	_ = 	snop  }
0x3b: {  	_ = 	snop  }
0x3c: {  	p2 =	seq.s32 s10, $0x1;
	s10 =	sld [smem:$0x3FB9]  }
0x3d: {  	_ =	shalt  }
0x3e: {  	_ =	shalt  }
0x3f: {  	_ =	shalt  }
0x40: {  	_ =	shalt  }
0x41: {  	_ =	shalt  }
0x42: {  	_ =	shalt  }
0x43: {  	_ =	shalt  }
0x44: {  	_ =	shalt  }
0x45: {  	_ =	shalt  }
0x46: {  	_ =	shalt  }
0x47: {  	_ =	shalt  }
0x48: {  	_ =	shalt  }
0x49: {  	_ =	shalt  }
0x4a: {  	_ =	shalt  }
0x4b: {  	_ =	shalt  }
0x4c: {  	_ =	shalt  }
0x4d: {  	_ =	shalt  }
0x4e: {  	_ =	shalt  }
0x4f: {  	_ =	shalt  }
0x50: {  	_ =	shalt  }
0x51: {  	_ =	shalt  }
0x52: {  	_ =	shalt  }
0x53: {  	_ =	shalt  }
0x54: {  	_ =	shalt  }
0x55: {  	_ =	shalt  }
0x56: {  	_ =	shalt  }
0x57: {  	_ =	shalt  }
0x58: {  	_ =	shalt  }
0x59: {  	_ =	shalt  }
0x5a: {  	_ =	shalt  }
0x5b: {  	_ =	shalt  }
0x5c: {  	_ =	shalt  }
0x5d: {  	_ =	shalt  }
0x5e: {  	_ =	shalt  }
0x5f: {  	_ =	shalt  }
0x60: {  	_ =	shalt  }
0x61: {  	_ =	shalt  }
0x62: {  	_ =	shalt  }
0x63: {  	_ =	shalt  }
0x64: {  	_ =	shalt  }
0x65: {  	_ =	shalt  }
0x66: {  	_ =	shalt  }
0x67: {  	_ =	shalt  }
0x68: {  	_ =	shalt  }
0x69: {  	_ =	shalt  }
0x6a: {  	_ =	shalt  }
0x6b: {  	_ =	shalt  }
0x6c: {  	_ =	shalt  }
0x6d: {  	_ =	shalt  }
0x6e: {  	_ =	shalt  }
0x6f: {  	_ =	shalt  }
0x70: {  	_ =	shalt  }
0x71: {  	_ =	shalt  }
0x72: {  	_ =	shalt  }
0x73: {  	_ =	shalt  }
0x74: {  	_ =	shalt  }
0x75: {  	_ =	shalt  }
0x76: {  	_ =	shalt  }
0x77: {  	_ =	shalt  }
0x78: {  	_ =	shalt  }
0x79: {  	_ =	shalt  }
0x7a: {  	_ =	shalt  }
0x7b: {  	_ =	shalt  }
0x7c: {  	_ =	shalt  }
0x7d: {  	_ =	shalt  }
0x7e: {  	_ =	shalt  }
0x7f: {  	_ =	shalt  }
0x80: {  	_ =	shalt  }
0x81: {  	_ =	shalt  }
0x82: {  	_ =	shalt  }
0x83: {  	_ =	shalt  }
0x84: {  	_ =	shalt  }
0x85: {  	_ =	shalt  }
0x86: {  	_ =	shalt  }
0x87: {  	_ =	shalt  }
.Lfunc_end0:
.L_simem_size_0:
called_computation.2_lowered:
.L_overlay_start_0:
0x88: {  	s2 =	sld [smem:$0x3FD9]  }
0x89: {  	s3 =	sld [smem:$0x3FFE];
	_ =	sdelay $0x1  }
0x8a: {  	s1 =	srdreg.scid  }
0x8b: {  	s0 =	sand.u32 $0x1, s1  }
0x8c: {  	s17 =	sshll.u32 s0, $0xA;
	s2 =	sadd.s32 s3, s2  }
0x8d: {  	s2 =	sadd.s32 s2, s17  }
0x8e: {  	[smem:$0x3FC5] =	sst s2  }
0x8f: {  	_ = 	snop  }
0x90: {  	s18 =	sld [smem:$0x3FD0];
	(tm) =	ssettm $0x1  }
0x91: {  	s19 =	sld [smem:$0x3FFB];
	_ =	sdelay $0x3  }
0x92: {  	_ =	strace s19  }
0x93: {  	s2 =	sld [smem:$0x3FFC];
	_ =	sdelay $0x3  }
0x94: {  	_ =	strace s2  }
0x95: {  	s2 =	sld [smem:$0x3FFD];
	_ =	sdelay $0x3  }
0x96: {  	_ =	strace s2  }
0x97: {  	_ =	strace $0x8FFFFFFF  }
0x98: {  	s20 =	sld [smem:$0x3FDB];
	_ =	sdelay $0x1  }
0x99: {  	s4 =	simm.s32 $_scs_section_size  }
0x9a: {  	s5 =	simm.s32 $_size__tile_overlayer_lowered;
	s6 =	simm.s32 $_tile_overlayer_lowered  }
0x9b: {  	s7 =	simm.s32 $0x1BFF;
	s21 =	sshll.u32 s6, $0x1;
	s4 =	sadd.s32 s4, s20  }
0x9c: {  	s22 =	simm.s32 $0x0;
	s5 =	sshll.u32 s5, $0x1;
	s6 =	sadd.s32 s21, s4  }
0x9d: {  	[timem:s22], [sflag:s7] =	dma.local [hbm:s6], s5  }
0x9e: {  	_ =	swait.ge [sflag:s7], s5  }
0x9f: {  	s5 =	ssub.s32 $0x0, s5;
	[sflag:s7] =	ssyncset.done $0x0  }
0xa0: {  	[sflag:s7] =	ssyncadd.s32 s5;
	_ =	sdelay $0x1  }
0xa1: {  	s23 =	simm.s32 $0x1B8B  }
0xa2: {  	_ =	swait.ge [sflag:s23], $0x1  }
0xa3: {  	[sflag:s23] =	ssyncset.done $0x0  }
0xa4: {  	[sflag:s23] =	ssyncadd.s32 $0xFFFFFFFF  }
0xa5: {  	s5 =	sld [smem:$0x0]  }
0xa6: {  	s6 =	sand.u32 $0xFFFFFFFE, s1  }
0xa7: {  	p0 =	sne.s32 s1, s6  }
0xa8: {  	s6 =	sshll.u32 @p0 s6, $0xE  }
0xa9: {  	s6 =	sadd.s32 @p0 $0x11B8D, s6;
	s7 =	sshll.u32 @p0 s5, $0x11  }
0xaa: {  	s6 =	sor.u32 @p0 s7, s6  }
0xab: {  	[sflag:s6] =	ssyncadd.remote.s32 @p0 $0x1;
	_ =	sdelay $0x1  }
0xac: {  	s6 =	simm.s32 @p0 $0x1B8D  }
0xad: {  	_ =	swait.eq @p0 [sflag:s6], $0x1  }
0xae: {  	[sflag:s6] =	ssyncadd.s32 @p0 $0xFFFFFFFF  }
0xaf: {  	s7 =	sshll.u32 @!p0 s1, $0xE  }
0xb0: {  	s7 =	sor.u32 @!p0 $0x4000, s7;
	s6 =	simm.s32 @!p0 $0x1B8D  }
0xb1: {  	s5 =	sshll.u32 @!p0 s5, $0x11;
	s7 =	sadd.s32 @!p0 $0x11B8D, s7;
	_ =	swait.eq @!p0 [sflag:s6], $0x1  }
0xb2: {  	s5 =	sor.u32 @!p0 s5, s7;
	[sflag:s6] =	ssyncadd.s32 @!p0 $0xFFFFFFFF  }
0xb3: {  	s25 =	simm.s32 $0x1B8E;
	s24 =	sld [smem:$0x3FFE];
	[sflag:s5] =	ssyncadd.remote.s32 @!p0 $0x1  }
0xb4: {  	s26 =	simm.s32 $execute0_lowered;
	[smem:$0x3FD2] =	sst s25  }
0xb5: {  	s6 =	sshll.u32 s26, $0x1;
	_ =	strace $0x80000049;
	[dreg:$0x1] =	wrdreg $0xFFFFFFFF  }
0xb6: {  	s28 =	simm.s32 $_size_execute0_lowered;
	s4 =	sadd.s32 s4, s6;
	[dreg:$0x0] =	wrdreg $0x0  }
0xb7: {  	s6 =	sshll.u32 s28, $0x1;
	[dreg:$0x2] =	wrdreg s4  }
0xb8: {  	[dreg:$0x3] =	wrdreg s6  }
0xb9: {  	[dreg:$0x4] =	wrdreg $0xC0  }
0xba: {  	_ =	task [dreg:s22], $0x5FFFF  }
0xbb: {  	[dreg:$0x1] =	wrdreg $0xFFFFFFFF  }
0xbc: {  	[dreg:$0x0] =	wrdreg $0x60  }
0xbd: {  	[dreg:$0x2] =	wrdreg s18  }
0xbe: {  	[dreg:$0x3] =	wrdreg s24  }
0xbf: {  	[dreg:$0x4] =	wrdreg $0xA  }
0xc0: {  	_ =	task.clear_ibuf [dreg:s22], $0x5FFFF;
	_ =	strace $0x90000049  }
0xc1: {  	s29 =	simm.s32 $0xA;
	_ =	strace $0x8000004B  }
0xc2: {  	_ =	swait.ge [sflag:s29], $0x1  }
0xc3: {  	[sflag:s29] =	ssyncadd.s32 $0xFFFFFFFF  }
0xc4: {  	_ =	strace $0x9000004B  }
0xc5: {  	_ =	sfence  }
0xc6: {  	s30 =	sld [smem:$0x0];
	_ =	sdelay $0x2  }
0xc7: {  	s31 =	sshll.u32 s1, $0xD;
	s1 =	sshrl.u32 s1, $0x2  }
0xc8: {  	s4 =	sand.u32 $0x4000, s31;
	s1 =	sadd.s32 s1, s30  }
0xc9: {  	s0 =	sor.u32 s4, s0;
	s1 =	sshll.u32 s1, $0x11  }
0xca: {  	s0 =	sor.u32 s1, s0  }
0xcb: {  	s0 =	sadd.s32 $0x8F2B, s0  }
0xcc: {  	[sflag:s0] =	ssyncadd.remote.s32 $0x1  }
0xcd: {  	_ =	sfence.sel $0xFFFF  }
0xce: {  	[dreg:$0x0] =	wrdreg $0xFFFFFFFF;
	(pc) =	sbr.abs _section_cstart, $3  }
0xcf: {  	[dreg:$0x1] =	wrdreg $0xFFFFFFFF  }
0xd0: {  	_ =	task.clear_ibuf [dreg:s22], $0x2FFFF;
	_ =	strace $0x9FFFFFFF  }
0xd1: {  	(tm) =	ssettm $0x7FFFFFFF  }
tec
execute0_lowered:
.L_overlay_start_1:
0x0: {  	(tag) =	ssettag $0x1  }
0x1: {  	s0 =	srdreg.scid  }
0x2: {  	s4 =	stileid.u32;
	s2 =	rddreg [dreg:$0x0]  }
0x3: {  	s3 =	simm.s32 $0x1;
	s6 =	rddreg [dreg:$0x1];
	s12 =	simm.s32 $0x80  }
0x4: {  	s14 =	simm.s32 $0x2;
	s15 =	simm.s32 $0x800;
	s16 =	simm.s32 $0x1000  }
0x5: {  	s18 =	simm.s32 $0x1800;
	s20 =	simm.s32 $0x5800;
	s22 =	simm.s32 $0x9800  }
0x6: {  	s24 =	simm.s32 $0xD800;
	s29 =	simm.s32 $0x1380;
	s30 =	simm.s32 $0x1400  }
0x7: {  	s31 =	simm.s32 $0x1480;
	s0 =	sand.u32 $0x1, s0;
	s1 =	sshll.u32 s4, $0x1  }
0x8: {  	s13 =	simm.s32 $0x1600;
	s17 =	simm.s32 $0x1680;
	s1 =	sor.u32 s0, s1  }
0x9: {  	s21 =	simm.s32 $0x1780;
	p1 =	seq.s32 s0, $0x1;
	p0 =	seq.s32 s1, $0x0  }
0xa: {  	s23 =	simm.s32 $0x0;
	s26 =	sshll.u32 s0, $0x7;
	p0 =	por !p0, !p1  }
0xb: {  	s0 =	ssub.s32 $0x2, s0;
	s7 =	sshll.u32 s1, $0xB;
	p0 =	por !p0, !p0  }
0xc: {  	s9 =	sshll.u32 s1, $0x7;
	s1 =	sshll.u32 s1, $0xF;
	s3 =	simm.s32 @!p0 $0x0  }
0xd: {  	s28 =	sshrl.u32 s0, $0x1;
	s1 =	sadd.s32 s1, s6;
	s5 =	ssub.s32 s4, s3  }
0xe: {  	s0 =	ssub.s32 s0, s28;
	s10 =	sadd.s32 $0x1CD600, s1;
	s4 =	sshll.u32 s5, $0xC  }
0xf: {  	s11 =	smax.u32 s0, $0x1;
	s3 =	simm.s32 $0x0;
	s8 =	ssub.s32 s7, s4  }
0x10: {  	s0 =	simm.s32 $0x1580;
	[smem:$0x7FF] =	sst s3;
	s8 =	sand.u32 $0xFFFFF000, s8  }
0x11: {  	s19 =	sshll.u32 s5, $0xB;
	_ =	strace $0x8000004A;
	s4 =	sadd.s32 s4, s8  }
0x12: {  	v0 =	vlaneseq.u32;
	s7 =	sor.u32 s9, s7;
	s9 =	sadd.s32 $0x1CB600, s1;
	s8 =	sor.u32 s26, s4  }
0x13: {  	v1 =	vor.u32 s19, v0;
	s19 =	simm.s32 $0x1700;
	s7 =	sand.u32 $0xC380, s7;
	s8 =	sshrl.u32 s8, $0x3  }
0x14: {  	s7 =	sshrl.u32 s7, $0x3;
	s4 =	simm.s32 $0x1;
	s8 =	sadd.s32 s8, s6  }
0x15: {  	s6 =	sadd.s32 s7, s6;
	s7 =	sadd.s32 $0x1C7600, s1;
	s5 =	sadd.s32 $0x3600, s8  }
0x16: {  	s6 =	sadd.s32 $0x5600, s6;
	s8 =	sadd.s32 $0x1C9600, s1;
	s1 =	simm.s32 $0x1500  }
.LBB2_1:
0x17: {  	s25 =	simm.s32 $0x100  }
0x18: {  	[tilespmem:s3], [sflag:$0x2] =	stream.strided.gather [hbm4b:s5+s12], $0x800, s25, s12, $0x38;
	[tilespmem:$0x11800] =	vst v63  }
0x19: {  	_ =	swait.ge [sflag:s14], $0x800  }
0x1a: {  	[sflag:s14] =	ssyncset.done $0x0  }
0x1b: {  	[sflag:s14] =	ssyncadd.s32 $0xFFFFF800  }
0x1c: {  	v2 =	vld [tilespmem:s3+$0x0]  }
0x1d: {  	s26 =	simm.s32 $0x10;
	s28 =	simm.s32 $0x0;
	s25 =	simm.s32 $0x0  }
.LBB2_2:
0x1e: {  	p0 =	sne.s32 s26, $0x7F0;
	_ =	sdelay $0x4  }
.Ltmp0:
0x1f: {  	v3 =	vor.u32 s25, v0;
	(pc) =	sbr.rel @p0 .LBB2_2-.Ltmp0, $4  }
0x20: {  	[tilespmem:v2+s15+$0x0] =	vst.idx.msk $0xffff, v3;
	v3 =	vor.u32 s25, v1;
	s25 =	smov.u32 s26  }
0x21: {  	s28 =	sadd.s32 $0x10, s28;
	[tilespmem:v2+s16+$0x0] =	vst.idx.msk $0xffff, v3  }
0x22: {  	v2 =	vld [tilespmem:s28+$0x0]  }
0x23: {  	s26 =	sadd.s32 $0x10, s26  }
0x24: {  	_ =	sdelay $0x5  }
0x25: {  	v3 =	vor.u32 s25, v0  }
0x26: {  	v4 =	vor.u32 s25, v1;
	[tilespmem:v2+s15+$0x0] =	vst.idx.msk $0xffff, v3  }
0x27: {  	s28 =	simm.s32 $0x400;
	[tilespmem:v2+s16+$0x0] =	vst.idx.msk $0xffff, v4  }
0x28: {  	[hbm4b:s6+s12] =	stream.strided.scatter [tilespmem:s15], [sflag:$0x2], $0x800, s28, s12, $0x38;
	[tilespmem:$0x11800] =	vst v63  }
0x29: {  	_ =	swait.ge [sflag:s14], $0x800  }
0x2a: {  	[sflag:s14] =	ssyncset.done $0x0  }
0x2b: {  	[sflag:s14] =	ssyncadd.s32 $0xFFFFF800  }
0x2c: {  	[tilespmem:s18], [sflag:$0x1] =	stream.indirect.gather [hbm4b:s2+s12], $0x80, s16, s12, $0xb8;
	[tilespmem:$0x11800] =	vst v63  }
0x2d: {  	s26 =	simm.s32 $0x1080  }
0x2e: {  	[tilespmem:s20], [sflag:$0x1] =	stream.indirect.gather [hbm4b:s2+s12], $0x80, s26, s12, $0xb8;
	[tilespmem:$0x11800] =	vst v63  }
0x2f: {  	s28 =	simm.s32 $0x1100  }
0x30: {  	[tilespmem:s22], [sflag:$0x1] =	stream.indirect.gather [hbm4b:s2+s12], $0x80, s28, s12, $0xb8;
	[tilespmem:$0x11800] =	vst v63  }
0x31: {  	s26 =	simm.s32 $0x1180  }
0x32: {  	[tilespmem:s24], [sflag:$0x1] =	stream.indirect.gather [hbm4b:s2+s12], $0x80, s26, s12, $0xb8;
	[tilespmem:$0x11800] =	vst v63  }
0x33: {  	_ =	swait.ge [sflag:s4], $0x4000  }
0x34: {  	[sflag:s4] =	ssyncset.done $0x0  }
0x35: {  	[sflag:s4] =	ssyncadd.s32 $0xFFFFC000  }
0x36: {  	_ =	swait.ge [sflag:s4], $0x4000  }
0x37: {  	[sflag:s4] =	ssyncset.done $0x0  }
0x38: {  	[sflag:s4] =	ssyncadd.s32 $0xFFFFC000  }
0x39: {  	_ =	swait.ge [sflag:s4], $0x4000  }
0x3a: {  	[sflag:s4] =	ssyncset.done $0x0  }
0x3b: {  	[sflag:s4] =	ssyncadd.s32 $0xFFFFC000  }
0x3c: {  	_ =	swait.ge [sflag:s4], $0x4000  }
0x3d: {  	[sflag:s4] =	ssyncset.done $0x0  }
0x3e: {  	[sflag:s4] =	ssyncadd.s32 $0xFFFFC000  }
0x3f: {  	[hbm4b:s7+s3] =	stream.linear.scatter [tilespmem:s18], [sflag:$0x2], $0x10000, $0x38;
	[tilespmem:$0x11800] =	vst v63  }
0x40: {  	_ =	swait.ge [sflag:s14], $0x10000  }
0x41: {  	[sflag:s14] =	ssyncset.done $0x0  }
0x42: {  	s28 =	simm.s32 $0x1200;
	[sflag:s14] =	ssyncadd.s32 $0xFFFF0000  }
0x43: {  	[tilespmem:s18], [sflag:$0x1] =	stream.indirect.gather [hbm4b:s2+s12], $0x80, s28, s12, $0xb8;
	[tilespmem:$0x11800] =	vst v63  }
0x44: {  	s26 =	simm.s32 $0x1280  }
0x45: {  	[tilespmem:s20], [sflag:$0x1] =	stream.indirect.gather [hbm4b:s2+s12], $0x80, s26, s12, $0xb8;
	[tilespmem:$0x11800] =	vst v63  }
0x46: {  	s28 =	simm.s32 $0x1300  }
0x47: {  	[tilespmem:s22], [sflag:$0x1] =	stream.indirect.gather [hbm4b:s2+s12], $0x80, s28, s12, $0xb8;
	[tilespmem:$0x11800] =	vst v63  }
0x48: {  	_ = 	snop  }
0x49: {  	[tilespmem:s24], [sflag:$0x1] =	stream.indirect.gather [hbm4b:s2+s12], $0x80, s29, s12, $0xb8;
	[tilespmem:$0x11800] =	vst v63  }
0x4a: {  	_ =	swait.ge [sflag:s4], $0x4000  }
0x4b: {  	[sflag:s4] =	ssyncset.done $0x0  }
0x4c: {  	[sflag:s4] =	ssyncadd.s32 $0xFFFFC000  }
0x4d: {  	_ =	swait.ge [sflag:s4], $0x4000  }
0x4e: {  	[sflag:s4] =	ssyncset.done $0x0  }
0x4f: {  	[sflag:s4] =	ssyncadd.s32 $0xFFFFC000  }
0x50: {  	_ =	swait.ge [sflag:s4], $0x4000  }
0x51: {  	[sflag:s4] =	ssyncset.done $0x0  }
0x52: {  	[sflag:s4] =	ssyncadd.s32 $0xFFFFC000  }
0x53: {  	_ =	swait.ge [sflag:s4], $0x4000  }
0x54: {  	[sflag:s4] =	ssyncset.done $0x0  }
0x55: {  	[sflag:s4] =	ssyncadd.s32 $0xFFFFC000  }
0x56: {  	[hbm4b:s8+s3] =	stream.linear.scatter [tilespmem:s18], [sflag:$0x2], $0x10000, $0x38;
	[tilespmem:$0x11800] =	vst v63  }
0x57: {  	_ =	swait.ge [sflag:s14], $0x10000  }
0x58: {  	[sflag:s14] =	ssyncset.done $0x0  }
0x59: {  	[sflag:s14] =	ssyncadd.s32 $0xFFFF0000  }
0x5a: {  	[tilespmem:s18], [sflag:$0x1] =	stream.indirect.gather [hbm4b:s2+s12], $0x80, s30, s12, $0xb8;
	[tilespmem:$0x11800] =	vst v63  }
0x5b: {  	_ = 	snop  }
0x5c: {  	[tilespmem:s20], [sflag:$0x1] =	stream.indirect.gather [hbm4b:s2+s12], $0x80, s31, s12, $0xb8;
	[tilespmem:$0x11800] =	vst v63  }
0x5d: {  	_ = 	snop  }
0x5e: {  	[tilespmem:s22], [sflag:$0x1] =	stream.indirect.gather [hbm4b:s2+s12], $0x80, s1, s12, $0xb8;
	[tilespmem:$0x11800] =	vst v63  }
0x5f: {  	_ = 	snop  }
0x60: {  	[tilespmem:s24], [sflag:$0x1] =	stream.indirect.gather [hbm4b:s2+s12], $0x80, s0, s12, $0xb8;
	[tilespmem:$0x11800] =	vst v63  }
0x61: {  	_ =	swait.ge [sflag:s4], $0x4000  }
0x62: {  	[sflag:s4] =	ssyncset.done $0x0  }
0x63: {  	[sflag:s4] =	ssyncadd.s32 $0xFFFFC000  }
0x64: {  	_ =	swait.ge [sflag:s4], $0x4000  }
0x65: {  	[sflag:s4] =	ssyncset.done $0x0  }
0x66: {  	[sflag:s4] =	ssyncadd.s32 $0xFFFFC000  }
0x67: {  	_ =	swait.ge [sflag:s4], $0x4000  }
0x68: {  	[sflag:s4] =	ssyncset.done $0x0  }
0x69: {  	[sflag:s4] =	ssyncadd.s32 $0xFFFFC000  }
0x6a: {  	_ =	swait.ge [sflag:s4], $0x4000  }
0x6b: {  	[sflag:s4] =	ssyncset.done $0x0  }
0x6c: {  	[sflag:s4] =	ssyncadd.s32 $0xFFFFC000  }
0x6d: {  	[hbm4b:s9+s3] =	stream.linear.scatter [tilespmem:s18], [sflag:$0x2], $0x10000, $0x38;
	[tilespmem:$0x11800] =	vst v63  }
0x6e: {  	_ =	swait.ge [sflag:s14], $0x10000  }
0x6f: {  	[sflag:s14] =	ssyncset.done $0x0  }
0x70: {  	[sflag:s14] =	ssyncadd.s32 $0xFFFF0000  }
0x71: {  	[tilespmem:s18], [sflag:$0x1] =	stream.indirect.gather [hbm4b:s2+s12], $0x80, s13, s12, $0xb8;
	[tilespmem:$0x11800] =	vst v63  }
0x72: {  	_ = 	snop  }
0x73: {  	[tilespmem:s20], [sflag:$0x1] =	stream.indirect.gather [hbm4b:s2+s12], $0x80, s17, s12, $0xb8;
	[tilespmem:$0x11800] =	vst v63  }
0x74: {  	_ = 	snop  }
0x75: {  	[tilespmem:s22], [sflag:$0x1] =	stream.indirect.gather [hbm4b:s2+s12], $0x80, s19, s12, $0xb8;
	[tilespmem:$0x11800] =	vst v63  }
0x76: {  	_ = 	snop  }
0x77: {  	[tilespmem:s24], [sflag:$0x1] =	stream.indirect.gather [hbm4b:s2+s12], $0x80, s21, s12, $0xb8;
	[tilespmem:$0x11800] =	vst v63  }
0x78: {  	_ =	swait.ge [sflag:s4], $0x4000  }
0x79: {  	[sflag:s4] =	ssyncset.done $0x0  }
0x7a: {  	[sflag:s4] =	ssyncadd.s32 $0xFFFFC000  }
0x7b: {  	_ =	swait.ge [sflag:s4], $0x4000  }
0x7c: {  	[sflag:s4] =	ssyncset.done $0x0  }
0x7d: {  	[sflag:s4] =	ssyncadd.s32 $0xFFFFC000  }
0x7e: {  	_ =	swait.ge [sflag:s4], $0x4000  }
0x7f: {  	[sflag:s4] =	ssyncset.done $0x0  }
0x80: {  	[sflag:s4] =	ssyncadd.s32 $0xFFFFC000  }
0x81: {  	s23 =	sadd.s32 $0x1, s23;
	_ =	swait.ge [sflag:s4], $0x4000  }
0x82: {  	p0 =	sne.s32 s23, s11;
	[sflag:s4] =	ssyncset.done $0x0  }
.Ltmp1:
0x83: {  	[sflag:s4] =	ssyncadd.s32 $0xFFFFC000;
	(pc) =	sbr.rel @p0 .LBB2_1-.Ltmp1, $4  }
0x84: {  	[hbm4b:s10+s3] =	stream.linear.scatter [tilespmem:s18], [sflag:$0x2], $0x10000, $0x38;
	[tilespmem:$0x11800] =	vst v63  }
0x85: {  	_ =	swait.ge [sflag:s14], $0x10000  }
0x86: {  	[sflag:s14] =	ssyncset.done $0x0  }
0x87: {  	[sflag:s14] =	ssyncadd.s32 $0xFFFF0000  }
0x88: {  	_ =	sfence.sel $0x180000  }
0x89: {  	[bflag:$0x0] =	sbarrier.arrive $0xFFFF  }
0x8a: {  	_ =	strace $0x9000004A  }
0x8b: {  	s0 =	stileid.u32;
	[bflag:$0x2] =	sbarrier.arrive $0xFFFF  }
0x8c: {  	p0 =	sne.s32 s0, $0x0;
	s0 =	rddreg [dreg:$0x2]  }
0x8d: {  	s0 =	sadd.s32 @!p0 $0x100000, s0  }
0x8e: {  	[sflag:s0] =	ssyncadd.tile.s32 @!p0 $0x1;
	_ =	shalt  }
.Lfunc_end2:
_tile_overlayer_lowered:
.L_overlay_start_2:
0x8f: {  	(tag) =	ssettag $0x2  }
0x90: {  	s0 =	rddreg [dreg:$0x0];
	s2 =	stileid.u32  }
0x91: {  	s1 =	rddreg [dreg:$0x1];
	p0 =	sne.s32 s2, $0x0  }
0x92: {  	s3 =	rddreg [dreg:$0x2];
	[bflag:$0x3] =	sbarrier.arrive $0xFFFF;
	s2 =	simm.s32 @!p0 $0x1C02  }
0x93: {  	[timem:s3], [sflag:s2] =	dma.local @!p0 [hbm:s0], s1  }
0x94: {  	s0 =	simm.s32 @!p0 $0x2  }
0x95: {  	_ =	swait.ge @!p0 [sflag:s0], s1  }
0x96: {  	s1 =	ssub.s32 @!p0 $0x0, s1;
	[sflag:s0] =	ssyncset.done @!p0 $0x0  }
0x97: {  	[sflag:s0] =	ssyncadd.s32 @!p0 s1  }
0x98: {  	[bflag:$0x3] =	sbarrier.arrive $0xFFFF  }
0x99: {  	_ =	shalt  }

// kernel: kernel.21.cloned.1.call-start
scs
__scs_entry_jumppad:
0x0: {  	(pc) =	sbr.rel $0x88, $3  }
0x1: {  	(tag) =	ssettag $0x0;
	lr =	simm.s32 $0x1  }
0x2: {  	[smem:$0x3F9E] =	sst lr;
	_ =	strace $0xD0000000  }
0x3: {  	_ = 	snop  }
0x4: {  	_ = 	snop  }
0x5: {  	_ = 	snop  }
0x6: {  	_ = 	snop  }
0x7: {  	_ = 	snop  }
__scs_overlays_trampoline_lowered:
0x8: {  	[smem:$0x3FAD] =	sst s0  }
0x9: {  	[smem:$0x3FAE] =	sst s1  }
0xa: {  	[smem:$0x3FAF] =	sst s2  }
0xb: {  	[smem:$0x3FB0] =	sst s3  }
0xc: {  	[smem:$0x3FB1] =	sst s4  }
0xd: {  	[smem:$0x3FB2] =	sst s5  }
0xe: {  	[smem:$0x3FB3] =	sst s6  }
0xf: {  	[smem:$0x3FB4] =	sst s7  }
0x10: {  	[smem:$0x3FB5] =	sst s8  }
0x11: {  	[smem:$0x3FB6] =	sst s9;
	s0 =	simm.s32 @!p0 $0x0  }
0x12: {  	s1 =	sld [smem:$0x3F9C];
	s0 =	simm.s32 @p0 $0x1  }
0x13: {  	[smem:$0x3FB7] =	sst s0;
	s0 =	simm.s32 @!p1 $0x0  }
0x14: {  	s2 =	sld [smem:$0x3F9B];
	s0 =	simm.s32 @p1 $0x1  }
0x15: {  	[smem:$0x3FB8] =	sst s0;
	s0 =	simm.s32 @!p2 $0x0  }
0x16: {  	s3 =	sld [smem:$0x3FDB];
	s0 =	simm.s32 @p2 $0x1  }
0x17: {  	s4 =	simm.s32 $0x1BF5;
	[smem:$0x3FBA] =	sst s0  }
0x18: {  	s0 =	sld [smem:$0x3F9D];
	_ =	swait.ge [sflag:s4], $0x0  }
0x19: {  	s7 =	sld [smem:$0x3F9E]  }
0x1a: {  	s8 =	sadd.s32 $0xFFFFE003, lr  }
0x1b: {  	s9 =	sadd.s32 $0xFFFFFEF7, lr;
	s5 =	simm.s32 $0xFFFFFFFF;
	p2 =	slt.u32 s8, $0xFFFFF086  }
0x1c: {  	p1 =	slt.u32 s9, $0xF7A;
	s5 =	simm.s32 @!p2 $0x0  }
0x1d: {  	s5 =	simm.s32 @p1 $0x1;
	p0 =	seq.s32 s7, s2  }
0x1e: {  	s7 =	smul.u32 @!p0 $0xF7A, s2;
	p2 =	seq.s32 @!p0 s5, $0x0  }
0x1f: {  	s9 =	smul.u32 $0xF7A, s1;
	s8 =	simm.s32 @!p0 $0x1BF5;
	p2 =	por !p2, p0  }
0x20: {  	[sflag:s8] =	ssyncset.s32 @!p0 $0xFFFFF086;
	s6 =	sadd.s32 @!p0 s3, s7;
	s7 =	simm.s32 @!p0 $0x108  }
0x21: {  	s3 =	sadd.s32 s3, s9;
	s6 =	sadd.s32 @!p0 $0x88, s6;
	s7 =	simm.s32 @p2 $0x1082  }
0x22: {  	[simem:s7], [sflag:s8] =	dma.local @!p0 [hbm:s6], $0xF7A  }
0x23: {  	s9 =	sor.u32 $0xD0000000, s2;
	s6 =	simm.s32 $0x108;
	_ =	swait.ge @!p0 [sflag:s8], $0x0  }
0x24: {  	s3 =	sadd.s32 $0x88, s3;
	s6 =	simm.s32 @!p1 $0x1082;
	[sflag:s4] =	ssyncset.s32 $0xFFFFF086  }
0x25: {  	[simem:s6], [sflag:s4] =	dma.local [hbm:s3], $0xF7A  }
0x26: {  	[smem:$0x3F9E] =	sst s1;
	(tag) =	ssettag s2;
	_ =	strace s9  }
0x27: {  	s1 =	sld [smem:$0x3FAE]  }
0x28: {  	s2 =	sld [smem:$0x3FAF]  }
0x29: {  	s4 =	sld [smem:$0x3FB1]  }
0x2a: {  	p0 =	seq.s32 s5, $0x0;
	s5 =	sld [smem:$0x3FB2]  }
0x2b: {  	s6 =	sld [smem:$0x3FB3]  }
0x2c: {  	s7 =	sld [smem:$0x3FB4]  }
0x2d: {  	s3 =	simm.s32 $0x108;
	s8 =	sld [smem:$0x3FB5]  }
0x2e: {  	s3 =	simm.s32 @!p0 $0x1082;
	s9 =	sld [smem:$0x3FB6]  }
0x2f: {  	lr =	sadd.s32 s0, s3;
	s0 =	sld [smem:$0x3FAD]  }
0x30: {  	s3 =	sld [smem:$0x3FB0]  }
0x31: {  	[smem:$0x3FB9] =	sst s10  }
0x32: {  	s10 =	sld [smem:$0x3FB7];
	_ =	sdelay $0x3  }
0x33: {  	p0 =	seq.s32 s10, $0x1;
	s10 =	sld [smem:$0x3FB9];
	_ =	sdelay $0x3  }
0x34: {  	[smem:$0x3FB9] =	sst s10  }
0x35: {  	s10 =	sld [smem:$0x3FB8];
	_ =	sdelay $0x3  }
0x36: {  	p1 =	seq.s32 s10, $0x1;
	s10 =	sld [smem:$0x3FB9];
	_ =	sdelay $0x3  }
0x37: {  	[smem:$0x3FB9] =	sst s10  }
0x38: {  	s10 =	sld [smem:$0x3FBA]  }
0x39: {  	_ = 	snop;
	(pc) =	sbr.ind lr, $3  }
0x3a: {  	_ = 	snop  }
0x3b: {  	_ = 	snop  }
0x3c: {  	p2 =	seq.s32 s10, $0x1;
	s10 =	sld [smem:$0x3FB9]  }
0x3d: {  	_ =	shalt  }
0x3e: {  	_ =	shalt  }
0x3f: {  	_ =	shalt  }
0x40: {  	_ =	shalt  }
0x41: {  	_ =	shalt  }
0x42: {  	_ =	shalt  }
0x43: {  	_ =	shalt  }
0x44: {  	_ =	shalt  }
0x45: {  	_ =	shalt  }
0x46: {  	_ =	shalt  }
0x47: {  	_ =	shalt  }
0x48: {  	_ =	shalt  }
0x49: {  	_ =	shalt  }
0x4a: {  	_ =	shalt  }
0x4b: {  	_ =	shalt  }
0x4c: {  	_ =	shalt  }
0x4d: {  	_ =	shalt  }
0x4e: {  	_ =	shalt  }
0x4f: {  	_ =	shalt  }
0x50: {  	_ =	shalt  }
0x51: {  	_ =	shalt  }
0x52: {  	_ =	shalt  }
0x53: {  	_ =	shalt  }
0x54: {  	_ =	shalt  }
0x55: {  	_ =	shalt  }
0x56: {  	_ =	shalt  }
0x57: {  	_ =	shalt  }
0x58: {  	_ =	shalt  }
0x59: {  	_ =	shalt  }
0x5a: {  	_ =	shalt  }
0x5b: {  	_ =	shalt  }
0x5c: {  	_ =	shalt  }
0x5d: {  	_ =	shalt  }
0x5e: {  	_ =	shalt  }
0x5f: {  	_ =	shalt  }
0x60: {  	_ =	shalt  }
0x61: {  	_ =	shalt  }
0x62: {  	_ =	shalt  }
0x63: {  	_ =	shalt  }
0x64: {  	_ =	shalt  }
0x65: {  	_ =	shalt  }
0x66: {  	_ =	shalt  }
0x67: {  	_ =	shalt  }
0x68: {  	_ =	shalt  }
0x69: {  	_ =	shalt  }
0x6a: {  	_ =	shalt  }
0x6b: {  	_ =	shalt  }
0x6c: {  	_ =	shalt  }
0x6d: {  	_ =	shalt  }
0x6e: {  	_ =	shalt  }
0x6f: {  	_ =	shalt  }
0x70: {  	_ =	shalt  }
0x71: {  	_ =	shalt  }
0x72: {  	_ =	shalt  }
0x73: {  	_ =	shalt  }
0x74: {  	_ =	shalt  }
0x75: {  	_ =	shalt  }
0x76: {  	_ =	shalt  }
0x77: {  	_ =	shalt  }
0x78: {  	_ =	shalt  }
0x79: {  	_ =	shalt  }
0x7a: {  	_ =	shalt  }
0x7b: {  	_ =	shalt  }
0x7c: {  	_ =	shalt  }
0x7d: {  	_ =	shalt  }
0x7e: {  	_ =	shalt  }
0x7f: {  	_ =	shalt  }
0x80: {  	_ =	shalt  }
0x81: {  	_ =	shalt  }
0x82: {  	_ =	shalt  }
0x83: {  	_ =	shalt  }
0x84: {  	_ =	shalt  }
0x85: {  	_ =	shalt  }
0x86: {  	_ =	shalt  }
0x87: {  	_ =	shalt  }
.Lfunc_end0:
.L_simem_size_0:
called_computation.3_lowered:
.L_overlay_start_0:
0x88: {  	s2 =	sld [smem:$0x3FD9]  }
0x89: {  	s3 =	sld [smem:$0x3FFE];
	_ =	sdelay $0x1  }
0x8a: {  	s1 =	srdreg.scid  }
0x8b: {  	s0 =	sand.u32 $0x1, s1  }
0x8c: {  	s17 =	sshll.u32 s0, $0xA;
	s2 =	sadd.s32 s3, s2  }
0x8d: {  	s2 =	sadd.s32 s2, s17  }
0x8e: {  	[smem:$0x3FC5] =	sst s2  }
0x8f: {  	_ = 	snop  }
0x90: {  	(tm) =	ssettm $0x1  }
0x91: {  	s18 =	sld [smem:$0x3FFB];
	_ =	sdelay $0x3  }
0x92: {  	_ =	strace s18  }
0x93: {  	s2 =	sld [smem:$0x3FFC];
	_ =	sdelay $0x3  }
0x94: {  	_ =	strace s2  }
0x95: {  	s2 =	sld [smem:$0x3FFD];
	_ =	sdelay $0x3  }
0x96: {  	_ =	strace s2  }
0x97: {  	_ =	strace $0x8FFFFFFF  }
0x98: {  	s19 =	sld [smem:$0x3FDB];
	_ =	sdelay $0x1  }
0x99: {  	s20 =	simm.s32 $_scs_section_size  }
0x9a: {  	s4 =	simm.s32 $_size__tile_overlayer_lowered;
	s5 =	simm.s32 $_tile_overlayer_lowered  }
0x9b: {  	s6 =	simm.s32 $0x1BFF;
	s21 =	sshll.u32 s5, $0x1;
	s3 =	sadd.s32 s20, s19  }
0x9c: {  	s22 =	simm.s32 $0x0;
	s4 =	sshll.u32 s4, $0x1;
	s5 =	sadd.s32 s21, s3  }
0x9d: {  	[timem:s22], [sflag:s6] =	dma.local [hbm:s5], s4  }
0x9e: {  	_ =	swait.ge [sflag:s6], s4  }
0x9f: {  	s4 =	ssub.s32 $0x0, s4;
	[sflag:s6] =	ssyncset.done $0x0  }
0xa0: {  	[sflag:s6] =	ssyncadd.s32 s4;
	_ =	sdelay $0x1  }
0xa1: {  	s23 =	simm.s32 $0x1B8B  }
0xa2: {  	_ =	swait.ge [sflag:s23], $0x1  }
0xa3: {  	[sflag:s23] =	ssyncset.done $0x0  }
0xa4: {  	[sflag:s23] =	ssyncadd.s32 $0xFFFFFFFF  }
0xa5: {  	s4 =	sld [smem:$0x0]  }
0xa6: {  	s5 =	sand.u32 $0xFFFFFFFE, s1  }
0xa7: {  	p0 =	sne.s32 s1, s5  }
0xa8: {  	s5 =	sshll.u32 @p0 s5, $0xE  }
0xa9: {  	s5 =	sadd.s32 @p0 $0x11B8D, s5;
	s6 =	sshll.u32 @p0 s4, $0x11  }
0xaa: {  	s5 =	sor.u32 @p0 s6, s5  }
0xab: {  	[sflag:s5] =	ssyncadd.remote.s32 @p0 $0x1;
	_ =	sdelay $0x1  }
0xac: {  	s5 =	simm.s32 @p0 $0x1B8D  }
0xad: {  	_ =	swait.eq @p0 [sflag:s5], $0x1  }
0xae: {  	[sflag:s5] =	ssyncadd.s32 @p0 $0xFFFFFFFF  }
0xaf: {  	s6 =	sshll.u32 @!p0 s1, $0xE  }
0xb0: {  	s6 =	sor.u32 @!p0 $0x4000, s6;
	s5 =	simm.s32 @!p0 $0x1B8D  }
0xb1: {  	s4 =	sshll.u32 @!p0 s4, $0x11;
	s6 =	sadd.s32 @!p0 $0x11B8D, s6;
	_ =	swait.eq @!p0 [sflag:s5], $0x1  }
0xb2: {  	s4 =	sor.u32 @!p0 s4, s6;
	[sflag:s5] =	ssyncadd.s32 @!p0 $0xFFFFFFFF  }
0xb3: {  	s25 =	simm.s32 $0x1B8E;
	s24 =	sld [smem:$0x3FFE];
	[sflag:s4] =	ssyncadd.remote.s32 @!p0 $0x1  }
0xb4: {  	s26 =	simm.s32 $execute0_lowered;
	[smem:$0x3FD2] =	sst s25  }
0xb5: {  	s5 =	sshll.u32 s26, $0x1;
	_ =	strace $0x8000004F;
	[dreg:$0x1] =	wrdreg $0xFFFFFFFF  }
0xb6: {  	s28 =	simm.s32 $_size_execute0_lowered;
	s3 =	sadd.s32 s3, s5;
	[dreg:$0x0] =	wrdreg $0x0  }
0xb7: {  	s5 =	sshll.u32 s28, $0x1;
	[dreg:$0x2] =	wrdreg s3  }
0xb8: {  	[dreg:$0x3] =	wrdreg s5  }
0xb9: {  	[dreg:$0x4] =	wrdreg $0xC0  }
0xba: {  	_ =	task [dreg:s22], $0x5FFFF  }
0xbb: {  	[dreg:$0x1] =	wrdreg $0xFFFFFFFF  }
0xbc: {  	[dreg:$0x0] =	wrdreg $0x60  }
0xbd: {  	[dreg:$0x2] =	wrdreg s24  }
0xbe: {  	[dreg:$0x3] =	wrdreg $0xA  }
0xbf: {  	_ =	task.clear_ibuf [dreg:s22], $0x4FFFF;
	_ =	strace $0x9000004F  }
0xc0: {  	s29 =	simm.s32 $0xA;
	_ =	strace $0x80000051  }
0xc1: {  	_ =	swait.ge [sflag:s29], $0x1  }
0xc2: {  	[sflag:s29] =	ssyncadd.s32 $0xFFFFFFFF  }
0xc3: {  	_ =	strace $0x90000051  }
0xc4: {  	_ =	sfence  }
0xc5: {  	s30 =	sld [smem:$0x0];
	_ =	sdelay $0x2  }
0xc6: {  	s31 =	sshll.u32 s1, $0xD;
	s1 =	sshrl.u32 s1, $0x2  }
0xc7: {  	s4 =	sand.u32 $0x4000, s31;
	s1 =	sadd.s32 s1, s30  }
0xc8: {  	s0 =	sor.u32 s4, s0;
	s1 =	sshll.u32 s1, $0x11  }
0xc9: {  	s0 =	sor.u32 s1, s0  }
0xca: {  	s0 =	sadd.s32 $0x8F2B, s0  }
0xcb: {  	[sflag:s0] =	ssyncadd.remote.s32 $0x1  }
0xcc: {  	_ =	sfence.sel $0xFFFF  }
0xcd: {  	[dreg:$0x0] =	wrdreg $0xFFFFFFFF;
	(pc) =	sbr.abs _section_cstart, $3  }
0xce: {  	[dreg:$0x1] =	wrdreg $0xFFFFFFFF  }
0xcf: {  	_ =	task.clear_ibuf [dreg:s22], $0x2FFFF;
	_ =	strace $0x9FFFFFFF  }
0xd0: {  	(tm) =	ssettm $0x7FFFFFFF  }
0xd1: {  	_ =	shalt  }
tec
execute0_lowered:
.L_overlay_start_1:
0x0: {  	(tag) =	ssettag $0x1  }
0x1: {  	s0 =	srdreg.scid;
	s3 =	stileid.u32;
	s2 =	simm.s32 $0x1  }
0x2: {  	s5 =	rddreg [dreg:$0x0];
	s11 =	simm.s32 $0x80;
	s13 =	simm.s32 $0x2  }
0x3: {  	s15 =	simm.s32 $0x1000;
	s17 =	simm.s32 $0x5000;
	s19 =	simm.s32 $0x9000  }
0x4: {  	s21 =	simm.s32 $0xD000;
	s22 =	simm.s32 $0xA00;
	s23 =	simm.s32 $0xA80  }
0x5: {  	s24 =	simm.s32 $0xB00;
	s0 =	sand.u32 $0x1, s0;
	s1 =	sshll.u32 s3, $0x1  }
0x6: {  	s25 =	simm.s32 $0xB80;
	s28 =	simm.s32 $0xC80;
	s1 =	sor.u32 s0, s1  }
0x7: {  	s29 =	simm.s32 $0xD00;
	p1 =	seq.s32 s0, $0x1;
	p0 =	seq.s32 s1, $0x0  }
0x8: {  	s30 =	simm.s32 $0xD80;
	s31 =	simm.s32 $0xE00;
	p0 =	por !p0, !p1  }
0x9: {  	s14 =	simm.s32 $0x0;
	s26 =	sshll.u32 s0, $0x7;
	p0 =	por !p0, !p0  }
0xa: {  	s0 =	ssub.s32 $0x2, s0;
	s12 =	sshll.u32 s1, $0xB;
	s2 =	simm.s32 @!p0 $0x0  }
0xb: {  	s1 =	sshll.u32 s1, $0xF;
	s7 =	sshrl.u32 s0, $0x1;
	s2 =	ssub.s32 s3, s2  }
0xc: {  	s1 =	sadd.s32 s1, s5;
	s0 =	ssub.s32 s0, s7;
	s3 =	sshll.u32 s2, $0xC  }
0xd: {  	s7 =	sadd.s32 $0x1C7600, s1;
	s8 =	sadd.s32 $0x1C9600, s1;
	s4 =	ssub.s32 s12, s3  }
0xe: {  	s9 =	sadd.s32 $0x1CB600, s1;
	s10 =	smax.u32 s0, $0x1;
	s4 =	sand.u32 $0xFFFFF000, s4  }
0xf: {  	s0 =	simm.s32 $0xF00;
	s2 =	simm.s32 $0x0;
	s3 =	sadd.s32 s3, s4  }
0x10: {  	v0 =	vmov s12;
	[smem:$0x7FF] =	sst s2;
	s12 =	simm.s32 $0xF80;
	s6 =	sor.u32 s26, s3  }
0x11: {  	_ =	strace $0x80000050;
	s4 =	simm.s32 $0x1;
	s6 =	sshrl.u32 s6, $0x3  }
0x12: {  	s3 =	sadd.s32 $0x3C7600, s5;
	s26 =	simm.s32 $0xC00;
	s6 =	sadd.s32 s6, s5  }
0x13: {  	s5 =	sadd.s32 $0x3600, s6;
	s6 =	sadd.s32 $0x1C5600, s1;
	s1 =	simm.s32 $0xE80  }
.LBB2_1:
0x14: {  	s16 =	simm.s32 $0x100  }
0x15: {  	[tilespmem:s2], [sflag:$0x2] =	stream.strided.gather [hbm4b:s5+s11], $0x800, s16, s11, $0x38;
	[tilespmem:$0x11000] =	vst v63  }
0x16: {  	_ =	swait.ge [sflag:s13], $0x800  }
0x17: {  	[sflag:s13] =	ssyncset.done $0x0  }
0x18: {  	s16 =	simm.s32 $0x0;
	[sflag:s13] =	ssyncadd.s32 $0xFFFFF800  }
0x19: {  	s18 =	simm.s32 $0x40;
	v1 =	vld [tilespmem:s16+$0x0]  }
.LBB2_2:
0x1a: {  	p0 =	sne.s32 s18, $0x1FC0  }
.Ltmp0:
0x1b: {  	_ = 	snop;
	(pc) =	sbr.rel @p0 .LBB2_2-.Ltmp0, $3  }
0x1c: {  	_ =	sdelay $0x1  }
0x1d: {  	s20 =	sshra.s32 s18, $0x2;
	s18 =	sadd.s32 $0x40, s18;
	v2 =	vadd.s32 v0, v1  }
0x1e: {  	v1 =	vld [tilespmem:s20+$0x0];
	[tilespmem:s16+$0x800] =	vst v2;
	s16 =	smov.u32 s20  }
0x1f: {  	_ =	sdelay $0x3  }
0x20: {  	v1 =	vadd.s32 v0, v1  }
0x21: {  	s18 =	simm.s32 $0x800;
	[tilespmem:s16+$0x800] =	vst v1  }
0x22: {  	[tilespmem:s15], [sflag:$0x1] =	stream.indirect.gather [hbm4b:s3+s11], $0x80, s18, s11, $0xb8;
	[tilespmem:$0x11000] =	vst v63  }
0x23: {  	s20 =	simm.s32 $0x880  }
0x24: {  	[tilespmem:s17], [sflag:$0x1] =	stream.indirect.gather [hbm4b:s3+s11], $0x80, s20, s11, $0xb8;
	[tilespmem:$0x11000] =	vst v63  }
0x25: {  	s18 =	simm.s32 $0x900  }
0x26: {  	[tilespmem:s19], [sflag:$0x1] =	stream.indirect.gather [hbm4b:s3+s11], $0x80, s18, s11, $0xb8;
	[tilespmem:$0x11000] =	vst v63  }
0x27: {  	s20 =	simm.s32 $0x980  }
0x28: {  	[tilespmem:s21], [sflag:$0x1] =	stream.indirect.gather [hbm4b:s3+s11], $0x80, s20, s11, $0xb8;
	[tilespmem:$0x11000] =	vst v63  }
0x29: {  	_ =	swait.ge [sflag:s4], $0x4000  }
0x2a: {  	[sflag:s4] =	ssyncset.done $0x0  }
0x2b: {  	[sflag:s4] =	ssyncadd.s32 $0xFFFFC000  }
0x2c: {  	_ =	swait.ge [sflag:s4], $0x4000  }
0x2d: {  	[sflag:s4] =	ssyncset.done $0x0  }
0x2e: {  	[sflag:s4] =	ssyncadd.s32 $0xFFFFC000  }
0x2f: {  	_ =	swait.ge [sflag:s4], $0x4000  }
0x30: {  	[sflag:s4] =	ssyncset.done $0x0  }
0x31: {  	[sflag:s4] =	ssyncadd.s32 $0xFFFFC000  }
0x32: {  	_ =	swait.ge [sflag:s4], $0x4000  }
0x33: {  	[sflag:s4] =	ssyncset.done $0x0  }
0x34: {  	[sflag:s4] =	ssyncadd.s32 $0xFFFFC000  }
0x35: {  	[hbm4b:s6+s2] =	stream.linear.scatter [tilespmem:s15], [sflag:$0x2], $0x10000, $0x38;
	[tilespmem:$0x11000] =	vst v63  }
0x36: {  	_ =	swait.ge [sflag:s13], $0x10000  }
0x37: {  	[sflag:s13] =	ssyncset.done $0x0  }
0x38: {  	[sflag:s13] =	ssyncadd.s32 $0xFFFF0000  }
0x39: {  	[tilespmem:s15], [sflag:$0x1] =	stream.indirect.gather [hbm4b:s3+s11], $0x80, s22, s11, $0xb8;
	[tilespmem:$0x11000] =	vst v63  }
0x3a: {  	_ = 	snop  }
0x3b: {  	[tilespmem:s17], [sflag:$0x1] =	stream.indirect.gather [hbm4b:s3+s11], $0x80, s23, s11, $0xb8;
	[tilespmem:$0x11000] =	vst v63  }
0x3c: {  	_ = 	snop  }
0x3d: {  	[tilespmem:s19], [sflag:$0x1] =	stream.indirect.gather [hbm4b:s3+s11], $0x80, s24, s11, $0xb8;
	[tilespmem:$0x11000] =	vst v63  }
0x3e: {  	_ = 	snop  }
0x3f: {  	[tilespmem:s21], [sflag:$0x1] =	stream.indirect.gather [hbm4b:s3+s11], $0x80, s25, s11, $0xb8;
	[tilespmem:$0x11000] =	vst v63  }
0x40: {  	_ =	swait.ge [sflag:s4], $0x4000  }
0x41: {  	[sflag:s4] =	ssyncset.done $0x0  }
0x42: {  	[sflag:s4] =	ssyncadd.s32 $0xFFFFC000  }
0x43: {  	_ =	swait.ge [sflag:s4], $0x4000  }
0x44: {  	[sflag:s4] =	ssyncset.done $0x0  }
0x45: {  	[sflag:s4] =	ssyncadd.s32 $0xFFFFC000  }
0x46: {  	_ =	swait.ge [sflag:s4], $0x4000  }
0x47: {  	[sflag:s4] =	ssyncset.done $0x0  }
0x48: {  	[sflag:s4] =	ssyncadd.s32 $0xFFFFC000  }
0x49: {  	_ =	swait.ge [sflag:s4], $0x4000  }
0x4a: {  	[sflag:s4] =	ssyncset.done $0x0  }
0x4b: {  	[sflag:s4] =	ssyncadd.s32 $0xFFFFC000  }
0x4c: {  	[hbm4b:s7+s2] =	stream.linear.scatter [tilespmem:s15], [sflag:$0x2], $0x10000, $0x38;
	[tilespmem:$0x11000] =	vst v63  }
0x4d: {  	_ =	swait.ge [sflag:s13], $0x10000  }
0x4e: {  	[sflag:s13] =	ssyncset.done $0x0  }
0x4f: {  	[sflag:s13] =	ssyncadd.s32 $0xFFFF0000  }
0x50: {  	[tilespmem:s15], [sflag:$0x1] =	stream.indirect.gather [hbm4b:s3+s11], $0x80, s26, s11, $0xb8;
	[tilespmem:$0x11000] =	vst v63  }
0x51: {  	_ = 	snop  }
0x52: {  	[tilespmem:s17], [sflag:$0x1] =	stream.indirect.gather [hbm4b:s3+s11], $0x80, s28, s11, $0xb8;
	[tilespmem:$0x11000] =	vst v63  }
0x53: {  	_ = 	snop  }
0x54: {  	[tilespmem:s19], [sflag:$0x1] =	stream.indirect.gather [hbm4b:s3+s11], $0x80, s29, s11, $0xb8;
	[tilespmem:$0x11000] =	vst v63  }
0x55: {  	_ = 	snop  }
0x56: {  	[tilespmem:s21], [sflag:$0x1] =	stream.indirect.gather [hbm4b:s3+s11], $0x80, s30, s11, $0xb8;
	[tilespmem:$0x11000] =	vst v63  }
0x57: {  	_ =	swait.ge [sflag:s4], $0x4000  }
0x58: {  	[sflag:s4] =	ssyncset.done $0x0  }
0x59: {  	[sflag:s4] =	ssyncadd.s32 $0xFFFFC000  }
0x5a: {  	_ =	swait.ge [sflag:s4], $0x4000  }
0x5b: {  	[sflag:s4] =	ssyncset.done $0x0  }
0x5c: {  	[sflag:s4] =	ssyncadd.s32 $0xFFFFC000  }
0x5d: {  	_ =	swait.ge [sflag:s4], $0x4000  }
0x5e: {  	[sflag:s4] =	ssyncset.done $0x0  }
0x5f: {  	[sflag:s4] =	ssyncadd.s32 $0xFFFFC000  }
0x60: {  	_ =	swait.ge [sflag:s4], $0x4000  }
0x61: {  	[sflag:s4] =	ssyncset.done $0x0  }
0x62: {  	[sflag:s4] =	ssyncadd.s32 $0xFFFFC000  }
0x63: {  	[hbm4b:s8+s2] =	stream.linear.scatter [tilespmem:s15], [sflag:$0x2], $0x10000, $0x38;
	[tilespmem:$0x11000] =	vst v63  }
0x64: {  	_ =	swait.ge [sflag:s13], $0x10000  }
0x65: {  	[sflag:s13] =	ssyncset.done $0x0  }
0x66: {  	[sflag:s13] =	ssyncadd.s32 $0xFFFF0000  }
0x67: {  	[tilespmem:s15], [sflag:$0x1] =	stream.indirect.gather [hbm4b:s3+s11], $0x80, s31, s11, $0xb8;
	[tilespmem:$0x11000] =	vst v63  }
0x68: {  	_ = 	snop  }
0x69: {  	[tilespmem:s17], [sflag:$0x1] =	stream.indirect.gather [hbm4b:s3+s11], $0x80, s1, s11, $0xb8;
	[tilespmem:$0x11000] =	vst v63  }
0x6a: {  	_ = 	snop  }
0x6b: {  	[tilespmem:s19], [sflag:$0x1] =	stream.indirect.gather [hbm4b:s3+s11], $0x80, s0, s11, $0xb8;
	[tilespmem:$0x11000] =	vst v63  }
0x6c: {  	_ = 	snop  }
0x6d: {  	[tilespmem:s21], [sflag:$0x1] =	stream.indirect.gather [hbm4b:s3+s11], $0x80, s12, s11, $0xb8;
	[tilespmem:$0x11000] =	vst v63  }
0x6e: {  	_ =	swait.ge [sflag:s4], $0x4000  }
0x6f: {  	[sflag:s4] =	ssyncset.done $0x0  }
0x70: {  	[sflag:s4] =	ssyncadd.s32 $0xFFFFC000  }
0x71: {  	_ =	swait.ge [sflag:s4], $0x4000  }
0x72: {  	[sflag:s4] =	ssyncset.done $0x0  }
0x73: {  	[sflag:s4] =	ssyncadd.s32 $0xFFFFC000  }
0x74: {  	_ =	swait.ge [sflag:s4], $0x4000  }
0x75: {  	[sflag:s4] =	ssyncset.done $0x0  }
0x76: {  	[sflag:s4] =	ssyncadd.s32 $0xFFFFC000  }
0x77: {  	s14 =	sadd.s32 $0x1, s14;
	_ =	swait.ge [sflag:s4], $0x4000  }
0x78: {  	p0 =	sne.s32 s14, s10;
	[sflag:s4] =	ssyncset.done $0x0  }
.Ltmp1:
0x79: {  	[sflag:s4] =	ssyncadd.s32 $0xFFFFC000;
	(pc) =	sbr.rel @p0 .LBB2_1-.Ltmp1, $4  }
0x7a: {  	[hbm4b:s9+s2] =	stream.linear.scatter [tilespmem:s15], [sflag:$0x2], $0x10000, $0x38;
	[tilespmem:$0x11000] =	vst v63  }
0x7b: {  	_ =	swait.ge [sflag:s13], $0x10000  }
0x7c: {  	[sflag:s13] =	ssyncset.done $0x0  }
0x7d: {  	[sflag:s13] =	ssyncadd.s32 $0xFFFF0000  }
0x7e: {  	_ =	sfence.sel $0x180000  }
0x7f: {  	[bflag:$0x0] =	sbarrier.arrive $0xFFFF  }
0x80: {  	_ =	strace $0x90000050  }
0x81: {  	s0 =	stileid.u32;
	[bflag:$0x2] =	sbarrier.arrive $0xFFFF  }
0x82: {  	p0 =	sne.s32 s0, $0x0;
	s0 =	rddreg [dreg:$0x1]  }
0x83: {  	s0 =	sadd.s32 @!p0 $0x100000, s0  }
0x84: {  	[sflag:s0] =	ssyncadd.tile.s32 @!p0 $0x1;
	_ =	shalt  }
.Lfunc_end2:
_tile_overlayer_lowered:
.L_overlay_start_2:
0x85: {  	(tag) =	ssettag $0x2  }
0x86: {  	s0 =	rddreg [dreg:$0x0];
	s2 =	stileid.u32  }
0x87: {  	s1 =	rddreg [dreg:$0x1];
	p0 =	sne.s32 s2, $0x0  }
0x88: {  	s3 =	rddreg [dreg:$0x2];
	[bflag:$0x3] =	sbarrier.arrive $0xFFFF;
	s2 =	simm.s32 @!p0 $0x1C02  }
0x89: {  	[timem:s3], [sflag:s2] =	dma.local @!p0 [hbm:s0], s1  }
0x8a: {  	s0 =	simm.s32 @!p0 $0x2  }
0x8b: {  	_ =	swait.ge @!p0 [sflag:s0], s1  }
0x8c: {  	s1 =	ssub.s32 @!p0 $0x0, s1;
	[sflag:s0] =	ssyncset.done @!p0 $0x0  }
0x8d: {  	[sflag:s0] =	ssyncadd.s32 @!p0 s1  }
0x8e: {  	[bflag:$0x3] =	sbarrier.arrive $0xFFFF  }
0x8f: {  	_ =	shalt  }

</sc_bundles>
